<compile_context>
chip_gen: v7x
topology: tpu7x:2x2x1
jax: 0.10.2.dev20260603
libtpu: 0.0.44.dev20260713+nightly
codegen_flags: <defaults>
</compile_context>

<pallas_src>
import functools

import jax
import jax.numpy as jnp
from jax import lax
from jax.experimental import pallas as pl
from jax.experimental.pallas import tpu as pltpu
from jax.experimental.pallas import tpu_sc as plsc

_MARGIN = 1.0
_EPS = 1e-6
_L = 16
_D = 64
_NW = 32
_NC = 48


def _ranks16(pv):
    rk = [jnp.full((_L,), float(19 - c), jnp.float32) for c in range(20)]
    for c in range(20):
        for cc in range(c + 1, 20):
            t = (pv[c] >= pv[cc]).astype(jnp.float32)
            rk[cc] = rk[cc] + t
            rk[c] = rk[c] - t
    return rk


def _bfull(v):
    return jnp.full((_L,), v, jnp.int32)


def _dist_tc(stu, cw48):
    b = stu.shape[1]
    rb = 4096

    def body(w_ref, x_ref, o_ref):
        a = x_ref[...] + jnp.float32(_EPS)
        w = w_ref[...]
        an2 = jnp.sum(a * a, axis=0)[None, :]
        cn = jnp.sum(w * w, axis=1, keepdims=True)
        dot = jnp.dot(w, a, preferred_element_type=jnp.float32)
        d2 = cn + an2 - jnp.float32(2.0) * dot
        o_ref[...] = jnp.sqrt(jnp.maximum(d2, 0.0))

    return pl.pallas_call(
        body,
        grid=(b // rb,),
        in_specs=[
            pl.BlockSpec((_NC, _D), lambda i: (0, 0)),
            pl.BlockSpec((_D, rb), lambda i: (0, i)),
        ],
        out_specs=pl.BlockSpec((_NC, rb), lambda i: (0, i)),
        out_shape=jax.ShapeDtypeStruct((_NC, b), jnp.float32),
    )(cw48, stu)


def _sc_partials(rows_per_w, dist_f, t1_f, t2_f, w32):
    n_chunk = rows_per_w // _L
    mesh = plsc.VectorSubcoreMesh(core_axis_name="c", subcore_axis_name="s")

    @functools.partial(
        pl.kernel,
        mesh=mesh,
        out_type=jax.ShapeDtypeStruct((_NW, _L), jnp.float32),
        compiler_params=pltpu.CompilerParams(needs_layout_passes=False),
        scratch_types=[
            pltpu.VMEM((_NC, rows_per_w), jnp.float32),
            pltpu.VMEM((rows_per_w * 20,), jnp.float32),
            pltpu.VMEM((rows_per_w * 20,), jnp.float32),
            pltpu.VMEM((32,), jnp.float32),
            pltpu.VMEM((32,), jnp.float32),
            pltpu.VMEM((20, _L), jnp.float32),
            pltpu.VMEM((20, _L), jnp.float32),
            pltpu.VMEM((_L,), jnp.float32),
        ],
    )
    def k(dist_h, t1_h, t2_h, w_h, out_h,
          dist_v, t1_v, t2_v, w_v, wt_v, w1b, w2b, acc_v):
        wid = lax.axis_index("s") * 2 + lax.axis_index("c")
        base = wid * rows_per_w
        pltpu.sync_copy(dist_h.at[:, pl.ds(base, rows_per_w)], dist_v)
        pltpu.sync_copy(t1_h.at[pl.ds(base * 20, rows_per_w * 20)], t1_v)
        pltpu.sync_copy(t2_h.at[pl.ds(base * 20, rows_per_w * 20)], t2_v)
        pltpu.sync_copy(w_h, w_v)

        lanes = lax.iota(jnp.int32, _L)
        zero = jnp.zeros((_L,), jnp.float32)
        one = jnp.full((_L,), 1.0, jnp.float32)

        for j in range(2):
            v = w_v[pl.ds(j * _L, _L)]
            s = one / (one + jnp.exp(-v))
            if j == 0:
                s = jnp.where(lanes == 0, zero, s)
            wt_v[pl.ds(j * _L, _L)] = s

        def chunk_body(ch, loss_acc):
            rbase = ch * _L
            ridx = rbase + lanes
            rflat20 = ridx * 20


            p2v = [plsc.load_gather(t2_v, [rflat20 + c]) for c in range(20)]
            r2 = _ranks16(p2v)
            dpos1 = zero
            for c in range(20):
                w2b[c, :] = plsc.load_gather(wt_v, [r2[c].astype(jnp.int32)])
                dcol = dist_v[20 + c, pl.ds(rbase, _L)]
                dpos1 = dpos1 + jnp.where(r2[c] == 0.0, dcol, zero)

            p1v = [plsc.load_gather(t1_v, [rflat20 + c]) for c in range(20)]
            r1 = _ranks16(p1v)
            dpos2 = zero
            for c in range(20):
                w1b[c, :] = plsc.load_gather(wt_v, [r1[c].astype(jnp.int32)])
                dcol = dist_v[c, pl.ds(rbase, _L)]
                dpos2 = dpos2 + jnp.where(r1[c] == 0.0, dcol, zero)

            m = jnp.full((_L,), _MARGIN, jnp.float32)
            for c in range(20):
                d1 = dist_v[c, pl.ds(rbase, _L)]
                d2c = dist_v[20 + c, pl.ds(rbase, _L)]
                loss_acc = loss_acc + w1b[c, :] * jnp.maximum(
                    dpos1 - d1 + m, zero)
                loss_acc = loss_acc + w2b[c, :] * jnp.maximum(
                    dpos2 - d2c + m, zero)
            return loss_acc

        acc = lax.fori_loop(0, n_chunk, chunk_body, zero)
        acc_v[...] = acc
        pltpu.sync_copy(acc_v, out_h.at[wid])

    return k(dist_f, t1_f, t2_f, w32)


def _final_sum(parts, inv_b):
    def body(x_ref, o_ref):
        o_ref[...] = jnp.sum(x_ref[...], keepdims=True).reshape(1, 1) \
            * jnp.float32(inv_b)

    return pl.pallas_call(
        body, out_shape=jax.ShapeDtypeStruct((1, 1), jnp.float32)
    )(parts)


def kernel(stu_emb, t1_prob, t2_prob, classifier_weight, weights):
    b = stu_emb.shape[0]
    cw = lax.stop_gradient(classifier_weight)
    cw48 = jnp.zeros((_NC, _D), jnp.float32).at[:40].set(cw)
    w32 = jnp.zeros((32,), jnp.float32).at[:20].set(weights)
    dist = _dist_tc(stu_emb.T, cw48)
    parts = _sc_partials(
        b // _NW, dist, t1_prob.reshape(-1), t2_prob.reshape(-1), w32)
    return _final_sum(parts, 1.0 / b)[0, 0]

# --- scband reference (transcript-rebuilt; emitter-appended) ---
"""Pipeline reference for scband-relation-margin-loss-9938554323500 (READ-ONLY COPY).

The authoritative reference and input builder live on the scoring server;
editing this copy changes nothing except your own understanding.
"""

import jax, jax.numpy as jnp
import numpy as np

B, D, C1, C2, MAX_CLASS = 16384, 64, 20, 20, 20


def setup_inputs(seed: int = 0) -> dict:
    key = jax.random.key(seed)
    k1, k2, k3, k4, k5 = jax.random.split(key, 5)
    stu_emb = jax.random.normal(k1, (B, D), dtype=jnp.float32)
    t1_prob = jax.random.uniform(k2, (B, C1), dtype=jnp.float32)
    t2_prob = jax.random.uniform(k3, (B, C2), dtype=jnp.float32)
    classifier_weight = jax.random.normal(k4, (C1 + C2, D), dtype=jnp.float32)
    # learned parameter: self.weights = nn.Parameter(torch.ones(max_class).uniform_(0,1))
    weights = jax.random.uniform(k5, (MAX_CLASS,), dtype=jnp.float32)
    return {"stu_emb": stu_emb, "t1_prob": t1_prob, "t2_prob": t2_prob,
            "classifier_weight": classifier_weight, "weights": weights}


def reference(stu_emb, t1_prob, t2_prob, classifier_weight, weights):
    margin = 1.0
    eps = 1e-6
    # classifier_weight = classifier_weight.detach()
    cw = jax.lax.stop_gradient(classifier_weight)
    offset = t1_prob.shape[1]
    t1_num_label = t1_prob.shape[1]
    t2_num_label = t2_prob.shape[1]
    t1_max = jnp.argmax(t1_prob, axis=-1)
    t2_max = jnp.argmax(t2_prob, axis=-1)
    _, t1_ind = jax.lax.top_k(t1_prob, t1_num_label)
    _, t2_ind = jax.lax.top_k(t2_prob, t2_num_label)
    w = jax.nn.sigmoid(weights)  # mode == 'auto'

    def triplet(anchor, pos, neg):
        # torch TripletMarginLoss (p=2, eps=1e-6, reduction='mean')
        d_pos = jnp.sqrt(jnp.sum((anchor - pos + eps) ** 2, axis=-1))
        d_neg = jnp.sqrt(jnp.sum((anchor - neg + eps) ** 2, axis=-1))
        return jnp.mean(jnp.maximum(d_pos - d_neg + margin, 0.0))

    loss = jnp.float32(0.0)
    pos_emb1 = jnp.take(cw, t2_max + offset, axis=0)
    for i in range(1, t1_num_label):
        neg_emb = jnp.take(cw, t1_ind[:, i], axis=0)
        loss = loss + w[i] * triplet(stu_emb, pos_emb1, neg_emb)
    pos_emb2 = jnp.take(cw, t1_max, axis=0)
    for i in range(1, t2_num_label):
        neg_emb = jnp.take(cw, t2_ind[:, i] + offset, axis=0)
        loss = loss + w[i] * triplet(stu_emb, pos_emb2, neg_emb)
    return loss

if __name__ == "__main__":
    import jax
    _d = setup_inputs()
    print(jax.jit(kernel)(*tuple(_d.values())))

</pallas_src>

<mosaic_0001>
#map = affine_map<(d0, d1) -> (0, 0)>
#map1 = affine_map<(d0, d1) -> (0)>
module attributes {stable_mosaic.version = 14 : i64} {
  func.func @k(%arg0: i32, %arg1: i32, %arg2: memref<48x16384xf32, #tpu.memory_space<hbm>>, %arg3: memref<327680xf32, #tpu.memory_space<hbm>>, %arg4: memref<327680xf32, #tpu.memory_space<hbm>>, %arg5: memref<32xf32, #tpu.memory_space<hbm>>, %arg6: memref<32x16xf32, #tpu.memory_space<hbm>>, %arg7: memref<48x512xf32, #tpu.memory_space<vmem>>, %arg8: memref<10240xf32, #tpu.memory_space<vmem>>, %arg9: memref<10240xf32, #tpu.memory_space<vmem>>, %arg10: memref<32xf32, #tpu.memory_space<vmem>>, %arg11: memref<32xf32, #tpu.memory_space<vmem>>, %arg12: memref<20x16xf32, #tpu.memory_space<vmem>>, %arg13: memref<20x16xf32, #tpu.memory_space<vmem>>, %arg14: memref<16xf32, #tpu.memory_space<vmem>>) attributes {dimension_semantics = [#tpu.dimension_semantics<core_parallel>, #tpu.dimension_semantics<subcore_parallel>], iteration_bounds = array<i64: 2, 16>, scalar_prefetch = 0 : i64, scratch_operands = 8 : i64, tpu.core_type = #tpu.core_type<sc_vector_subcore>, window_params = [{transform_indices = #map}, {transform_indices = #map1}, {transform_indices = #map1}, {transform_indices = #map1}, {transform_indices = #map}]} {
    %mul3A = arith.constant 2 : i32
    %mul3A_0 = arith.muli %arg1, %mul3A : i32
    %add3A = arith.addi %mul3A_0, %arg0 : i32
    %mul3A_1 = arith.constant 512 : i32
    %mul3A_2 = arith.muli %add3A, %mul3A_1 : i32
    "tpu.region"() ({
      %run_scoped3A = tpu.sem_alloc : memref<!tpu.dma_semaphore, #tpu.memory_space<semaphore_mem>>
      %dma_start3A = arith.constant 0 : i32
      %dma_start3A_34 = tpu.memref_slice %arg2[%dma_start3A, %mul3A_2] : memref<48x16384xf32, #tpu.memory_space<hbm>> -> memref<48x512xf32, #tpu.memory_space<hbm>>
      %dma_start3A_35 = arith.constant 0 : i32
      %dma_start3A_36 = tpu.memref_slice %arg2[%dma_start3A_35, %mul3A_2] : memref<48x16384xf32, #tpu.memory_space<hbm>> -> memref<48x512xf32, #tpu.memory_space<hbm>>
      tpu.enqueue_dma source(%dma_start3A_36 : memref<48x512xf32, #tpu.memory_space<hbm>>) target(%arg7 : memref<48x512xf32, #tpu.memory_space<vmem>>) target_semaphore(%run_scoped3A : memref<!tpu.dma_semaphore, #tpu.memory_space<semaphore_mem>>)
      %dma_wait3A = arith.constant 0 : i32
      %dma_wait3A_37 = tpu.memref_slice %arg2[%dma_wait3A, %mul3A_2] : memref<48x16384xf32, #tpu.memory_space<hbm>> -> memref<48x512xf32, #tpu.memory_space<hbm>>
      %dma_wait3A_38 = arith.constant 0 : i32
      %dma_wait3A_39 = tpu.memref_slice %arg2[%dma_wait3A_38, %mul3A_2] : memref<48x16384xf32, #tpu.memory_space<hbm>> -> memref<48x512xf32, #tpu.memory_space<hbm>>
      tpu.wait_dma2 semaphore(%run_scoped3A : memref<!tpu.dma_semaphore, #tpu.memory_space<semaphore_mem>>) src(%dma_wait3A_39 : memref<48x512xf32, #tpu.memory_space<hbm>>) dst(%arg7 : memref<48x512xf32, #tpu.memory_space<vmem>>)
      tpu.yield
    }) : () -> ()
    %mul3A_3 = arith.constant 20 : i32
    %mul3A_4 = arith.muli %mul3A_2, %mul3A_3 : i32
    "tpu.region"() ({
      %run_scoped3A = tpu.sem_alloc : memref<!tpu.dma_semaphore, #tpu.memory_space<semaphore_mem>>
      %dma_start3A = tpu.memref_slice %arg3[%mul3A_4] : memref<327680xf32, #tpu.memory_space<hbm>> -> memref<10240xf32, #tpu.memory_space<hbm>>
      %dma_start3A_34 = tpu.memref_slice %arg3[%mul3A_4] : memref<327680xf32, #tpu.memory_space<hbm>> -> memref<10240xf32, #tpu.memory_space<hbm>>
      tpu.enqueue_dma source(%dma_start3A_34 : memref<10240xf32, #tpu.memory_space<hbm>>) target(%arg8 : memref<10240xf32, #tpu.memory_space<vmem>>) target_semaphore(%run_scoped3A : memref<!tpu.dma_semaphore, #tpu.memory_space<semaphore_mem>>)
      %dma_wait3A = tpu.memref_slice %arg3[%mul3A_4] : memref<327680xf32, #tpu.memory_space<hbm>> -> memref<10240xf32, #tpu.memory_space<hbm>>
      %dma_wait3A_35 = tpu.memref_slice %arg3[%mul3A_4] : memref<327680xf32, #tpu.memory_space<hbm>> -> memref<10240xf32, #tpu.memory_space<hbm>>
      tpu.wait_dma2 semaphore(%run_scoped3A : memref<!tpu.dma_semaphore, #tpu.memory_space<semaphore_mem>>) src(%dma_wait3A_35 : memref<10240xf32, #tpu.memory_space<hbm>>) dst(%arg8 : memref<10240xf32, #tpu.memory_space<vmem>>)
      tpu.yield
    }) : () -> ()
    %mul3A_5 = arith.constant 20 : i32
    %mul3A_6 = arith.muli %mul3A_2, %mul3A_5 : i32
    "tpu.region"() ({
      %run_scoped3A = tpu.sem_alloc : memref<!tpu.dma_semaphore, #tpu.memory_space<semaphore_mem>>
      %dma_start3A = tpu.memref_slice %arg4[%mul3A_6] : memref<327680xf32, #tpu.memory_space<hbm>> -> memref<10240xf32, #tpu.memory_space<hbm>>
      %dma_start3A_34 = tpu.memref_slice %arg4[%mul3A_6] : memref<327680xf32, #tpu.memory_space<hbm>> -> memref<10240xf32, #tpu.memory_space<hbm>>
      tpu.enqueue_dma source(%dma_start3A_34 : memref<10240xf32, #tpu.memory_space<hbm>>) target(%arg9 : memref<10240xf32, #tpu.memory_space<vmem>>) target_semaphore(%run_scoped3A : memref<!tpu.dma_semaphore, #tpu.memory_space<semaphore_mem>>)
      %dma_wait3A = tpu.memref_slice %arg4[%mul3A_6] : memref<327680xf32, #tpu.memory_space<hbm>> -> memref<10240xf32, #tpu.memory_space<hbm>>
      %dma_wait3A_35 = tpu.memref_slice %arg4[%mul3A_6] : memref<327680xf32, #tpu.memory_space<hbm>> -> memref<10240xf32, #tpu.memory_space<hbm>>
      tpu.wait_dma2 semaphore(%run_scoped3A : memref<!tpu.dma_semaphore, #tpu.memory_space<semaphore_mem>>) src(%dma_wait3A_35 : memref<10240xf32, #tpu.memory_space<hbm>>) dst(%arg9 : memref<10240xf32, #tpu.memory_space<vmem>>)
      tpu.yield
    }) : () -> ()
    "tpu.region"() ({
      %run_scoped3A = tpu.sem_alloc : memref<!tpu.dma_semaphore, #tpu.memory_space<semaphore_mem>>
      tpu.enqueue_dma source(%arg5 : memref<32xf32, #tpu.memory_space<hbm>>) target(%arg10 : memref<32xf32, #tpu.memory_space<vmem>>) target_semaphore(%run_scoped3A : memref<!tpu.dma_semaphore, #tpu.memory_space<semaphore_mem>>)
      tpu.wait_dma2 semaphore(%run_scoped3A : memref<!tpu.dma_semaphore, #tpu.memory_space<semaphore_mem>>) src(%arg5 : memref<32xf32, #tpu.memory_space<hbm>>) dst(%arg10 : memref<32xf32, #tpu.memory_space<vmem>>)
      tpu.yield
    }) : () -> ()
    %iota3A = tpu.iota {dimensions = array<i32: 0>} : vector<16xi32>
    %broadcast_in_dim3A = arith.constant 0.000000e+00 : f32
    %broadcast_in_dim3A_7 = vector.broadcast %broadcast_in_dim3A : f32 to vector<16xf32>
    %broadcast_in_dim3A_8 = arith.constant 1.000000e+00 : f32
    %broadcast_in_dim3A_9 = vector.broadcast %broadcast_in_dim3A_8 : f32 to vector<16xf32>
    %get3A = arith.constant 0 : index
    %get3A_10 = tpu.vector_load %arg10[%get3A] {strides = array<i32>} : memref<32xf32, #tpu.memory_space<vmem>>, vector<16xf32>,
    %neg3A = arith.constant 0.000000e+00 : f32
    %neg3A_11 = vector.broadcast %neg3A : f32 to vector<16xf32>
    %neg3A_12 = arith.subf %neg3A_11, %get3A_10 : vector<16xf32>
    %exp3A = math.exp %neg3A_12 : vector<16xf32>
    %add3A_13 = arith.addf %broadcast_in_dim3A_9, %exp3A : vector<16xf32>
    %div3A = arith.divf %broadcast_in_dim3A_9, %add3A_13 : vector<16xf32>
    %eq3A = arith.constant 0 : i32
    %eq3A_14 = vector.broadcast %eq3A : i32 to vector<16xi32>
    %eq3A_15 = arith.cmpi eq, %iota3A, %eq3A_14 : vector<16xi32>
    %select_n3A = arith.select %eq3A_15, %broadcast_in_dim3A_7, %div3A : vector<16xi1>, vector<16xf32>
    %swap3A = arith.constant 0 : index
    %swap3A_16 = tpu.vector_load %arg11[%swap3A] {strides = array<i32>} : memref<32xf32, #tpu.memory_space<vmem>>, vector<16xf32>,
    tpu.vector_store %arg11[%swap3A], %select_n3A {strides = array<i32>} : memref<32xf32, #tpu.memory_space<vmem>>, vector<16xf32>,
    %get3A_17 = arith.constant 16 : index
    %get3A_18 = tpu.vector_load %arg10[%get3A_17] {strides = array<i32>} : memref<32xf32, #tpu.memory_space<vmem>>, vector<16xf32>,
    %neg3A_19 = arith.constant 0.000000e+00 : f32
    %neg3A_20 = vector.broadcast %neg3A_19 : f32 to vector<16xf32>
    %neg3A_21 = arith.subf %neg3A_20, %get3A_18 : vector<16xf32>
    %exp3A_22 = math.exp %neg3A_21 : vector<16xf32>
    %add3A_23 = arith.addf %broadcast_in_dim3A_9, %exp3A_22 : vector<16xf32>
    %div3A_24 = arith.divf %broadcast_in_dim3A_9, %add3A_23 : vector<16xf32>
    %swap3A_25 = arith.constant 16 : index
    %swap3A_26 = tpu.vector_load %arg11[%swap3A_25] {strides = array<i32>} : memref<32xf32, #tpu.memory_space<vmem>>, vector<16xf32>,
    tpu.vector_store %arg11[%swap3A_25], %div3A_24 {strides = array<i32>} : memref<32xf32, #tpu.memory_space<vmem>>, vector<16xf32>,
    %scan3A = arith.constant 0 : i32
    %scan3A_27 = arith.constant 32 : i32
    %scan3A_28 = arith.addi %scan3A, %scan3A_27 : i32
    %scan3A_29 = arith.constant 1 : i32
    %scan3A_30 = scf.for %scan3A_34 = %scan3A to %scan3A_28 step %scan3A_29 iter_args(%scan3A_35 = %broadcast_in_dim3A_7) -> (vector<16xf32>)  : i32 {
      %mul3A_36 = arith.constant 16 : i32
      %mul3A_37 = arith.muli %scan3A_34, %mul3A_36 : i32
      %add3A_38 = vector.broadcast %mul3A_37 : i32 to vector<16xi32>
      %add3A_39 = arith.addi %add3A_38, %iota3A : vector<16xi32>
      %mul3A_40 = arith.constant 20 : i32
      %mul3A_41 = vector.broadcast %mul3A_40 : i32 to vector<16xi32>
      %mul3A_42 = arith.muli %add3A_39, %mul3A_41 : vector<16xi32>
      %add3A_43 = arith.constant 0 : i32
      %add3A_44 = vector.broadcast %add3A_43 : i32 to vector<16xi32>
      %add3A_45 = arith.addi %mul3A_42, %add3A_44 : vector<16xi32>
      %gather3A = tpu.vector_load_idx %arg9[%add3A_45] : memref<10240xf32, #tpu.memory_space<vmem>>[vector<16xi32>], vector<16xf32>,
      %add3A_46 = arith.constant 1 : i32
      %add3A_47 = vector.broadcast %add3A_46 : i32 to vector<16xi32>
      %add3A_48 = arith.addi %mul3A_42, %add3A_47 : vector<16xi32>
      %gather3A_49 = tpu.vector_load_idx %arg9[%add3A_48] : memref<10240xf32, #tpu.memory_space<vmem>>[vector<16xi32>], vector<16xf32>,
      %add3A_50 = arith.constant 2 : i32
      %add3A_51 = vector.broadcast %add3A_50 : i32 to vector<16xi32>
      %add3A_52 = arith.addi %mul3A_42, %add3A_51 : vector<16xi32>
      %gather3A_53 = tpu.vector_load_idx %arg9[%add3A_52] : memref<10240xf32, #tpu.memory_space<vmem>>[vector<16xi32>], vector<16xf32>,
      %add3A_54 = arith.constant 3 : i32
      %add3A_55 = vector.broadcast %add3A_54 : i32 to vector<16xi32>
      %add3A_56 = arith.addi %mul3A_42, %add3A_55 : vector<16xi32>
      %gather3A_57 = tpu.vector_load_idx %arg9[%add3A_56] : memref<10240xf32, #tpu.memory_space<vmem>>[vector<16xi32>], vector<16xf32>,
      %add3A_58 = arith.constant 4 : i32
      %add3A_59 = vector.broadcast %add3A_58 : i32 to vector<16xi32>
      %add3A_60 = arith.addi %mul3A_42, %add3A_59 : vector<16xi32>
      %gather3A_61 = tpu.vector_load_idx %arg9[%add3A_60] : memref<10240xf32, #tpu.memory_space<vmem>>[vector<16xi32>], vector<16xf32>,
      %add3A_62 = arith.constant 5 : i32
      %add3A_63 = vector.broadcast %add3A_62 : i32 to vector<16xi32>
      %add3A_64 = arith.addi %mul3A_42, %add3A_63 : vector<16xi32>
      %gather3A_65 = tpu.vector_load_idx %arg9[%add3A_64] : memref<10240xf32, #tpu.memory_space<vmem>>[vector<16xi32>], vector<16xf32>,
      %add3A_66 = arith.constant 6 : i32
      %add3A_67 = vector.broadcast %add3A_66 : i32 to vector<16xi32>
      %add3A_68 = arith.addi %mul3A_42, %add3A_67 : vector<16xi32>
      %gather3A_69 = tpu.vector_load_idx %arg9[%add3A_68] : memref<10240xf32, #tpu.memory_space<vmem>>[vector<16xi32>], vector<16xf32>,
      %add3A_70 = arith.constant 7 : i32
      %add3A_71 = vector.broadcast %add3A_70 : i32 to vector<16xi32>
      %add3A_72 = arith.addi %mul3A_42, %add3A_71 : vector<16xi32>
      %gather3A_73 = tpu.vector_load_idx %arg9[%add3A_72] : memref<10240xf32, #tpu.memory_space<vmem>>[vector<16xi32>], vector<16xf32>,
      %add3A_74 = arith.constant 8 : i32
      %add3A_75 = vector.broadcast %add3A_74 : i32 to vector<16xi32>
      %add3A_76 = arith.addi %mul3A_42, %add3A_75 : vector<16xi32>
      %gather3A_77 = tpu.vector_load_idx %arg9[%add3A_76] : memref<10240xf32, #tpu.memory_space<vmem>>[vector<16xi32>], vector<16xf32>,
      %add3A_78 = arith.constant 9 : i32
      %add3A_79 = vector.broadcast %add3A_78 : i32 to vector<16xi32>
      %add3A_80 = arith.addi %mul3A_42, %add3A_79 : vector<16xi32>
      %gather3A_81 = tpu.vector_load_idx %arg9[%add3A_80] : memref<10240xf32, #tpu.memory_space<vmem>>[vector<16xi32>], vector<16xf32>,
      %add3A_82 = arith.constant 10 : i32
      %add3A_83 = vector.broadcast %add3A_82 : i32 to vector<16xi32>
      %add3A_84 = arith.addi %mul3A_42, %add3A_83 : vector<16xi32>
      %gather3A_85 = tpu.vector_load_idx %arg9[%add3A_84] : memref<10240xf32, #tpu.memory_space<vmem>>[vector<16xi32>], vector<16xf32>,
      %add3A_86 = arith.constant 11 : i32
      %add3A_87 = vector.broadcast %add3A_86 : i32 to vector<16xi32>
      %add3A_88 = arith.addi %mul3A_42, %add3A_87 : vector<16xi32>
      %gather3A_89 = tpu.vector_load_idx %arg9[%add3A_88] : memref<10240xf32, #tpu.memory_space<vmem>>[vector<16xi32>], vector<16xf32>,
      %add3A_90 = arith.constant 12 : i32
      %add3A_91 = vector.broadcast %add3A_90 : i32 to vector<16xi32>
      %add3A_92 = arith.addi %mul3A_42, %add3A_91 : vector<16xi32>
      %gather3A_93 = tpu.vector_load_idx %arg9[%add3A_92] : memref<10240xf32, #tpu.memory_space<vmem>>[vector<16xi32>], vector<16xf32>,
      %add3A_94 = arith.constant 13 : i32
      %add3A_95 = vector.broadcast %add3A_94 : i32 to vector<16xi32>
      %add3A_96 = arith.addi %mul3A_42, %add3A_95 : vector<16xi32>
      %gather3A_97 = tpu.vector_load_idx %arg9[%add3A_96] : memref<10240xf32, #tpu.memory_space<vmem>>[vector<16xi32>], vector<16xf32>,
      %add3A_98 = arith.constant 14 : i32
      %add3A_99 = vector.broadcast %add3A_98 : i32 to vector<16xi32>
      %add3A_100 = arith.addi %mul3A_42, %add3A_99 : vector<16xi32>
      %gather3A_101 = tpu.vector_load_idx %arg9[%add3A_100] : memref<10240xf32, #tpu.memory_space<vmem>>[vector<16xi32>], vector<16xf32>,
      %add3A_102 = arith.constant 15 : i32
      %add3A_103 = vector.broadcast %add3A_102 : i32 to vector<16xi32>
      %add3A_104 = arith.addi %mul3A_42, %add3A_103 : vector<16xi32>
      %gather3A_105 = tpu.vector_load_idx %arg9[%add3A_104] : memref<10240xf32, #tpu.memory_space<vmem>>[vector<16xi32>], vector<16xf32>,
      %add3A_106 = arith.constant 16 : i32
      %add3A_107 = vector.broadcast %add3A_106 : i32 to vector<16xi32>
      %add3A_108 = arith.addi %mul3A_42, %add3A_107 : vector<16xi32>
      %gather3A_109 = tpu.vector_load_idx %arg9[%add3A_108] : memref<10240xf32, #tpu.memory_space<vmem>>[vector<16xi32>], vector<16xf32>,
      %add3A_110 = arith.constant 17 : i32
      %add3A_111 = vector.broadcast %add3A_110 : i32 to vector<16xi32>
      %add3A_112 = arith.addi %mul3A_42, %add3A_111 : vector<16xi32>
      %gather3A_113 = tpu.vector_load_idx %arg9[%add3A_112] : memref<10240xf32, #tpu.memory_space<vmem>>[vector<16xi32>], vector<16xf32>,
      %add3A_114 = arith.constant 18 : i32
      %add3A_115 = vector.broadcast %add3A_114 : i32 to vector<16xi32>
      %add3A_116 = arith.addi %mul3A_42, %add3A_115 : vector<16xi32>
      %gather3A_117 = tpu.vector_load_idx %arg9[%add3A_116] : memref<10240xf32, #tpu.memory_space<vmem>>[vector<16xi32>], vector<16xf32>,
      %add3A_118 = arith.constant 19 : i32
      %add3A_119 = vector.broadcast %add3A_118 : i32 to vector<16xi32>
      %add3A_120 = arith.addi %mul3A_42, %add3A_119 : vector<16xi32>
      %gather3A_121 = tpu.vector_load_idx %arg9[%add3A_120] : memref<10240xf32, #tpu.memory_space<vmem>>[vector<16xi32>], vector<16xf32>,
      %broadcast_in_dim3A_122 = arith.constant 1.900000e+01 : f32
      %broadcast_in_dim3A_123 = vector.broadcast %broadcast_in_dim3A_122 : f32 to vector<16xf32>
      %broadcast_in_dim3A_124 = arith.constant 1.800000e+01 : f32
      %broadcast_in_dim3A_125 = vector.broadcast %broadcast_in_dim3A_124 : f32 to vector<16xf32>
      %broadcast_in_dim3A_126 = arith.constant 1.700000e+01 : f32
      %broadcast_in_dim3A_127 = vector.broadcast %broadcast_in_dim3A_126 : f32 to vector<16xf32>
      %broadcast_in_dim3A_128 = arith.constant 1.600000e+01 : f32
      %broadcast_in_dim3A_129 = vector.broadcast %broadcast_in_dim3A_128 : f32 to vector<16xf32>
      %broadcast_in_dim3A_130 = arith.constant 1.500000e+01 : f32
      %broadcast_in_dim3A_131 = vector.broadcast %broadcast_in_dim3A_130 : f32 to vector<16xf32>
      %broadcast_in_dim3A_132 = arith.constant 1.400000e+01 : f32
      %broadcast_in_dim3A_133 = vector.broadcast %broadcast_in_dim3A_132 : f32 to vector<16xf32>
      %broadcast_in_dim3A_134 = arith.constant 1.300000e+01 : f32
      %broadcast_in_dim3A_135 = vector.broadcast %broadcast_in_dim3A_134 : f32 to vector<16xf32>
      %broadcast_in_dim3A_136 = arith.constant 1.200000e+01 : f32
      %broadcast_in_dim3A_137 = vector.broadcast %broadcast_in_dim3A_136 : f32 to vector<16xf32>
      %broadcast_in_dim3A_138 = arith.constant 1.100000e+01 : f32
      %broadcast_in_dim3A_139 = vector.broadcast %broadcast_in_dim3A_138 : f32 to vector<16xf32>
      %broadcast_in_dim3A_140 = arith.constant 1.000000e+01 : f32
      %broadcast_in_dim3A_141 = vector.broadcast %broadcast_in_dim3A_140 : f32 to vector<16xf32>
      %broadcast_in_dim3A_142 = arith.constant 9.000000e+00 : f32
      %broadcast_in_dim3A_143 = vector.broadcast %broadcast_in_dim3A_142 : f32 to vector<16xf32>
      %broadcast_in_dim3A_144 = arith.constant 8.000000e+00 : f32
      %broadcast_in_dim3A_145 = vector.broadcast %broadcast_in_dim3A_144 : f32 to vector<16xf32>
      %broadcast_in_dim3A_146 = arith.constant 7.000000e+00 : f32
      %broadcast_in_dim3A_147 = vector.broadcast %broadcast_in_dim3A_146 : f32 to vector<16xf32>
      %broadcast_in_dim3A_148 = arith.constant 6.000000e+00 : f32
      %broadcast_in_dim3A_149 = vector.broadcast %broadcast_in_dim3A_148 : f32 to vector<16xf32>
      %broadcast_in_dim3A_150 = arith.constant 5.000000e+00 : f32
      %broadcast_in_dim3A_151 = vector.broadcast %broadcast_in_dim3A_150 : f32 to vector<16xf32>
      %broadcast_in_dim3A_152 = arith.constant 4.000000e+00 : f32
      %broadcast_in_dim3A_153 = vector.broadcast %broadcast_in_dim3A_152 : f32 to vector<16xf32>
      %broadcast_in_dim3A_154 = arith.constant 3.000000e+00 : f32
      %broadcast_in_dim3A_155 = vector.broadcast %broadcast_in_dim3A_154 : f32 to vector<16xf32>
      %broadcast_in_dim3A_156 = arith.constant 2.000000e+00 : f32
      %broadcast_in_dim3A_157 = vector.broadcast %broadcast_in_dim3A_156 : f32 to vector<16xf32>
      %broadcast_in_dim3A_158 = arith.constant 1.000000e+00 : f32
      %broadcast_in_dim3A_159 = vector.broadcast %broadcast_in_dim3A_158 : f32 to vector<16xf32>
      %broadcast_in_dim3A_160 = arith.constant 0.000000e+00 : f32
      %broadcast_in_dim3A_161 = vector.broadcast %broadcast_in_dim3A_160 : f32 to vector<16xf32>
      %ge3A = arith.cmpf oge, %gather3A, %gather3A_49 : vector<16xf32>
      %convert_element_type3A = arith.extui %ge3A : vector<16xi1> to vector<16xi32>
      %convert_element_type3A_162 = arith.sitofp %convert_element_type3A : vector<16xi32> to vector<16xf32>
      %add3A_163 = arith.addf %broadcast_in_dim3A_125, %convert_element_type3A_162 : vector<16xf32>
      %sub3A = arith.subf %broadcast_in_dim3A_123, %convert_element_type3A_162 : vector<16xf32>
      %ge3A_164 = arith.cmpf oge, %gather3A, %gather3A_53 : vector<16xf32>
      %convert_element_type3A_165 = arith.extui %ge3A_164 : vector<16xi1> to vector<16xi32>
      %convert_element_type3A_166 = arith.sitofp %convert_element_type3A_165 : vector<16xi32> to vector<16xf32>
      %add3A_167 = arith.addf %broadcast_in_dim3A_127, %convert_element_type3A_166 : vector<16xf32>
      %sub3A_168 = arith.subf %sub3A, %convert_element_type3A_166 : vector<16xf32>
      %ge3A_169 = arith.cmpf oge, %gather3A, %gather3A_57 : vector<16xf32>
      %convert_element_type3A_170 = arith.extui %ge3A_169 : vector<16xi1> to vector<16xi32>
      %convert_element_type3A_171 = arith.sitofp %convert_element_type3A_170 : vector<16xi32> to vector<16xf32>
      %add3A_172 = arith.addf %broadcast_in_dim3A_129, %convert_element_type3A_171 : vector<16xf32>
      %sub3A_173 = arith.subf %sub3A_168, %convert_element_type3A_171 : vector<16xf32>
      %ge3A_174 = arith.cmpf oge, %gather3A, %gather3A_61 : vector<16xf32>
      %convert_element_type3A_175 = arith.extui %ge3A_174 : vector<16xi1> to vector<16xi32>
      %convert_element_type3A_176 = arith.sitofp %convert_element_type3A_175 : vector<16xi32> to vector<16xf32>
      %add3A_177 = arith.addf %broadcast_in_dim3A_131, %convert_element_type3A_176 : vector<16xf32>
      %sub3A_178 = arith.subf %sub3A_173, %convert_element_type3A_176 : vector<16xf32>
      %ge3A_179 = arith.cmpf oge, %gather3A, %gather3A_65 : vector<16xf32>
      %convert_element_type3A_180 = arith.extui %ge3A_179 : vector<16xi1> to vector<16xi32>
      %convert_element_type3A_181 = arith.sitofp %convert_element_type3A_180 : vector<16xi32> to vector<16xf32>
      %add3A_182 = arith.addf %broadcast_in_dim3A_133, %convert_element_type3A_181 : vector<16xf32>
      %sub3A_183 = arith.subf %sub3A_178, %convert_element_type3A_181 : vector<16xf32>
      %ge3A_184 = arith.cmpf oge, %gather3A, %gather3A_69 : vector<16xf32>
      %convert_element_type3A_185 = arith.extui %ge3A_184 : vector<16xi1> to vector<16xi32>
      %convert_element_type3A_186 = arith.sitofp %convert_element_type3A_185 : vector<16xi32> to vector<16xf32>
      %add3A_187 = arith.addf %broadcast_in_dim3A_135, %convert_element_type3A_186 : vector<16xf32>
      %sub3A_188 = arith.subf %sub3A_183, %convert_element_type3A_186 : vector<16xf32>
      %ge3A_189 = arith.cmpf oge, %gather3A, %gather3A_73 : vector<16xf32>
      %convert_element_type3A_190 = arith.extui %ge3A_189 : vector<16xi1> to vector<16xi32>
      %convert_element_type3A_191 = arith.sitofp %convert_element_type3A_190 : vector<16xi32> to vector<16xf32>
      %add3A_192 = arith.addf %broadcast_in_dim3A_137, %convert_element_type3A_191 : vector<16xf32>
      %sub3A_193 = arith.subf %sub3A_188, %convert_element_type3A_191 : vector<16xf32>
      %ge3A_194 = arith.cmpf oge, %gather3A, %gather3A_77 : vector<16xf32>
      %convert_element_type3A_195 = arith.extui %ge3A_194 : vector<16xi1> to vector<16xi32>
      %convert_element_type3A_196 = arith.sitofp %convert_element_type3A_195 : vector<16xi32> to vector<16xf32>
      %add3A_197 = arith.addf %broadcast_in_dim3A_139, %convert_element_type3A_196 : vector<16xf32>
      %sub3A_198 = arith.subf %sub3A_193, %convert_element_type3A_196 : vector<16xf32>
      %ge3A_199 = arith.cmpf oge, %gather3A, %gather3A_81 : vector<16xf32>
      %convert_element_type3A_200 = arith.extui %ge3A_199 : vector<16xi1> to vector<16xi32>
      %convert_element_type3A_201 = arith.sitofp %convert_element_type3A_200 : vector<16xi32> to vector<16xf32>
      %add3A_202 = arith.addf %broadcast_in_dim3A_141, %convert_element_type3A_201 : vector<16xf32>
      %sub3A_203 = arith.subf %sub3A_198, %convert_element_type3A_201 : vector<16xf32>
      %ge3A_204 = arith.cmpf oge, %gather3A, %gather3A_85 : vector<16xf32>
      %convert_element_type3A_205 = arith.extui %ge3A_204 : vector<16xi1> to vector<16xi32>
      %convert_element_type3A_206 = arith.sitofp %convert_element_type3A_205 : vector<16xi32> to vector<16xf32>
      %add3A_207 = arith.addf %broadcast_in_dim3A_143, %convert_element_type3A_206 : vector<16xf32>
      %sub3A_208 = arith.subf %sub3A_203, %convert_element_type3A_206 : vector<16xf32>
      %ge3A_209 = arith.cmpf oge, %gather3A, %gather3A_89 : vector<16xf32>
      %convert_element_type3A_210 = arith.extui %ge3A_209 : vector<16xi1> to vector<16xi32>
      %convert_element_type3A_211 = arith.sitofp %convert_element_type3A_210 : vector<16xi32> to vector<16xf32>
      %add3A_212 = arith.addf %broadcast_in_dim3A_145, %convert_element_type3A_211 : vector<16xf32>
      %sub3A_213 = arith.subf %sub3A_208, %convert_element_type3A_211 : vector<16xf32>
      %ge3A_214 = arith.cmpf oge, %gather3A, %gather3A_93 : vector<16xf32>
      %convert_element_type3A_215 = arith.extui %ge3A_214 : vector<16xi1> to vector<16xi32>
      %convert_element_type3A_216 = arith.sitofp %convert_element_type3A_215 : vector<16xi32> to vector<16xf32>
      %add3A_217 = arith.addf %broadcast_in_dim3A_147, %convert_element_type3A_216 : vector<16xf32>
      %sub3A_218 = arith.subf %sub3A_213, %convert_element_type3A_216 : vector<16xf32>
      %ge3A_219 = arith.cmpf oge, %gather3A, %gather3A_97 : vector<16xf32>
      %convert_element_type3A_220 = arith.extui %ge3A_219 : vector<16xi1> to vector<16xi32>
      %convert_element_type3A_221 = arith.sitofp %convert_element_type3A_220 : vector<16xi32> to vector<16xf32>
      %add3A_222 = arith.addf %broadcast_in_dim3A_149, %convert_element_type3A_221 : vector<16xf32>
      %sub3A_223 = arith.subf %sub3A_218, %convert_element_type3A_221 : vector<16xf32>
      %ge3A_224 = arith.cmpf oge, %gather3A, %gather3A_101 : vector<16xf32>
      %convert_element_type3A_225 = arith.extui %ge3A_224 : vector<16xi1> to vector<16xi32>
      %convert_element_type3A_226 = arith.sitofp %convert_element_type3A_225 : vector<16xi32> to vector<16xf32>
      %add3A_227 = arith.addf %broadcast_in_dim3A_151, %convert_element_type3A_226 : vector<16xf32>
      %sub3A_228 = arith.subf %sub3A_223, %convert_element_type3A_226 : vector<16xf32>
      %ge3A_229 = arith.cmpf oge, %gather3A, %gather3A_105 : vector<16xf32>
      %convert_element_type3A_230 = arith.extui %ge3A_229 : vector<16xi1> to vector<16xi32>
      %convert_element_type3A_231 = arith.sitofp %convert_element_type3A_230 : vector<16xi32> to vector<16xf32>
      %add3A_232 = arith.addf %broadcast_in_dim3A_153, %convert_element_type3A_231 : vector<16xf32>
      %sub3A_233 = arith.subf %sub3A_228, %convert_element_type3A_231 : vector<16xf32>
      %ge3A_234 = arith.cmpf oge, %gather3A, %gather3A_109 : vector<16xf32>
      %convert_element_type3A_235 = arith.extui %ge3A_234 : vector<16xi1> to vector<16xi32>
      %convert_element_type3A_236 = arith.sitofp %convert_element_type3A_235 : vector<16xi32> to vector<16xf32>
      %add3A_237 = arith.addf %broadcast_in_dim3A_155, %convert_element_type3A_236 : vector<16xf32>
      %sub3A_238 = arith.subf %sub3A_233, %convert_element_type3A_236 : vector<16xf32>
      %ge3A_239 = arith.cmpf oge, %gather3A, %gather3A_113 : vector<16xf32>
      %convert_element_type3A_240 = arith.extui %ge3A_239 : vector<16xi1> to vector<16xi32>
      %convert_element_type3A_241 = arith.sitofp %convert_element_type3A_240 : vector<16xi32> to vector<16xf32>
      %add3A_242 = arith.addf %broadcast_in_dim3A_157, %convert_element_type3A_241 : vector<16xf32>
      %sub3A_243 = arith.subf %sub3A_238, %convert_element_type3A_241 : vector<16xf32>
      %ge3A_244 = arith.cmpf oge, %gather3A, %gather3A_117 : vector<16xf32>
      %convert_element_type3A_245 = arith.extui %ge3A_244 : vector<16xi1> to vector<16xi32>
      %convert_element_type3A_246 = arith.sitofp %convert_element_type3A_245 : vector<16xi32> to vector<16xf32>
      %add3A_247 = arith.addf %broadcast_in_dim3A_159, %convert_element_type3A_246 : vector<16xf32>
      %sub3A_248 = arith.subf %sub3A_243, %convert_element_type3A_246 : vector<16xf32>
      %ge3A_249 = arith.cmpf oge, %gather3A, %gather3A_121 : vector<16xf32>
      %convert_element_type3A_250 = arith.extui %ge3A_249 : vector<16xi1> to vector<16xi32>
      %convert_element_type3A_251 = arith.sitofp %convert_element_type3A_250 : vector<16xi32> to vector<16xf32>
      %add3A_252 = arith.addf %broadcast_in_dim3A_161, %convert_element_type3A_251 : vector<16xf32>
      %sub3A_253 = arith.subf %sub3A_248, %convert_element_type3A_251 : vector<16xf32>
      %ge3A_254 = arith.cmpf oge, %gather3A_49, %gather3A_53 : vector<16xf32>
      %convert_element_type3A_255 = arith.extui %ge3A_254 : vector<16xi1> to vector<16xi32>
      %convert_element_type3A_256 = arith.sitofp %convert_element_type3A_255 : vector<16xi32> to vector<16xf32>
      %add3A_257 = arith.addf %add3A_167, %convert_element_type3A_256 : vector<16xf32>
      %sub3A_258 = arith.subf %add3A_163, %convert_element_type3A_256 : vector<16xf32>
      %ge3A_259 = arith.cmpf oge, %gather3A_49, %gather3A_57 : vector<16xf32>
      %convert_element_type3A_260 = arith.extui %ge3A_259 : vector<16xi1> to vector<16xi32>
      %convert_element_type3A_261 = arith.sitofp %convert_element_type3A_260 : vector<16xi32> to vector<16xf32>
      %add3A_262 = arith.addf %add3A_172, %convert_element_type3A_261 : vector<16xf32>
      %sub3A_263 = arith.subf %sub3A_258, %convert_element_type3A_261 : vector<16xf32>
      %ge3A_264 = arith.cmpf oge, %gather3A_49, %gather3A_61 : vector<16xf32>
      %convert_element_type3A_265 = arith.extui %ge3A_264 : vector<16xi1> to vector<16xi32>
      %convert_element_type3A_266 = arith.sitofp %convert_element_type3A_265 : vector<16xi32> to vector<16xf32>
      %add3A_267 = arith.addf %add3A_177, %convert_element_type3A_266 : vector<16xf32>
      %sub3A_268 = arith.subf %sub3A_263, %convert_element_type3A_266 : vector<16xf32>
      %ge3A_269 = arith.cmpf oge, %gather3A_49, %gather3A_65 : vector<16xf32>
      %convert_element_type3A_270 = arith.extui %ge3A_269 : vector<16xi1> to vector<16xi32>
      %convert_element_type3A_271 = arith.sitofp %convert_element_type3A_270 : vector<16xi32> to vector<16xf32>
      %add3A_272 = arith.addf %add3A_182, %convert_element_type3A_271 : vector<16xf32>
      %sub3A_273 = arith.subf %sub3A_268, %convert_element_type3A_271 : vector<16xf32>
      %ge3A_274 = arith.cmpf oge, %gather3A_49, %gather3A_69 : vector<16xf32>
      %convert_element_type3A_275 = arith.extui %ge3A_274 : vector<16xi1> to vector<16xi32>
      %convert_element_type3A_276 = arith.sitofp %convert_element_type3A_275 : vector<16xi32> to vector<16xf32>
      %add3A_277 = arith.addf %add3A_187, %convert_element_type3A_276 : vector<16xf32>
      %sub3A_278 = arith.subf %sub3A_273, %convert_element_type3A_276 : vector<16xf32>
      %ge3A_279 = arith.cmpf oge, %gather3A_49, %gather3A_73 : vector<16xf32>
      %convert_element_type3A_280 = arith.extui %ge3A_279 : vector<16xi1> to vector<16xi32>
      %convert_element_type3A_281 = arith.sitofp %convert_element_type3A_280 : vector<16xi32> to vector<16xf32>
      %add3A_282 = arith.addf %add3A_192, %convert_element_type3A_281 : vector<16xf32>
      %sub3A_283 = arith.subf %sub3A_278, %convert_element_type3A_281 : vector<16xf32>
      %ge3A_284 = arith.cmpf oge, %gather3A_49, %gather3A_77 : vector<16xf32>
      %convert_element_type3A_285 = arith.extui %ge3A_284 : vector<16xi1> to vector<16xi32>
      %convert_element_type3A_286 = arith.sitofp %convert_element_type3A_285 : vector<16xi32> to vector<16xf32>
      %add3A_287 = arith.addf %add3A_197, %convert_element_type3A_286 : vector<16xf32>
      %sub3A_288 = arith.subf %sub3A_283, %convert_element_type3A_286 : vector<16xf32>
      %ge3A_289 = arith.cmpf oge, %gather3A_49, %gather3A_81 : vector<16xf32>
      %convert_element_type3A_290 = arith.extui %ge3A_289 : vector<16xi1> to vector<16xi32>
      %convert_element_type3A_291 = arith.sitofp %convert_element_type3A_290 : vector<16xi32> to vector<16xf32>
      %add3A_292 = arith.addf %add3A_202, %convert_element_type3A_291 : vector<16xf32>
      %sub3A_293 = arith.subf %sub3A_288, %convert_element_type3A_291 : vector<16xf32>
      %ge3A_294 = arith.cmpf oge, %gather3A_49, %gather3A_85 : vector<16xf32>
      %convert_element_type3A_295 = arith.extui %ge3A_294 : vector<16xi1> to vector<16xi32>
      %convert_element_type3A_296 = arith.sitofp %convert_element_type3A_295 : vector<16xi32> to vector<16xf32>
      %add3A_297 = arith.addf %add3A_207, %convert_element_type3A_296 : vector<16xf32>
      %sub3A_298 = arith.subf %sub3A_293, %convert_element_type3A_296 : vector<16xf32>
      %ge3A_299 = arith.cmpf oge, %gather3A_49, %gather3A_89 : vector<16xf32>
      %convert_element_type3A_300 = arith.extui %ge3A_299 : vector<16xi1> to vector<16xi32>
      %convert_element_type3A_301 = arith.sitofp %convert_element_type3A_300 : vector<16xi32> to vector<16xf32>
      %add3A_302 = arith.addf %add3A_212, %convert_element_type3A_301 : vector<16xf32>
      %sub3A_303 = arith.subf %sub3A_298, %convert_element_type3A_301 : vector<16xf32>
      %ge3A_304 = arith.cmpf oge, %gather3A_49, %gather3A_93 : vector<16xf32>
      %convert_element_type3A_305 = arith.extui %ge3A_304 : vector<16xi1> to vector<16xi32>
      %convert_element_type3A_306 = arith.sitofp %convert_element_type3A_305 : vector<16xi32> to vector<16xf32>
      %add3A_307 = arith.addf %add3A_217, %convert_element_type3A_306 : vector<16xf32>
      %sub3A_308 = arith.subf %sub3A_303, %convert_element_type3A_306 : vector<16xf32>
      %ge3A_309 = arith.cmpf oge, %gather3A_49, %gather3A_97 : vector<16xf32>
      %convert_element_type3A_310 = arith.extui %ge3A_309 : vector<16xi1> to vector<16xi32>
      %convert_element_type3A_311 = arith.sitofp %convert_element_type3A_310 : vector<16xi32> to vector<16xf32>
      %add3A_312 = arith.addf %add3A_222, %convert_element_type3A_311 : vector<16xf32>
      %sub3A_313 = arith.subf %sub3A_308, %convert_element_type3A_311 : vector<16xf32>
      %ge3A_314 = arith.cmpf oge, %gather3A_49, %gather3A_101 : vector<16xf32>
      %convert_element_type3A_315 = arith.extui %ge3A_314 : vector<16xi1> to vector<16xi32>
      %convert_element_type3A_316 = arith.sitofp %convert_element_type3A_315 : vector<16xi32> to vector<16xf32>
      %add3A_317 = arith.addf %add3A_227, %convert_element_type3A_316 : vector<16xf32>
      %sub3A_318 = arith.subf %sub3A_313, %convert_element_type3A_316 : vector<16xf32>
      %ge3A_319 = arith.cmpf oge, %gather3A_49, %gather3A_105 : vector<16xf32>
      %convert_element_type3A_320 = arith.extui %ge3A_319 : vector<16xi1> to vector<16xi32>
      %convert_element_type3A_321 = arith.sitofp %convert_element_type3A_320 : vector<16xi32> to vector<16xf32>
      %add3A_322 = arith.addf %add3A_232, %convert_element_type3A_321 : vector<16xf32>
      %sub3A_323 = arith.subf %sub3A_318, %convert_element_type3A_321 : vector<16xf32>
      %ge3A_324 = arith.cmpf oge, %gather3A_49, %gather3A_109 : vector<16xf32>
      %convert_element_type3A_325 = arith.extui %ge3A_324 : vector<16xi1> to vector<16xi32>
      %convert_element_type3A_326 = arith.sitofp %convert_element_type3A_325 : vector<16xi32> to vector<16xf32>
      %add3A_327 = arith.addf %add3A_237, %convert_element_type3A_326 : vector<16xf32>
      %sub3A_328 = arith.subf %sub3A_323, %convert_element_type3A_326 : vector<16xf32>
      %ge3A_329 = arith.cmpf oge, %gather3A_49, %gather3A_113 : vector<16xf32>
      %convert_element_type3A_330 = arith.extui %ge3A_329 : vector<16xi1> to vector<16xi32>
      %convert_element_type3A_331 = arith.sitofp %convert_element_type3A_330 : vector<16xi32> to vector<16xf32>
      %add3A_332 = arith.addf %add3A_242, %convert_element_type3A_331 : vector<16xf32>
      %sub3A_333 = arith.subf %sub3A_328, %convert_element_type3A_331 : vector<16xf32>
      %ge3A_334 = arith.cmpf oge, %gather3A_49, %gather3A_117 : vector<16xf32>
      %convert_element_type3A_335 = arith.extui %ge3A_334 : vector<16xi1> to vector<16xi32>
      %convert_element_type3A_336 = arith.sitofp %convert_element_type3A_335 : vector<16xi32> to vector<16xf32>
      %add3A_337 = arith.addf %add3A_247, %convert_element_type3A_336 : vector<16xf32>
      %sub3A_338 = arith.subf %sub3A_333, %convert_element_type3A_336 : vector<16xf32>
      %ge3A_339 = arith.cmpf oge, %gather3A_49, %gather3A_121 : vector<16xf32>
      %convert_element_type3A_340 = arith.extui %ge3A_339 : vector<16xi1> to vector<16xi32>
      %convert_element_type3A_341 = arith.sitofp %convert_element_type3A_340 : vector<16xi32> to vector<16xf32>
      %add3A_342 = arith.addf %add3A_252, %convert_element_type3A_341 : vector<16xf32>
      %sub3A_343 = arith.subf %sub3A_338, %convert_element_type3A_341 : vector<16xf32>
      %ge3A_344 = arith.cmpf oge, %gather3A_53, %gather3A_57 : vector<16xf32>
      %convert_element_type3A_345 = arith.extui %ge3A_344 : vector<16xi1> to vector<16xi32>
      %convert_element_type3A_346 = arith.sitofp %convert_element_type3A_345 : vector<16xi32> to vector<16xf32>
      %add3A_347 = arith.addf %add3A_262, %convert_element_type3A_346 : vector<16xf32>
      %sub3A_348 = arith.subf %add3A_257, %convert_element_type3A_346 : vector<16xf32>
      %ge3A_349 = arith.cmpf oge, %gather3A_53, %gather3A_61 : vector<16xf32>
      %convert_element_type3A_350 = arith.extui %ge3A_349 : vector<16xi1> to vector<16xi32>
      %convert_element_type3A_351 = arith.sitofp %convert_element_type3A_350 : vector<16xi32> to vector<16xf32>
      %add3A_352 = arith.addf %add3A_267, %convert_element_type3A_351 : vector<16xf32>
      %sub3A_353 = arith.subf %sub3A_348, %convert_element_type3A_351 : vector<16xf32>
      %ge3A_354 = arith.cmpf oge, %gather3A_53, %gather3A_65 : vector<16xf32>
      %convert_element_type3A_355 = arith.extui %ge3A_354 : vector<16xi1> to vector<16xi32>
      %convert_element_type3A_356 = arith.sitofp %convert_element_type3A_355 : vector<16xi32> to vector<16xf32>
      %add3A_357 = arith.addf %add3A_272, %convert_element_type3A_356 : vector<16xf32>
      %sub3A_358 = arith.subf %sub3A_353, %convert_element_type3A_356 : vector<16xf32>
      %ge3A_359 = arith.cmpf oge, %gather3A_53, %gather3A_69 : vector<16xf32>
      %convert_element_type3A_360 = arith.extui %ge3A_359 : vector<16xi1> to vector<16xi32>
      %convert_element_type3A_361 = arith.sitofp %convert_element_type3A_360 : vector<16xi32> to vector<16xf32>
      %add3A_362 = arith.addf %add3A_277, %convert_element_type3A_361 : vector<16xf32>
      %sub3A_363 = arith.subf %sub3A_358, %convert_element_type3A_361 : vector<16xf32>
      %ge3A_364 = arith.cmpf oge, %gather3A_53, %gather3A_73 : vector<16xf32>
      %convert_element_type3A_365 = arith.extui %ge3A_364 : vector<16xi1> to vector<16xi32>
      %convert_element_type3A_366 = arith.sitofp %convert_element_type3A_365 : vector<16xi32> to vector<16xf32>
      %add3A_367 = arith.addf %add3A_282, %convert_element_type3A_366 : vector<16xf32>
      %sub3A_368 = arith.subf %sub3A_363, %convert_element_type3A_366 : vector<16xf32>
      %ge3A_369 = arith.cmpf oge, %gather3A_53, %gather3A_77 : vector<16xf32>
      %convert_element_type3A_370 = arith.extui %ge3A_369 : vector<16xi1> to vector<16xi32>
      %convert_element_type3A_371 = arith.sitofp %convert_element_type3A_370 : vector<16xi32> to vector<16xf32>
      %add3A_372 = arith.addf %add3A_287, %convert_element_type3A_371 : vector<16xf32>
      %sub3A_373 = arith.subf %sub3A_368, %convert_element_type3A_371 : vector<16xf32>
      %ge3A_374 = arith.cmpf oge, %gather3A_53, %gather3A_81 : vector<16xf32>
      %convert_element_type3A_375 = arith.extui %ge3A_374 : vector<16xi1> to vector<16xi32>
      %convert_element_type3A_376 = arith.sitofp %convert_element_type3A_375 : vector<16xi32> to vector<16xf32>
      %add3A_377 = arith.addf %add3A_292, %convert_element_type3A_376 : vector<16xf32>
      %sub3A_378 = arith.subf %sub3A_373, %convert_element_type3A_376 : vector<16xf32>
      %ge3A_379 = arith.cmpf oge, %gather3A_53, %gather3A_85 : vector<16xf32>
      %convert_element_type3A_380 = arith.extui %ge3A_379 : vector<16xi1> to vector<16xi32>
      %convert_element_type3A_381 = arith.sitofp %convert_element_type3A_380 : vector<16xi32> to vector<16xf32>
      %add3A_382 = arith.addf %add3A_297, %convert_element_type3A_381 : vector<16xf32>
      %sub3A_383 = arith.subf %sub3A_378, %convert_element_type3A_381 : vector<16xf32>
      %ge3A_384 = arith.cmpf oge, %gather3A_53, %gather3A_89 : vector<16xf32>
      %convert_element_type3A_385 = arith.extui %ge3A_384 : vector<16xi1> to vector<16xi32>
      %convert_element_type3A_386 = arith.sitofp %convert_element_type3A_385 : vector<16xi32> to vector<16xf32>
      %add3A_387 = arith.addf %add3A_302, %convert_element_type3A_386 : vector<16xf32>
      %sub3A_388 = arith.subf %sub3A_383, %convert_element_type3A_386 : vector<16xf32>
      %ge3A_389 = arith.cmpf oge, %gather3A_53, %gather3A_93 : vector<16xf32>
      %convert_element_type3A_390 = arith.extui %ge3A_389 : vector<16xi1> to vector<16xi32>
      %convert_element_type3A_391 = arith.sitofp %convert_element_type3A_390 : vector<16xi32> to vector<16xf32>
      %add3A_392 = arith.addf %add3A_307, %convert_element_type3A_391 : vector<16xf32>
      %sub3A_393 = arith.subf %sub3A_388, %convert_element_type3A_391 : vector<16xf32>
      %ge3A_394 = arith.cmpf oge, %gather3A_53, %gather3A_97 : vector<16xf32>
      %convert_element_type3A_395 = arith.extui %ge3A_394 : vector<16xi1> to vector<16xi32>
      %convert_element_type3A_396 = arith.sitofp %convert_element_type3A_395 : vector<16xi32> to vector<16xf32>
      %add3A_397 = arith.addf %add3A_312, %convert_element_type3A_396 : vector<16xf32>
      %sub3A_398 = arith.subf %sub3A_393, %convert_element_type3A_396 : vector<16xf32>
      %ge3A_399 = arith.cmpf oge, %gather3A_53, %gather3A_101 : vector<16xf32>
      %convert_element_type3A_400 = arith.extui %ge3A_399 : vector<16xi1> to vector<16xi32>
      %convert_element_type3A_401 = arith.sitofp %convert_element_type3A_400 : vector<16xi32> to vector<16xf32>
      %add3A_402 = arith.addf %add3A_317, %convert_element_type3A_401 : vector<16xf32>
      %sub3A_403 = arith.subf %sub3A_398, %convert_element_type3A_401 : vector<16xf32>
      %ge3A_404 = arith.cmpf oge, %gather3A_53, %gather3A_105 : vector<16xf32>
      %convert_element_type3A_405 = arith.extui %ge3A_404 : vector<16xi1> to vector<16xi32>
      %convert_element_type3A_406 = arith.sitofp %convert_element_type3A_405 : vector<16xi32> to vector<16xf32>
      %add3A_407 = arith.addf %add3A_322, %convert_element_type3A_406 : vector<16xf32>
      %sub3A_408 = arith.subf %sub3A_403, %convert_element_type3A_406 : vector<16xf32>
      %ge3A_409 = arith.cmpf oge, %gather3A_53, %gather3A_109 : vector<16xf32>
      %convert_element_type3A_410 = arith.extui %ge3A_409 : vector<16xi1> to vector<16xi32>
      %convert_element_type3A_411 = arith.sitofp %convert_element_type3A_410 : vector<16xi32> to vector<16xf32>
      %add3A_412 = arith.addf %add3A_327, %convert_element_type3A_411 : vector<16xf32>
      %sub3A_413 = arith.subf %sub3A_408, %convert_element_type3A_411 : vector<16xf32>
      %ge3A_414 = arith.cmpf oge, %gather3A_53, %gather3A_113 : vector<16xf32>
      %convert_element_type3A_415 = arith.extui %ge3A_414 : vector<16xi1> to vector<16xi32>
      %convert_element_type3A_416 = arith.sitofp %convert_element_type3A_415 : vector<16xi32> to vector<16xf32>
      %add3A_417 = arith.addf %add3A_332, %convert_element_type3A_416 : vector<16xf32>
      %sub3A_418 = arith.subf %sub3A_413, %convert_element_type3A_416 : vector<16xf32>
      %ge3A_419 = arith.cmpf oge, %gather3A_53, %gather3A_117 : vector<16xf32>
      %convert_element_type3A_420 = arith.extui %ge3A_419 : vector<16xi1> to vector<16xi32>
      %convert_element_type3A_421 = arith.sitofp %convert_element_type3A_420 : vector<16xi32> to vector<16xf32>
      %add3A_422 = arith.addf %add3A_337, %convert_element_type3A_421 : vector<16xf32>
      %sub3A_423 = arith.subf %sub3A_418, %convert_element_type3A_421 : vector<16xf32>
      %ge3A_424 = arith.cmpf oge, %gather3A_53, %gather3A_121 : vector<16xf32>
      %convert_element_type3A_425 = arith.extui %ge3A_424 : vector<16xi1> to vector<16xi32>
      %convert_element_type3A_426 = arith.sitofp %convert_element_type3A_425 : vector<16xi32> to vector<16xf32>
      %add3A_427 = arith.addf %add3A_342, %convert_element_type3A_426 : vector<16xf32>
      %sub3A_428 = arith.subf %sub3A_423, %convert_element_type3A_426 : vector<16xf32>
      %ge3A_429 = arith.cmpf oge, %gather3A_57, %gather3A_61 : vector<16xf32>
      %convert_element_type3A_430 = arith.extui %ge3A_429 : vector<16xi1> to vector<16xi32>
      %convert_element_type3A_431 = arith.sitofp %convert_element_type3A_430 : vector<16xi32> to vector<16xf32>
      %add3A_432 = arith.addf %add3A_352, %convert_element_type3A_431 : vector<16xf32>
      %sub3A_433 = arith.subf %add3A_347, %convert_element_type3A_431 : vector<16xf32>
      %ge3A_434 = arith.cmpf oge, %gather3A_57, %gather3A_65 : vector<16xf32>
      %convert_element_type3A_435 = arith.extui %ge3A_434 : vector<16xi1> to vector<16xi32>
      %convert_element_type3A_436 = arith.sitofp %convert_element_type3A_435 : vector<16xi32> to vector<16xf32>
      %add3A_437 = arith.addf %add3A_357, %convert_element_type3A_436 : vector<16xf32>
      %sub3A_438 = arith.subf %sub3A_433, %convert_element_type3A_436 : vector<16xf32>
      %ge3A_439 = arith.cmpf oge, %gather3A_57, %gather3A_69 : vector<16xf32>
      %convert_element_type3A_440 = arith.extui %ge3A_439 : vector<16xi1> to vector<16xi32>
      %convert_element_type3A_441 = arith.sitofp %convert_element_type3A_440 : vector<16xi32> to vector<16xf32>
      %add3A_442 = arith.addf %add3A_362, %convert_element_type3A_441 : vector<16xf32>
      %sub3A_443 = arith.subf %sub3A_438, %convert_element_type3A_441 : vector<16xf32>
      %ge3A_444 = arith.cmpf oge, %gather3A_57, %gather3A_73 : vector<16xf32>
      %convert_element_type3A_445 = arith.extui %ge3A_444 : vector<16xi1> to vector<16xi32>
      %convert_element_type3A_446 = arith.sitofp %convert_element_type3A_445 : vector<16xi32> to vector<16xf32>
      %add3A_447 = arith.addf %add3A_367, %convert_element_type3A_446 : vector<16xf32>
      %sub3A_448 = arith.subf %sub3A_443, %convert_element_type3A_446 : vector<16xf32>
      %ge3A_449 = arith.cmpf oge, %gather3A_57, %gather3A_77 : vector<16xf32>
      %convert_element_type3A_450 = arith.extui %ge3A_449 : vector<16xi1> to vector<16xi32>
      %convert_element_type3A_451 = arith.sitofp %convert_element_type3A_450 : vector<16xi32> to vector<16xf32>
      %add3A_452 = arith.addf %add3A_372, %convert_element_type3A_451 : vector<16xf32>
      %sub3A_453 = arith.subf %sub3A_448, %convert_element_type3A_451 : vector<16xf32>
      %ge3A_454 = arith.cmpf oge, %gather3A_57, %gather3A_81 : vector<16xf32>
      %convert_element_type3A_455 = arith.extui %ge3A_454 : vector<16xi1> to vector<16xi32>
      %convert_element_type3A_456 = arith.sitofp %convert_element_type3A_455 : vector<16xi32> to vector<16xf32>
      %add3A_457 = arith.addf %add3A_377, %convert_element_type3A_456 : vector<16xf32>
      %sub3A_458 = arith.subf %sub3A_453, %convert_element_type3A_456 : vector<16xf32>
      %ge3A_459 = arith.cmpf oge, %gather3A_57, %gather3A_85 : vector<16xf32>
      %convert_element_type3A_460 = arith.extui %ge3A_459 : vector<16xi1> to vector<16xi32>
      %convert_element_type3A_461 = arith.sitofp %convert_element_type3A_460 : vector<16xi32> to vector<16xf32>
      %add3A_462 = arith.addf %add3A_382, %convert_element_type3A_461 : vector<16xf32>
      %sub3A_463 = arith.subf %sub3A_458, %convert_element_type3A_461 : vector<16xf32>
      %ge3A_464 = arith.cmpf oge, %gather3A_57, %gather3A_89 : vector<16xf32>
      %convert_element_type3A_465 = arith.extui %ge3A_464 : vector<16xi1> to vector<16xi32>
      %convert_element_type3A_466 = arith.sitofp %convert_element_type3A_465 : vector<16xi32> to vector<16xf32>
      %add3A_467 = arith.addf %add3A_387, %convert_element_type3A_466 : vector<16xf32>
      %sub3A_468 = arith.subf %sub3A_463, %convert_element_type3A_466 : vector<16xf32>
      %ge3A_469 = arith.cmpf oge, %gather3A_57, %gather3A_93 : vector<16xf32>
      %convert_element_type3A_470 = arith.extui %ge3A_469 : vector<16xi1> to vector<16xi32>
      %convert_element_type3A_471 = arith.sitofp %convert_element_type3A_470 : vector<16xi32> to vector<16xf32>
      %add3A_472 = arith.addf %add3A_392, %convert_element_type3A_471 : vector<16xf32>
      %sub3A_473 = arith.subf %sub3A_468, %convert_element_type3A_471 : vector<16xf32>
      %ge3A_474 = arith.cmpf oge, %gather3A_57, %gather3A_97 : vector<16xf32>
      %convert_element_type3A_475 = arith.extui %ge3A_474 : vector<16xi1> to vector<16xi32>
      %convert_element_type3A_476 = arith.sitofp %convert_element_type3A_475 : vector<16xi32> to vector<16xf32>
      %add3A_477 = arith.addf %add3A_397, %convert_element_type3A_476 : vector<16xf32>
      %sub3A_478 = arith.subf %sub3A_473, %convert_element_type3A_476 : vector<16xf32>
      %ge3A_479 = arith.cmpf oge, %gather3A_57, %gather3A_101 : vector<16xf32>
      %convert_element_type3A_480 = arith.extui %ge3A_479 : vector<16xi1> to vector<16xi32>
      %convert_element_type3A_481 = arith.sitofp %convert_element_type3A_480 : vector<16xi32> to vector<16xf32>
      %add3A_482 = arith.addf %add3A_402, %convert_element_type3A_481 : vector<16xf32>
      %sub3A_483 = arith.subf %sub3A_478, %convert_element_type3A_481 : vector<16xf32>
      %ge3A_484 = arith.cmpf oge, %gather3A_57, %gather3A_105 : vector<16xf32>
      %convert_element_type3A_485 = arith.extui %ge3A_484 : vector<16xi1> to vector<16xi32>
      %convert_element_type3A_486 = arith.sitofp %convert_element_type3A_485 : vector<16xi32> to vector<16xf32>
      %add3A_487 = arith.addf %add3A_407, %convert_element_type3A_486 : vector<16xf32>
      %sub3A_488 = arith.subf %sub3A_483, %convert_element_type3A_486 : vector<16xf32>
      %ge3A_489 = arith.cmpf oge, %gather3A_57, %gather3A_109 : vector<16xf32>
      %convert_element_type3A_490 = arith.extui %ge3A_489 : vector<16xi1> to vector<16xi32>
      %convert_element_type3A_491 = arith.sitofp %convert_element_type3A_490 : vector<16xi32> to vector<16xf32>
      %add3A_492 = arith.addf %add3A_412, %convert_element_type3A_491 : vector<16xf32>
      %sub3A_493 = arith.subf %sub3A_488, %convert_element_type3A_491 : vector<16xf32>
      %ge3A_494 = arith.cmpf oge, %gather3A_57, %gather3A_113 : vector<16xf32>
      %convert_element_type3A_495 = arith.extui %ge3A_494 : vector<16xi1> to vector<16xi32>
      %convert_element_type3A_496 = arith.sitofp %convert_element_type3A_495 : vector<16xi32> to vector<16xf32>
      %add3A_497 = arith.addf %add3A_417, %convert_element_type3A_496 : vector<16xf32>
      %sub3A_498 = arith.subf %sub3A_493, %convert_element_type3A_496 : vector<16xf32>
      %ge3A_499 = arith.cmpf oge, %gather3A_57, %gather3A_117 : vector<16xf32>
      %convert_element_type3A_500 = arith.extui %ge3A_499 : vector<16xi1> to vector<16xi32>
      %convert_element_type3A_501 = arith.sitofp %convert_element_type3A_500 : vector<16xi32> to vector<16xf32>
      %add3A_502 = arith.addf %add3A_422, %convert_element_type3A_501 : vector<16xf32>
      %sub3A_503 = arith.subf %sub3A_498, %convert_element_type3A_501 : vector<16xf32>
      %ge3A_504 = arith.cmpf oge, %gather3A_57, %gather3A_121 : vector<16xf32>
      %convert_element_type3A_505 = arith.extui %ge3A_504 : vector<16xi1> to vector<16xi32>
      %convert_element_type3A_506 = arith.sitofp %convert_element_type3A_505 : vector<16xi32> to vector<16xf32>
      %add3A_507 = arith.addf %add3A_427, %convert_element_type3A_506 : vector<16xf32>
      %sub3A_508 = arith.subf %sub3A_503, %convert_element_type3A_506 : vector<16xf32>
      %ge3A_509 = arith.cmpf oge, %gather3A_61, %gather3A_65 : vector<16xf32>
      %convert_element_type3A_510 = arith.extui %ge3A_509 : vector<16xi1> to vector<16xi32>
      %convert_element_type3A_511 = arith.sitofp %convert_element_type3A_510 : vector<16xi32> to vector<16xf32>
      %add3A_512 = arith.addf %add3A_437, %convert_element_type3A_511 : vector<16xf32>
      %sub3A_513 = arith.subf %add3A_432, %convert_element_type3A_511 : vector<16xf32>
      %ge3A_514 = arith.cmpf oge, %gather3A_61, %gather3A_69 : vector<16xf32>
      %convert_element_type3A_515 = arith.extui %ge3A_514 : vector<16xi1> to vector<16xi32>
      %convert_element_type3A_516 = arith.sitofp %convert_element_type3A_515 : vector<16xi32> to vector<16xf32>
      %add3A_517 = arith.addf %add3A_442, %convert_element_type3A_516 : vector<16xf32>
      %sub3A_518 = arith.subf %sub3A_513, %convert_element_type3A_516 : vector<16xf32>
      %ge3A_519 = arith.cmpf oge, %gather3A_61, %gather3A_73 : vector<16xf32>
      %convert_element_type3A_520 = arith.extui %ge3A_519 : vector<16xi1> to vector<16xi32>
      %convert_element_type3A_521 = arith.sitofp %convert_element_type3A_520 : vector<16xi32> to vector<16xf32>
      %add3A_522 = arith.addf %add3A_447, %convert_element_type3A_521 : vector<16xf32>
      %sub3A_523 = arith.subf %sub3A_518, %convert_element_type3A_521 : vector<16xf32>
      %ge3A_524 = arith.cmpf oge, %gather3A_61, %gather3A_77 : vector<16xf32>
      %convert_element_type3A_525 = arith.extui %ge3A_524 : vector<16xi1> to vector<16xi32>
      %convert_element_type3A_526 = arith.sitofp %convert_element_type3A_525 : vector<16xi32> to vector<16xf32>
      %add3A_527 = arith.addf %add3A_452, %convert_element_type3A_526 : vector<16xf32>
      %sub3A_528 = arith.subf %sub3A_523, %convert_element_type3A_526 : vector<16xf32>
      %ge3A_529 = arith.cmpf oge, %gather3A_61, %gather3A_81 : vector<16xf32>
      %convert_element_type3A_530 = arith.extui %ge3A_529 : vector<16xi1> to vector<16xi32>
      %convert_element_type3A_531 = arith.sitofp %convert_element_type3A_530 : vector<16xi32> to vector<16xf32>
      %add3A_532 = arith.addf %add3A_457, %convert_element_type3A_531 : vector<16xf32>
      %sub3A_533 = arith.subf %sub3A_528, %convert_element_type3A_531 : vector<16xf32>
      %ge3A_534 = arith.cmpf oge, %gather3A_61, %gather3A_85 : vector<16xf32>
      %convert_element_type3A_535 = arith.extui %ge3A_534 : vector<16xi1> to vector<16xi32>
      %convert_element_type3A_536 = arith.sitofp %convert_element_type3A_535 : vector<16xi32> to vector<16xf32>
      %add3A_537 = arith.addf %add3A_462, %convert_element_type3A_536 : vector<16xf32>
      %sub3A_538 = arith.subf %sub3A_533, %convert_element_type3A_536 : vector<16xf32>
      %ge3A_539 = arith.cmpf oge, %gather3A_61, %gather3A_89 : vector<16xf32>
      %convert_element_type3A_540 = arith.extui %ge3A_539 : vector<16xi1> to vector<16xi32>
      %convert_element_type3A_541 = arith.sitofp %convert_element_type3A_540 : vector<16xi32> to vector<16xf32>
      %add3A_542 = arith.addf %add3A_467, %convert_element_type3A_541 : vector<16xf32>
      %sub3A_543 = arith.subf %sub3A_538, %convert_element_type3A_541 : vector<16xf32>
      %ge3A_544 = arith.cmpf oge, %gather3A_61, %gather3A_93 : vector<16xf32>
      %convert_element_type3A_545 = arith.extui %ge3A_544 : vector<16xi1> to vector<16xi32>
      %convert_element_type3A_546 = arith.sitofp %convert_element_type3A_545 : vector<16xi32> to vector<16xf32>
      %add3A_547 = arith.addf %add3A_472, %convert_element_type3A_546 : vector<16xf32>
      %sub3A_548 = arith.subf %sub3A_543, %convert_element_type3A_546 : vector<16xf32>
      %ge3A_549 = arith.cmpf oge, %gather3A_61, %gather3A_97 : vector<16xf32>
      %convert_element_type3A_550 = arith.extui %ge3A_549 : vector<16xi1> to vector<16xi32>
      %convert_element_type3A_551 = arith.sitofp %convert_element_type3A_550 : vector<16xi32> to vector<16xf32>
      %add3A_552 = arith.addf %add3A_477, %convert_element_type3A_551 : vector<16xf32>
      %sub3A_553 = arith.subf %sub3A_548, %convert_element_type3A_551 : vector<16xf32>
      %ge3A_554 = arith.cmpf oge, %gather3A_61, %gather3A_101 : vector<16xf32>
      %convert_element_type3A_555 = arith.extui %ge3A_554 : vector<16xi1> to vector<16xi32>
      %convert_element_type3A_556 = arith.sitofp %convert_element_type3A_555 : vector<16xi32> to vector<16xf32>
      %add3A_557 = arith.addf %add3A_482, %convert_element_type3A_556 : vector<16xf32>
      %sub3A_558 = arith.subf %sub3A_553, %convert_element_type3A_556 : vector<16xf32>
      %ge3A_559 = arith.cmpf oge, %gather3A_61, %gather3A_105 : vector<16xf32>
      %convert_element_type3A_560 = arith.extui %ge3A_559 : vector<16xi1> to vector<16xi32>
      %convert_element_type3A_561 = arith.sitofp %convert_element_type3A_560 : vector<16xi32> to vector<16xf32>
      %add3A_562 = arith.addf %add3A_487, %convert_element_type3A_561 : vector<16xf32>
      %sub3A_563 = arith.subf %sub3A_558, %convert_element_type3A_561 : vector<16xf32>
      %ge3A_564 = arith.cmpf oge, %gather3A_61, %gather3A_109 : vector<16xf32>
      %convert_element_type3A_565 = arith.extui %ge3A_564 : vector<16xi1> to vector<16xi32>
      %convert_element_type3A_566 = arith.sitofp %convert_element_type3A_565 : vector<16xi32> to vector<16xf32>
      %add3A_567 = arith.addf %add3A_492, %convert_element_type3A_566 : vector<16xf32>
      %sub3A_568 = arith.subf %sub3A_563, %convert_element_type3A_566 : vector<16xf32>
      %ge3A_569 = arith.cmpf oge, %gather3A_61, %gather3A_113 : vector<16xf32>
      %convert_element_type3A_570 = arith.extui %ge3A_569 : vector<16xi1> to vector<16xi32>
      %convert_element_type3A_571 = arith.sitofp %convert_element_type3A_570 : vector<16xi32> to vector<16xf32>
      %add3A_572 = arith.addf %add3A_497, %convert_element_type3A_571 : vector<16xf32>
      %sub3A_573 = arith.subf %sub3A_568, %convert_element_type3A_571 : vector<16xf32>
      %ge3A_574 = arith.cmpf oge, %gather3A_61, %gather3A_117 : vector<16xf32>
      %convert_element_type3A_575 = arith.extui %ge3A_574 : vector<16xi1> to vector<16xi32>
      %convert_element_type3A_576 = arith.sitofp %convert_element_type3A_575 : vector<16xi32> to vector<16xf32>
      %add3A_577 = arith.addf %add3A_502, %convert_element_type3A_576 : vector<16xf32>
      %sub3A_578 = arith.subf %sub3A_573, %convert_element_type3A_576 : vector<16xf32>
      %ge3A_579 = arith.cmpf oge, %gather3A_61, %gather3A_121 : vector<16xf32>
      %convert_element_type3A_580 = arith.extui %ge3A_579 : vector<16xi1> to vector<16xi32>
      %convert_element_type3A_581 = arith.sitofp %convert_element_type3A_580 : vector<16xi32> to vector<16xf32>
      %add3A_582 = arith.addf %add3A_507, %convert_element_type3A_581 : vector<16xf32>
      %sub3A_583 = arith.subf %sub3A_578, %convert_element_type3A_581 : vector<16xf32>
      %ge3A_584 = arith.cmpf oge, %gather3A_65, %gather3A_69 : vector<16xf32>
      %convert_element_type3A_585 = arith.extui %ge3A_584 : vector<16xi1> to vector<16xi32>
      %convert_element_type3A_586 = arith.sitofp %convert_element_type3A_585 : vector<16xi32> to vector<16xf32>
      %add3A_587 = arith.addf %add3A_517, %convert_element_type3A_586 : vector<16xf32>
      %sub3A_588 = arith.subf %add3A_512, %convert_element_type3A_586 : vector<16xf32>
      %ge3A_589 = arith.cmpf oge, %gather3A_65, %gather3A_73 : vector<16xf32>
      %convert_element_type3A_590 = arith.extui %ge3A_589 : vector<16xi1> to vector<16xi32>
      %convert_element_type3A_591 = arith.sitofp %convert_element_type3A_590 : vector<16xi32> to vector<16xf32>
      %add3A_592 = arith.addf %add3A_522, %convert_element_type3A_591 : vector<16xf32>
      %sub3A_593 = arith.subf %sub3A_588, %convert_element_type3A_591 : vector<16xf32>
      %ge3A_594 = arith.cmpf oge, %gather3A_65, %gather3A_77 : vector<16xf32>
      %convert_element_type3A_595 = arith.extui %ge3A_594 : vector<16xi1> to vector<16xi32>
      %convert_element_type3A_596 = arith.sitofp %convert_element_type3A_595 : vector<16xi32> to vector<16xf32>
      %add3A_597 = arith.addf %add3A_527, %convert_element_type3A_596 : vector<16xf32>
      %sub3A_598 = arith.subf %sub3A_593, %convert_element_type3A_596 : vector<16xf32>
      %ge3A_599 = arith.cmpf oge, %gather3A_65, %gather3A_81 : vector<16xf32>
      %convert_element_type3A_600 = arith.extui %ge3A_599 : vector<16xi1> to vector<16xi32>
      %convert_element_type3A_601 = arith.sitofp %convert_element_type3A_600 : vector<16xi32> to vector<16xf32>
      %add3A_602 = arith.addf %add3A_532, %convert_element_type3A_601 : vector<16xf32>
      %sub3A_603 = arith.subf %sub3A_598, %convert_element_type3A_601 : vector<16xf32>
      %ge3A_604 = arith.cmpf oge, %gather3A_65, %gather3A_85 : vector<16xf32>
      %convert_element_type3A_605 = arith.extui %ge3A_604 : vector<16xi1> to vector<16xi32>
      %convert_element_type3A_606 = arith.sitofp %convert_element_type3A_605 : vector<16xi32> to vector<16xf32>
      %add3A_607 = arith.addf %add3A_537, %convert_element_type3A_606 : vector<16xf32>
      %sub3A_608 = arith.subf %sub3A_603, %convert_element_type3A_606 : vector<16xf32>
      %ge3A_609 = arith.cmpf oge, %gather3A_65, %gather3A_89 : vector<16xf32>
      %convert_element_type3A_610 = arith.extui %ge3A_609 : vector<16xi1> to vector<16xi32>
      %convert_element_type3A_611 = arith.sitofp %convert_element_type3A_610 : vector<16xi32> to vector<16xf32>
      %add3A_612 = arith.addf %add3A_542, %convert_element_type3A_611 : vector<16xf32>
      %sub3A_613 = arith.subf %sub3A_608, %convert_element_type3A_611 : vector<16xf32>
      %ge3A_614 = arith.cmpf oge, %gather3A_65, %gather3A_93 : vector<16xf32>
      %convert_element_type3A_615 = arith.extui %ge3A_614 : vector<16xi1> to vector<16xi32>
      %convert_element_type3A_616 = arith.sitofp %convert_element_type3A_615 : vector<16xi32> to vector<16xf32>
      %add3A_617 = arith.addf %add3A_547, %convert_element_type3A_616 : vector<16xf32>
      %sub3A_618 = arith.subf %sub3A_613, %convert_element_type3A_616 : vector<16xf32>
      %ge3A_619 = arith.cmpf oge, %gather3A_65, %gather3A_97 : vector<16xf32>
      %convert_element_type3A_620 = arith.extui %ge3A_619 : vector<16xi1> to vector<16xi32>
      %convert_element_type3A_621 = arith.sitofp %convert_element_type3A_620 : vector<16xi32> to vector<16xf32>
      %add3A_622 = arith.addf %add3A_552, %convert_element_type3A_621 : vector<16xf32>
      %sub3A_623 = arith.subf %sub3A_618, %convert_element_type3A_621 : vector<16xf32>
      %ge3A_624 = arith.cmpf oge, %gather3A_65, %gather3A_101 : vector<16xf32>
      %convert_element_type3A_625 = arith.extui %ge3A_624 : vector<16xi1> to vector<16xi32>
      %convert_element_type3A_626 = arith.sitofp %convert_element_type3A_625 : vector<16xi32> to vector<16xf32>
      %add3A_627 = arith.addf %add3A_557, %convert_element_type3A_626 : vector<16xf32>
      %sub3A_628 = arith.subf %sub3A_623, %convert_element_type3A_626 : vector<16xf32>
      %ge3A_629 = arith.cmpf oge, %gather3A_65, %gather3A_105 : vector<16xf32>
      %convert_element_type3A_630 = arith.extui %ge3A_629 : vector<16xi1> to vector<16xi32>
      %convert_element_type3A_631 = arith.sitofp %convert_element_type3A_630 : vector<16xi32> to vector<16xf32>
      %add3A_632 = arith.addf %add3A_562, %convert_element_type3A_631 : vector<16xf32>
      %sub3A_633 = arith.subf %sub3A_628, %convert_element_type3A_631 : vector<16xf32>
      %ge3A_634 = arith.cmpf oge, %gather3A_65, %gather3A_109 : vector<16xf32>
      %convert_element_type3A_635 = arith.extui %ge3A_634 : vector<16xi1> to vector<16xi32>
      %convert_element_type3A_636 = arith.sitofp %convert_element_type3A_635 : vector<16xi32> to vector<16xf32>
      %add3A_637 = arith.addf %add3A_567, %convert_element_type3A_636 : vector<16xf32>
      %sub3A_638 = arith.subf %sub3A_633, %convert_element_type3A_636 : vector<16xf32>
      %ge3A_639 = arith.cmpf oge, %gather3A_65, %gather3A_113 : vector<16xf32>
      %convert_element_type3A_640 = arith.extui %ge3A_639 : vector<16xi1> to vector<16xi32>
      %convert_element_type3A_641 = arith.sitofp %convert_element_type3A_640 : vector<16xi32> to vector<16xf32>
      %add3A_642 = arith.addf %add3A_572, %convert_element_type3A_641 : vector<16xf32>
      %sub3A_643 = arith.subf %sub3A_638, %convert_element_type3A_641 : vector<16xf32>
      %ge3A_644 = arith.cmpf oge, %gather3A_65, %gather3A_117 : vector<16xf32>
      %convert_element_type3A_645 = arith.extui %ge3A_644 : vector<16xi1> to vector<16xi32>
      %convert_element_type3A_646 = arith.sitofp %convert_element_type3A_645 : vector<16xi32> to vector<16xf32>
      %add3A_647 = arith.addf %add3A_577, %convert_element_type3A_646 : vector<16xf32>
      %sub3A_648 = arith.subf %sub3A_643, %convert_element_type3A_646 : vector<16xf32>
      %ge3A_649 = arith.cmpf oge, %gather3A_65, %gather3A_121 : vector<16xf32>
      %convert_element_type3A_650 = arith.extui %ge3A_649 : vector<16xi1> to vector<16xi32>
      %convert_element_type3A_651 = arith.sitofp %convert_element_type3A_650 : vector<16xi32> to vector<16xf32>
      %add3A_652 = arith.addf %add3A_582, %convert_element_type3A_651 : vector<16xf32>
      %sub3A_653 = arith.subf %sub3A_648, %convert_element_type3A_651 : vector<16xf32>
      %ge3A_654 = arith.cmpf oge, %gather3A_69, %gather3A_73 : vector<16xf32>
      %convert_element_type3A_655 = arith.extui %ge3A_654 : vector<16xi1> to vector<16xi32>
      %convert_element_type3A_656 = arith.sitofp %convert_element_type3A_655 : vector<16xi32> to vector<16xf32>
      %add3A_657 = arith.addf %add3A_592, %convert_element_type3A_656 : vector<16xf32>
      %sub3A_658 = arith.subf %add3A_587, %convert_element_type3A_656 : vector<16xf32>
      %ge3A_659 = arith.cmpf oge, %gather3A_69, %gather3A_77 : vector<16xf32>
      %convert_element_type3A_660 = arith.extui %ge3A_659 : vector<16xi1> to vector<16xi32>
      %convert_element_type3A_661 = arith.sitofp %convert_element_type3A_660 : vector<16xi32> to vector<16xf32>
      %add3A_662 = arith.addf %add3A_597, %convert_element_type3A_661 : vector<16xf32>
      %sub3A_663 = arith.subf %sub3A_658, %convert_element_type3A_661 : vector<16xf32>
      %ge3A_664 = arith.cmpf oge, %gather3A_69, %gather3A_81 : vector<16xf32>
      %convert_element_type3A_665 = arith.extui %ge3A_664 : vector<16xi1> to vector<16xi32>
      %convert_element_type3A_666 = arith.sitofp %convert_element_type3A_665 : vector<16xi32> to vector<16xf32>
      %add3A_667 = arith.addf %add3A_602, %convert_element_type3A_666 : vector<16xf32>
      %sub3A_668 = arith.subf %sub3A_663, %convert_element_type3A_666 : vector<16xf32>
      %ge3A_669 = arith.cmpf oge, %gather3A_69, %gather3A_85 : vector<16xf32>
      %convert_element_type3A_670 = arith.extui %ge3A_669 : vector<16xi1> to vector<16xi32>
      %convert_element_type3A_671 = arith.sitofp %convert_element_type3A_670 : vector<16xi32> to vector<16xf32>
      %add3A_672 = arith.addf %add3A_607, %convert_element_type3A_671 : vector<16xf32>
      %sub3A_673 = arith.subf %sub3A_668, %convert_element_type3A_671 : vector<16xf32>
      %ge3A_674 = arith.cmpf oge, %gather3A_69, %gather3A_89 : vector<16xf32>
      %convert_element_type3A_675 = arith.extui %ge3A_674 : vector<16xi1> to vector<16xi32>
      %convert_element_type3A_676 = arith.sitofp %convert_element_type3A_675 : vector<16xi32> to vector<16xf32>
      %add3A_677 = arith.addf %add3A_612, %convert_element_type3A_676 : vector<16xf32>
      %sub3A_678 = arith.subf %sub3A_673, %convert_element_type3A_676 : vector<16xf32>
      %ge3A_679 = arith.cmpf oge, %gather3A_69, %gather3A_93 : vector<16xf32>
      %convert_element_type3A_680 = arith.extui %ge3A_679 : vector<16xi1> to vector<16xi32>
      %convert_element_type3A_681 = arith.sitofp %convert_element_type3A_680 : vector<16xi32> to vector<16xf32>
      %add3A_682 = arith.addf %add3A_617, %convert_element_type3A_681 : vector<16xf32>
      %sub3A_683 = arith.subf %sub3A_678, %convert_element_type3A_681 : vector<16xf32>
      %ge3A_684 = arith.cmpf oge, %gather3A_69, %gather3A_97 : vector<16xf32>
      %convert_element_type3A_685 = arith.extui %ge3A_684 : vector<16xi1> to vector<16xi32>
      %convert_element_type3A_686 = arith.sitofp %convert_element_type3A_685 : vector<16xi32> to vector<16xf32>
      %add3A_687 = arith.addf %add3A_622, %convert_element_type3A_686 : vector<16xf32>
      %sub3A_688 = arith.subf %sub3A_683, %convert_element_type3A_686 : vector<16xf32>
      %ge3A_689 = arith.cmpf oge, %gather3A_69, %gather3A_101 : vector<16xf32>
      %convert_element_type3A_690 = arith.extui %ge3A_689 : vector<16xi1> to vector<16xi32>
      %convert_element_type3A_691 = arith.sitofp %convert_element_type3A_690 : vector<16xi32> to vector<16xf32>
      %add3A_692 = arith.addf %add3A_627, %convert_element_type3A_691 : vector<16xf32>
      %sub3A_693 = arith.subf %sub3A_688, %convert_element_type3A_691 : vector<16xf32>
      %ge3A_694 = arith.cmpf oge, %gather3A_69, %gather3A_105 : vector<16xf32>
      %convert_element_type3A_695 = arith.extui %ge3A_694 : vector<16xi1> to vector<16xi32>
      %convert_element_type3A_696 = arith.sitofp %convert_element_type3A_695 : vector<16xi32> to vector<16xf32>
      %add3A_697 = arith.addf %add3A_632, %convert_element_type3A_696 : vector<16xf32>
      %sub3A_698 = arith.subf %sub3A_693, %convert_element_type3A_696 : vector<16xf32>
      %ge3A_699 = arith.cmpf oge, %gather3A_69, %gather3A_109 : vector<16xf32>
      %convert_element_type3A_700 = arith.extui %ge3A_699 : vector<16xi1> to vector<16xi32>
      %convert_element_type3A_701 = arith.sitofp %convert_element_type3A_700 : vector<16xi32> to vector<16xf32>
      %add3A_702 = arith.addf %add3A_637, %convert_element_type3A_701 : vector<16xf32>
      %sub3A_703 = arith.subf %sub3A_698, %convert_element_type3A_701 : vector<16xf32>
      %ge3A_704 = arith.cmpf oge, %gather3A_69, %gather3A_113 : vector<16xf32>
      %convert_element_type3A_705 = arith.extui %ge3A_704 : vector<16xi1> to vector<16xi32>
      %convert_element_type3A_706 = arith.sitofp %convert_element_type3A_705 : vector<16xi32> to vector<16xf32>
      %add3A_707 = arith.addf %add3A_642, %convert_element_type3A_706 : vector<16xf32>
      %sub3A_708 = arith.subf %sub3A_703, %convert_element_type3A_706 : vector<16xf32>
      %ge3A_709 = arith.cmpf oge, %gather3A_69, %gather3A_117 : vector<16xf32>
      %convert_element_type3A_710 = arith.extui %ge3A_709 : vector<16xi1> to vector<16xi32>
      %convert_element_type3A_711 = arith.sitofp %convert_element_type3A_710 : vector<16xi32> to vector<16xf32>
      %add3A_712 = arith.addf %add3A_647, %convert_element_type3A_711 : vector<16xf32>
      %sub3A_713 = arith.subf %sub3A_708, %convert_element_type3A_711 : vector<16xf32>
      %ge3A_714 = arith.cmpf oge, %gather3A_69, %gather3A_121 : vector<16xf32>
      %convert_element_type3A_715 = arith.extui %ge3A_714 : vector<16xi1> to vector<16xi32>
      %convert_element_type3A_716 = arith.sitofp %convert_element_type3A_715 : vector<16xi32> to vector<16xf32>
      %add3A_717 = arith.addf %add3A_652, %convert_element_type3A_716 : vector<16xf32>
      %sub3A_718 = arith.subf %sub3A_713, %convert_element_type3A_716 : vector<16xf32>
      %ge3A_719 = arith.cmpf oge, %gather3A_73, %gather3A_77 : vector<16xf32>
      %convert_element_type3A_720 = arith.extui %ge3A_719 : vector<16xi1> to vector<16xi32>
      %convert_element_type3A_721 = arith.sitofp %convert_element_type3A_720 : vector<16xi32> to vector<16xf32>
      %add3A_722 = arith.addf %add3A_662, %convert_element_type3A_721 : vector<16xf32>
      %sub3A_723 = arith.subf %add3A_657, %convert_element_type3A_721 : vector<16xf32>
      %ge3A_724 = arith.cmpf oge, %gather3A_73, %gather3A_81 : vector<16xf32>
      %convert_element_type3A_725 = arith.extui %ge3A_724 : vector<16xi1> to vector<16xi32>
      %convert_element_type3A_726 = arith.sitofp %convert_element_type3A_725 : vector<16xi32> to vector<16xf32>
      %add3A_727 = arith.addf %add3A_667, %convert_element_type3A_726 : vector<16xf32>
      %sub3A_728 = arith.subf %sub3A_723, %convert_element_type3A_726 : vector<16xf32>
      %ge3A_729 = arith.cmpf oge, %gather3A_73, %gather3A_85 : vector<16xf32>
      %convert_element_type3A_730 = arith.extui %ge3A_729 : vector<16xi1> to vector<16xi32>
      %convert_element_type3A_731 = arith.sitofp %convert_element_type3A_730 : vector<16xi32> to vector<16xf32>
      %add3A_732 = arith.addf %add3A_672, %convert_element_type3A_731 : vector<16xf32>
      %sub3A_733 = arith.subf %sub3A_728, %convert_element_type3A_731 : vector<16xf32>
      %ge3A_734 = arith.cmpf oge, %gather3A_73, %gather3A_89 : vector<16xf32>
      %convert_element_type3A_735 = arith.extui %ge3A_734 : vector<16xi1> to vector<16xi32>
      %convert_element_type3A_736 = arith.sitofp %convert_element_type3A_735 : vector<16xi32> to vector<16xf32>
      %add3A_737 = arith.addf %add3A_677, %convert_element_type3A_736 : vector<16xf32>
      %sub3A_738 = arith.subf %sub3A_733, %convert_element_type3A_736 : vector<16xf32>
      %ge3A_739 = arith.cmpf oge, %gather3A_73, %gather3A_93 : vector<16xf32>
      %convert_element_type3A_740 = arith.extui %ge3A_739 : vector<16xi1> to vector<16xi32>
      %convert_element_type3A_741 = arith.sitofp %convert_element_type3A_740 : vector<16xi32> to vector<16xf32>
      %add3A_742 = arith.addf %add3A_682, %convert_element_type3A_741 : vector<16xf32>
      %sub3A_743 = arith.subf %sub3A_738, %convert_element_type3A_741 : vector<16xf32>
      %ge3A_744 = arith.cmpf oge, %gather3A_73, %gather3A_97 : vector<16xf32>
      %convert_element_type3A_745 = arith.extui %ge3A_744 : vector<16xi1> to vector<16xi32>
      %convert_element_type3A_746 = arith.sitofp %convert_element_type3A_745 : vector<16xi32> to vector<16xf32>
      %add3A_747 = arith.addf %add3A_687, %convert_element_type3A_746 : vector<16xf32>
      %sub3A_748 = arith.subf %sub3A_743, %convert_element_type3A_746 : vector<16xf32>
      %ge3A_749 = arith.cmpf oge, %gather3A_73, %gather3A_101 : vector<16xf32>
      %convert_element_type3A_750 = arith.extui %ge3A_749 : vector<16xi1> to vector<16xi32>
      %convert_element_type3A_751 = arith.sitofp %convert_element_type3A_750 : vector<16xi32> to vector<16xf32>
      %add3A_752 = arith.addf %add3A_692, %convert_element_type3A_751 : vector<16xf32>
      %sub3A_753 = arith.subf %sub3A_748, %convert_element_type3A_751 : vector<16xf32>
      %ge3A_754 = arith.cmpf oge, %gather3A_73, %gather3A_105 : vector<16xf32>
      %convert_element_type3A_755 = arith.extui %ge3A_754 : vector<16xi1> to vector<16xi32>
      %convert_element_type3A_756 = arith.sitofp %convert_element_type3A_755 : vector<16xi32> to vector<16xf32>
      %add3A_757 = arith.addf %add3A_697, %convert_element_type3A_756 : vector<16xf32>
      %sub3A_758 = arith.subf %sub3A_753, %convert_element_type3A_756 : vector<16xf32>
      %ge3A_759 = arith.cmpf oge, %gather3A_73, %gather3A_109 : vector<16xf32>
      %convert_element_type3A_760 = arith.extui %ge3A_759 : vector<16xi1> to vector<16xi32>
      %convert_element_type3A_761 = arith.sitofp %convert_element_type3A_760 : vector<16xi32> to vector<16xf32>
      %add3A_762 = arith.addf %add3A_702, %convert_element_type3A_761 : vector<16xf32>
      %sub3A_763 = arith.subf %sub3A_758, %convert_element_type3A_761 : vector<16xf32>
      %ge3A_764 = arith.cmpf oge, %gather3A_73, %gather3A_113 : vector<16xf32>
      %convert_element_type3A_765 = arith.extui %ge3A_764 : vector<16xi1> to vector<16xi32>
      %convert_element_type3A_766 = arith.sitofp %convert_element_type3A_765 : vector<16xi32> to vector<16xf32>
      %add3A_767 = arith.addf %add3A_707, %convert_element_type3A_766 : vector<16xf32>
      %sub3A_768 = arith.subf %sub3A_763, %convert_element_type3A_766 : vector<16xf32>
      %ge3A_769 = arith.cmpf oge, %gather3A_73, %gather3A_117 : vector<16xf32>
      %convert_element_type3A_770 = arith.extui %ge3A_769 : vector<16xi1> to vector<16xi32>
      %convert_element_type3A_771 = arith.sitofp %convert_element_type3A_770 : vector<16xi32> to vector<16xf32>
      %add3A_772 = arith.addf %add3A_712, %convert_element_type3A_771 : vector<16xf32>
      %sub3A_773 = arith.subf %sub3A_768, %convert_element_type3A_771 : vector<16xf32>
      %ge3A_774 = arith.cmpf oge, %gather3A_73, %gather3A_121 : vector<16xf32>
      %convert_element_type3A_775 = arith.extui %ge3A_774 : vector<16xi1> to vector<16xi32>
      %convert_element_type3A_776 = arith.sitofp %convert_element_type3A_775 : vector<16xi32> to vector<16xf32>
      %add3A_777 = arith.addf %add3A_717, %convert_element_type3A_776 : vector<16xf32>
      %sub3A_778 = arith.subf %sub3A_773, %convert_element_type3A_776 : vector<16xf32>
      %ge3A_779 = arith.cmpf oge, %gather3A_77, %gather3A_81 : vector<16xf32>
      %convert_element_type3A_780 = arith.extui %ge3A_779 : vector<16xi1> to vector<16xi32>
      %convert_element_type3A_781 = arith.sitofp %convert_element_type3A_780 : vector<16xi32> to vector<16xf32>
      %add3A_782 = arith.addf %add3A_727, %convert_element_type3A_781 : vector<16xf32>
      %sub3A_783 = arith.subf %add3A_722, %convert_element_type3A_781 : vector<16xf32>
      %ge3A_784 = arith.cmpf oge, %gather3A_77, %gather3A_85 : vector<16xf32>
      %convert_element_type3A_785 = arith.extui %ge3A_784 : vector<16xi1> to vector<16xi32>
      %convert_element_type3A_786 = arith.sitofp %convert_element_type3A_785 : vector<16xi32> to vector<16xf32>
      %add3A_787 = arith.addf %add3A_732, %convert_element_type3A_786 : vector<16xf32>
      %sub3A_788 = arith.subf %sub3A_783, %convert_element_type3A_786 : vector<16xf32>
      %ge3A_789 = arith.cmpf oge, %gather3A_77, %gather3A_89 : vector<16xf32>
      %convert_element_type3A_790 = arith.extui %ge3A_789 : vector<16xi1> to vector<16xi32>
      %convert_element_type3A_791 = arith.sitofp %convert_element_type3A_790 : vector<16xi32> to vector<16xf32>
      %add3A_792 = arith.addf %add3A_737, %convert_element_type3A_791 : vector<16xf32>
      %sub3A_793 = arith.subf %sub3A_788, %convert_element_type3A_791 : vector<16xf32>
      %ge3A_794 = arith.cmpf oge, %gather3A_77, %gather3A_93 : vector<16xf32>
      %convert_element_type3A_795 = arith.extui %ge3A_794 : vector<16xi1> to vector<16xi32>
      %convert_element_type3A_796 = arith.sitofp %convert_element_type3A_795 : vector<16xi32> to vector<16xf32>
      %add3A_797 = arith.addf %add3A_742, %convert_element_type3A_796 : vector<16xf32>
      %sub3A_798 = arith.subf %sub3A_793, %convert_element_type3A_796 : vector<16xf32>
      %ge3A_799 = arith.cmpf oge, %gather3A_77, %gather3A_97 : vector<16xf32>
      %convert_element_type3A_800 = arith.extui %ge3A_799 : vector<16xi1> to vector<16xi32>
      %convert_element_type3A_801 = arith.sitofp %convert_element_type3A_800 : vector<16xi32> to vector<16xf32>
      %add3A_802 = arith.addf %add3A_747, %convert_element_type3A_801 : vector<16xf32>
      %sub3A_803 = arith.subf %sub3A_798, %convert_element_type3A_801 : vector<16xf32>
      %ge3A_804 = arith.cmpf oge, %gather3A_77, %gather3A_101 : vector<16xf32>
      %convert_element_type3A_805 = arith.extui %ge3A_804 : vector<16xi1> to vector<16xi32>
      %convert_element_type3A_806 = arith.sitofp %convert_element_type3A_805 : vector<16xi32> to vector<16xf32>
      %add3A_807 = arith.addf %add3A_752, %convert_element_type3A_806 : vector<16xf32>
      %sub3A_808 = arith.subf %sub3A_803, %convert_element_type3A_806 : vector<16xf32>
      %ge3A_809 = arith.cmpf oge, %gather3A_77, %gather3A_105 : vector<16xf32>
      %convert_element_type3A_810 = arith.extui %ge3A_809 : vector<16xi1> to vector<16xi32>
      %convert_element_type3A_811 = arith.sitofp %convert_element_type3A_810 : vector<16xi32> to vector<16xf32>
      %add3A_812 = arith.addf %add3A_757, %convert_element_type3A_811 : vector<16xf32>
      %sub3A_813 = arith.subf %sub3A_808, %convert_element_type3A_811 : vector<16xf32>
      %ge3A_814 = arith.cmpf oge, %gather3A_77, %gather3A_109 : vector<16xf32>
      %convert_element_type3A_815 = arith.extui %ge3A_814 : vector<16xi1> to vector<16xi32>
      %convert_element_type3A_816 = arith.sitofp %convert_element_type3A_815 : vector<16xi32> to vector<16xf32>
      %add3A_817 = arith.addf %add3A_762, %convert_element_type3A_816 : vector<16xf32>
      %sub3A_818 = arith.subf %sub3A_813, %convert_element_type3A_816 : vector<16xf32>
      %ge3A_819 = arith.cmpf oge, %gather3A_77, %gather3A_113 : vector<16xf32>
      %convert_element_type3A_820 = arith.extui %ge3A_819 : vector<16xi1> to vector<16xi32>
      %convert_element_type3A_821 = arith.sitofp %convert_element_type3A_820 : vector<16xi32> to vector<16xf32>
      %add3A_822 = arith.addf %add3A_767, %convert_element_type3A_821 : vector<16xf32>
      %sub3A_823 = arith.subf %sub3A_818, %convert_element_type3A_821 : vector<16xf32>
      %ge3A_824 = arith.cmpf oge, %gather3A_77, %gather3A_117 : vector<16xf32>
      %convert_element_type3A_825 = arith.extui %ge3A_824 : vector<16xi1> to vector<16xi32>
      %convert_element_type3A_826 = arith.sitofp %convert_element_type3A_825 : vector<16xi32> to vector<16xf32>
      %add3A_827 = arith.addf %add3A_772, %convert_element_type3A_826 : vector<16xf32>
      %sub3A_828 = arith.subf %sub3A_823, %convert_element_type3A_826 : vector<16xf32>
      %ge3A_829 = arith.cmpf oge, %gather3A_77, %gather3A_121 : vector<16xf32>
      %convert_element_type3A_830 = arith.extui %ge3A_829 : vector<16xi1> to vector<16xi32>
      %convert_element_type3A_831 = arith.sitofp %convert_element_type3A_830 : vector<16xi32> to vector<16xf32>
      %add3A_832 = arith.addf %add3A_777, %convert_element_type3A_831 : vector<16xf32>
      %sub3A_833 = arith.subf %sub3A_828, %convert_element_type3A_831 : vector<16xf32>
      %ge3A_834 = arith.cmpf oge, %gather3A_81, %gather3A_85 : vector<16xf32>
      %convert_element_type3A_835 = arith.extui %ge3A_834 : vector<16xi1> to vector<16xi32>
      %convert_element_type3A_836 = arith.sitofp %convert_element_type3A_835 : vector<16xi32> to vector<16xf32>
      %add3A_837 = arith.addf %add3A_787, %convert_element_type3A_836 : vector<16xf32>
      %sub3A_838 = arith.subf %add3A_782, %convert_element_type3A_836 : vector<16xf32>
      %ge3A_839 = arith.cmpf oge, %gather3A_81, %gather3A_89 : vector<16xf32>
      %convert_element_type3A_840 = arith.extui %ge3A_839 : vector<16xi1> to vector<16xi32>
      %convert_element_type3A_841 = arith.sitofp %convert_element_type3A_840 : vector<16xi32> to vector<16xf32>
      %add3A_842 = arith.addf %add3A_792, %convert_element_type3A_841 : vector<16xf32>
      %sub3A_843 = arith.subf %sub3A_838, %convert_element_type3A_841 : vector<16xf32>
      %ge3A_844 = arith.cmpf oge, %gather3A_81, %gather3A_93 : vector<16xf32>
      %convert_element_type3A_845 = arith.extui %ge3A_844 : vector<16xi1> to vector<16xi32>
      %convert_element_type3A_846 = arith.sitofp %convert_element_type3A_845 : vector<16xi32> to vector<16xf32>
      %add3A_847 = arith.addf %add3A_797, %convert_element_type3A_846 : vector<16xf32>
      %sub3A_848 = arith.subf %sub3A_843, %convert_element_type3A_846 : vector<16xf32>
      %ge3A_849 = arith.cmpf oge, %gather3A_81, %gather3A_97 : vector<16xf32>
      %convert_element_type3A_850 = arith.extui %ge3A_849 : vector<16xi1> to vector<16xi32>
      %convert_element_type3A_851 = arith.sitofp %convert_element_type3A_850 : vector<16xi32> to vector<16xf32>
      %add3A_852 = arith.addf %add3A_802, %convert_element_type3A_851 : vector<16xf32>
      %sub3A_853 = arith.subf %sub3A_848, %convert_element_type3A_851 : vector<16xf32>
      %ge3A_854 = arith.cmpf oge, %gather3A_81, %gather3A_101 : vector<16xf32>
      %convert_element_type3A_855 = arith.extui %ge3A_854 : vector<16xi1> to vector<16xi32>
      %convert_element_type3A_856 = arith.sitofp %convert_element_type3A_855 : vector<16xi32> to vector<16xf32>
      %add3A_857 = arith.addf %add3A_807, %convert_element_type3A_856 : vector<16xf32>
      %sub3A_858 = arith.subf %sub3A_853, %convert_element_type3A_856 : vector<16xf32>
      %ge3A_859 = arith.cmpf oge, %gather3A_81, %gather3A_105 : vector<16xf32>
      %convert_element_type3A_860 = arith.extui %ge3A_859 : vector<16xi1> to vector<16xi32>
      %convert_element_type3A_861 = arith.sitofp %convert_element_type3A_860 : vector<16xi32> to vector<16xf32>
      %add3A_862 = arith.addf %add3A_812, %convert_element_type3A_861 : vector<16xf32>
      %sub3A_863 = arith.subf %sub3A_858, %convert_element_type3A_861 : vector<16xf32>
      %ge3A_864 = arith.cmpf oge, %gather3A_81, %gather3A_109 : vector<16xf32>
      %convert_element_type3A_865 = arith.extui %ge3A_864 : vector<16xi1> to vector<16xi32>
      %convert_element_type3A_866 = arith.sitofp %convert_element_type3A_865 : vector<16xi32> to vector<16xf32>
      %add3A_867 = arith.addf %add3A_817, %convert_element_type3A_866 : vector<16xf32>
      %sub3A_868 = arith.subf %sub3A_863, %convert_element_type3A_866 : vector<16xf32>
      %ge3A_869 = arith.cmpf oge, %gather3A_81, %gather3A_113 : vector<16xf32>
      %convert_element_type3A_870 = arith.extui %ge3A_869 : vector<16xi1> to vector<16xi32>
      %convert_element_type3A_871 = arith.sitofp %convert_element_type3A_870 : vector<16xi32> to vector<16xf32>
      %add3A_872 = arith.addf %add3A_822, %convert_element_type3A_871 : vector<16xf32>
      %sub3A_873 = arith.subf %sub3A_868, %convert_element_type3A_871 : vector<16xf32>
      %ge3A_874 = arith.cmpf oge, %gather3A_81, %gather3A_117 : vector<16xf32>
      %convert_element_type3A_875 = arith.extui %ge3A_874 : vector<16xi1> to vector<16xi32>
      %convert_element_type3A_876 = arith.sitofp %convert_element_type3A_875 : vector<16xi32> to vector<16xf32>
      %add3A_877 = arith.addf %add3A_827, %convert_element_type3A_876 : vector<16xf32>
      %sub3A_878 = arith.subf %sub3A_873, %convert_element_type3A_876 : vector<16xf32>
      %ge3A_879 = arith.cmpf oge, %gather3A_81, %gather3A_121 : vector<16xf32>
      %convert_element_type3A_880 = arith.extui %ge3A_879 : vector<16xi1> to vector<16xi32>
      %convert_element_type3A_881 = arith.sitofp %convert_element_type3A_880 : vector<16xi32> to vector<16xf32>
      %add3A_882 = arith.addf %add3A_832, %convert_element_type3A_881 : vector<16xf32>
      %sub3A_883 = arith.subf %sub3A_878, %convert_element_type3A_881 : vector<16xf32>
      %ge3A_884 = arith.cmpf oge, %gather3A_85, %gather3A_89 : vector<16xf32>
      %convert_element_type3A_885 = arith.extui %ge3A_884 : vector<16xi1> to vector<16xi32>
      %convert_element_type3A_886 = arith.sitofp %convert_element_type3A_885 : vector<16xi32> to vector<16xf32>
      %add3A_887 = arith.addf %add3A_842, %convert_element_type3A_886 : vector<16xf32>
      %sub3A_888 = arith.subf %add3A_837, %convert_element_type3A_886 : vector<16xf32>
      %ge3A_889 = arith.cmpf oge, %gather3A_85, %gather3A_93 : vector<16xf32>
      %convert_element_type3A_890 = arith.extui %ge3A_889 : vector<16xi1> to vector<16xi32>
      %convert_element_type3A_891 = arith.sitofp %convert_element_type3A_890 : vector<16xi32> to vector<16xf32>
      %add3A_892 = arith.addf %add3A_847, %convert_element_type3A_891 : vector<16xf32>
      %sub3A_893 = arith.subf %sub3A_888, %convert_element_type3A_891 : vector<16xf32>
      %ge3A_894 = arith.cmpf oge, %gather3A_85, %gather3A_97 : vector<16xf32>
      %convert_element_type3A_895 = arith.extui %ge3A_894 : vector<16xi1> to vector<16xi32>
      %convert_element_type3A_896 = arith.sitofp %convert_element_type3A_895 : vector<16xi32> to vector<16xf32>
      %add3A_897 = arith.addf %add3A_852, %convert_element_type3A_896 : vector<16xf32>
      %sub3A_898 = arith.subf %sub3A_893, %convert_element_type3A_896 : vector<16xf32>
      %ge3A_899 = arith.cmpf oge, %gather3A_85, %gather3A_101 : vector<16xf32>
      %convert_element_type3A_900 = arith.extui %ge3A_899 : vector<16xi1> to vector<16xi32>
      %convert_element_type3A_901 = arith.sitofp %convert_element_type3A_900 : vector<16xi32> to vector<16xf32>
      %add3A_902 = arith.addf %add3A_857, %convert_element_type3A_901 : vector<16xf32>
      %sub3A_903 = arith.subf %sub3A_898, %convert_element_type3A_901 : vector<16xf32>
      %ge3A_904 = arith.cmpf oge, %gather3A_85, %gather3A_105 : vector<16xf32>
      %convert_element_type3A_905 = arith.extui %ge3A_904 : vector<16xi1> to vector<16xi32>
      %convert_element_type3A_906 = arith.sitofp %convert_element_type3A_905 : vector<16xi32> to vector<16xf32>
      %add3A_907 = arith.addf %add3A_862, %convert_element_type3A_906 : vector<16xf32>
      %sub3A_908 = arith.subf %sub3A_903, %convert_element_type3A_906 : vector<16xf32>
      %ge3A_909 = arith.cmpf oge, %gather3A_85, %gather3A_109 : vector<16xf32>
      %convert_element_type3A_910 = arith.extui %ge3A_909 : vector<16xi1> to vector<16xi32>
      %convert_element_type3A_911 = arith.sitofp %convert_element_type3A_910 : vector<16xi32> to vector<16xf32>
      %add3A_912 = arith.addf %add3A_867, %convert_element_type3A_911 : vector<16xf32>
      %sub3A_913 = arith.subf %sub3A_908, %convert_element_type3A_911 : vector<16xf32>
      %ge3A_914 = arith.cmpf oge, %gather3A_85, %gather3A_113 : vector<16xf32>
      %convert_element_type3A_915 = arith.extui %ge3A_914 : vector<16xi1> to vector<16xi32>
      %convert_element_type3A_916 = arith.sitofp %convert_element_type3A_915 : vector<16xi32> to vector<16xf32>
      %add3A_917 = arith.addf %add3A_872, %convert_element_type3A_916 : vector<16xf32>
      %sub3A_918 = arith.subf %sub3A_913, %convert_element_type3A_916 : vector<16xf32>
      %ge3A_919 = arith.cmpf oge, %gather3A_85, %gather3A_117 : vector<16xf32>
      %convert_element_type3A_920 = arith.extui %ge3A_919 : vector<16xi1> to vector<16xi32>
      %convert_element_type3A_921 = arith.sitofp %convert_element_type3A_920 : vector<16xi32> to vector<16xf32>
      %add3A_922 = arith.addf %add3A_877, %convert_element_type3A_921 : vector<16xf32>
      %sub3A_923 = arith.subf %sub3A_918, %convert_element_type3A_921 : vector<16xf32>
      %ge3A_924 = arith.cmpf oge, %gather3A_85, %gather3A_121 : vector<16xf32>
      %convert_element_type3A_925 = arith.extui %ge3A_924 : vector<16xi1> to vector<16xi32>
      %convert_element_type3A_926 = arith.sitofp %convert_element_type3A_925 : vector<16xi32> to vector<16xf32>
      %add3A_927 = arith.addf %add3A_882, %convert_element_type3A_926 : vector<16xf32>
      %sub3A_928 = arith.subf %sub3A_923, %convert_element_type3A_926 : vector<16xf32>
      %ge3A_929 = arith.cmpf oge, %gather3A_89, %gather3A_93 : vector<16xf32>
      %convert_element_type3A_930 = arith.extui %ge3A_929 : vector<16xi1> to vector<16xi32>
      %convert_element_type3A_931 = arith.sitofp %convert_element_type3A_930 : vector<16xi32> to vector<16xf32>
      %add3A_932 = arith.addf %add3A_892, %convert_element_type3A_931 : vector<16xf32>
      %sub3A_933 = arith.subf %add3A_887, %convert_element_type3A_931 : vector<16xf32>
      %ge3A_934 = arith.cmpf oge, %gather3A_89, %gather3A_97 : vector<16xf32>
      %convert_element_type3A_935 = arith.extui %ge3A_934 : vector<16xi1> to vector<16xi32>
      %convert_element_type3A_936 = arith.sitofp %convert_element_type3A_935 : vector<16xi32> to vector<16xf32>
      %add3A_937 = arith.addf %add3A_897, %convert_element_type3A_936 : vector<16xf32>
      %sub3A_938 = arith.subf %sub3A_933, %convert_element_type3A_936 : vector<16xf32>
      %ge3A_939 = arith.cmpf oge, %gather3A_89, %gather3A_101 : vector<16xf32>
      %convert_element_type3A_940 = arith.extui %ge3A_939 : vector<16xi1> to vector<16xi32>
      %convert_element_type3A_941 = arith.sitofp %convert_element_type3A_940 : vector<16xi32> to vector<16xf32>
      %add3A_942 = arith.addf %add3A_902, %convert_element_type3A_941 : vector<16xf32>
      %sub3A_943 = arith.subf %sub3A_938, %convert_element_type3A_941 : vector<16xf32>
      %ge3A_944 = arith.cmpf oge, %gather3A_89, %gather3A_105 : vector<16xf32>
      %convert_element_type3A_945 = arith.extui %ge3A_944 : vector<16xi1> to vector<16xi32>
      %convert_element_type3A_946 = arith.sitofp %convert_element_type3A_945 : vector<16xi32> to vector<16xf32>
      %add3A_947 = arith.addf %add3A_907, %convert_element_type3A_946 : vector<16xf32>
      %sub3A_948 = arith.subf %sub3A_943, %convert_element_type3A_946 : vector<16xf32>
      %ge3A_949 = arith.cmpf oge, %gather3A_89, %gather3A_109 : vector<16xf32>
      %convert_element_type3A_950 = arith.extui %ge3A_949 : vector<16xi1> to vector<16xi32>
      %convert_element_type3A_951 = arith.sitofp %convert_element_type3A_950 : vector<16xi32> to vector<16xf32>
      %add3A_952 = arith.addf %add3A_912, %convert_element_type3A_951 : vector<16xf32>
      %sub3A_953 = arith.subf %sub3A_948, %convert_element_type3A_951 : vector<16xf32>
      %ge3A_954 = arith.cmpf oge, %gather3A_89, %gather3A_113 : vector<16xf32>
      %convert_element_type3A_955 = arith.extui %ge3A_954 : vector<16xi1> to vector<16xi32>
      %convert_element_type3A_956 = arith.sitofp %convert_element_type3A_955 : vector<16xi32> to vector<16xf32>
      %add3A_957 = arith.addf %add3A_917, %convert_element_type3A_956 : vector<16xf32>
      %sub3A_958 = arith.subf %sub3A_953, %convert_element_type3A_956 : vector<16xf32>
      %ge3A_959 = arith.cmpf oge, %gather3A_89, %gather3A_117 : vector<16xf32>
      %convert_element_type3A_960 = arith.extui %ge3A_959 : vector<16xi1> to vector<16xi32>
      %convert_element_type3A_961 = arith.sitofp %convert_element_type3A_960 : vector<16xi32> to vector<16xf32>
      %add3A_962 = arith.addf %add3A_922, %convert_element_type3A_961 : vector<16xf32>
      %sub3A_963 = arith.subf %sub3A_958, %convert_element_type3A_961 : vector<16xf32>
      %ge3A_964 = arith.cmpf oge, %gather3A_89, %gather3A_121 : vector<16xf32>
      %convert_element_type3A_965 = arith.extui %ge3A_964 : vector<16xi1> to vector<16xi32>
      %convert_element_type3A_966 = arith.sitofp %convert_element_type3A_965 : vector<16xi32> to vector<16xf32>
      %add3A_967 = arith.addf %add3A_927, %convert_element_type3A_966 : vector<16xf32>
      %sub3A_968 = arith.subf %sub3A_963, %convert_element_type3A_966 : vector<16xf32>
      %ge3A_969 = arith.cmpf oge, %gather3A_93, %gather3A_97 : vector<16xf32>
      %convert_element_type3A_970 = arith.extui %ge3A_969 : vector<16xi1> to vector<16xi32>
      %convert_element_type3A_971 = arith.sitofp %convert_element_type3A_970 : vector<16xi32> to vector<16xf32>
      %add3A_972 = arith.addf %add3A_937, %convert_element_type3A_971 : vector<16xf32>
      %sub3A_973 = arith.subf %add3A_932, %convert_element_type3A_971 : vector<16xf32>
      %ge3A_974 = arith.cmpf oge, %gather3A_93, %gather3A_101 : vector<16xf32>
      %convert_element_type3A_975 = arith.extui %ge3A_974 : vector<16xi1> to vector<16xi32>
      %convert_element_type3A_976 = arith.sitofp %convert_element_type3A_975 : vector<16xi32> to vector<16xf32>
      %add3A_977 = arith.addf %add3A_942, %convert_element_type3A_976 : vector<16xf32>
      %sub3A_978 = arith.subf %sub3A_973, %convert_element_type3A_976 : vector<16xf32>
      %ge3A_979 = arith.cmpf oge, %gather3A_93, %gather3A_105 : vector<16xf32>
      %convert_element_type3A_980 = arith.extui %ge3A_979 : vector<16xi1> to vector<16xi32>
      %convert_element_type3A_981 = arith.sitofp %convert_element_type3A_980 : vector<16xi32> to vector<16xf32>
      %add3A_982 = arith.addf %add3A_947, %convert_element_type3A_981 : vector<16xf32>
      %sub3A_983 = arith.subf %sub3A_978, %convert_element_type3A_981 : vector<16xf32>
      %ge3A_984 = arith.cmpf oge, %gather3A_93, %gather3A_109 : vector<16xf32>
      %convert_element_type3A_985 = arith.extui %ge3A_984 : vector<16xi1> to vector<16xi32>
      %convert_element_type3A_986 = arith.sitofp %convert_element_type3A_985 : vector<16xi32> to vector<16xf32>
      %add3A_987 = arith.addf %add3A_952, %convert_element_type3A_986 : vector<16xf32>
      %sub3A_988 = arith.subf %sub3A_983, %convert_element_type3A_986 : vector<16xf32>
      %ge3A_989 = arith.cmpf oge, %gather3A_93, %gather3A_113 : vector<16xf32>
      %convert_element_type3A_990 = arith.extui %ge3A_989 : vector<16xi1> to vector<16xi32>
      %convert_element_type3A_991 = arith.sitofp %convert_element_type3A_990 : vector<16xi32> to vector<16xf32>
      %add3A_992 = arith.addf %add3A_957, %convert_element_type3A_991 : vector<16xf32>
      %sub3A_993 = arith.subf %sub3A_988, %convert_element_type3A_991 : vector<16xf32>
      %ge3A_994 = arith.cmpf oge, %gather3A_93, %gather3A_117 : vector<16xf32>
      %convert_element_type3A_995 = arith.extui %ge3A_994 : vector<16xi1> to vector<16xi32>
      %convert_element_type3A_996 = arith.sitofp %convert_element_type3A_995 : vector<16xi32> to vector<16xf32>
      %add3A_997 = arith.addf %add3A_962, %convert_element_type3A_996 : vector<16xf32>
      %sub3A_998 = arith.subf %sub3A_993, %convert_element_type3A_996 : vector<16xf32>
      %ge3A_999 = arith.cmpf oge, %gather3A_93, %gather3A_121 : vector<16xf32>
      %convert_element_type3A_1000 = arith.extui %ge3A_999 : vector<16xi1> to vector<16xi32>
      %convert_element_type3A_1001 = arith.sitofp %convert_element_type3A_1000 : vector<16xi32> to vector<16xf32>
      %add3A_1002 = arith.addf %add3A_967, %convert_element_type3A_1001 : vector<16xf32>
      %sub3A_1003 = arith.subf %sub3A_998, %convert_element_type3A_1001 : vector<16xf32>
      %ge3A_1004 = arith.cmpf oge, %gather3A_97, %gather3A_101 : vector<16xf32>
      %convert_element_type3A_1005 = arith.extui %ge3A_1004 : vector<16xi1> to vector<16xi32>
      %convert_element_type3A_1006 = arith.sitofp %convert_element_type3A_1005 : vector<16xi32> to vector<16xf32>
      %add3A_1007 = arith.addf %add3A_977, %convert_element_type3A_1006 : vector<16xf32>
      %sub3A_1008 = arith.subf %add3A_972, %convert_element_type3A_1006 : vector<16xf32>
      %ge3A_1009 = arith.cmpf oge, %gather3A_97, %gather3A_105 : vector<16xf32>
      %convert_element_type3A_1010 = arith.extui %ge3A_1009 : vector<16xi1> to vector<16xi32>
      %convert_element_type3A_1011 = arith.sitofp %convert_element_type3A_1010 : vector<16xi32> to vector<16xf32>
      %add3A_1012 = arith.addf %add3A_982, %convert_element_type3A_1011 : vector<16xf32>
      %sub3A_1013 = arith.subf %sub3A_1008, %convert_element_type3A_1011 : vector<16xf32>
      %ge3A_1014 = arith.cmpf oge, %gather3A_97, %gather3A_109 : vector<16xf32>
      %convert_element_type3A_1015 = arith.extui %ge3A_1014 : vector<16xi1> to vector<16xi32>
      %convert_element_type3A_1016 = arith.sitofp %convert_element_type3A_1015 : vector<16xi32> to vector<16xf32>
      %add3A_1017 = arith.addf %add3A_987, %convert_element_type3A_1016 : vector<16xf32>
      %sub3A_1018 = arith.subf %sub3A_1013, %convert_element_type3A_1016 : vector<16xf32>
      %ge3A_1019 = arith.cmpf oge, %gather3A_97, %gather3A_113 : vector<16xf32>
      %convert_element_type3A_1020 = arith.extui %ge3A_1019 : vector<16xi1> to vector<16xi32>
      %convert_element_type3A_1021 = arith.sitofp %convert_element_type3A_1020 : vector<16xi32> to vector<16xf32>
      %add3A_1022 = arith.addf %add3A_992, %convert_element_type3A_1021 : vector<16xf32>
      %sub3A_1023 = arith.subf %sub3A_1018, %convert_element_type3A_1021 : vector<16xf32>
      %ge3A_1024 = arith.cmpf oge, %gather3A_97, %gather3A_117 : vector<16xf32>
      %convert_element_type3A_1025 = arith.extui %ge3A_1024 : vector<16xi1> to vector<16xi32>
      %convert_element_type3A_1026 = arith.sitofp %convert_element_type3A_1025 : vector<16xi32> to vector<16xf32>
      %add3A_1027 = arith.addf %add3A_997, %convert_element_type3A_1026 : vector<16xf32>
      %sub3A_1028 = arith.subf %sub3A_1023, %convert_element_type3A_1026 : vector<16xf32>
      %ge3A_1029 = arith.cmpf oge, %gather3A_97, %gather3A_121 : vector<16xf32>
      %convert_element_type3A_1030 = arith.extui %ge3A_1029 : vector<16xi1> to vector<16xi32>
      %convert_element_type3A_1031 = arith.sitofp %convert_element_type3A_1030 : vector<16xi32> to vector<16xf32>
      %add3A_1032 = arith.addf %add3A_1002, %convert_element_type3A_1031 : vector<16xf32>
      %sub3A_1033 = arith.subf %sub3A_1028, %convert_element_type3A_1031 : vector<16xf32>
      %ge3A_1034 = arith.cmpf oge, %gather3A_101, %gather3A_105 : vector<16xf32>
      %convert_element_type3A_1035 = arith.extui %ge3A_1034 : vector<16xi1> to vector<16xi32>
      %convert_element_type3A_1036 = arith.sitofp %convert_element_type3A_1035 : vector<16xi32> to vector<16xf32>
      %add3A_1037 = arith.addf %add3A_1012, %convert_element_type3A_1036 : vector<16xf32>
      %sub3A_1038 = arith.subf %add3A_1007, %convert_element_type3A_1036 : vector<16xf32>
      %ge3A_1039 = arith.cmpf oge, %gather3A_101, %gather3A_109 : vector<16xf32>
      %convert_element_type3A_1040 = arith.extui %ge3A_1039 : vector<16xi1> to vector<16xi32>
      %convert_element_type3A_1041 = arith.sitofp %convert_element_type3A_1040 : vector<16xi32> to vector<16xf32>
      %add3A_1042 = arith.addf %add3A_1017, %convert_element_type3A_1041 : vector<16xf32>
      %sub3A_1043 = arith.subf %sub3A_1038, %convert_element_type3A_1041 : vector<16xf32>
      %ge3A_1044 = arith.cmpf oge, %gather3A_101, %gather3A_113 : vector<16xf32>
      %convert_element_type3A_1045 = arith.extui %ge3A_1044 : vector<16xi1> to vector<16xi32>
      %convert_element_type3A_1046 = arith.sitofp %convert_element_type3A_1045 : vector<16xi32> to vector<16xf32>
      %add3A_1047 = arith.addf %add3A_1022, %convert_element_type3A_1046 : vector<16xf32>
      %sub3A_1048 = arith.subf %sub3A_1043, %convert_element_type3A_1046 : vector<16xf32>
      %ge3A_1049 = arith.cmpf oge, %gather3A_101, %gather3A_117 : vector<16xf32>
      %convert_element_type3A_1050 = arith.extui %ge3A_1049 : vector<16xi1> to vector<16xi32>
      %convert_element_type3A_1051 = arith.sitofp %convert_element_type3A_1050 : vector<16xi32> to vector<16xf32>
      %add3A_1052 = arith.addf %add3A_1027, %convert_element_type3A_1051 : vector<16xf32>
      %sub3A_1053 = arith.subf %sub3A_1048, %convert_element_type3A_1051 : vector<16xf32>
      %ge3A_1054 = arith.cmpf oge, %gather3A_101, %gather3A_121 : vector<16xf32>
      %convert_element_type3A_1055 = arith.extui %ge3A_1054 : vector<16xi1> to vector<16xi32>
      %convert_element_type3A_1056 = arith.sitofp %convert_element_type3A_1055 : vector<16xi32> to vector<16xf32>
      %add3A_1057 = arith.addf %add3A_1032, %convert_element_type3A_1056 : vector<16xf32>
      %sub3A_1058 = arith.subf %sub3A_1053, %convert_element_type3A_1056 : vector<16xf32>
      %ge3A_1059 = arith.cmpf oge, %gather3A_105, %gather3A_109 : vector<16xf32>
      %convert_element_type3A_1060 = arith.extui %ge3A_1059 : vector<16xi1> to vector<16xi32>
      %convert_element_type3A_1061 = arith.sitofp %convert_element_type3A_1060 : vector<16xi32> to vector<16xf32>
      %add3A_1062 = arith.addf %add3A_1042, %convert_element_type3A_1061 : vector<16xf32>
      %sub3A_1063 = arith.subf %add3A_1037, %convert_element_type3A_1061 : vector<16xf32>
      %ge3A_1064 = arith.cmpf oge, %gather3A_105, %gather3A_113 : vector<16xf32>
      %convert_element_type3A_1065 = arith.extui %ge3A_1064 : vector<16xi1> to vector<16xi32>
      %convert_element_type3A_1066 = arith.sitofp %convert_element_type3A_1065 : vector<16xi32> to vector<16xf32>
      %add3A_1067 = arith.addf %add3A_1047, %convert_element_type3A_1066 : vector<16xf32>
      %sub3A_1068 = arith.subf %sub3A_1063, %convert_element_type3A_1066 : vector<16xf32>
      %ge3A_1069 = arith.cmpf oge, %gather3A_105, %gather3A_117 : vector<16xf32>
      %convert_element_type3A_1070 = arith.extui %ge3A_1069 : vector<16xi1> to vector<16xi32>
      %convert_element_type3A_1071 = arith.sitofp %convert_element_type3A_1070 : vector<16xi32> to vector<16xf32>
      %add3A_1072 = arith.addf %add3A_1052, %convert_element_type3A_1071 : vector<16xf32>
      %sub3A_1073 = arith.subf %sub3A_1068, %convert_element_type3A_1071 : vector<16xf32>
      %ge3A_1074 = arith.cmpf oge, %gather3A_105, %gather3A_121 : vector<16xf32>
      %convert_element_type3A_1075 = arith.extui %ge3A_1074 : vector<16xi1> to vector<16xi32>
      %convert_element_type3A_1076 = arith.sitofp %convert_element_type3A_1075 : vector<16xi32> to vector<16xf32>
      %add3A_1077 = arith.addf %add3A_1057, %convert_element_type3A_1076 : vector<16xf32>
      %sub3A_1078 = arith.subf %sub3A_1073, %convert_element_type3A_1076 : vector<16xf32>
      %ge3A_1079 = arith.cmpf oge, %gather3A_109, %gather3A_113 : vector<16xf32>
      %convert_element_type3A_1080 = arith.extui %ge3A_1079 : vector<16xi1> to vector<16xi32>
      %convert_element_type3A_1081 = arith.sitofp %convert_element_type3A_1080 : vector<16xi32> to vector<16xf32>
      %add3A_1082 = arith.addf %add3A_1067, %convert_element_type3A_1081 : vector<16xf32>
      %sub3A_1083 = arith.subf %add3A_1062, %convert_element_type3A_1081 : vector<16xf32>
      %ge3A_1084 = arith.cmpf oge, %gather3A_109, %gather3A_117 : vector<16xf32>
      %convert_element_type3A_1085 = arith.extui %ge3A_1084 : vector<16xi1> to vector<16xi32>
      %convert_element_type3A_1086 = arith.sitofp %convert_element_type3A_1085 : vector<16xi32> to vector<16xf32>
      %add3A_1087 = arith.addf %add3A_1072, %convert_element_type3A_1086 : vector<16xf32>
      %sub3A_1088 = arith.subf %sub3A_1083, %convert_element_type3A_1086 : vector<16xf32>
      %ge3A_1089 = arith.cmpf oge, %gather3A_109, %gather3A_121 : vector<16xf32>
      %convert_element_type3A_1090 = arith.extui %ge3A_1089 : vector<16xi1> to vector<16xi32>
      %convert_element_type3A_1091 = arith.sitofp %convert_element_type3A_1090 : vector<16xi32> to vector<16xf32>
      %add3A_1092 = arith.addf %add3A_1077, %convert_element_type3A_1091 : vector<16xf32>
      %sub3A_1093 = arith.subf %sub3A_1088, %convert_element_type3A_1091 : vector<16xf32>
      %ge3A_1094 = arith.cmpf oge, %gather3A_113, %gather3A_117 : vector<16xf32>
      %convert_element_type3A_1095 = arith.extui %ge3A_1094 : vector<16xi1> to vector<16xi32>
      %convert_element_type3A_1096 = arith.sitofp %convert_element_type3A_1095 : vector<16xi32> to vector<16xf32>
      %add3A_1097 = arith.addf %add3A_1087, %convert_element_type3A_1096 : vector<16xf32>
      %sub3A_1098 = arith.subf %add3A_1082, %convert_element_type3A_1096 : vector<16xf32>
      %ge3A_1099 = arith.cmpf oge, %gather3A_113, %gather3A_121 : vector<16xf32>
      %convert_element_type3A_1100 = arith.extui %ge3A_1099 : vector<16xi1> to vector<16xi32>
      %convert_element_type3A_1101 = arith.sitofp %convert_element_type3A_1100 : vector<16xi32> to vector<16xf32>
      %add3A_1102 = arith.addf %add3A_1092, %convert_element_type3A_1101 : vector<16xf32>
      %sub3A_1103 = arith.subf %sub3A_1098, %convert_element_type3A_1101 : vector<16xf32>
      %ge3A_1104 = arith.cmpf oge, %gather3A_117, %gather3A_121 : vector<16xf32>
      %convert_element_type3A_1105 = arith.extui %ge3A_1104 : vector<16xi1> to vector<16xi32>
      %convert_element_type3A_1106 = arith.sitofp %convert_element_type3A_1105 : vector<16xi32> to vector<16xf32>
      %add3A_1107 = arith.addf %add3A_1102, %convert_element_type3A_1106 : vector<16xf32>
      %sub3A_1108 = arith.subf %add3A_1097, %convert_element_type3A_1106 : vector<16xf32>
      %convert_element_type3A_1109 = arith.fptosi %sub3A_253 : vector<16xf32> to vector<16xi32>
      %gather3A_1110 = tpu.vector_load_idx %arg11[%convert_element_type3A_1109] : memref<32xf32, #tpu.memory_space<vmem>>[vector<16xi32>], vector<16xf32>,
      %swap3A_1111 = arith.constant 0 : i32
      %swap3A_1112 = arith.index_cast %swap3A_1111 : i32 to index
      %swap3A_1113 = arith.constant 0 : index
      %swap3A_1114 = tpu.vector_load %arg13[%swap3A_1112, %swap3A_1113] {strides = array<i32>} : memref<20x16xf32, #tpu.memory_space<vmem>>, vector<16xf32>,
      tpu.vector_store %arg13[%swap3A_1112, %swap3A_1113], %gather3A_1110 {strides = array<i32>} : memref<20x16xf32, #tpu.memory_space<vmem>>, vector<16xf32>,
      %get3A_1115 = arith.constant 20 : i32
      %get3A_1116 = arith.index_cast %get3A_1115 : i32 to index
      %get3A_1117 = arith.index_cast %mul3A_37 : i32 to index
      %get3A_1118 = tpu.vector_load %arg7[%get3A_1116, %get3A_1117] {strides = array<i32>} : memref<48x512xf32, #tpu.memory_space<vmem>>, vector<16xf32>,
      %eq3A_1119 = arith.constant 0.000000e+00 : f32
      %eq3A_1120 = vector.broadcast %eq3A_1119 : f32 to vector<16xf32>
      %eq3A_1121 = arith.cmpf oeq, %sub3A_253, %eq3A_1120 : vector<16xf32>
      %select_n3A_1122 = arith.select %eq3A_1121, %get3A_1118, %broadcast_in_dim3A_7 : vector<16xi1>, vector<16xf32>
      %add3A_1123 = arith.addf %broadcast_in_dim3A_7, %select_n3A_1122 : vector<16xf32>
      %convert_element_type3A_1124 = arith.fptosi %sub3A_343 : vector<16xf32> to vector<16xi32>
      %gather3A_1125 = tpu.vector_load_idx %arg11[%convert_element_type3A_1124] : memref<32xf32, #tpu.memory_space<vmem>>[vector<16xi32>], vector<16xf32>,
      %swap3A_1126 = arith.constant 1 : i32
      %swap3A_1127 = arith.index_cast %swap3A_1126 : i32 to index
      %swap3A_1128 = arith.constant 0 : index
      %swap3A_1129 = tpu.vector_load %arg13[%swap3A_1127, %swap3A_1128] {strides = array<i32>} : memref<20x16xf32, #tpu.memory_space<vmem>>, vector<16xf32>,
      tpu.vector_store %arg13[%swap3A_1127, %swap3A_1128], %gather3A_1125 {strides = array<i32>} : memref<20x16xf32, #tpu.memory_space<vmem>>, vector<16xf32>,
      %get3A_1130 = arith.constant 21 : i32
      %get3A_1131 = arith.index_cast %get3A_1130 : i32 to index
      %get3A_1132 = arith.index_cast %mul3A_37 : i32 to index
      %get3A_1133 = tpu.vector_load %arg7[%get3A_1131, %get3A_1132] {strides = array<i32>} : memref<48x512xf32, #tpu.memory_space<vmem>>, vector<16xf32>,
      %eq3A_1134 = arith.constant 0.000000e+00 : f32
      %eq3A_1135 = vector.broadcast %eq3A_1134 : f32 to vector<16xf32>
      %eq3A_1136 = arith.cmpf oeq, %sub3A_343, %eq3A_1135 : vector<16xf32>
      %select_n3A_1137 = arith.select %eq3A_1136, %get3A_1133, %broadcast_in_dim3A_7 : vector<16xi1>, vector<16xf32>
      %add3A_1138 = arith.addf %add3A_1123, %select_n3A_1137 : vector<16xf32>
      %convert_element_type3A_1139 = arith.fptosi %sub3A_428 : vector<16xf32> to vector<16xi32>
      %gather3A_1140 = tpu.vector_load_idx %arg11[%convert_element_type3A_1139] : memref<32xf32, #tpu.memory_space<vmem>>[vector<16xi32>], vector<16xf32>,
      %swap3A_1141 = arith.constant 2 : i32
      %swap3A_1142 = arith.index_cast %swap3A_1141 : i32 to index
      %swap3A_1143 = arith.constant 0 : index
      %swap3A_1144 = tpu.vector_load %arg13[%swap3A_1142, %swap3A_1143] {strides = array<i32>} : memref<20x16xf32, #tpu.memory_space<vmem>>, vector<16xf32>,
      tpu.vector_store %arg13[%swap3A_1142, %swap3A_1143], %gather3A_1140 {strides = array<i32>} : memref<20x16xf32, #tpu.memory_space<vmem>>, vector<16xf32>,
      %get3A_1145 = arith.constant 22 : i32
      %get3A_1146 = arith.index_cast %get3A_1145 : i32 to index
      %get3A_1147 = arith.index_cast %mul3A_37 : i32 to index
      %get3A_1148 = tpu.vector_load %arg7[%get3A_1146, %get3A_1147] {strides = array<i32>} : memref<48x512xf32, #tpu.memory_space<vmem>>, vector<16xf32>,
      %eq3A_1149 = arith.constant 0.000000e+00 : f32
      %eq3A_1150 = vector.broadcast %eq3A_1149 : f32 to vector<16xf32>
      %eq3A_1151 = arith.cmpf oeq, %sub3A_428, %eq3A_1150 : vector<16xf32>
      %select_n3A_1152 = arith.select %eq3A_1151, %get3A_1148, %broadcast_in_dim3A_7 : vector<16xi1>, vector<16xf32>
      %add3A_1153 = arith.addf %add3A_1138, %select_n3A_1152 : vector<16xf32>
      %convert_element_type3A_1154 = arith.fptosi %sub3A_508 : vector<16xf32> to vector<16xi32>
      %gather3A_1155 = tpu.vector_load_idx %arg11[%convert_element_type3A_1154] : memref<32xf32, #tpu.memory_space<vmem>>[vector<16xi32>], vector<16xf32>,
      %swap3A_1156 = arith.constant 3 : i32
      %swap3A_1157 = arith.index_cast %swap3A_1156 : i32 to index
      %swap3A_1158 = arith.constant 0 : index
      %swap3A_1159 = tpu.vector_load %arg13[%swap3A_1157, %swap3A_1158] {strides = array<i32>} : memref<20x16xf32, #tpu.memory_space<vmem>>, vector<16xf32>,
      tpu.vector_store %arg13[%swap3A_1157, %swap3A_1158], %gather3A_1155 {strides = array<i32>} : memref<20x16xf32, #tpu.memory_space<vmem>>, vector<16xf32>,
      %get3A_1160 = arith.constant 23 : i32
      %get3A_1161 = arith.index_cast %get3A_1160 : i32 to index
      %get3A_1162 = arith.index_cast %mul3A_37 : i32 to index
      %get3A_1163 = tpu.vector_load %arg7[%get3A_1161, %get3A_1162] {strides = array<i32>} : memref<48x512xf32, #tpu.memory_space<vmem>>, vector<16xf32>,
      %eq3A_1164 = arith.constant 0.000000e+00 : f32
      %eq3A_1165 = vector.broadcast %eq3A_1164 : f32 to vector<16xf32>
      %eq3A_1166 = arith.cmpf oeq, %sub3A_508, %eq3A_1165 : vector<16xf32>
      %select_n3A_1167 = arith.select %eq3A_1166, %get3A_1163, %broadcast_in_dim3A_7 : vector<16xi1>, vector<16xf32>
      %add3A_1168 = arith.addf %add3A_1153, %select_n3A_1167 : vector<16xf32>
      %convert_element_type3A_1169 = arith.fptosi %sub3A_583 : vector<16xf32> to vector<16xi32>
      %gather3A_1170 = tpu.vector_load_idx %arg11[%convert_element_type3A_1169] : memref<32xf32, #tpu.memory_space<vmem>>[vector<16xi32>], vector<16xf32>,
      %swap3A_1171 = arith.constant 4 : i32
      %swap3A_1172 = arith.index_cast %swap3A_1171 : i32 to index
      %swap3A_1173 = arith.constant 0 : index
      %swap3A_1174 = tpu.vector_load %arg13[%swap3A_1172, %swap3A_1173] {strides = array<i32>} : memref<20x16xf32, #tpu.memory_space<vmem>>, vector<16xf32>,
      tpu.vector_store %arg13[%swap3A_1172, %swap3A_1173], %gather3A_1170 {strides = array<i32>} : memref<20x16xf32, #tpu.memory_space<vmem>>, vector<16xf32>,
      %get3A_1175 = arith.constant 24 : i32
      %get3A_1176 = arith.index_cast %get3A_1175 : i32 to index
      %get3A_1177 = arith.index_cast %mul3A_37 : i32 to index
      %get3A_1178 = tpu.vector_load %arg7[%get3A_1176, %get3A_1177] {strides = array<i32>} : memref<48x512xf32, #tpu.memory_space<vmem>>, vector<16xf32>,
      %eq3A_1179 = arith.constant 0.000000e+00 : f32
      %eq3A_1180 = vector.broadcast %eq3A_1179 : f32 to vector<16xf32>
      %eq3A_1181 = arith.cmpf oeq, %sub3A_583, %eq3A_1180 : vector<16xf32>
      %select_n3A_1182 = arith.select %eq3A_1181, %get3A_1178, %broadcast_in_dim3A_7 : vector<16xi1>, vector<16xf32>
      %add3A_1183 = arith.addf %add3A_1168, %select_n3A_1182 : vector<16xf32>
      %convert_element_type3A_1184 = arith.fptosi %sub3A_653 : vector<16xf32> to vector<16xi32>
      %gather3A_1185 = tpu.vector_load_idx %arg11[%convert_element_type3A_1184] : memref<32xf32, #tpu.memory_space<vmem>>[vector<16xi32>], vector<16xf32>,
      %swap3A_1186 = arith.constant 5 : i32
      %swap3A_1187 = arith.index_cast %swap3A_1186 : i32 to index
      %swap3A_1188 = arith.constant 0 : index
      %swap3A_1189 = tpu.vector_load %arg13[%swap3A_1187, %swap3A_1188] {strides = array<i32>} : memref<20x16xf32, #tpu.memory_space<vmem>>, vector<16xf32>,
      tpu.vector_store %arg13[%swap3A_1187, %swap3A_1188], %gather3A_1185 {strides = array<i32>} : memref<20x16xf32, #tpu.memory_space<vmem>>, vector<16xf32>,
      %get3A_1190 = arith.constant 25 : i32
      %get3A_1191 = arith.index_cast %get3A_1190 : i32 to index
      %get3A_1192 = arith.index_cast %mul3A_37 : i32 to index
      %get3A_1193 = tpu.vector_load %arg7[%get3A_1191, %get3A_1192] {strides = array<i32>} : memref<48x512xf32, #tpu.memory_space<vmem>>, vector<16xf32>,
      %eq3A_1194 = arith.constant 0.000000e+00 : f32
      %eq3A_1195 = vector.broadcast %eq3A_1194 : f32 to vector<16xf32>
      %eq3A_1196 = arith.cmpf oeq, %sub3A_653, %eq3A_1195 : vector<16xf32>
      %select_n3A_1197 = arith.select %eq3A_1196, %get3A_1193, %broadcast_in_dim3A_7 : vector<16xi1>, vector<16xf32>
      %add3A_1198 = arith.addf %add3A_1183, %select_n3A_1197 : vector<16xf32>
      %convert_element_type3A_1199 = arith.fptosi %sub3A_718 : vector<16xf32> to vector<16xi32>
      %gather3A_1200 = tpu.vector_load_idx %arg11[%convert_element_type3A_1199] : memref<32xf32, #tpu.memory_space<vmem>>[vector<16xi32>], vector<16xf32>,
      %swap3A_1201 = arith.constant 6 : i32
      %swap3A_1202 = arith.index_cast %swap3A_1201 : i32 to index
      %swap3A_1203 = arith.constant 0 : index
      %swap3A_1204 = tpu.vector_load %arg13[%swap3A_1202, %swap3A_1203] {strides = array<i32>} : memref<20x16xf32, #tpu.memory_space<vmem>>, vector<16xf32>,
      tpu.vector_store %arg13[%swap3A_1202, %swap3A_1203], %gather3A_1200 {strides = array<i32>} : memref<20x16xf32, #tpu.memory_space<vmem>>, vector<16xf32>,
      %get3A_1205 = arith.constant 26 : i32
      %get3A_1206 = arith.index_cast %get3A_1205 : i32 to index
      %get3A_1207 = arith.index_cast %mul3A_37 : i32 to index
      %get3A_1208 = tpu.vector_load %arg7[%get3A_1206, %get3A_1207] {strides = array<i32>} : memref<48x512xf32, #tpu.memory_space<vmem>>, vector<16xf32>,
      %eq3A_1209 = arith.constant 0.000000e+00 : f32
      %eq3A_1210 = vector.broadcast %eq3A_1209 : f32 to vector<16xf32>
      %eq3A_1211 = arith.cmpf oeq, %sub3A_718, %eq3A_1210 : vector<16xf32>
      %select_n3A_1212 = arith.select %eq3A_1211, %get3A_1208, %broadcast_in_dim3A_7 : vector<16xi1>, vector<16xf32>
      %add3A_1213 = arith.addf %add3A_1198, %select_n3A_1212 : vector<16xf32>
      %convert_element_type3A_1214 = arith.fptosi %sub3A_778 : vector<16xf32> to vector<16xi32>
      %gather3A_1215 = tpu.vector_load_idx %arg11[%convert_element_type3A_1214] : memref<32xf32, #tpu.memory_space<vmem>>[vector<16xi32>], vector<16xf32>,
      %swap3A_1216 = arith.constant 7 : i32
      %swap3A_1217 = arith.index_cast %swap3A_1216 : i32 to index
      %swap3A_1218 = arith.constant 0 : index
      %swap3A_1219 = tpu.vector_load %arg13[%swap3A_1217, %swap3A_1218] {strides = array<i32>} : memref<20x16xf32, #tpu.memory_space<vmem>>, vector<16xf32>,
      tpu.vector_store %arg13[%swap3A_1217, %swap3A_1218], %gather3A_1215 {strides = array<i32>} : memref<20x16xf32, #tpu.memory_space<vmem>>, vector<16xf32>,
      %get3A_1220 = arith.constant 27 : i32
      %get3A_1221 = arith.index_cast %get3A_1220 : i32 to index
      %get3A_1222 = arith.index_cast %mul3A_37 : i32 to index
      %get3A_1223 = tpu.vector_load %arg7[%get3A_1221, %get3A_1222] {strides = array<i32>} : memref<48x512xf32, #tpu.memory_space<vmem>>, vector<16xf32>,
      %eq3A_1224 = arith.constant 0.000000e+00 : f32
      %eq3A_1225 = vector.broadcast %eq3A_1224 : f32 to vector<16xf32>
      %eq3A_1226 = arith.cmpf oeq, %sub3A_778, %eq3A_1225 : vector<16xf32>
      %select_n3A_1227 = arith.select %eq3A_1226, %get3A_1223, %broadcast_in_dim3A_7 : vector<16xi1>, vector<16xf32>
      %add3A_1228 = arith.addf %add3A_1213, %select_n3A_1227 : vector<16xf32>
      %convert_element_type3A_1229 = arith.fptosi %sub3A_833 : vector<16xf32> to vector<16xi32>
      %gather3A_1230 = tpu.vector_load_idx %arg11[%convert_element_type3A_1229] : memref<32xf32, #tpu.memory_space<vmem>>[vector<16xi32>], vector<16xf32>,
      %swap3A_1231 = arith.constant 8 : i32
      %swap3A_1232 = arith.index_cast %swap3A_1231 : i32 to index
      %swap3A_1233 = arith.constant 0 : index
      %swap3A_1234 = tpu.vector_load %arg13[%swap3A_1232, %swap3A_1233] {strides = array<i32>} : memref<20x16xf32, #tpu.memory_space<vmem>>, vector<16xf32>,
      tpu.vector_store %arg13[%swap3A_1232, %swap3A_1233], %gather3A_1230 {strides = array<i32>} : memref<20x16xf32, #tpu.memory_space<vmem>>, vector<16xf32>,
      %get3A_1235 = arith.constant 28 : i32
      %get3A_1236 = arith.index_cast %get3A_1235 : i32 to index
      %get3A_1237 = arith.index_cast %mul3A_37 : i32 to index
      %get3A_1238 = tpu.vector_load %arg7[%get3A_1236, %get3A_1237] {strides = array<i32>} : memref<48x512xf32, #tpu.memory_space<vmem>>, vector<16xf32>,
      %eq3A_1239 = arith.constant 0.000000e+00 : f32
      %eq3A_1240 = vector.broadcast %eq3A_1239 : f32 to vector<16xf32>
      %eq3A_1241 = arith.cmpf oeq, %sub3A_833, %eq3A_1240 : vector<16xf32>
      %select_n3A_1242 = arith.select %eq3A_1241, %get3A_1238, %broadcast_in_dim3A_7 : vector<16xi1>, vector<16xf32>
      %add3A_1243 = arith.addf %add3A_1228, %select_n3A_1242 : vector<16xf32>
      %convert_element_type3A_1244 = arith.fptosi %sub3A_883 : vector<16xf32> to vector<16xi32>
      %gather3A_1245 = tpu.vector_load_idx %arg11[%convert_element_type3A_1244] : memref<32xf32, #tpu.memory_space<vmem>>[vector<16xi32>], vector<16xf32>,
      %swap3A_1246 = arith.constant 9 : i32
      %swap3A_1247 = arith.index_cast %swap3A_1246 : i32 to index
      %swap3A_1248 = arith.constant 0 : index
      %swap3A_1249 = tpu.vector_load %arg13[%swap3A_1247, %swap3A_1248] {strides = array<i32>} : memref<20x16xf32, #tpu.memory_space<vmem>>, vector<16xf32>,
      tpu.vector_store %arg13[%swap3A_1247, %swap3A_1248], %gather3A_1245 {strides = array<i32>} : memref<20x16xf32, #tpu.memory_space<vmem>>, vector<16xf32>,
      %get3A_1250 = arith.constant 29 : i32
      %get3A_1251 = arith.index_cast %get3A_1250 : i32 to index
      %get3A_1252 = arith.index_cast %mul3A_37 : i32 to index
      %get3A_1253 = tpu.vector_load %arg7[%get3A_1251, %get3A_1252] {strides = array<i32>} : memref<48x512xf32, #tpu.memory_space<vmem>>, vector<16xf32>,
      %eq3A_1254 = arith.constant 0.000000e+00 : f32
      %eq3A_1255 = vector.broadcast %eq3A_1254 : f32 to vector<16xf32>
      %eq3A_1256 = arith.cmpf oeq, %sub3A_883, %eq3A_1255 : vector<16xf32>
      %select_n3A_1257 = arith.select %eq3A_1256, %get3A_1253, %broadcast_in_dim3A_7 : vector<16xi1>, vector<16xf32>
      %add3A_1258 = arith.addf %add3A_1243, %select_n3A_1257 : vector<16xf32>
      %convert_element_type3A_1259 = arith.fptosi %sub3A_928 : vector<16xf32> to vector<16xi32>
      %gather3A_1260 = tpu.vector_load_idx %arg11[%convert_element_type3A_1259] : memref<32xf32, #tpu.memory_space<vmem>>[vector<16xi32>], vector<16xf32>,
      %swap3A_1261 = arith.constant 10 : i32
      %swap3A_1262 = arith.index_cast %swap3A_1261 : i32 to index
      %swap3A_1263 = arith.constant 0 : index
      %swap3A_1264 = tpu.vector_load %arg13[%swap3A_1262, %swap3A_1263] {strides = array<i32>} : memref<20x16xf32, #tpu.memory_space<vmem>>, vector<16xf32>,
      tpu.vector_store %arg13[%swap3A_1262, %swap3A_1263], %gather3A_1260 {strides = array<i32>} : memref<20x16xf32, #tpu.memory_space<vmem>>, vector<16xf32>,
      %get3A_1265 = arith.constant 30 : i32
      %get3A_1266 = arith.index_cast %get3A_1265 : i32 to index
      %get3A_1267 = arith.index_cast %mul3A_37 : i32 to index
      %get3A_1268 = tpu.vector_load %arg7[%get3A_1266, %get3A_1267] {strides = array<i32>} : memref<48x512xf32, #tpu.memory_space<vmem>>, vector<16xf32>,
      %eq3A_1269 = arith.constant 0.000000e+00 : f32
      %eq3A_1270 = vector.broadcast %eq3A_1269 : f32 to vector<16xf32>
      %eq3A_1271 = arith.cmpf oeq, %sub3A_928, %eq3A_1270 : vector<16xf32>
      %select_n3A_1272 = arith.select %eq3A_1271, %get3A_1268, %broadcast_in_dim3A_7 : vector<16xi1>, vector<16xf32>
      %add3A_1273 = arith.addf %add3A_1258, %select_n3A_1272 : vector<16xf32>
      %convert_element_type3A_1274 = arith.fptosi %sub3A_968 : vector<16xf32> to vector<16xi32>
      %gather3A_1275 = tpu.vector_load_idx %arg11[%convert_element_type3A_1274] : memref<32xf32, #tpu.memory_space<vmem>>[vector<16xi32>], vector<16xf32>,
      %swap3A_1276 = arith.constant 11 : i32
      %swap3A_1277 = arith.index_cast %swap3A_1276 : i32 to index
      %swap3A_1278 = arith.constant 0 : index
      %swap3A_1279 = tpu.vector_load %arg13[%swap3A_1277, %swap3A_1278] {strides = array<i32>} : memref<20x16xf32, #tpu.memory_space<vmem>>, vector<16xf32>,
      tpu.vector_store %arg13[%swap3A_1277, %swap3A_1278], %gather3A_1275 {strides = array<i32>} : memref<20x16xf32, #tpu.memory_space<vmem>>, vector<16xf32>,
      %get3A_1280 = arith.constant 31 : i32
      %get3A_1281 = arith.index_cast %get3A_1280 : i32 to index
      %get3A_1282 = arith.index_cast %mul3A_37 : i32 to index
      %get3A_1283 = tpu.vector_load %arg7[%get3A_1281, %get3A_1282] {strides = array<i32>} : memref<48x512xf32, #tpu.memory_space<vmem>>, vector<16xf32>,
      %eq3A_1284 = arith.constant 0.000000e+00 : f32
      %eq3A_1285 = vector.broadcast %eq3A_1284 : f32 to vector<16xf32>
      %eq3A_1286 = arith.cmpf oeq, %sub3A_968, %eq3A_1285 : vector<16xf32>
      %select_n3A_1287 = arith.select %eq3A_1286, %get3A_1283, %broadcast_in_dim3A_7 : vector<16xi1>, vector<16xf32>
      %add3A_1288 = arith.addf %add3A_1273, %select_n3A_1287 : vector<16xf32>
      %convert_element_type3A_1289 = arith.fptosi %sub3A_1003 : vector<16xf32> to vector<16xi32>
      %gather3A_1290 = tpu.vector_load_idx %arg11[%convert_element_type3A_1289] : memref<32xf32, #tpu.memory_space<vmem>>[vector<16xi32>], vector<16xf32>,
      %swap3A_1291 = arith.constant 12 : i32
      %swap3A_1292 = arith.index_cast %swap3A_1291 : i32 to index
      %swap3A_1293 = arith.constant 0 : index
      %swap3A_1294 = tpu.vector_load %arg13[%swap3A_1292, %swap3A_1293] {strides = array<i32>} : memref<20x16xf32, #tpu.memory_space<vmem>>, vector<16xf32>,
      tpu.vector_store %arg13[%swap3A_1292, %swap3A_1293], %gather3A_1290 {strides = array<i32>} : memref<20x16xf32, #tpu.memory_space<vmem>>, vector<16xf32>,
      %get3A_1295 = arith.constant 32 : i32
      %get3A_1296 = arith.index_cast %get3A_1295 : i32 to index
      %get3A_1297 = arith.index_cast %mul3A_37 : i32 to index
      %get3A_1298 = tpu.vector_load %arg7[%get3A_1296, %get3A_1297] {strides = array<i32>} : memref<48x512xf32, #tpu.memory_space<vmem>>, vector<16xf32>,
      %eq3A_1299 = arith.constant 0.000000e+00 : f32
      %eq3A_1300 = vector.broadcast %eq3A_1299 : f32 to vector<16xf32>
      %eq3A_1301 = arith.cmpf oeq, %sub3A_1003, %eq3A_1300 : vector<16xf32>
      %select_n3A_1302 = arith.select %eq3A_1301, %get3A_1298, %broadcast_in_dim3A_7 : vector<16xi1>, vector<16xf32>
      %add3A_1303 = arith.addf %add3A_1288, %select_n3A_1302 : vector<16xf32>
      %convert_element_type3A_1304 = arith.fptosi %sub3A_1033 : vector<16xf32> to vector<16xi32>
      %gather3A_1305 = tpu.vector_load_idx %arg11[%convert_element_type3A_1304] : memref<32xf32, #tpu.memory_space<vmem>>[vector<16xi32>], vector<16xf32>,
      %swap3A_1306 = arith.constant 13 : i32
      %swap3A_1307 = arith.index_cast %swap3A_1306 : i32 to index
      %swap3A_1308 = arith.constant 0 : index
      %swap3A_1309 = tpu.vector_load %arg13[%swap3A_1307, %swap3A_1308] {strides = array<i32>} : memref<20x16xf32, #tpu.memory_space<vmem>>, vector<16xf32>,
      tpu.vector_store %arg13[%swap3A_1307, %swap3A_1308], %gather3A_1305 {strides = array<i32>} : memref<20x16xf32, #tpu.memory_space<vmem>>, vector<16xf32>,
      %get3A_1310 = arith.constant 33 : i32
      %get3A_1311 = arith.index_cast %get3A_1310 : i32 to index
      %get3A_1312 = arith.index_cast %mul3A_37 : i32 to index
      %get3A_1313 = tpu.vector_load %arg7[%get3A_1311, %get3A_1312] {strides = array<i32>} : memref<48x512xf32, #tpu.memory_space<vmem>>, vector<16xf32>,
      %eq3A_1314 = arith.constant 0.000000e+00 : f32
      %eq3A_1315 = vector.broadcast %eq3A_1314 : f32 to vector<16xf32>
      %eq3A_1316 = arith.cmpf oeq, %sub3A_1033, %eq3A_1315 : vector<16xf32>
      %select_n3A_1317 = arith.select %eq3A_1316, %get3A_1313, %broadcast_in_dim3A_7 : vector<16xi1>, vector<16xf32>
      %add3A_1318 = arith.addf %add3A_1303, %select_n3A_1317 : vector<16xf32>
      %convert_element_type3A_1319 = arith.fptosi %sub3A_1058 : vector<16xf32> to vector<16xi32>
      %gather3A_1320 = tpu.vector_load_idx %arg11[%convert_element_type3A_1319] : memref<32xf32, #tpu.memory_space<vmem>>[vector<16xi32>], vector<16xf32>,
      %swap3A_1321 = arith.constant 14 : i32
      %swap3A_1322 = arith.index_cast %swap3A_1321 : i32 to index
      %swap3A_1323 = arith.constant 0 : index
      %swap3A_1324 = tpu.vector_load %arg13[%swap3A_1322, %swap3A_1323] {strides = array<i32>} : memref<20x16xf32, #tpu.memory_space<vmem>>, vector<16xf32>,
      tpu.vector_store %arg13[%swap3A_1322, %swap3A_1323], %gather3A_1320 {strides = array<i32>} : memref<20x16xf32, #tpu.memory_space<vmem>>, vector<16xf32>,
      %get3A_1325 = arith.constant 34 : i32
      %get3A_1326 = arith.index_cast %get3A_1325 : i32 to index
      %get3A_1327 = arith.index_cast %mul3A_37 : i32 to index
      %get3A_1328 = tpu.vector_load %arg7[%get3A_1326, %get3A_1327] {strides = array<i32>} : memref<48x512xf32, #tpu.memory_space<vmem>>, vector<16xf32>,
      %eq3A_1329 = arith.constant 0.000000e+00 : f32
      %eq3A_1330 = vector.broadcast %eq3A_1329 : f32 to vector<16xf32>
      %eq3A_1331 = arith.cmpf oeq, %sub3A_1058, %eq3A_1330 : vector<16xf32>
      %select_n3A_1332 = arith.select %eq3A_1331, %get3A_1328, %broadcast_in_dim3A_7 : vector<16xi1>, vector<16xf32>
      %add3A_1333 = arith.addf %add3A_1318, %select_n3A_1332 : vector<16xf32>
      %convert_element_type3A_1334 = arith.fptosi %sub3A_1078 : vector<16xf32> to vector<16xi32>
      %gather3A_1335 = tpu.vector_load_idx %arg11[%convert_element_type3A_1334] : memref<32xf32, #tpu.memory_space<vmem>>[vector<16xi32>], vector<16xf32>,
      %swap3A_1336 = arith.constant 15 : i32
      %swap3A_1337 = arith.index_cast %swap3A_1336 : i32 to index
      %swap3A_1338 = arith.constant 0 : index
      %swap3A_1339 = tpu.vector_load %arg13[%swap3A_1337, %swap3A_1338] {strides = array<i32>} : memref<20x16xf32, #tpu.memory_space<vmem>>, vector<16xf32>,
      tpu.vector_store %arg13[%swap3A_1337, %swap3A_1338], %gather3A_1335 {strides = array<i32>} : memref<20x16xf32, #tpu.memory_space<vmem>>, vector<16xf32>,
      %get3A_1340 = arith.constant 35 : i32
      %get3A_1341 = arith.index_cast %get3A_1340 : i32 to index
      %get3A_1342 = arith.index_cast %mul3A_37 : i32 to index
      %get3A_1343 = tpu.vector_load %arg7[%get3A_1341, %get3A_1342] {strides = array<i32>} : memref<48x512xf32, #tpu.memory_space<vmem>>, vector<16xf32>,
      %eq3A_1344 = arith.constant 0.000000e+00 : f32
      %eq3A_1345 = vector.broadcast %eq3A_1344 : f32 to vector<16xf32>
      %eq3A_1346 = arith.cmpf oeq, %sub3A_1078, %eq3A_1345 : vector<16xf32>
      %select_n3A_1347 = arith.select %eq3A_1346, %get3A_1343, %broadcast_in_dim3A_7 : vector<16xi1>, vector<16xf32>
      %add3A_1348 = arith.addf %add3A_1333, %select_n3A_1347 : vector<16xf32>
      %convert_element_type3A_1349 = arith.fptosi %sub3A_1093 : vector<16xf32> to vector<16xi32>
      %gather3A_1350 = tpu.vector_load_idx %arg11[%convert_element_type3A_1349] : memref<32xf32, #tpu.memory_space<vmem>>[vector<16xi32>], vector<16xf32>,
      %swap3A_1351 = arith.constant 16 : i32
      %swap3A_1352 = arith.index_cast %swap3A_1351 : i32 to index
      %swap3A_1353 = arith.constant 0 : index
      %swap3A_1354 = tpu.vector_load %arg13[%swap3A_1352, %swap3A_1353] {strides = array<i32>} : memref<20x16xf32, #tpu.memory_space<vmem>>, vector<16xf32>,
      tpu.vector_store %arg13[%swap3A_1352, %swap3A_1353], %gather3A_1350 {strides = array<i32>} : memref<20x16xf32, #tpu.memory_space<vmem>>, vector<16xf32>,
      %get3A_1355 = arith.constant 36 : i32
      %get3A_1356 = arith.index_cast %get3A_1355 : i32 to index
      %get3A_1357 = arith.index_cast %mul3A_37 : i32 to index
      %get3A_1358 = tpu.vector_load %arg7[%get3A_1356, %get3A_1357] {strides = array<i32>} : memref<48x512xf32, #tpu.memory_space<vmem>>, vector<16xf32>,
      %eq3A_1359 = arith.constant 0.000000e+00 : f32
      %eq3A_1360 = vector.broadcast %eq3A_1359 : f32 to vector<16xf32>
      %eq3A_1361 = arith.cmpf oeq, %sub3A_1093, %eq3A_1360 : vector<16xf32>
      %select_n3A_1362 = arith.select %eq3A_1361, %get3A_1358, %broadcast_in_dim3A_7 : vector<16xi1>, vector<16xf32>
      %add3A_1363 = arith.addf %add3A_1348, %select_n3A_1362 : vector<16xf32>
      %convert_element_type3A_1364 = arith.fptosi %sub3A_1103 : vector<16xf32> to vector<16xi32>
      %gather3A_1365 = tpu.vector_load_idx %arg11[%convert_element_type3A_1364] : memref<32xf32, #tpu.memory_space<vmem>>[vector<16xi32>], vector<16xf32>,
      %swap3A_1366 = arith.constant 17 : i32
      %swap3A_1367 = arith.index_cast %swap3A_1366 : i32 to index
      %swap3A_1368 = arith.constant 0 : index
      %swap3A_1369 = tpu.vector_load %arg13[%swap3A_1367, %swap3A_1368] {strides = array<i32>} : memref<20x16xf32, #tpu.memory_space<vmem>>, vector<16xf32>,
      tpu.vector_store %arg13[%swap3A_1367, %swap3A_1368], %gather3A_1365 {strides = array<i32>} : memref<20x16xf32, #tpu.memory_space<vmem>>, vector<16xf32>,
      %get3A_1370 = arith.constant 37 : i32
      %get3A_1371 = arith.index_cast %get3A_1370 : i32 to index
      %get3A_1372 = arith.index_cast %mul3A_37 : i32 to index
      %get3A_1373 = tpu.vector_load %arg7[%get3A_1371, %get3A_1372] {strides = array<i32>} : memref<48x512xf32, #tpu.memory_space<vmem>>, vector<16xf32>,
      %eq3A_1374 = arith.constant 0.000000e+00 : f32
      %eq3A_1375 = vector.broadcast %eq3A_1374 : f32 to vector<16xf32>
      %eq3A_1376 = arith.cmpf oeq, %sub3A_1103, %eq3A_1375 : vector<16xf32>
      %select_n3A_1377 = arith.select %eq3A_1376, %get3A_1373, %broadcast_in_dim3A_7 : vector<16xi1>, vector<16xf32>
      %add3A_1378 = arith.addf %add3A_1363, %select_n3A_1377 : vector<16xf32>
      %convert_element_type3A_1379 = arith.fptosi %sub3A_1108 : vector<16xf32> to vector<16xi32>
      %gather3A_1380 = tpu.vector_load_idx %arg11[%convert_element_type3A_1379] : memref<32xf32, #tpu.memory_space<vmem>>[vector<16xi32>], vector<16xf32>,
      %swap3A_1381 = arith.constant 18 : i32
      %swap3A_1382 = arith.index_cast %swap3A_1381 : i32 to index
      %swap3A_1383 = arith.constant 0 : index
      %swap3A_1384 = tpu.vector_load %arg13[%swap3A_1382, %swap3A_1383] {strides = array<i32>} : memref<20x16xf32, #tpu.memory_space<vmem>>, vector<16xf32>,
      tpu.vector_store %arg13[%swap3A_1382, %swap3A_1383], %gather3A_1380 {strides = array<i32>} : memref<20x16xf32, #tpu.memory_space<vmem>>, vector<16xf32>,
      %get3A_1385 = arith.constant 38 : i32
      %get3A_1386 = arith.index_cast %get3A_1385 : i32 to index
      %get3A_1387 = arith.index_cast %mul3A_37 : i32 to index
      %get3A_1388 = tpu.vector_load %arg7[%get3A_1386, %get3A_1387] {strides = array<i32>} : memref<48x512xf32, #tpu.memory_space<vmem>>, vector<16xf32>,
      %eq3A_1389 = arith.constant 0.000000e+00 : f32
      %eq3A_1390 = vector.broadcast %eq3A_1389 : f32 to vector<16xf32>
      %eq3A_1391 = arith.cmpf oeq, %sub3A_1108, %eq3A_1390 : vector<16xf32>
      %select_n3A_1392 = arith.select %eq3A_1391, %get3A_1388, %broadcast_in_dim3A_7 : vector<16xi1>, vector<16xf32>
      %add3A_1393 = arith.addf %add3A_1378, %select_n3A_1392 : vector<16xf32>
      %convert_element_type3A_1394 = arith.fptosi %add3A_1107 : vector<16xf32> to vector<16xi32>
      %gather3A_1395 = tpu.vector_load_idx %arg11[%convert_element_type3A_1394] : memref<32xf32, #tpu.memory_space<vmem>>[vector<16xi32>], vector<16xf32>,
      %swap3A_1396 = arith.constant 19 : i32
      %swap3A_1397 = arith.index_cast %swap3A_1396 : i32 to index
      %swap3A_1398 = arith.constant 0 : index
      %swap3A_1399 = tpu.vector_load %arg13[%swap3A_1397, %swap3A_1398] {strides = array<i32>} : memref<20x16xf32, #tpu.memory_space<vmem>>, vector<16xf32>,
      tpu.vector_store %arg13[%swap3A_1397, %swap3A_1398], %gather3A_1395 {strides = array<i32>} : memref<20x16xf32, #tpu.memory_space<vmem>>, vector<16xf32>,
      %get3A_1400 = arith.constant 39 : i32
      %get3A_1401 = arith.index_cast %get3A_1400 : i32 to index
      %get3A_1402 = arith.index_cast %mul3A_37 : i32 to index
      %get3A_1403 = tpu.vector_load %arg7[%get3A_1401, %get3A_1402] {strides = array<i32>} : memref<48x512xf32, #tpu.memory_space<vmem>>, vector<16xf32>,
      %eq3A_1404 = arith.constant 0.000000e+00 : f32
      %eq3A_1405 = vector.broadcast %eq3A_1404 : f32 to vector<16xf32>
      %eq3A_1406 = arith.cmpf oeq, %add3A_1107, %eq3A_1405 : vector<16xf32>
      %select_n3A_1407 = arith.select %eq3A_1406, %get3A_1403, %broadcast_in_dim3A_7 : vector<16xi1>, vector<16xf32>
      %add3A_1408 = arith.addf %add3A_1393, %select_n3A_1407 : vector<16xf32>
      %add3A_1409 = arith.constant 0 : i32
      %add3A_1410 = vector.broadcast %add3A_1409 : i32 to vector<16xi32>
      %add3A_1411 = arith.addi %mul3A_42, %add3A_1410 : vector<16xi32>
      %gather3A_1412 = tpu.vector_load_idx %arg8[%add3A_1411] : memref<10240xf32, #tpu.memory_space<vmem>>[vector<16xi32>], vector<16xf32>,
      %add3A_1413 = arith.constant 1 : i32
      %add3A_1414 = vector.broadcast %add3A_1413 : i32 to vector<16xi32>
      %add3A_1415 = arith.addi %mul3A_42, %add3A_1414 : vector<16xi32>
      %gather3A_1416 = tpu.vector_load_idx %arg8[%add3A_1415] : memref<10240xf32, #tpu.memory_space<vmem>>[vector<16xi32>], vector<16xf32>,
      %add3A_1417 = arith.constant 2 : i32
      %add3A_1418 = vector.broadcast %add3A_1417 : i32 to vector<16xi32>
      %add3A_1419 = arith.addi %mul3A_42, %add3A_1418 : vector<16xi32>
      %gather3A_1420 = tpu.vector_load_idx %arg8[%add3A_1419] : memref<10240xf32, #tpu.memory_space<vmem>>[vector<16xi32>], vector<16xf32>,
      %add3A_1421 = arith.constant 3 : i32
      %add3A_1422 = vector.broadcast %add3A_1421 : i32 to vector<16xi32>
      %add3A_1423 = arith.addi %mul3A_42, %add3A_1422 : vector<16xi32>
      %gather3A_1424 = tpu.vector_load_idx %arg8[%add3A_1423] : memref<10240xf32, #tpu.memory_space<vmem>>[vector<16xi32>], vector<16xf32>,
      %add3A_1425 = arith.constant 4 : i32
      %add3A_1426 = vector.broadcast %add3A_1425 : i32 to vector<16xi32>
      %add3A_1427 = arith.addi %mul3A_42, %add3A_1426 : vector<16xi32>
      %gather3A_1428 = tpu.vector_load_idx %arg8[%add3A_1427] : memref<10240xf32, #tpu.memory_space<vmem>>[vector<16xi32>], vector<16xf32>,
      %add3A_1429 = arith.constant 5 : i32
      %add3A_1430 = vector.broadcast %add3A_1429 : i32 to vector<16xi32>
      %add3A_1431 = arith.addi %mul3A_42, %add3A_1430 : vector<16xi32>
      %gather3A_1432 = tpu.vector_load_idx %arg8[%add3A_1431] : memref<10240xf32, #tpu.memory_space<vmem>>[vector<16xi32>], vector<16xf32>,
      %add3A_1433 = arith.constant 6 : i32
      %add3A_1434 = vector.broadcast %add3A_1433 : i32 to vector<16xi32>
      %add3A_1435 = arith.addi %mul3A_42, %add3A_1434 : vector<16xi32>
      %gather3A_1436 = tpu.vector_load_idx %arg8[%add3A_1435] : memref<10240xf32, #tpu.memory_space<vmem>>[vector<16xi32>], vector<16xf32>,
      %add3A_1437 = arith.constant 7 : i32
      %add3A_1438 = vector.broadcast %add3A_1437 : i32 to vector<16xi32>
      %add3A_1439 = arith.addi %mul3A_42, %add3A_1438 : vector<16xi32>
      %gather3A_1440 = tpu.vector_load_idx %arg8[%add3A_1439] : memref<10240xf32, #tpu.memory_space<vmem>>[vector<16xi32>], vector<16xf32>,
      %add3A_1441 = arith.constant 8 : i32
      %add3A_1442 = vector.broadcast %add3A_1441 : i32 to vector<16xi32>
      %add3A_1443 = arith.addi %mul3A_42, %add3A_1442 : vector<16xi32>
      %gather3A_1444 = tpu.vector_load_idx %arg8[%add3A_1443] : memref<10240xf32, #tpu.memory_space<vmem>>[vector<16xi32>], vector<16xf32>,
      %add3A_1445 = arith.constant 9 : i32
      %add3A_1446 = vector.broadcast %add3A_1445 : i32 to vector<16xi32>
      %add3A_1447 = arith.addi %mul3A_42, %add3A_1446 : vector<16xi32>
      %gather3A_1448 = tpu.vector_load_idx %arg8[%add3A_1447] : memref<10240xf32, #tpu.memory_space<vmem>>[vector<16xi32>], vector<16xf32>,
      %add3A_1449 = arith.constant 10 : i32
      %add3A_1450 = vector.broadcast %add3A_1449 : i32 to vector<16xi32>
      %add3A_1451 = arith.addi %mul3A_42, %add3A_1450 : vector<16xi32>
      %gather3A_1452 = tpu.vector_load_idx %arg8[%add3A_1451] : memref<10240xf32, #tpu.memory_space<vmem>>[vector<16xi32>], vector<16xf32>,
      %add3A_1453 = arith.constant 11 : i32
      %add3A_1454 = vector.broadcast %add3A_1453 : i32 to vector<16xi32>
      %add3A_1455 = arith.addi %mul3A_42, %add3A_1454 : vector<16xi32>
      %gather3A_1456 = tpu.vector_load_idx %arg8[%add3A_1455] : memref<10240xf32, #tpu.memory_space<vmem>>[vector<16xi32>], vector<16xf32>,
      %add3A_1457 = arith.constant 12 : i32
      %add3A_1458 = vector.broadcast %add3A_1457 : i32 to vector<16xi32>
      %add3A_1459 = arith.addi %mul3A_42, %add3A_1458 : vector<16xi32>
      %gather3A_1460 = tpu.vector_load_idx %arg8[%add3A_1459] : memref<10240xf32, #tpu.memory_space<vmem>>[vector<16xi32>], vector<16xf32>,
      %add3A_1461 = arith.constant 13 : i32
      %add3A_1462 = vector.broadcast %add3A_1461 : i32 to vector<16xi32>
      %add3A_1463 = arith.addi %mul3A_42, %add3A_1462 : vector<16xi32>
      %gather3A_1464 = tpu.vector_load_idx %arg8[%add3A_1463] : memref<10240xf32, #tpu.memory_space<vmem>>[vector<16xi32>], vector<16xf32>,
      %add3A_1465 = arith.constant 14 : i32
      %add3A_1466 = vector.broadcast %add3A_1465 : i32 to vector<16xi32>
      %add3A_1467 = arith.addi %mul3A_42, %add3A_1466 : vector<16xi32>
      %gather3A_1468 = tpu.vector_load_idx %arg8[%add3A_1467] : memref<10240xf32, #tpu.memory_space<vmem>>[vector<16xi32>], vector<16xf32>,
      %add3A_1469 = arith.constant 15 : i32
      %add3A_1470 = vector.broadcast %add3A_1469 : i32 to vector<16xi32>
      %add3A_1471 = arith.addi %mul3A_42, %add3A_1470 : vector<16xi32>
      %gather3A_1472 = tpu.vector_load_idx %arg8[%add3A_1471] : memref<10240xf32, #tpu.memory_space<vmem>>[vector<16xi32>], vector<16xf32>,
      %add3A_1473 = arith.constant 16 : i32
      %add3A_1474 = vector.broadcast %add3A_1473 : i32 to vector<16xi32>
      %add3A_1475 = arith.addi %mul3A_42, %add3A_1474 : vector<16xi32>
      %gather3A_1476 = tpu.vector_load_idx %arg8[%add3A_1475] : memref<10240xf32, #tpu.memory_space<vmem>>[vector<16xi32>], vector<16xf32>,
      %add3A_1477 = arith.constant 17 : i32
      %add3A_1478 = vector.broadcast %add3A_1477 : i32 to vector<16xi32>
      %add3A_1479 = arith.addi %mul3A_42, %add3A_1478 : vector<16xi32>
      %gather3A_1480 = tpu.vector_load_idx %arg8[%add3A_1479] : memref<10240xf32, #tpu.memory_space<vmem>>[vector<16xi32>], vector<16xf32>,
      %add3A_1481 = arith.constant 18 : i32
      %add3A_1482 = vector.broadcast %add3A_1481 : i32 to vector<16xi32>
      %add3A_1483 = arith.addi %mul3A_42, %add3A_1482 : vector<16xi32>
      %gather3A_1484 = tpu.vector_load_idx %arg8[%add3A_1483] : memref<10240xf32, #tpu.memory_space<vmem>>[vector<16xi32>], vector<16xf32>,
      %add3A_1485 = arith.constant 19 : i32
      %add3A_1486 = vector.broadcast %add3A_1485 : i32 to vector<16xi32>
      %add3A_1487 = arith.addi %mul3A_42, %add3A_1486 : vector<16xi32>
      %gather3A_1488 = tpu.vector_load_idx %arg8[%add3A_1487] : memref<10240xf32, #tpu.memory_space<vmem>>[vector<16xi32>], vector<16xf32>,
      %broadcast_in_dim3A_1489 = arith.constant 1.900000e+01 : f32
      %broadcast_in_dim3A_1490 = vector.broadcast %broadcast_in_dim3A_1489 : f32 to vector<16xf32>
      %broadcast_in_dim3A_1491 = arith.constant 1.800000e+01 : f32
      %broadcast_in_dim3A_1492 = vector.broadcast %broadcast_in_dim3A_1491 : f32 to vector<16xf32>
      %broadcast_in_dim3A_1493 = arith.constant 1.700000e+01 : f32
      %broadcast_in_dim3A_1494 = vector.broadcast %broadcast_in_dim3A_1493 : f32 to vector<16xf32>
      %broadcast_in_dim3A_1495 = arith.constant 1.600000e+01 : f32
      %broadcast_in_dim3A_1496 = vector.broadcast %broadcast_in_dim3A_1495 : f32 to vector<16xf32>
      %broadcast_in_dim3A_1497 = arith.constant 1.500000e+01 : f32
      %broadcast_in_dim3A_1498 = vector.broadcast %broadcast_in_dim3A_1497 : f32 to vector<16xf32>
      %broadcast_in_dim3A_1499 = arith.constant 1.400000e+01 : f32
      %broadcast_in_dim3A_1500 = vector.broadcast %broadcast_in_dim3A_1499 : f32 to vector<16xf32>
      %broadcast_in_dim3A_1501 = arith.constant 1.300000e+01 : f32
      %broadcast_in_dim3A_1502 = vector.broadcast %broadcast_in_dim3A_1501 : f32 to vector<16xf32>
      %broadcast_in_dim3A_1503 = arith.constant 1.200000e+01 : f32
      %broadcast_in_dim3A_1504 = vector.broadcast %broadcast_in_dim3A_1503 : f32 to vector<16xf32>
      %broadcast_in_dim3A_1505 = arith.constant 1.100000e+01 : f32
      %broadcast_in_dim3A_1506 = vector.broadcast %broadcast_in_dim3A_1505 : f32 to vector<16xf32>
      %broadcast_in_dim3A_1507 = arith.constant 1.000000e+01 : f32
      %broadcast_in_dim3A_1508 = vector.broadcast %broadcast_in_dim3A_1507 : f32 to vector<16xf32>
      %broadcast_in_dim3A_1509 = arith.constant 9.000000e+00 : f32
      %broadcast_in_dim3A_1510 = vector.broadcast %broadcast_in_dim3A_1509 : f32 to vector<16xf32>
      %broadcast_in_dim3A_1511 = arith.constant 8.000000e+00 : f32
      %broadcast_in_dim3A_1512 = vector.broadcast %broadcast_in_dim3A_1511 : f32 to vector<16xf32>
      %broadcast_in_dim3A_1513 = arith.constant 7.000000e+00 : f32
      %broadcast_in_dim3A_1514 = vector.broadcast %broadcast_in_dim3A_1513 : f32 to vector<16xf32>
      %broadcast_in_dim3A_1515 = arith.constant 6.000000e+00 : f32
      %broadcast_in_dim3A_1516 = vector.broadcast %broadcast_in_dim3A_1515 : f32 to vector<16xf32>
      %broadcast_in_dim3A_1517 = arith.constant 5.000000e+00 : f32
      %broadcast_in_dim3A_1518 = vector.broadcast %broadcast_in_dim3A_1517 : f32 to vector<16xf32>
      %broadcast_in_dim3A_1519 = arith.constant 4.000000e+00 : f32
      %broadcast_in_dim3A_1520 = vector.broadcast %broadcast_in_dim3A_1519 : f32 to vector<16xf32>
      %broadcast_in_dim3A_1521 = arith.constant 3.000000e+00 : f32
      %broadcast_in_dim3A_1522 = vector.broadcast %broadcast_in_dim3A_1521 : f32 to vector<16xf32>
      %broadcast_in_dim3A_1523 = arith.constant 2.000000e+00 : f32
      %broadcast_in_dim3A_1524 = vector.broadcast %broadcast_in_dim3A_1523 : f32 to vector<16xf32>
      %broadcast_in_dim3A_1525 = arith.constant 1.000000e+00 : f32
      %broadcast_in_dim3A_1526 = vector.broadcast %broadcast_in_dim3A_1525 : f32 to vector<16xf32>
      %broadcast_in_dim3A_1527 = arith.constant 0.000000e+00 : f32
      %broadcast_in_dim3A_1528 = vector.broadcast %broadcast_in_dim3A_1527 : f32 to vector<16xf32>
      %ge3A_1529 = arith.cmpf oge, %gather3A_1412, %gather3A_1416 : vector<16xf32>
      %convert_element_type3A_1530 = arith.extui %ge3A_1529 : vector<16xi1> to vector<16xi32>
      %convert_element_type3A_1531 = arith.sitofp %convert_element_type3A_1530 : vector<16xi32> to vector<16xf32>
      %add3A_1532 = arith.addf %broadcast_in_dim3A_1492, %convert_element_type3A_1531 : vector<16xf32>
      %sub3A_1533 = arith.subf %broadcast_in_dim3A_1490, %convert_element_type3A_1531 : vector<16xf32>
      %ge3A_1534 = arith.cmpf oge, %gather3A_1412, %gather3A_1420 : vector<16xf32>
      %convert_element_type3A_1535 = arith.extui %ge3A_1534 : vector<16xi1> to vector<16xi32>
      %convert_element_type3A_1536 = arith.sitofp %convert_element_type3A_1535 : vector<16xi32> to vector<16xf32>
      %add3A_1537 = arith.addf %broadcast_in_dim3A_1494, %convert_element_type3A_1536 : vector<16xf32>
      %sub3A_1538 = arith.subf %sub3A_1533, %convert_element_type3A_1536 : vector<16xf32>
      %ge3A_1539 = arith.cmpf oge, %gather3A_1412, %gather3A_1424 : vector<16xf32>
      %convert_element_type3A_1540 = arith.extui %ge3A_1539 : vector<16xi1> to vector<16xi32>
      %convert_element_type3A_1541 = arith.sitofp %convert_element_type3A_1540 : vector<16xi32> to vector<16xf32>
      %add3A_1542 = arith.addf %broadcast_in_dim3A_1496, %convert_element_type3A_1541 : vector<16xf32>
      %sub3A_1543 = arith.subf %sub3A_1538, %convert_element_type3A_1541 : vector<16xf32>
      %ge3A_1544 = arith.cmpf oge, %gather3A_1412, %gather3A_1428 : vector<16xf32>
      %convert_element_type3A_1545 = arith.extui %ge3A_1544 : vector<16xi1> to vector<16xi32>
      %convert_element_type3A_1546 = arith.sitofp %convert_element_type3A_1545 : vector<16xi32> to vector<16xf32>
      %add3A_1547 = arith.addf %broadcast_in_dim3A_1498, %convert_element_type3A_1546 : vector<16xf32>
      %sub3A_1548 = arith.subf %sub3A_1543, %convert_element_type3A_1546 : vector<16xf32>
      %ge3A_1549 = arith.cmpf oge, %gather3A_1412, %gather3A_1432 : vector<16xf32>
      %convert_element_type3A_1550 = arith.extui %ge3A_1549 : vector<16xi1> to vector<16xi32>
      %convert_element_type3A_1551 = arith.sitofp %convert_element_type3A_1550 : vector<16xi32> to vector<16xf32>
      %add3A_1552 = arith.addf %broadcast_in_dim3A_1500, %convert_element_type3A_1551 : vector<16xf32>
      %sub3A_1553 = arith.subf %sub3A_1548, %convert_element_type3A_1551 : vector<16xf32>
      %ge3A_1554 = arith.cmpf oge, %gather3A_1412, %gather3A_1436 : vector<16xf32>
      %convert_element_type3A_1555 = arith.extui %ge3A_1554 : vector<16xi1> to vector<16xi32>
      %convert_element_type3A_1556 = arith.sitofp %convert_element_type3A_1555 : vector<16xi32> to vector<16xf32>
      %add3A_1557 = arith.addf %broadcast_in_dim3A_1502, %convert_element_type3A_1556 : vector<16xf32>
      %sub3A_1558 = arith.subf %sub3A_1553, %convert_element_type3A_1556 : vector<16xf32>
      %ge3A_1559 = arith.cmpf oge, %gather3A_1412, %gather3A_1440 : vector<16xf32>
      %convert_element_type3A_1560 = arith.extui %ge3A_1559 : vector<16xi1> to vector<16xi32>
      %convert_element_type3A_1561 = arith.sitofp %convert_element_type3A_1560 : vector<16xi32> to vector<16xf32>
      %add3A_1562 = arith.addf %broadcast_in_dim3A_1504, %convert_element_type3A_1561 : vector<16xf32>
      %sub3A_1563 = arith.subf %sub3A_1558, %convert_element_type3A_1561 : vector<16xf32>
      %ge3A_1564 = arith.cmpf oge, %gather3A_1412, %gather3A_1444 : vector<16xf32>
      %convert_element_type3A_1565 = arith.extui %ge3A_1564 : vector<16xi1> to vector<16xi32>
      %convert_element_type3A_1566 = arith.sitofp %convert_element_type3A_1565 : vector<16xi32> to vector<16xf32>
      %add3A_1567 = arith.addf %broadcast_in_dim3A_1506, %convert_element_type3A_1566 : vector<16xf32>
      %sub3A_1568 = arith.subf %sub3A_1563, %convert_element_type3A_1566 : vector<16xf32>
      %ge3A_1569 = arith.cmpf oge, %gather3A_1412, %gather3A_1448 : vector<16xf32>
      %convert_element_type3A_1570 = arith.extui %ge3A_1569 : vector<16xi1> to vector<16xi32>
      %convert_element_type3A_1571 = arith.sitofp %convert_element_type3A_1570 : vector<16xi32> to vector<16xf32>
      %add3A_1572 = arith.addf %broadcast_in_dim3A_1508, %convert_element_type3A_1571 : vector<16xf32>
      %sub3A_1573 = arith.subf %sub3A_1568, %convert_element_type3A_1571 : vector<16xf32>
      %ge3A_1574 = arith.cmpf oge, %gather3A_1412, %gather3A_1452 : vector<16xf32>
      %convert_element_type3A_1575 = arith.extui %ge3A_1574 : vector<16xi1> to vector<16xi32>
      %convert_element_type3A_1576 = arith.sitofp %convert_element_type3A_1575 : vector<16xi32> to vector<16xf32>
      %add3A_1577 = arith.addf %broadcast_in_dim3A_1510, %convert_element_type3A_1576 : vector<16xf32>
      %sub3A_1578 = arith.subf %sub3A_1573, %convert_element_type3A_1576 : vector<16xf32>
      %ge3A_1579 = arith.cmpf oge, %gather3A_1412, %gather3A_1456 : vector<16xf32>
      %convert_element_type3A_1580 = arith.extui %ge3A_1579 : vector<16xi1> to vector<16xi32>
      %convert_element_type3A_1581 = arith.sitofp %convert_element_type3A_1580 : vector<16xi32> to vector<16xf32>
      %add3A_1582 = arith.addf %broadcast_in_dim3A_1512, %convert_element_type3A_1581 : vector<16xf32>
      %sub3A_1583 = arith.subf %sub3A_1578, %convert_element_type3A_1581 : vector<16xf32>
      %ge3A_1584 = arith.cmpf oge, %gather3A_1412, %gather3A_1460 : vector<16xf32>
      %convert_element_type3A_1585 = arith.extui %ge3A_1584 : vector<16xi1> to vector<16xi32>
      %convert_element_type3A_1586 = arith.sitofp %convert_element_type3A_1585 : vector<16xi32> to vector<16xf32>
      %add3A_1587 = arith.addf %broadcast_in_dim3A_1514, %convert_element_type3A_1586 : vector<16xf32>
      %sub3A_1588 = arith.subf %sub3A_1583, %convert_element_type3A_1586 : vector<16xf32>
      %ge3A_1589 = arith.cmpf oge, %gather3A_1412, %gather3A_1464 : vector<16xf32>
      %convert_element_type3A_1590 = arith.extui %ge3A_1589 : vector<16xi1> to vector<16xi32>
      %convert_element_type3A_1591 = arith.sitofp %convert_element_type3A_1590 : vector<16xi32> to vector<16xf32>
      %add3A_1592 = arith.addf %broadcast_in_dim3A_1516, %convert_element_type3A_1591 : vector<16xf32>
      %sub3A_1593 = arith.subf %sub3A_1588, %convert_element_type3A_1591 : vector<16xf32>
      %ge3A_1594 = arith.cmpf oge, %gather3A_1412, %gather3A_1468 : vector<16xf32>
      %convert_element_type3A_1595 = arith.extui %ge3A_1594 : vector<16xi1> to vector<16xi32>
      %convert_element_type3A_1596 = arith.sitofp %convert_element_type3A_1595 : vector<16xi32> to vector<16xf32>
      %add3A_1597 = arith.addf %broadcast_in_dim3A_1518, %convert_element_type3A_1596 : vector<16xf32>
      %sub3A_1598 = arith.subf %sub3A_1593, %convert_element_type3A_1596 : vector<16xf32>
      %ge3A_1599 = arith.cmpf oge, %gather3A_1412, %gather3A_1472 : vector<16xf32>
      %convert_element_type3A_1600 = arith.extui %ge3A_1599 : vector<16xi1> to vector<16xi32>
      %convert_element_type3A_1601 = arith.sitofp %convert_element_type3A_1600 : vector<16xi32> to vector<16xf32>
      %add3A_1602 = arith.addf %broadcast_in_dim3A_1520, %convert_element_type3A_1601 : vector<16xf32>
      %sub3A_1603 = arith.subf %sub3A_1598, %convert_element_type3A_1601 : vector<16xf32>
      %ge3A_1604 = arith.cmpf oge, %gather3A_1412, %gather3A_1476 : vector<16xf32>
      %convert_element_type3A_1605 = arith.extui %ge3A_1604 : vector<16xi1> to vector<16xi32>
      %convert_element_type3A_1606 = arith.sitofp %convert_element_type3A_1605 : vector<16xi32> to vector<16xf32>
      %add3A_1607 = arith.addf %broadcast_in_dim3A_1522, %convert_element_type3A_1606 : vector<16xf32>
      %sub3A_1608 = arith.subf %sub3A_1603, %convert_element_type3A_1606 : vector<16xf32>
      %ge3A_1609 = arith.cmpf oge, %gather3A_1412, %gather3A_1480 : vector<16xf32>
      %convert_element_type3A_1610 = arith.extui %ge3A_1609 : vector<16xi1> to vector<16xi32>
      %convert_element_type3A_1611 = arith.sitofp %convert_element_type3A_1610 : vector<16xi32> to vector<16xf32>
      %add3A_1612 = arith.addf %broadcast_in_dim3A_1524, %convert_element_type3A_1611 : vector<16xf32>
      %sub3A_1613 = arith.subf %sub3A_1608, %convert_element_type3A_1611 : vector<16xf32>
      %ge3A_1614 = arith.cmpf oge, %gather3A_1412, %gather3A_1484 : vector<16xf32>
      %convert_element_type3A_1615 = arith.extui %ge3A_1614 : vector<16xi1> to vector<16xi32>
      %convert_element_type3A_1616 = arith.sitofp %convert_element_type3A_1615 : vector<16xi32> to vector<16xf32>
      %add3A_1617 = arith.addf %broadcast_in_dim3A_1526, %convert_element_type3A_1616 : vector<16xf32>
      %sub3A_1618 = arith.subf %sub3A_1613, %convert_element_type3A_1616 : vector<16xf32>
      %ge3A_1619 = arith.cmpf oge, %gather3A_1412, %gather3A_1488 : vector<16xf32>
      %convert_element_type3A_1620 = arith.extui %ge3A_1619 : vector<16xi1> to vector<16xi32>
      %convert_element_type3A_1621 = arith.sitofp %convert_element_type3A_1620 : vector<16xi32> to vector<16xf32>
      %add3A_1622 = arith.addf %broadcast_in_dim3A_1528, %convert_element_type3A_1621 : vector<16xf32>
      %sub3A_1623 = arith.subf %sub3A_1618, %convert_element_type3A_1621 : vector<16xf32>
      %ge3A_1624 = arith.cmpf oge, %gather3A_1416, %gather3A_1420 : vector<16xf32>
      %convert_element_type3A_1625 = arith.extui %ge3A_1624 : vector<16xi1> to vector<16xi32>
      %convert_element_type3A_1626 = arith.sitofp %convert_element_type3A_1625 : vector<16xi32> to vector<16xf32>
      %add3A_1627 = arith.addf %add3A_1537, %convert_element_type3A_1626 : vector<16xf32>
      %sub3A_1628 = arith.subf %add3A_1532, %convert_element_type3A_1626 : vector<16xf32>
      %ge3A_1629 = arith.cmpf oge, %gather3A_1416, %gather3A_1424 : vector<16xf32>
      %convert_element_type3A_1630 = arith.extui %ge3A_1629 : vector<16xi1> to vector<16xi32>
      %convert_element_type3A_1631 = arith.sitofp %convert_element_type3A_1630 : vector<16xi32> to vector<16xf32>
      %add3A_1632 = arith.addf %add3A_1542, %convert_element_type3A_1631 : vector<16xf32>
      %sub3A_1633 = arith.subf %sub3A_1628, %convert_element_type3A_1631 : vector<16xf32>
      %ge3A_1634 = arith.cmpf oge, %gather3A_1416, %gather3A_1428 : vector<16xf32>
      %convert_element_type3A_1635 = arith.extui %ge3A_1634 : vector<16xi1> to vector<16xi32>
      %convert_element_type3A_1636 = arith.sitofp %convert_element_type3A_1635 : vector<16xi32> to vector<16xf32>
      %add3A_1637 = arith.addf %add3A_1547, %convert_element_type3A_1636 : vector<16xf32>
      %sub3A_1638 = arith.subf %sub3A_1633, %convert_element_type3A_1636 : vector<16xf32>
      %ge3A_1639 = arith.cmpf oge, %gather3A_1416, %gather3A_1432 : vector<16xf32>
      %convert_element_type3A_1640 = arith.extui %ge3A_1639 : vector<16xi1> to vector<16xi32>
      %convert_element_type3A_1641 = arith.sitofp %convert_element_type3A_1640 : vector<16xi32> to vector<16xf32>
      %add3A_1642 = arith.addf %add3A_1552, %convert_element_type3A_1641 : vector<16xf32>
      %sub3A_1643 = arith.subf %sub3A_1638, %convert_element_type3A_1641 : vector<16xf32>
      %ge3A_1644 = arith.cmpf oge, %gather3A_1416, %gather3A_1436 : vector<16xf32>
      %convert_element_type3A_1645 = arith.extui %ge3A_1644 : vector<16xi1> to vector<16xi32>
      %convert_element_type3A_1646 = arith.sitofp %convert_element_type3A_1645 : vector<16xi32> to vector<16xf32>
      %add3A_1647 = arith.addf %add3A_1557, %convert_element_type3A_1646 : vector<16xf32>
      %sub3A_1648 = arith.subf %sub3A_1643, %convert_element_type3A_1646 : vector<16xf32>
      %ge3A_1649 = arith.cmpf oge, %gather3A_1416, %gather3A_1440 : vector<16xf32>
      %convert_element_type3A_1650 = arith.extui %ge3A_1649 : vector<16xi1> to vector<16xi32>
      %convert_element_type3A_1651 = arith.sitofp %convert_element_type3A_1650 : vector<16xi32> to vector<16xf32>
      %add3A_1652 = arith.addf %add3A_1562, %convert_element_type3A_1651 : vector<16xf32>
      %sub3A_1653 = arith.subf %sub3A_1648, %convert_element_type3A_1651 : vector<16xf32>
      %ge3A_1654 = arith.cmpf oge, %gather3A_1416, %gather3A_1444 : vector<16xf32>
      %convert_element_type3A_1655 = arith.extui %ge3A_1654 : vector<16xi1> to vector<16xi32>
      %convert_element_type3A_1656 = arith.sitofp %convert_element_type3A_1655 : vector<16xi32> to vector<16xf32>
      %add3A_1657 = arith.addf %add3A_1567, %convert_element_type3A_1656 : vector<16xf32>
      %sub3A_1658 = arith.subf %sub3A_1653, %convert_element_type3A_1656 : vector<16xf32>
      %ge3A_1659 = arith.cmpf oge, %gather3A_1416, %gather3A_1448 : vector<16xf32>
      %convert_element_type3A_1660 = arith.extui %ge3A_1659 : vector<16xi1> to vector<16xi32>
      %convert_element_type3A_1661 = arith.sitofp %convert_element_type3A_1660 : vector<16xi32> to vector<16xf32>
      %add3A_1662 = arith.addf %add3A_1572, %convert_element_type3A_1661 : vector<16xf32>
      %sub3A_1663 = arith.subf %sub3A_1658, %convert_element_type3A_1661 : vector<16xf32>
      %ge3A_1664 = arith.cmpf oge, %gather3A_1416, %gather3A_1452 : vector<16xf32>
      %convert_element_type3A_1665 = arith.extui %ge3A_1664 : vector<16xi1> to vector<16xi32>
      %convert_element_type3A_1666 = arith.sitofp %convert_element_type3A_1665 : vector<16xi32> to vector<16xf32>
      %add3A_1667 = arith.addf %add3A_1577, %convert_element_type3A_1666 : vector<16xf32>
      %sub3A_1668 = arith.subf %sub3A_1663, %convert_element_type3A_1666 : vector<16xf32>
      %ge3A_1669 = arith.cmpf oge, %gather3A_1416, %gather3A_1456 : vector<16xf32>
      %convert_element_type3A_1670 = arith.extui %ge3A_1669 : vector<16xi1> to vector<16xi32>
      %convert_element_type3A_1671 = arith.sitofp %convert_element_type3A_1670 : vector<16xi32> to vector<16xf32>
      %add3A_1672 = arith.addf %add3A_1582, %convert_element_type3A_1671 : vector<16xf32>
      %sub3A_1673 = arith.subf %sub3A_1668, %convert_element_type3A_1671 : vector<16xf32>
      %ge3A_1674 = arith.cmpf oge, %gather3A_1416, %gather3A_1460 : vector<16xf32>
      %convert_element_type3A_1675 = arith.extui %ge3A_1674 : vector<16xi1> to vector<16xi32>
      %convert_element_type3A_1676 = arith.sitofp %convert_element_type3A_1675 : vector<16xi32> to vector<16xf32>
      %add3A_1677 = arith.addf %add3A_1587, %convert_element_type3A_1676 : vector<16xf32>
      %sub3A_1678 = arith.subf %sub3A_1673, %convert_element_type3A_1676 : vector<16xf32>
      %ge3A_1679 = arith.cmpf oge, %gather3A_1416, %gather3A_1464 : vector<16xf32>
      %convert_element_type3A_1680 = arith.extui %ge3A_1679 : vector<16xi1> to vector<16xi32>
      %convert_element_type3A_1681 = arith.sitofp %convert_element_type3A_1680 : vector<16xi32> to vector<16xf32>
      %add3A_1682 = arith.addf %add3A_1592, %convert_element_type3A_1681 : vector<16xf32>
      %sub3A_1683 = arith.subf %sub3A_1678, %convert_element_type3A_1681 : vector<16xf32>
      %ge3A_1684 = arith.cmpf oge, %gather3A_1416, %gather3A_1468 : vector<16xf32>
      %convert_element_type3A_1685 = arith.extui %ge3A_1684 : vector<16xi1> to vector<16xi32>
      %convert_element_type3A_1686 = arith.sitofp %convert_element_type3A_1685 : vector<16xi32> to vector<16xf32>
      %add3A_1687 = arith.addf %add3A_1597, %convert_element_type3A_1686 : vector<16xf32>
      %sub3A_1688 = arith.subf %sub3A_1683, %convert_element_type3A_1686 : vector<16xf32>
      %ge3A_1689 = arith.cmpf oge, %gather3A_1416, %gather3A_1472 : vector<16xf32>
      %convert_element_type3A_1690 = arith.extui %ge3A_1689 : vector<16xi1> to vector<16xi32>
      %convert_element_type3A_1691 = arith.sitofp %convert_element_type3A_1690 : vector<16xi32> to vector<16xf32>
      %add3A_1692 = arith.addf %add3A_1602, %convert_element_type3A_1691 : vector<16xf32>
      %sub3A_1693 = arith.subf %sub3A_1688, %convert_element_type3A_1691 : vector<16xf32>
      %ge3A_1694 = arith.cmpf oge, %gather3A_1416, %gather3A_1476 : vector<16xf32>
      %convert_element_type3A_1695 = arith.extui %ge3A_1694 : vector<16xi1> to vector<16xi32>
      %convert_element_type3A_1696 = arith.sitofp %convert_element_type3A_1695 : vector<16xi32> to vector<16xf32>
      %add3A_1697 = arith.addf %add3A_1607, %convert_element_type3A_1696 : vector<16xf32>
      %sub3A_1698 = arith.subf %sub3A_1693, %convert_element_type3A_1696 : vector<16xf32>
      %ge3A_1699 = arith.cmpf oge, %gather3A_1416, %gather3A_1480 : vector<16xf32>
      %convert_element_type3A_1700 = arith.extui %ge3A_1699 : vector<16xi1> to vector<16xi32>
      %convert_element_type3A_1701 = arith.sitofp %convert_element_type3A_1700 : vector<16xi32> to vector<16xf32>
      %add3A_1702 = arith.addf %add3A_1612, %convert_element_type3A_1701 : vector<16xf32>
      %sub3A_1703 = arith.subf %sub3A_1698, %convert_element_type3A_1701 : vector<16xf32>
      %ge3A_1704 = arith.cmpf oge, %gather3A_1416, %gather3A_1484 : vector<16xf32>
      %convert_element_type3A_1705 = arith.extui %ge3A_1704 : vector<16xi1> to vector<16xi32>
      %convert_element_type3A_1706 = arith.sitofp %convert_element_type3A_1705 : vector<16xi32> to vector<16xf32>
      %add3A_1707 = arith.addf %add3A_1617, %convert_element_type3A_1706 : vector<16xf32>
      %sub3A_1708 = arith.subf %sub3A_1703, %convert_element_type3A_1706 : vector<16xf32>
      %ge3A_1709 = arith.cmpf oge, %gather3A_1416, %gather3A_1488 : vector<16xf32>
      %convert_element_type3A_1710 = arith.extui %ge3A_1709 : vector<16xi1> to vector<16xi32>
      %convert_element_type3A_1711 = arith.sitofp %convert_element_type3A_1710 : vector<16xi32> to vector<16xf32>
      %add3A_1712 = arith.addf %add3A_1622, %convert_element_type3A_1711 : vector<16xf32>
      %sub3A_1713 = arith.subf %sub3A_1708, %convert_element_type3A_1711 : vector<16xf32>
      %ge3A_1714 = arith.cmpf oge, %gather3A_1420, %gather3A_1424 : vector<16xf32>
      %convert_element_type3A_1715 = arith.extui %ge3A_1714 : vector<16xi1> to vector<16xi32>
      %convert_element_type3A_1716 = arith.sitofp %convert_element_type3A_1715 : vector<16xi32> to vector<16xf32>
      %add3A_1717 = arith.addf %add3A_1632, %convert_element_type3A_1716 : vector<16xf32>
      %sub3A_1718 = arith.subf %add3A_1627, %convert_element_type3A_1716 : vector<16xf32>
      %ge3A_1719 = arith.cmpf oge, %gather3A_1420, %gather3A_1428 : vector<16xf32>
      %convert_element_type3A_1720 = arith.extui %ge3A_1719 : vector<16xi1> to vector<16xi32>
      %convert_element_type3A_1721 = arith.sitofp %convert_element_type3A_1720 : vector<16xi32> to vector<16xf32>
      %add3A_1722 = arith.addf %add3A_1637, %convert_element_type3A_1721 : vector<16xf32>
      %sub3A_1723 = arith.subf %sub3A_1718, %convert_element_type3A_1721 : vector<16xf32>
      %ge3A_1724 = arith.cmpf oge, %gather3A_1420, %gather3A_1432 : vector<16xf32>
      %convert_element_type3A_1725 = arith.extui %ge3A_1724 : vector<16xi1> to vector<16xi32>
      %convert_element_type3A_1726 = arith.sitofp %convert_element_type3A_1725 : vector<16xi32> to vector<16xf32>
      %add3A_1727 = arith.addf %add3A_1642, %convert_element_type3A_1726 : vector<16xf32>
      %sub3A_1728 = arith.subf %sub3A_1723, %convert_element_type3A_1726 : vector<16xf32>
      %ge3A_1729 = arith.cmpf oge, %gather3A_1420, %gather3A_1436 : vector<16xf32>
      %convert_element_type3A_1730 = arith.extui %ge3A_1729 : vector<16xi1> to vector<16xi32>
      %convert_element_type3A_1731 = arith.sitofp %convert_element_type3A_1730 : vector<16xi32> to vector<16xf32>
      %add3A_1732 = arith.addf %add3A_1647, %convert_element_type3A_1731 : vector<16xf32>
      %sub3A_1733 = arith.subf %sub3A_1728, %convert_element_type3A_1731 : vector<16xf32>
      %ge3A_1734 = arith.cmpf oge, %gather3A_1420, %gather3A_1440 : vector<16xf32>
      %convert_element_type3A_1735 = arith.extui %ge3A_1734 : vector<16xi1> to vector<16xi32>
      %convert_element_type3A_1736 = arith.sitofp %convert_element_type3A_1735 : vector<16xi32> to vector<16xf32>
      %add3A_1737 = arith.addf %add3A_1652, %convert_element_type3A_1736 : vector<16xf32>
      %sub3A_1738 = arith.subf %sub3A_1733, %convert_element_type3A_1736 : vector<16xf32>
      %ge3A_1739 = arith.cmpf oge, %gather3A_1420, %gather3A_1444 : vector<16xf32>
      %convert_element_type3A_1740 = arith.extui %ge3A_1739 : vector<16xi1> to vector<16xi32>
      %convert_element_type3A_1741 = arith.sitofp %convert_element_type3A_1740 : vector<16xi32> to vector<16xf32>
      %add3A_1742 = arith.addf %add3A_1657, %convert_element_type3A_1741 : vector<16xf32>
      %sub3A_1743 = arith.subf %sub3A_1738, %convert_element_type3A_1741 : vector<16xf32>
      %ge3A_1744 = arith.cmpf oge, %gather3A_1420, %gather3A_1448 : vector<16xf32>
      %convert_element_type3A_1745 = arith.extui %ge3A_1744 : vector<16xi1> to vector<16xi32>
      %convert_element_type3A_1746 = arith.sitofp %convert_element_type3A_1745 : vector<16xi32> to vector<16xf32>
      %add3A_1747 = arith.addf %add3A_1662, %convert_element_type3A_1746 : vector<16xf32>
      %sub3A_1748 = arith.subf %sub3A_1743, %convert_element_type3A_1746 : vector<16xf32>
      %ge3A_1749 = arith.cmpf oge, %gather3A_1420, %gather3A_1452 : vector<16xf32>
      %convert_element_type3A_1750 = arith.extui %ge3A_1749 : vector<16xi1> to vector<16xi32>
      %convert_element_type3A_1751 = arith.sitofp %convert_element_type3A_1750 : vector<16xi32> to vector<16xf32>
      %add3A_1752 = arith.addf %add3A_1667, %convert_element_type3A_1751 : vector<16xf32>
      %sub3A_1753 = arith.subf %sub3A_1748, %convert_element_type3A_1751 : vector<16xf32>
      %ge3A_1754 = arith.cmpf oge, %gather3A_1420, %gather3A_1456 : vector<16xf32>
      %convert_element_type3A_1755 = arith.extui %ge3A_1754 : vector<16xi1> to vector<16xi32>
      %convert_element_type3A_1756 = arith.sitofp %convert_element_type3A_1755 : vector<16xi32> to vector<16xf32>
      %add3A_1757 = arith.addf %add3A_1672, %convert_element_type3A_1756 : vector<16xf32>
      %sub3A_1758 = arith.subf %sub3A_1753, %convert_element_type3A_1756 : vector<16xf32>
      %ge3A_1759 = arith.cmpf oge, %gather3A_1420, %gather3A_1460 : vector<16xf32>
      %convert_element_type3A_1760 = arith.extui %ge3A_1759 : vector<16xi1> to vector<16xi32>
      %convert_element_type3A_1761 = arith.sitofp %convert_element_type3A_1760 : vector<16xi32> to vector<16xf32>
      %add3A_1762 = arith.addf %add3A_1677, %convert_element_type3A_1761 : vector<16xf32>
      %sub3A_1763 = arith.subf %sub3A_1758, %convert_element_type3A_1761 : vector<16xf32>
      %ge3A_1764 = arith.cmpf oge, %gather3A_1420, %gather3A_1464 : vector<16xf32>
      %convert_element_type3A_1765 = arith.extui %ge3A_1764 : vector<16xi1> to vector<16xi32>
      %convert_element_type3A_1766 = arith.sitofp %convert_element_type3A_1765 : vector<16xi32> to vector<16xf32>
      %add3A_1767 = arith.addf %add3A_1682, %convert_element_type3A_1766 : vector<16xf32>
      %sub3A_1768 = arith.subf %sub3A_1763, %convert_element_type3A_1766 : vector<16xf32>
      %ge3A_1769 = arith.cmpf oge, %gather3A_1420, %gather3A_1468 : vector<16xf32>
      %convert_element_type3A_1770 = arith.extui %ge3A_1769 : vector<16xi1> to vector<16xi32>
      %convert_element_type3A_1771 = arith.sitofp %convert_element_type3A_1770 : vector<16xi32> to vector<16xf32>
      %add3A_1772 = arith.addf %add3A_1687, %convert_element_type3A_1771 : vector<16xf32>
      %sub3A_1773 = arith.subf %sub3A_1768, %convert_element_type3A_1771 : vector<16xf32>
      %ge3A_1774 = arith.cmpf oge, %gather3A_1420, %gather3A_1472 : vector<16xf32>
      %convert_element_type3A_1775 = arith.extui %ge3A_1774 : vector<16xi1> to vector<16xi32>
      %convert_element_type3A_1776 = arith.sitofp %convert_element_type3A_1775 : vector<16xi32> to vector<16xf32>
      %add3A_1777 = arith.addf %add3A_1692, %convert_element_type3A_1776 : vector<16xf32>
      %sub3A_1778 = arith.subf %sub3A_1773, %convert_element_type3A_1776 : vector<16xf32>
      %ge3A_1779 = arith.cmpf oge, %gather3A_1420, %gather3A_1476 : vector<16xf32>
      %convert_element_type3A_1780 = arith.extui %ge3A_1779 : vector<16xi1> to vector<16xi32>
      %convert_element_type3A_1781 = arith.sitofp %convert_element_type3A_1780 : vector<16xi32> to vector<16xf32>
      %add3A_1782 = arith.addf %add3A_1697, %convert_element_type3A_1781 : vector<16xf32>
      %sub3A_1783 = arith.subf %sub3A_1778, %convert_element_type3A_1781 : vector<16xf32>
      %ge3A_1784 = arith.cmpf oge, %gather3A_1420, %gather3A_1480 : vector<16xf32>
      %convert_element_type3A_1785 = arith.extui %ge3A_1784 : vector<16xi1> to vector<16xi32>
      %convert_element_type3A_1786 = arith.sitofp %convert_element_type3A_1785 : vector<16xi32> to vector<16xf32>
      %add3A_1787 = arith.addf %add3A_1702, %convert_element_type3A_1786 : vector<16xf32>
      %sub3A_1788 = arith.subf %sub3A_1783, %convert_element_type3A_1786 : vector<16xf32>
      %ge3A_1789 = arith.cmpf oge, %gather3A_1420, %gather3A_1484 : vector<16xf32>
      %convert_element_type3A_1790 = arith.extui %ge3A_1789 : vector<16xi1> to vector<16xi32>
      %convert_element_type3A_1791 = arith.sitofp %convert_element_type3A_1790 : vector<16xi32> to vector<16xf32>
      %add3A_1792 = arith.addf %add3A_1707, %convert_element_type3A_1791 : vector<16xf32>
      %sub3A_1793 = arith.subf %sub3A_1788, %convert_element_type3A_1791 : vector<16xf32>
      %ge3A_1794 = arith.cmpf oge, %gather3A_1420, %gather3A_1488 : vector<16xf32>
      %convert_element_type3A_1795 = arith.extui %ge3A_1794 : vector<16xi1> to vector<16xi32>
      %convert_element_type3A_1796 = arith.sitofp %convert_element_type3A_1795 : vector<16xi32> to vector<16xf32>
      %add3A_1797 = arith.addf %add3A_1712, %convert_element_type3A_1796 : vector<16xf32>
      %sub3A_1798 = arith.subf %sub3A_1793, %convert_element_type3A_1796 : vector<16xf32>
      %ge3A_1799 = arith.cmpf oge, %gather3A_1424, %gather3A_1428 : vector<16xf32>
      %convert_element_type3A_1800 = arith.extui %ge3A_1799 : vector<16xi1> to vector<16xi32>
      %convert_element_type3A_1801 = arith.sitofp %convert_element_type3A_1800 : vector<16xi32> to vector<16xf32>
      %add3A_1802 = arith.addf %add3A_1722, %convert_element_type3A_1801 : vector<16xf32>
      %sub3A_1803 = arith.subf %add3A_1717, %convert_element_type3A_1801 : vector<16xf32>
      %ge3A_1804 = arith.cmpf oge, %gather3A_1424, %gather3A_1432 : vector<16xf32>
      %convert_element_type3A_1805 = arith.extui %ge3A_1804 : vector<16xi1> to vector<16xi32>
      %convert_element_type3A_1806 = arith.sitofp %convert_element_type3A_1805 : vector<16xi32> to vector<16xf32>
      %add3A_1807 = arith.addf %add3A_1727, %convert_element_type3A_1806 : vector<16xf32>
      %sub3A_1808 = arith.subf %sub3A_1803, %convert_element_type3A_1806 : vector<16xf32>
      %ge3A_1809 = arith.cmpf oge, %gather3A_1424, %gather3A_1436 : vector<16xf32>
      %convert_element_type3A_1810 = arith.extui %ge3A_1809 : vector<16xi1> to vector<16xi32>
      %convert_element_type3A_1811 = arith.sitofp %convert_element_type3A_1810 : vector<16xi32> to vector<16xf32>
      %add3A_1812 = arith.addf %add3A_1732, %convert_element_type3A_1811 : vector<16xf32>
      %sub3A_1813 = arith.subf %sub3A_1808, %convert_element_type3A_1811 : vector<16xf32>
      %ge3A_1814 = arith.cmpf oge, %gather3A_1424, %gather3A_1440 : vector<16xf32>
      %convert_element_type3A_1815 = arith.extui %ge3A_1814 : vector<16xi1> to vector<16xi32>
      %convert_element_type3A_1816 = arith.sitofp %convert_element_type3A_1815 : vector<16xi32> to vector<16xf32>
      %add3A_1817 = arith.addf %add3A_1737, %convert_element_type3A_1816 : vector<16xf32>
      %sub3A_1818 = arith.subf %sub3A_1813, %convert_element_type3A_1816 : vector<16xf32>
      %ge3A_1819 = arith.cmpf oge, %gather3A_1424, %gather3A_1444 : vector<16xf32>
      %convert_element_type3A_1820 = arith.extui %ge3A_1819 : vector<16xi1> to vector<16xi32>
      %convert_element_type3A_1821 = arith.sitofp %convert_element_type3A_1820 : vector<16xi32> to vector<16xf32>
      %add3A_1822 = arith.addf %add3A_1742, %convert_element_type3A_1821 : vector<16xf32>
      %sub3A_1823 = arith.subf %sub3A_1818, %convert_element_type3A_1821 : vector<16xf32>
      %ge3A_1824 = arith.cmpf oge, %gather3A_1424, %gather3A_1448 : vector<16xf32>
      %convert_element_type3A_1825 = arith.extui %ge3A_1824 : vector<16xi1> to vector<16xi32>
      %convert_element_type3A_1826 = arith.sitofp %convert_element_type3A_1825 : vector<16xi32> to vector<16xf32>
      %add3A_1827 = arith.addf %add3A_1747, %convert_element_type3A_1826 : vector<16xf32>
      %sub3A_1828 = arith.subf %sub3A_1823, %convert_element_type3A_1826 : vector<16xf32>
      %ge3A_1829 = arith.cmpf oge, %gather3A_1424, %gather3A_1452 : vector<16xf32>
      %convert_element_type3A_1830 = arith.extui %ge3A_1829 : vector<16xi1> to vector<16xi32>
      %convert_element_type3A_1831 = arith.sitofp %convert_element_type3A_1830 : vector<16xi32> to vector<16xf32>
      %add3A_1832 = arith.addf %add3A_1752, %convert_element_type3A_1831 : vector<16xf32>
      %sub3A_1833 = arith.subf %sub3A_1828, %convert_element_type3A_1831 : vector<16xf32>
      %ge3A_1834 = arith.cmpf oge, %gather3A_1424, %gather3A_1456 : vector<16xf32>
      %convert_element_type3A_1835 = arith.extui %ge3A_1834 : vector<16xi1> to vector<16xi32>
      %convert_element_type3A_1836 = arith.sitofp %convert_element_type3A_1835 : vector<16xi32> to vector<16xf32>
      %add3A_1837 = arith.addf %add3A_1757, %convert_element_type3A_1836 : vector<16xf32>
      %sub3A_1838 = arith.subf %sub3A_1833, %convert_element_type3A_1836 : vector<16xf32>
      %ge3A_1839 = arith.cmpf oge, %gather3A_1424, %gather3A_1460 : vector<16xf32>
      %convert_element_type3A_1840 = arith.extui %ge3A_1839 : vector<16xi1> to vector<16xi32>
      %convert_element_type3A_1841 = arith.sitofp %convert_element_type3A_1840 : vector<16xi32> to vector<16xf32>
      %add3A_1842 = arith.addf %add3A_1762, %convert_element_type3A_1841 : vector<16xf32>
      %sub3A_1843 = arith.subf %sub3A_1838, %convert_element_type3A_1841 : vector<16xf32>
      %ge3A_1844 = arith.cmpf oge, %gather3A_1424, %gather3A_1464 : vector<16xf32>
      %convert_element_type3A_1845 = arith.extui %ge3A_1844 : vector<16xi1> to vector<16xi32>
      %convert_element_type3A_1846 = arith.sitofp %convert_element_type3A_1845 : vector<16xi32> to vector<16xf32>
      %add3A_1847 = arith.addf %add3A_1767, %convert_element_type3A_1846 : vector<16xf32>
      %sub3A_1848 = arith.subf %sub3A_1843, %convert_element_type3A_1846 : vector<16xf32>
      %ge3A_1849 = arith.cmpf oge, %gather3A_1424, %gather3A_1468 : vector<16xf32>
      %convert_element_type3A_1850 = arith.extui %ge3A_1849 : vector<16xi1> to vector<16xi32>
      %convert_element_type3A_1851 = arith.sitofp %convert_element_type3A_1850 : vector<16xi32> to vector<16xf32>
      %add3A_1852 = arith.addf %add3A_1772, %convert_element_type3A_1851 : vector<16xf32>
      %sub3A_1853 = arith.subf %sub3A_1848, %convert_element_type3A_1851 : vector<16xf32>
      %ge3A_1854 = arith.cmpf oge, %gather3A_1424, %gather3A_1472 : vector<16xf32>
      %convert_element_type3A_1855 = arith.extui %ge3A_1854 : vector<16xi1> to vector<16xi32>
      %convert_element_type3A_1856 = arith.sitofp %convert_element_type3A_1855 : vector<16xi32> to vector<16xf32>
      %add3A_1857 = arith.addf %add3A_1777, %convert_element_type3A_1856 : vector<16xf32>
      %sub3A_1858 = arith.subf %sub3A_1853, %convert_element_type3A_1856 : vector<16xf32>
      %ge3A_1859 = arith.cmpf oge, %gather3A_1424, %gather3A_1476 : vector<16xf32>
      %convert_element_type3A_1860 = arith.extui %ge3A_1859 : vector<16xi1> to vector<16xi32>
      %convert_element_type3A_1861 = arith.sitofp %convert_element_type3A_1860 : vector<16xi32> to vector<16xf32>
      %add3A_1862 = arith.addf %add3A_1782, %convert_element_type3A_1861 : vector<16xf32>
      %sub3A_1863 = arith.subf %sub3A_1858, %convert_element_type3A_1861 : vector<16xf32>
      %ge3A_1864 = arith.cmpf oge, %gather3A_1424, %gather3A_1480 : vector<16xf32>
      %convert_element_type3A_1865 = arith.extui %ge3A_1864 : vector<16xi1> to vector<16xi32>
      %convert_element_type3A_1866 = arith.sitofp %convert_element_type3A_1865 : vector<16xi32> to vector<16xf32>
      %add3A_1867 = arith.addf %add3A_1787, %convert_element_type3A_1866 : vector<16xf32>
      %sub3A_1868 = arith.subf %sub3A_1863, %convert_element_type3A_1866 : vector<16xf32>
      %ge3A_1869 = arith.cmpf oge, %gather3A_1424, %gather3A_1484 : vector<16xf32>
      %convert_element_type3A_1870 = arith.extui %ge3A_1869 : vector<16xi1> to vector<16xi32>
      %convert_element_type3A_1871 = arith.sitofp %convert_element_type3A_1870 : vector<16xi32> to vector<16xf32>
      %add3A_1872 = arith.addf %add3A_1792, %convert_element_type3A_1871 : vector<16xf32>
      %sub3A_1873 = arith.subf %sub3A_1868, %convert_element_type3A_1871 : vector<16xf32>
      %ge3A_1874 = arith.cmpf oge, %gather3A_1424, %gather3A_1488 : vector<16xf32>
      %convert_element_type3A_1875 = arith.extui %ge3A_1874 : vector<16xi1> to vector<16xi32>
      %convert_element_type3A_1876 = arith.sitofp %convert_element_type3A_1875 : vector<16xi32> to vector<16xf32>
      %add3A_1877 = arith.addf %add3A_1797, %convert_element_type3A_1876 : vector<16xf32>
      %sub3A_1878 = arith.subf %sub3A_1873, %convert_element_type3A_1876 : vector<16xf32>
      %ge3A_1879 = arith.cmpf oge, %gather3A_1428, %gather3A_1432 : vector<16xf32>
      %convert_element_type3A_1880 = arith.extui %ge3A_1879 : vector<16xi1> to vector<16xi32>
      %convert_element_type3A_1881 = arith.sitofp %convert_element_type3A_1880 : vector<16xi32> to vector<16xf32>
      %add3A_1882 = arith.addf %add3A_1807, %convert_element_type3A_1881 : vector<16xf32>
      %sub3A_1883 = arith.subf %add3A_1802, %convert_element_type3A_1881 : vector<16xf32>
      %ge3A_1884 = arith.cmpf oge, %gather3A_1428, %gather3A_1436 : vector<16xf32>
      %convert_element_type3A_1885 = arith.extui %ge3A_1884 : vector<16xi1> to vector<16xi32>
      %convert_element_type3A_1886 = arith.sitofp %convert_element_type3A_1885 : vector<16xi32> to vector<16xf32>
      %add3A_1887 = arith.addf %add3A_1812, %convert_element_type3A_1886 : vector<16xf32>
      %sub3A_1888 = arith.subf %sub3A_1883, %convert_element_type3A_1886 : vector<16xf32>
      %ge3A_1889 = arith.cmpf oge, %gather3A_1428, %gather3A_1440 : vector<16xf32>
      %convert_element_type3A_1890 = arith.extui %ge3A_1889 : vector<16xi1> to vector<16xi32>
      %convert_element_type3A_1891 = arith.sitofp %convert_element_type3A_1890 : vector<16xi32> to vector<16xf32>
      %add3A_1892 = arith.addf %add3A_1817, %convert_element_type3A_1891 : vector<16xf32>
      %sub3A_1893 = arith.subf %sub3A_1888, %convert_element_type3A_1891 : vector<16xf32>
      %ge3A_1894 = arith.cmpf oge, %gather3A_1428, %gather3A_1444 : vector<16xf32>
      %convert_element_type3A_1895 = arith.extui %ge3A_1894 : vector<16xi1> to vector<16xi32>
      %convert_element_type3A_1896 = arith.sitofp %convert_element_type3A_1895 : vector<16xi32> to vector<16xf32>
      %add3A_1897 = arith.addf %add3A_1822, %convert_element_type3A_1896 : vector<16xf32>
      %sub3A_1898 = arith.subf %sub3A_1893, %convert_element_type3A_1896 : vector<16xf32>
      %ge3A_1899 = arith.cmpf oge, %gather3A_1428, %gather3A_1448 : vector<16xf32>
      %convert_element_type3A_1900 = arith.extui %ge3A_1899 : vector<16xi1> to vector<16xi32>
      %convert_element_type3A_1901 = arith.sitofp %convert_element_type3A_1900 : vector<16xi32> to vector<16xf32>
      %add3A_1902 = arith.addf %add3A_1827, %convert_element_type3A_1901 : vector<16xf32>
      %sub3A_1903 = arith.subf %sub3A_1898, %convert_element_type3A_1901 : vector<16xf32>
      %ge3A_1904 = arith.cmpf oge, %gather3A_1428, %gather3A_1452 : vector<16xf32>
      %convert_element_type3A_1905 = arith.extui %ge3A_1904 : vector<16xi1> to vector<16xi32>
      %convert_element_type3A_1906 = arith.sitofp %convert_element_type3A_1905 : vector<16xi32> to vector<16xf32>
      %add3A_1907 = arith.addf %add3A_1832, %convert_element_type3A_1906 : vector<16xf32>
      %sub3A_1908 = arith.subf %sub3A_1903, %convert_element_type3A_1906 : vector<16xf32>
      %ge3A_1909 = arith.cmpf oge, %gather3A_1428, %gather3A_1456 : vector<16xf32>
      %convert_element_type3A_1910 = arith.extui %ge3A_1909 : vector<16xi1> to vector<16xi32>
      %convert_element_type3A_1911 = arith.sitofp %convert_element_type3A_1910 : vector<16xi32> to vector<16xf32>
      %add3A_1912 = arith.addf %add3A_1837, %convert_element_type3A_1911 : vector<16xf32>
      %sub3A_1913 = arith.subf %sub3A_1908, %convert_element_type3A_1911 : vector<16xf32>
      %ge3A_1914 = arith.cmpf oge, %gather3A_1428, %gather3A_1460 : vector<16xf32>
      %convert_element_type3A_1915 = arith.extui %ge3A_1914 : vector<16xi1> to vector<16xi32>
      %convert_element_type3A_1916 = arith.sitofp %convert_element_type3A_1915 : vector<16xi32> to vector<16xf32>
      %add3A_1917 = arith.addf %add3A_1842, %convert_element_type3A_1916 : vector<16xf32>
      %sub3A_1918 = arith.subf %sub3A_1913, %convert_element_type3A_1916 : vector<16xf32>
      %ge3A_1919 = arith.cmpf oge, %gather3A_1428, %gather3A_1464 : vector<16xf32>
      %convert_element_type3A_1920 = arith.extui %ge3A_1919 : vector<16xi1> to vector<16xi32>
      %convert_element_type3A_1921 = arith.sitofp %convert_element_type3A_1920 : vector<16xi32> to vector<16xf32>
      %add3A_1922 = arith.addf %add3A_1847, %convert_element_type3A_1921 : vector<16xf32>
      %sub3A_1923 = arith.subf %sub3A_1918, %convert_element_type3A_1921 : vector<16xf32>
      %ge3A_1924 = arith.cmpf oge, %gather3A_1428, %gather3A_1468 : vector<16xf32>
      %convert_element_type3A_1925 = arith.extui %ge3A_1924 : vector<16xi1> to vector<16xi32>
      %convert_element_type3A_1926 = arith.sitofp %convert_element_type3A_1925 : vector<16xi32> to vector<16xf32>
      %add3A_1927 = arith.addf %add3A_1852, %convert_element_type3A_1926 : vector<16xf32>
      %sub3A_1928 = arith.subf %sub3A_1923, %convert_element_type3A_1926 : vector<16xf32>
      %ge3A_1929 = arith.cmpf oge, %gather3A_1428, %gather3A_1472 : vector<16xf32>
      %convert_element_type3A_1930 = arith.extui %ge3A_1929 : vector<16xi1> to vector<16xi32>
      %convert_element_type3A_1931 = arith.sitofp %convert_element_type3A_1930 : vector<16xi32> to vector<16xf32>
      %add3A_1932 = arith.addf %add3A_1857, %convert_element_type3A_1931 : vector<16xf32>
      %sub3A_1933 = arith.subf %sub3A_1928, %convert_element_type3A_1931 : vector<16xf32>
      %ge3A_1934 = arith.cmpf oge, %gather3A_1428, %gather3A_1476 : vector<16xf32>
      %convert_element_type3A_1935 = arith.extui %ge3A_1934 : vector<16xi1> to vector<16xi32>
      %convert_element_type3A_1936 = arith.sitofp %convert_element_type3A_1935 : vector<16xi32> to vector<16xf32>
      %add3A_1937 = arith.addf %add3A_1862, %convert_element_type3A_1936 : vector<16xf32>
      %sub3A_1938 = arith.subf %sub3A_1933, %convert_element_type3A_1936 : vector<16xf32>
      %ge3A_1939 = arith.cmpf oge, %gather3A_1428, %gather3A_1480 : vector<16xf32>
      %convert_element_type3A_1940 = arith.extui %ge3A_1939 : vector<16xi1> to vector<16xi32>
      %convert_element_type3A_1941 = arith.sitofp %convert_element_type3A_1940 : vector<16xi32> to vector<16xf32>
      %add3A_1942 = arith.addf %add3A_1867, %convert_element_type3A_1941 : vector<16xf32>
      %sub3A_1943 = arith.subf %sub3A_1938, %convert_element_type3A_1941 : vector<16xf32>
      %ge3A_1944 = arith.cmpf oge, %gather3A_1428, %gather3A_1484 : vector<16xf32>
      %convert_element_type3A_1945 = arith.extui %ge3A_1944 : vector<16xi1> to vector<16xi32>
      %convert_element_type3A_1946 = arith.sitofp %convert_element_type3A_1945 : vector<16xi32> to vector<16xf32>
      %add3A_1947 = arith.addf %add3A_1872, %convert_element_type3A_1946 : vector<16xf32>
      %sub3A_1948 = arith.subf %sub3A_1943, %convert_element_type3A_1946 : vector<16xf32>
      %ge3A_1949 = arith.cmpf oge, %gather3A_1428, %gather3A_1488 : vector<16xf32>
      %convert_element_type3A_1950 = arith.extui %ge3A_1949 : vector<16xi1> to vector<16xi32>
      %convert_element_type3A_1951 = arith.sitofp %convert_element_type3A_1950 : vector<16xi32> to vector<16xf32>
      %add3A_1952 = arith.addf %add3A_1877, %convert_element_type3A_1951 : vector<16xf32>
      %sub3A_1953 = arith.subf %sub3A_1948, %convert_element_type3A_1951 : vector<16xf32>
      %ge3A_1954 = arith.cmpf oge, %gather3A_1432, %gather3A_1436 : vector<16xf32>
      %convert_element_type3A_1955 = arith.extui %ge3A_1954 : vector<16xi1> to vector<16xi32>
      %convert_element_type3A_1956 = arith.sitofp %convert_element_type3A_1955 : vector<16xi32> to vector<16xf32>
      %add3A_1957 = arith.addf %add3A_1887, %convert_element_type3A_1956 : vector<16xf32>
      %sub3A_1958 = arith.subf %add3A_1882, %convert_element_type3A_1956 : vector<16xf32>
      %ge3A_1959 = arith.cmpf oge, %gather3A_1432, %gather3A_1440 : vector<16xf32>
      %convert_element_type3A_1960 = arith.extui %ge3A_1959 : vector<16xi1> to vector<16xi32>
      %convert_element_type3A_1961 = arith.sitofp %convert_element_type3A_1960 : vector<16xi32> to vector<16xf32>
      %add3A_1962 = arith.addf %add3A_1892, %convert_element_type3A_1961 : vector<16xf32>
      %sub3A_1963 = arith.subf %sub3A_1958, %convert_element_type3A_1961 : vector<16xf32>
      %ge3A_1964 = arith.cmpf oge, %gather3A_1432, %gather3A_1444 : vector<16xf32>
      %convert_element_type3A_1965 = arith.extui %ge3A_1964 : vector<16xi1> to vector<16xi32>
      %convert_element_type3A_1966 = arith.sitofp %convert_element_type3A_1965 : vector<16xi32> to vector<16xf32>
      %add3A_1967 = arith.addf %add3A_1897, %convert_element_type3A_1966 : vector<16xf32>
      %sub3A_1968 = arith.subf %sub3A_1963, %convert_element_type3A_1966 : vector<16xf32>
      %ge3A_1969 = arith.cmpf oge, %gather3A_1432, %gather3A_1448 : vector<16xf32>
      %convert_element_type3A_1970 = arith.extui %ge3A_1969 : vector<16xi1> to vector<16xi32>
      %convert_element_type3A_1971 = arith.sitofp %convert_element_type3A_1970 : vector<16xi32> to vector<16xf32>
      %add3A_1972 = arith.addf %add3A_1902, %convert_element_type3A_1971 : vector<16xf32>
      %sub3A_1973 = arith.subf %sub3A_1968, %convert_element_type3A_1971 : vector<16xf32>
      %ge3A_1974 = arith.cmpf oge, %gather3A_1432, %gather3A_1452 : vector<16xf32>
      %convert_element_type3A_1975 = arith.extui %ge3A_1974 : vector<16xi1> to vector<16xi32>
      %convert_element_type3A_1976 = arith.sitofp %convert_element_type3A_1975 : vector<16xi32> to vector<16xf32>
      %add3A_1977 = arith.addf %add3A_1907, %convert_element_type3A_1976 : vector<16xf32>
      %sub3A_1978 = arith.subf %sub3A_1973, %convert_element_type3A_1976 : vector<16xf32>
      %ge3A_1979 = arith.cmpf oge, %gather3A_1432, %gather3A_1456 : vector<16xf32>
      %convert_element_type3A_1980 = arith.extui %ge3A_1979 : vector<16xi1> to vector<16xi32>
      %convert_element_type3A_1981 = arith.sitofp %convert_element_type3A_1980 : vector<16xi32> to vector<16xf32>
      %add3A_1982 = arith.addf %add3A_1912, %convert_element_type3A_1981 : vector<16xf32>
      %sub3A_1983 = arith.subf %sub3A_1978, %convert_element_type3A_1981 : vector<16xf32>
      %ge3A_1984 = arith.cmpf oge, %gather3A_1432, %gather3A_1460 : vector<16xf32>
      %convert_element_type3A_1985 = arith.extui %ge3A_1984 : vector<16xi1> to vector<16xi32>
      %convert_element_type3A_1986 = arith.sitofp %convert_element_type3A_1985 : vector<16xi32> to vector<16xf32>
      %add3A_1987 = arith.addf %add3A_1917, %convert_element_type3A_1986 : vector<16xf32>
      %sub3A_1988 = arith.subf %sub3A_1983, %convert_element_type3A_1986 : vector<16xf32>
      %ge3A_1989 = arith.cmpf oge, %gather3A_1432, %gather3A_1464 : vector<16xf32>
      %convert_element_type3A_1990 = arith.extui %ge3A_1989 : vector<16xi1> to vector<16xi32>
      %convert_element_type3A_1991 = arith.sitofp %convert_element_type3A_1990 : vector<16xi32> to vector<16xf32>
      %add3A_1992 = arith.addf %add3A_1922, %convert_element_type3A_1991 : vector<16xf32>
      %sub3A_1993 = arith.subf %sub3A_1988, %convert_element_type3A_1991 : vector<16xf32>
      %ge3A_1994 = arith.cmpf oge, %gather3A_1432, %gather3A_1468 : vector<16xf32>
      %convert_element_type3A_1995 = arith.extui %ge3A_1994 : vector<16xi1> to vector<16xi32>
      %convert_element_type3A_1996 = arith.sitofp %convert_element_type3A_1995 : vector<16xi32> to vector<16xf32>
      %add3A_1997 = arith.addf %add3A_1927, %convert_element_type3A_1996 : vector<16xf32>
      %sub3A_1998 = arith.subf %sub3A_1993, %convert_element_type3A_1996 : vector<16xf32>
      %ge3A_1999 = arith.cmpf oge, %gather3A_1432, %gather3A_1472 : vector<16xf32>
      %convert_element_type3A_2000 = arith.extui %ge3A_1999 : vector<16xi1> to vector<16xi32>
      %convert_element_type3A_2001 = arith.sitofp %convert_element_type3A_2000 : vector<16xi32> to vector<16xf32>
      %add3A_2002 = arith.addf %add3A_1932, %convert_element_type3A_2001 : vector<16xf32>
      %sub3A_2003 = arith.subf %sub3A_1998, %convert_element_type3A_2001 : vector<16xf32>
      %ge3A_2004 = arith.cmpf oge, %gather3A_1432, %gather3A_1476 : vector<16xf32>
      %convert_element_type3A_2005 = arith.extui %ge3A_2004 : vector<16xi1> to vector<16xi32>
      %convert_element_type3A_2006 = arith.sitofp %convert_element_type3A_2005 : vector<16xi32> to vector<16xf32>
      %add3A_2007 = arith.addf %add3A_1937, %convert_element_type3A_2006 : vector<16xf32>
      %sub3A_2008 = arith.subf %sub3A_2003, %convert_element_type3A_2006 : vector<16xf32>
      %ge3A_2009 = arith.cmpf oge, %gather3A_1432, %gather3A_1480 : vector<16xf32>
      %convert_element_type3A_2010 = arith.extui %ge3A_2009 : vector<16xi1> to vector<16xi32>
      %convert_element_type3A_2011 = arith.sitofp %convert_element_type3A_2010 : vector<16xi32> to vector<16xf32>
      %add3A_2012 = arith.addf %add3A_1942, %convert_element_type3A_2011 : vector<16xf32>
      %sub3A_2013 = arith.subf %sub3A_2008, %convert_element_type3A_2011 : vector<16xf32>
      %ge3A_2014 = arith.cmpf oge, %gather3A_1432, %gather3A_1484 : vector<16xf32>
      %convert_element_type3A_2015 = arith.extui %ge3A_2014 : vector<16xi1> to vector<16xi32>
      %convert_element_type3A_2016 = arith.sitofp %convert_element_type3A_2015 : vector<16xi32> to vector<16xf32>
      %add3A_2017 = arith.addf %add3A_1947, %convert_element_type3A_2016 : vector<16xf32>
      %sub3A_2018 = arith.subf %sub3A_2013, %convert_element_type3A_2016 : vector<16xf32>
      %ge3A_2019 = arith.cmpf oge, %gather3A_1432, %gather3A_1488 : vector<16xf32>
      %convert_element_type3A_2020 = arith.extui %ge3A_2019 : vector<16xi1> to vector<16xi32>
      %convert_element_type3A_2021 = arith.sitofp %convert_element_type3A_2020 : vector<16xi32> to vector<16xf32>
      %add3A_2022 = arith.addf %add3A_1952, %convert_element_type3A_2021 : vector<16xf32>
      %sub3A_2023 = arith.subf %sub3A_2018, %convert_element_type3A_2021 : vector<16xf32>
      %ge3A_2024 = arith.cmpf oge, %gather3A_1436, %gather3A_1440 : vector<16xf32>
      %convert_element_type3A_2025 = arith.extui %ge3A_2024 : vector<16xi1> to vector<16xi32>
      %convert_element_type3A_2026 = arith.sitofp %convert_element_type3A_2025 : vector<16xi32> to vector<16xf32>
      %add3A_2027 = arith.addf %add3A_1962, %convert_element_type3A_2026 : vector<16xf32>
      %sub3A_2028 = arith.subf %add3A_1957, %convert_element_type3A_2026 : vector<16xf32>
      %ge3A_2029 = arith.cmpf oge, %gather3A_1436, %gather3A_1444 : vector<16xf32>
      %convert_element_type3A_2030 = arith.extui %ge3A_2029 : vector<16xi1> to vector<16xi32>
      %convert_element_type3A_2031 = arith.sitofp %convert_element_type3A_2030 : vector<16xi32> to vector<16xf32>
      %add3A_2032 = arith.addf %add3A_1967, %convert_element_type3A_2031 : vector<16xf32>
      %sub3A_2033 = arith.subf %sub3A_2028, %convert_element_type3A_2031 : vector<16xf32>
      %ge3A_2034 = arith.cmpf oge, %gather3A_1436, %gather3A_1448 : vector<16xf32>
      %convert_element_type3A_2035 = arith.extui %ge3A_2034 : vector<16xi1> to vector<16xi32>
      %convert_element_type3A_2036 = arith.sitofp %convert_element_type3A_2035 : vector<16xi32> to vector<16xf32>
      %add3A_2037 = arith.addf %add3A_1972, %convert_element_type3A_2036 : vector<16xf32>
      %sub3A_2038 = arith.subf %sub3A_2033, %convert_element_type3A_2036 : vector<16xf32>
      %ge3A_2039 = arith.cmpf oge, %gather3A_1436, %gather3A_1452 : vector<16xf32>
      %convert_element_type3A_2040 = arith.extui %ge3A_2039 : vector<16xi1> to vector<16xi32>
      %convert_element_type3A_2041 = arith.sitofp %convert_element_type3A_2040 : vector<16xi32> to vector<16xf32>
      %add3A_2042 = arith.addf %add3A_1977, %convert_element_type3A_2041 : vector<16xf32>
      %sub3A_2043 = arith.subf %sub3A_2038, %convert_element_type3A_2041 : vector<16xf32>
      %ge3A_2044 = arith.cmpf oge, %gather3A_1436, %gather3A_1456 : vector<16xf32>
      %convert_element_type3A_2045 = arith.extui %ge3A_2044 : vector<16xi1> to vector<16xi32>
      %convert_element_type3A_2046 = arith.sitofp %convert_element_type3A_2045 : vector<16xi32> to vector<16xf32>
      %add3A_2047 = arith.addf %add3A_1982, %convert_element_type3A_2046 : vector<16xf32>
      %sub3A_2048 = arith.subf %sub3A_2043, %convert_element_type3A_2046 : vector<16xf32>
      %ge3A_2049 = arith.cmpf oge, %gather3A_1436, %gather3A_1460 : vector<16xf32>
      %convert_element_type3A_2050 = arith.extui %ge3A_2049 : vector<16xi1> to vector<16xi32>
      %convert_element_type3A_2051 = arith.sitofp %convert_element_type3A_2050 : vector<16xi32> to vector<16xf32>
      %add3A_2052 = arith.addf %add3A_1987, %convert_element_type3A_2051 : vector<16xf32>
      %sub3A_2053 = arith.subf %sub3A_2048, %convert_element_type3A_2051 : vector<16xf32>
      %ge3A_2054 = arith.cmpf oge, %gather3A_1436, %gather3A_1464 : vector<16xf32>
      %convert_element_type3A_2055 = arith.extui %ge3A_2054 : vector<16xi1> to vector<16xi32>
      %convert_element_type3A_2056 = arith.sitofp %convert_element_type3A_2055 : vector<16xi32> to vector<16xf32>
      %add3A_2057 = arith.addf %add3A_1992, %convert_element_type3A_2056 : vector<16xf32>
      %sub3A_2058 = arith.subf %sub3A_2053, %convert_element_type3A_2056 : vector<16xf32>
      %ge3A_2059 = arith.cmpf oge, %gather3A_1436, %gather3A_1468 : vector<16xf32>
      %convert_element_type3A_2060 = arith.extui %ge3A_2059 : vector<16xi1> to vector<16xi32>
      %convert_element_type3A_2061 = arith.sitofp %convert_element_type3A_2060 : vector<16xi32> to vector<16xf32>
      %add3A_2062 = arith.addf %add3A_1997, %convert_element_type3A_2061 : vector<16xf32>
      %sub3A_2063 = arith.subf %sub3A_2058, %convert_element_type3A_2061 : vector<16xf32>
      %ge3A_2064 = arith.cmpf oge, %gather3A_1436, %gather3A_1472 : vector<16xf32>
      %convert_element_type3A_2065 = arith.extui %ge3A_2064 : vector<16xi1> to vector<16xi32>
      %convert_element_type3A_2066 = arith.sitofp %convert_element_type3A_2065 : vector<16xi32> to vector<16xf32>
      %add3A_2067 = arith.addf %add3A_2002, %convert_element_type3A_2066 : vector<16xf32>
      %sub3A_2068 = arith.subf %sub3A_2063, %convert_element_type3A_2066 : vector<16xf32>
      %ge3A_2069 = arith.cmpf oge, %gather3A_1436, %gather3A_1476 : vector<16xf32>
      %convert_element_type3A_2070 = arith.extui %ge3A_2069 : vector<16xi1> to vector<16xi32>
      %convert_element_type3A_2071 = arith.sitofp %convert_element_type3A_2070 : vector<16xi32> to vector<16xf32>
      %add3A_2072 = arith.addf %add3A_2007, %convert_element_type3A_2071 : vector<16xf32>
      %sub3A_2073 = arith.subf %sub3A_2068, %convert_element_type3A_2071 : vector<16xf32>
      %ge3A_2074 = arith.cmpf oge, %gather3A_1436, %gather3A_1480 : vector<16xf32>
      %convert_element_type3A_2075 = arith.extui %ge3A_2074 : vector<16xi1> to vector<16xi32>
      %convert_element_type3A_2076 = arith.sitofp %convert_element_type3A_2075 : vector<16xi32> to vector<16xf32>
      %add3A_2077 = arith.addf %add3A_2012, %convert_element_type3A_2076 : vector<16xf32>
      %sub3A_2078 = arith.subf %sub3A_2073, %convert_element_type3A_2076 : vector<16xf32>
      %ge3A_2079 = arith.cmpf oge, %gather3A_1436, %gather3A_1484 : vector<16xf32>
      %convert_element_type3A_2080 = arith.extui %ge3A_2079 : vector<16xi1> to vector<16xi32>
      %convert_element_type3A_2081 = arith.sitofp %convert_element_type3A_2080 : vector<16xi32> to vector<16xf32>
      %add3A_2082 = arith.addf %add3A_2017, %convert_element_type3A_2081 : vector<16xf32>
      %sub3A_2083 = arith.subf %sub3A_2078, %convert_element_type3A_2081 : vector<16xf32>
      %ge3A_2084 = arith.cmpf oge, %gather3A_1436, %gather3A_1488 : vector<16xf32>
      %convert_element_type3A_2085 = arith.extui %ge3A_2084 : vector<16xi1> to vector<16xi32>
      %convert_element_type3A_2086 = arith.sitofp %convert_element_type3A_2085 : vector<16xi32> to vector<16xf32>
      %add3A_2087 = arith.addf %add3A_2022, %convert_element_type3A_2086 : vector<16xf32>
      %sub3A_2088 = arith.subf %sub3A_2083, %convert_element_type3A_2086 : vector<16xf32>
      %ge3A_2089 = arith.cmpf oge, %gather3A_1440, %gather3A_1444 : vector<16xf32>
      %convert_element_type3A_2090 = arith.extui %ge3A_2089 : vector<16xi1> to vector<16xi32>
      %convert_element_type3A_2091 = arith.sitofp %convert_element_type3A_2090 : vector<16xi32> to vector<16xf32>
      %add3A_2092 = arith.addf %add3A_2032, %convert_element_type3A_2091 : vector<16xf32>
      %sub3A_2093 = arith.subf %add3A_2027, %convert_element_type3A_2091 : vector<16xf32>
      %ge3A_2094 = arith.cmpf oge, %gather3A_1440, %gather3A_1448 : vector<16xf32>
      %convert_element_type3A_2095 = arith.extui %ge3A_2094 : vector<16xi1> to vector<16xi32>
      %convert_element_type3A_2096 = arith.sitofp %convert_element_type3A_2095 : vector<16xi32> to vector<16xf32>
      %add3A_2097 = arith.addf %add3A_2037, %convert_element_type3A_2096 : vector<16xf32>
      %sub3A_2098 = arith.subf %sub3A_2093, %convert_element_type3A_2096 : vector<16xf32>
      %ge3A_2099 = arith.cmpf oge, %gather3A_1440, %gather3A_1452 : vector<16xf32>
      %convert_element_type3A_2100 = arith.extui %ge3A_2099 : vector<16xi1> to vector<16xi32>
      %convert_element_type3A_2101 = arith.sitofp %convert_element_type3A_2100 : vector<16xi32> to vector<16xf32>
      %add3A_2102 = arith.addf %add3A_2042, %convert_element_type3A_2101 : vector<16xf32>
      %sub3A_2103 = arith.subf %sub3A_2098, %convert_element_type3A_2101 : vector<16xf32>
      %ge3A_2104 = arith.cmpf oge, %gather3A_1440, %gather3A_1456 : vector<16xf32>
      %convert_element_type3A_2105 = arith.extui %ge3A_2104 : vector<16xi1> to vector<16xi32>
      %convert_element_type3A_2106 = arith.sitofp %convert_element_type3A_2105 : vector<16xi32> to vector<16xf32>
      %add3A_2107 = arith.addf %add3A_2047, %convert_element_type3A_2106 : vector<16xf32>
      %sub3A_2108 = arith.subf %sub3A_2103, %convert_element_type3A_2106 : vector<16xf32>
      %ge3A_2109 = arith.cmpf oge, %gather3A_1440, %gather3A_1460 : vector<16xf32>
      %convert_element_type3A_2110 = arith.extui %ge3A_2109 : vector<16xi1> to vector<16xi32>
      %convert_element_type3A_2111 = arith.sitofp %convert_element_type3A_2110 : vector<16xi32> to vector<16xf32>
      %add3A_2112 = arith.addf %add3A_2052, %convert_element_type3A_2111 : vector<16xf32>
      %sub3A_2113 = arith.subf %sub3A_2108, %convert_element_type3A_2111 : vector<16xf32>
      %ge3A_2114 = arith.cmpf oge, %gather3A_1440, %gather3A_1464 : vector<16xf32>
      %convert_element_type3A_2115 = arith.extui %ge3A_2114 : vector<16xi1> to vector<16xi32>
      %convert_element_type3A_2116 = arith.sitofp %convert_element_type3A_2115 : vector<16xi32> to vector<16xf32>
      %add3A_2117 = arith.addf %add3A_2057, %convert_element_type3A_2116 : vector<16xf32>
      %sub3A_2118 = arith.subf %sub3A_2113, %convert_element_type3A_2116 : vector<16xf32>
      %ge3A_2119 = arith.cmpf oge, %gather3A_1440, %gather3A_1468 : vector<16xf32>
      %convert_element_type3A_2120 = arith.extui %ge3A_2119 : vector<16xi1> to vector<16xi32>
      %convert_element_type3A_2121 = arith.sitofp %convert_element_type3A_2120 : vector<16xi32> to vector<16xf32>
      %add3A_2122 = arith.addf %add3A_2062, %convert_element_type3A_2121 : vector<16xf32>
      %sub3A_2123 = arith.subf %sub3A_2118, %convert_element_type3A_2121 : vector<16xf32>
      %ge3A_2124 = arith.cmpf oge, %gather3A_1440, %gather3A_1472 : vector<16xf32>
      %convert_element_type3A_2125 = arith.extui %ge3A_2124 : vector<16xi1> to vector<16xi32>
      %convert_element_type3A_2126 = arith.sitofp %convert_element_type3A_2125 : vector<16xi32> to vector<16xf32>
      %add3A_2127 = arith.addf %add3A_2067, %convert_element_type3A_2126 : vector<16xf32>
      %sub3A_2128 = arith.subf %sub3A_2123, %convert_element_type3A_2126 : vector<16xf32>
      %ge3A_2129 = arith.cmpf oge, %gather3A_1440, %gather3A_1476 : vector<16xf32>
      %convert_element_type3A_2130 = arith.extui %ge3A_2129 : vector<16xi1> to vector<16xi32>
      %convert_element_type3A_2131 = arith.sitofp %convert_element_type3A_2130 : vector<16xi32> to vector<16xf32>
      %add3A_2132 = arith.addf %add3A_2072, %convert_element_type3A_2131 : vector<16xf32>
      %sub3A_2133 = arith.subf %sub3A_2128, %convert_element_type3A_2131 : vector<16xf32>
      %ge3A_2134 = arith.cmpf oge, %gather3A_1440, %gather3A_1480 : vector<16xf32>
      %convert_element_type3A_2135 = arith.extui %ge3A_2134 : vector<16xi1> to vector<16xi32>
      %convert_element_type3A_2136 = arith.sitofp %convert_element_type3A_2135 : vector<16xi32> to vector<16xf32>
      %add3A_2137 = arith.addf %add3A_2077, %convert_element_type3A_2136 : vector<16xf32>
      %sub3A_2138 = arith.subf %sub3A_2133, %convert_element_type3A_2136 : vector<16xf32>
      %ge3A_2139 = arith.cmpf oge, %gather3A_1440, %gather3A_1484 : vector<16xf32>
      %convert_element_type3A_2140 = arith.extui %ge3A_2139 : vector<16xi1> to vector<16xi32>
      %convert_element_type3A_2141 = arith.sitofp %convert_element_type3A_2140 : vector<16xi32> to vector<16xf32>
      %add3A_2142 = arith.addf %add3A_2082, %convert_element_type3A_2141 : vector<16xf32>
      %sub3A_2143 = arith.subf %sub3A_2138, %convert_element_type3A_2141 : vector<16xf32>
      %ge3A_2144 = arith.cmpf oge, %gather3A_1440, %gather3A_1488 : vector<16xf32>
      %convert_element_type3A_2145 = arith.extui %ge3A_2144 : vector<16xi1> to vector<16xi32>
      %convert_element_type3A_2146 = arith.sitofp %convert_element_type3A_2145 : vector<16xi32> to vector<16xf32>
      %add3A_2147 = arith.addf %add3A_2087, %convert_element_type3A_2146 : vector<16xf32>
      %sub3A_2148 = arith.subf %sub3A_2143, %convert_element_type3A_2146 : vector<16xf32>
      %ge3A_2149 = arith.cmpf oge, %gather3A_1444, %gather3A_1448 : vector<16xf32>
      %convert_element_type3A_2150 = arith.extui %ge3A_2149 : vector<16xi1> to vector<16xi32>
      %convert_element_type3A_2151 = arith.sitofp %convert_element_type3A_2150 : vector<16xi32> to vector<16xf32>
      %add3A_2152 = arith.addf %add3A_2097, %convert_element_type3A_2151 : vector<16xf32>
      %sub3A_2153 = arith.subf %add3A_2092, %convert_element_type3A_2151 : vector<16xf32>
      %ge3A_2154 = arith.cmpf oge, %gather3A_1444, %gather3A_1452 : vector<16xf32>
      %convert_element_type3A_2155 = arith.extui %ge3A_2154 : vector<16xi1> to vector<16xi32>
      %convert_element_type3A_2156 = arith.sitofp %convert_element_type3A_2155 : vector<16xi32> to vector<16xf32>
      %add3A_2157 = arith.addf %add3A_2102, %convert_element_type3A_2156 : vector<16xf32>
      %sub3A_2158 = arith.subf %sub3A_2153, %convert_element_type3A_2156 : vector<16xf32>
      %ge3A_2159 = arith.cmpf oge, %gather3A_1444, %gather3A_1456 : vector<16xf32>
      %convert_element_type3A_2160 = arith.extui %ge3A_2159 : vector<16xi1> to vector<16xi32>
      %convert_element_type3A_2161 = arith.sitofp %convert_element_type3A_2160 : vector<16xi32> to vector<16xf32>
      %add3A_2162 = arith.addf %add3A_2107, %convert_element_type3A_2161 : vector<16xf32>
      %sub3A_2163 = arith.subf %sub3A_2158, %convert_element_type3A_2161 : vector<16xf32>
      %ge3A_2164 = arith.cmpf oge, %gather3A_1444, %gather3A_1460 : vector<16xf32>
      %convert_element_type3A_2165 = arith.extui %ge3A_2164 : vector<16xi1> to vector<16xi32>
      %convert_element_type3A_2166 = arith.sitofp %convert_element_type3A_2165 : vector<16xi32> to vector<16xf32>
      %add3A_2167 = arith.addf %add3A_2112, %convert_element_type3A_2166 : vector<16xf32>
      %sub3A_2168 = arith.subf %sub3A_2163, %convert_element_type3A_2166 : vector<16xf32>
      %ge3A_2169 = arith.cmpf oge, %gather3A_1444, %gather3A_1464 : vector<16xf32>
      %convert_element_type3A_2170 = arith.extui %ge3A_2169 : vector<16xi1> to vector<16xi32>
      %convert_element_type3A_2171 = arith.sitofp %convert_element_type3A_2170 : vector<16xi32> to vector<16xf32>
      %add3A_2172 = arith.addf %add3A_2117, %convert_element_type3A_2171 : vector<16xf32>
      %sub3A_2173 = arith.subf %sub3A_2168, %convert_element_type3A_2171 : vector<16xf32>
      %ge3A_2174 = arith.cmpf oge, %gather3A_1444, %gather3A_1468 : vector<16xf32>
      %convert_element_type3A_2175 = arith.extui %ge3A_2174 : vector<16xi1> to vector<16xi32>
      %convert_element_type3A_2176 = arith.sitofp %convert_element_type3A_2175 : vector<16xi32> to vector<16xf32>
      %add3A_2177 = arith.addf %add3A_2122, %convert_element_type3A_2176 : vector<16xf32>
      %sub3A_2178 = arith.subf %sub3A_2173, %convert_element_type3A_2176 : vector<16xf32>
      %ge3A_2179 = arith.cmpf oge, %gather3A_1444, %gather3A_1472 : vector<16xf32>
      %convert_element_type3A_2180 = arith.extui %ge3A_2179 : vector<16xi1> to vector<16xi32>
      %convert_element_type3A_2181 = arith.sitofp %convert_element_type3A_2180 : vector<16xi32> to vector<16xf32>
      %add3A_2182 = arith.addf %add3A_2127, %convert_element_type3A_2181 : vector<16xf32>
      %sub3A_2183 = arith.subf %sub3A_2178, %convert_element_type3A_2181 : vector<16xf32>
      %ge3A_2184 = arith.cmpf oge, %gather3A_1444, %gather3A_1476 : vector<16xf32>
      %convert_element_type3A_2185 = arith.extui %ge3A_2184 : vector<16xi1> to vector<16xi32>
      %convert_element_type3A_2186 = arith.sitofp %convert_element_type3A_2185 : vector<16xi32> to vector<16xf32>
      %add3A_2187 = arith.addf %add3A_2132, %convert_element_type3A_2186 : vector<16xf32>
      %sub3A_2188 = arith.subf %sub3A_2183, %convert_element_type3A_2186 : vector<16xf32>
      %ge3A_2189 = arith.cmpf oge, %gather3A_1444, %gather3A_1480 : vector<16xf32>
      %convert_element_type3A_2190 = arith.extui %ge3A_2189 : vector<16xi1> to vector<16xi32>
      %convert_element_type3A_2191 = arith.sitofp %convert_element_type3A_2190 : vector<16xi32> to vector<16xf32>
      %add3A_2192 = arith.addf %add3A_2137, %convert_element_type3A_2191 : vector<16xf32>
      %sub3A_2193 = arith.subf %sub3A_2188, %convert_element_type3A_2191 : vector<16xf32>
      %ge3A_2194 = arith.cmpf oge, %gather3A_1444, %gather3A_1484 : vector<16xf32>
      %convert_element_type3A_2195 = arith.extui %ge3A_2194 : vector<16xi1> to vector<16xi32>
      %convert_element_type3A_2196 = arith.sitofp %convert_element_type3A_2195 : vector<16xi32> to vector<16xf32>
      %add3A_2197 = arith.addf %add3A_2142, %convert_element_type3A_2196 : vector<16xf32>
      %sub3A_2198 = arith.subf %sub3A_2193, %convert_element_type3A_2196 : vector<16xf32>
      %ge3A_2199 = arith.cmpf oge, %gather3A_1444, %gather3A_1488 : vector<16xf32>
      %convert_element_type3A_2200 = arith.extui %ge3A_2199 : vector<16xi1> to vector<16xi32>
      %convert_element_type3A_2201 = arith.sitofp %convert_element_type3A_2200 : vector<16xi32> to vector<16xf32>
      %add3A_2202 = arith.addf %add3A_2147, %convert_element_type3A_2201 : vector<16xf32>
      %sub3A_2203 = arith.subf %sub3A_2198, %convert_element_type3A_2201 : vector<16xf32>
      %ge3A_2204 = arith.cmpf oge, %gather3A_1448, %gather3A_1452 : vector<16xf32>
      %convert_element_type3A_2205 = arith.extui %ge3A_2204 : vector<16xi1> to vector<16xi32>
      %convert_element_type3A_2206 = arith.sitofp %convert_element_type3A_2205 : vector<16xi32> to vector<16xf32>
      %add3A_2207 = arith.addf %add3A_2157, %convert_element_type3A_2206 : vector<16xf32>
      %sub3A_2208 = arith.subf %add3A_2152, %convert_element_type3A_2206 : vector<16xf32>
      %ge3A_2209 = arith.cmpf oge, %gather3A_1448, %gather3A_1456 : vector<16xf32>
      %convert_element_type3A_2210 = arith.extui %ge3A_2209 : vector<16xi1> to vector<16xi32>
      %convert_element_type3A_2211 = arith.sitofp %convert_element_type3A_2210 : vector<16xi32> to vector<16xf32>
      %add3A_2212 = arith.addf %add3A_2162, %convert_element_type3A_2211 : vector<16xf32>
      %sub3A_2213 = arith.subf %sub3A_2208, %convert_element_type3A_2211 : vector<16xf32>
      %ge3A_2214 = arith.cmpf oge, %gather3A_1448, %gather3A_1460 : vector<16xf32>
      %convert_element_type3A_2215 = arith.extui %ge3A_2214 : vector<16xi1> to vector<16xi32>
      %convert_element_type3A_2216 = arith.sitofp %convert_element_type3A_2215 : vector<16xi32> to vector<16xf32>
      %add3A_2217 = arith.addf %add3A_2167, %convert_element_type3A_2216 : vector<16xf32>
      %sub3A_2218 = arith.subf %sub3A_2213, %convert_element_type3A_2216 : vector<16xf32>
      %ge3A_2219 = arith.cmpf oge, %gather3A_1448, %gather3A_1464 : vector<16xf32>
      %convert_element_type3A_2220 = arith.extui %ge3A_2219 : vector<16xi1> to vector<16xi32>
      %convert_element_type3A_2221 = arith.sitofp %convert_element_type3A_2220 : vector<16xi32> to vector<16xf32>
      %add3A_2222 = arith.addf %add3A_2172, %convert_element_type3A_2221 : vector<16xf32>
      %sub3A_2223 = arith.subf %sub3A_2218, %convert_element_type3A_2221 : vector<16xf32>
      %ge3A_2224 = arith.cmpf oge, %gather3A_1448, %gather3A_1468 : vector<16xf32>
      %convert_element_type3A_2225 = arith.extui %ge3A_2224 : vector<16xi1> to vector<16xi32>
      %convert_element_type3A_2226 = arith.sitofp %convert_element_type3A_2225 : vector<16xi32> to vector<16xf32>
      %add3A_2227 = arith.addf %add3A_2177, %convert_element_type3A_2226 : vector<16xf32>
      %sub3A_2228 = arith.subf %sub3A_2223, %convert_element_type3A_2226 : vector<16xf32>
      %ge3A_2229 = arith.cmpf oge, %gather3A_1448, %gather3A_1472 : vector<16xf32>
      %convert_element_type3A_2230 = arith.extui %ge3A_2229 : vector<16xi1> to vector<16xi32>
      %convert_element_type3A_2231 = arith.sitofp %convert_element_type3A_2230 : vector<16xi32> to vector<16xf32>
      %add3A_2232 = arith.addf %add3A_2182, %convert_element_type3A_2231 : vector<16xf32>
      %sub3A_2233 = arith.subf %sub3A_2228, %convert_element_type3A_2231 : vector<16xf32>
      %ge3A_2234 = arith.cmpf oge, %gather3A_1448, %gather3A_1476 : vector<16xf32>
      %convert_element_type3A_2235 = arith.extui %ge3A_2234 : vector<16xi1> to vector<16xi32>
      %convert_element_type3A_2236 = arith.sitofp %convert_element_type3A_2235 : vector<16xi32> to vector<16xf32>
      %add3A_2237 = arith.addf %add3A_2187, %convert_element_type3A_2236 : vector<16xf32>
      %sub3A_2238 = arith.subf %sub3A_2233, %convert_element_type3A_2236 : vector<16xf32>
      %ge3A_2239 = arith.cmpf oge, %gather3A_1448, %gather3A_1480 : vector<16xf32>
      %convert_element_type3A_2240 = arith.extui %ge3A_2239 : vector<16xi1> to vector<16xi32>
      %convert_element_type3A_2241 = arith.sitofp %convert_element_type3A_2240 : vector<16xi32> to vector<16xf32>
      %add3A_2242 = arith.addf %add3A_2192, %convert_element_type3A_2241 : vector<16xf32>
      %sub3A_2243 = arith.subf %sub3A_2238, %convert_element_type3A_2241 : vector<16xf32>
      %ge3A_2244 = arith.cmpf oge, %gather3A_1448, %gather3A_1484 : vector<16xf32>
      %convert_element_type3A_2245 = arith.extui %ge3A_2244 : vector<16xi1> to vector<16xi32>
      %convert_element_type3A_2246 = arith.sitofp %convert_element_type3A_2245 : vector<16xi32> to vector<16xf32>
      %add3A_2247 = arith.addf %add3A_2197, %convert_element_type3A_2246 : vector<16xf32>
      %sub3A_2248 = arith.subf %sub3A_2243, %convert_element_type3A_2246 : vector<16xf32>
      %ge3A_2249 = arith.cmpf oge, %gather3A_1448, %gather3A_1488 : vector<16xf32>
      %convert_element_type3A_2250 = arith.extui %ge3A_2249 : vector<16xi1> to vector<16xi32>
      %convert_element_type3A_2251 = arith.sitofp %convert_element_type3A_2250 : vector<16xi32> to vector<16xf32>
      %add3A_2252 = arith.addf %add3A_2202, %convert_element_type3A_2251 : vector<16xf32>
      %sub3A_2253 = arith.subf %sub3A_2248, %convert_element_type3A_2251 : vector<16xf32>
      %ge3A_2254 = arith.cmpf oge, %gather3A_1452, %gather3A_1456 : vector<16xf32>
      %convert_element_type3A_2255 = arith.extui %ge3A_2254 : vector<16xi1> to vector<16xi32>
      %convert_element_type3A_2256 = arith.sitofp %convert_element_type3A_2255 : vector<16xi32> to vector<16xf32>
      %add3A_2257 = arith.addf %add3A_2212, %convert_element_type3A_2256 : vector<16xf32>
      %sub3A_2258 = arith.subf %add3A_2207, %convert_element_type3A_2256 : vector<16xf32>
      %ge3A_2259 = arith.cmpf oge, %gather3A_1452, %gather3A_1460 : vector<16xf32>
      %convert_element_type3A_2260 = arith.extui %ge3A_2259 : vector<16xi1> to vector<16xi32>
      %convert_element_type3A_2261 = arith.sitofp %convert_element_type3A_2260 : vector<16xi32> to vector<16xf32>
      %add3A_2262 = arith.addf %add3A_2217, %convert_element_type3A_2261 : vector<16xf32>
      %sub3A_2263 = arith.subf %sub3A_2258, %convert_element_type3A_2261 : vector<16xf32>
      %ge3A_2264 = arith.cmpf oge, %gather3A_1452, %gather3A_1464 : vector<16xf32>
      %convert_element_type3A_2265 = arith.extui %ge3A_2264 : vector<16xi1> to vector<16xi32>
      %convert_element_type3A_2266 = arith.sitofp %convert_element_type3A_2265 : vector<16xi32> to vector<16xf32>
      %add3A_2267 = arith.addf %add3A_2222, %convert_element_type3A_2266 : vector<16xf32>
      %sub3A_2268 = arith.subf %sub3A_2263, %convert_element_type3A_2266 : vector<16xf32>
      %ge3A_2269 = arith.cmpf oge, %gather3A_1452, %gather3A_1468 : vector<16xf32>
      %convert_element_type3A_2270 = arith.extui %ge3A_2269 : vector<16xi1> to vector<16xi32>
      %convert_element_type3A_2271 = arith.sitofp %convert_element_type3A_2270 : vector<16xi32> to vector<16xf32>
      %add3A_2272 = arith.addf %add3A_2227, %convert_element_type3A_2271 : vector<16xf32>
      %sub3A_2273 = arith.subf %sub3A_2268, %convert_element_type3A_2271 : vector<16xf32>
      %ge3A_2274 = arith.cmpf oge, %gather3A_1452, %gather3A_1472 : vector<16xf32>
      %convert_element_type3A_2275 = arith.extui %ge3A_2274 : vector<16xi1> to vector<16xi32>
      %convert_element_type3A_2276 = arith.sitofp %convert_element_type3A_2275 : vector<16xi32> to vector<16xf32>
      %add3A_2277 = arith.addf %add3A_2232, %convert_element_type3A_2276 : vector<16xf32>
      %sub3A_2278 = arith.subf %sub3A_2273, %convert_element_type3A_2276 : vector<16xf32>
      %ge3A_2279 = arith.cmpf oge, %gather3A_1452, %gather3A_1476 : vector<16xf32>
      %convert_element_type3A_2280 = arith.extui %ge3A_2279 : vector<16xi1> to vector<16xi32>
      %convert_element_type3A_2281 = arith.sitofp %convert_element_type3A_2280 : vector<16xi32> to vector<16xf32>
      %add3A_2282 = arith.addf %add3A_2237, %convert_element_type3A_2281 : vector<16xf32>
      %sub3A_2283 = arith.subf %sub3A_2278, %convert_element_type3A_2281 : vector<16xf32>
      %ge3A_2284 = arith.cmpf oge, %gather3A_1452, %gather3A_1480 : vector<16xf32>
      %convert_element_type3A_2285 = arith.extui %ge3A_2284 : vector<16xi1> to vector<16xi32>
      %convert_element_type3A_2286 = arith.sitofp %convert_element_type3A_2285 : vector<16xi32> to vector<16xf32>
      %add3A_2287 = arith.addf %add3A_2242, %convert_element_type3A_2286 : vector<16xf32>
      %sub3A_2288 = arith.subf %sub3A_2283, %convert_element_type3A_2286 : vector<16xf32>
      %ge3A_2289 = arith.cmpf oge, %gather3A_1452, %gather3A_1484 : vector<16xf32>
      %convert_element_type3A_2290 = arith.extui %ge3A_2289 : vector<16xi1> to vector<16xi32>
      %convert_element_type3A_2291 = arith.sitofp %convert_element_type3A_2290 : vector<16xi32> to vector<16xf32>
      %add3A_2292 = arith.addf %add3A_2247, %convert_element_type3A_2291 : vector<16xf32>
      %sub3A_2293 = arith.subf %sub3A_2288, %convert_element_type3A_2291 : vector<16xf32>
      %ge3A_2294 = arith.cmpf oge, %gather3A_1452, %gather3A_1488 : vector<16xf32>
      %convert_element_type3A_2295 = arith.extui %ge3A_2294 : vector<16xi1> to vector<16xi32>
      %convert_element_type3A_2296 = arith.sitofp %convert_element_type3A_2295 : vector<16xi32> to vector<16xf32>
      %add3A_2297 = arith.addf %add3A_2252, %convert_element_type3A_2296 : vector<16xf32>
      %sub3A_2298 = arith.subf %sub3A_2293, %convert_element_type3A_2296 : vector<16xf32>
      %ge3A_2299 = arith.cmpf oge, %gather3A_1456, %gather3A_1460 : vector<16xf32>
      %convert_element_type3A_2300 = arith.extui %ge3A_2299 : vector<16xi1> to vector<16xi32>
      %convert_element_type3A_2301 = arith.sitofp %convert_element_type3A_2300 : vector<16xi32> to vector<16xf32>
      %add3A_2302 = arith.addf %add3A_2262, %convert_element_type3A_2301 : vector<16xf32>
      %sub3A_2303 = arith.subf %add3A_2257, %convert_element_type3A_2301 : vector<16xf32>
      %ge3A_2304 = arith.cmpf oge, %gather3A_1456, %gather3A_1464 : vector<16xf32>
      %convert_element_type3A_2305 = arith.extui %ge3A_2304 : vector<16xi1> to vector<16xi32>
      %convert_element_type3A_2306 = arith.sitofp %convert_element_type3A_2305 : vector<16xi32> to vector<16xf32>
      %add3A_2307 = arith.addf %add3A_2267, %convert_element_type3A_2306 : vector<16xf32>
      %sub3A_2308 = arith.subf %sub3A_2303, %convert_element_type3A_2306 : vector<16xf32>
      %ge3A_2309 = arith.cmpf oge, %gather3A_1456, %gather3A_1468 : vector<16xf32>
      %convert_element_type3A_2310 = arith.extui %ge3A_2309 : vector<16xi1> to vector<16xi32>
      %convert_element_type3A_2311 = arith.sitofp %convert_element_type3A_2310 : vector<16xi32> to vector<16xf32>
      %add3A_2312 = arith.addf %add3A_2272, %convert_element_type3A_2311 : vector<16xf32>
      %sub3A_2313 = arith.subf %sub3A_2308, %convert_element_type3A_2311 : vector<16xf32>
      %ge3A_2314 = arith.cmpf oge, %gather3A_1456, %gather3A_1472 : vector<16xf32>
      %convert_element_type3A_2315 = arith.extui %ge3A_2314 : vector<16xi1> to vector<16xi32>
      %convert_element_type3A_2316 = arith.sitofp %convert_element_type3A_2315 : vector<16xi32> to vector<16xf32>
      %add3A_2317 = arith.addf %add3A_2277, %convert_element_type3A_2316 : vector<16xf32>
      %sub3A_2318 = arith.subf %sub3A_2313, %convert_element_type3A_2316 : vector<16xf32>
      %ge3A_2319 = arith.cmpf oge, %gather3A_1456, %gather3A_1476 : vector<16xf32>
      %convert_element_type3A_2320 = arith.extui %ge3A_2319 : vector<16xi1> to vector<16xi32>
      %convert_element_type3A_2321 = arith.sitofp %convert_element_type3A_2320 : vector<16xi32> to vector<16xf32>
      %add3A_2322 = arith.addf %add3A_2282, %convert_element_type3A_2321 : vector<16xf32>
      %sub3A_2323 = arith.subf %sub3A_2318, %convert_element_type3A_2321 : vector<16xf32>
      %ge3A_2324 = arith.cmpf oge, %gather3A_1456, %gather3A_1480 : vector<16xf32>
      %convert_element_type3A_2325 = arith.extui %ge3A_2324 : vector<16xi1> to vector<16xi32>
      %convert_element_type3A_2326 = arith.sitofp %convert_element_type3A_2325 : vector<16xi32> to vector<16xf32>
      %add3A_2327 = arith.addf %add3A_2287, %convert_element_type3A_2326 : vector<16xf32>
      %sub3A_2328 = arith.subf %sub3A_2323, %convert_element_type3A_2326 : vector<16xf32>
      %ge3A_2329 = arith.cmpf oge, %gather3A_1456, %gather3A_1484 : vector<16xf32>
      %convert_element_type3A_2330 = arith.extui %ge3A_2329 : vector<16xi1> to vector<16xi32>
      %convert_element_type3A_2331 = arith.sitofp %convert_element_type3A_2330 : vector<16xi32> to vector<16xf32>
      %add3A_2332 = arith.addf %add3A_2292, %convert_element_type3A_2331 : vector<16xf32>
      %sub3A_2333 = arith.subf %sub3A_2328, %convert_element_type3A_2331 : vector<16xf32>
      %ge3A_2334 = arith.cmpf oge, %gather3A_1456, %gather3A_1488 : vector<16xf32>
      %convert_element_type3A_2335 = arith.extui %ge3A_2334 : vector<16xi1> to vector<16xi32>
      %convert_element_type3A_2336 = arith.sitofp %convert_element_type3A_2335 : vector<16xi32> to vector<16xf32>
      %add3A_2337 = arith.addf %add3A_2297, %convert_element_type3A_2336 : vector<16xf32>
      %sub3A_2338 = arith.subf %sub3A_2333, %convert_element_type3A_2336 : vector<16xf32>
      %ge3A_2339 = arith.cmpf oge, %gather3A_1460, %gather3A_1464 : vector<16xf32>
      %convert_element_type3A_2340 = arith.extui %ge3A_2339 : vector<16xi1> to vector<16xi32>
      %convert_element_type3A_2341 = arith.sitofp %convert_element_type3A_2340 : vector<16xi32> to vector<16xf32>
      %add3A_2342 = arith.addf %add3A_2307, %convert_element_type3A_2341 : vector<16xf32>
      %sub3A_2343 = arith.subf %add3A_2302, %convert_element_type3A_2341 : vector<16xf32>
      %ge3A_2344 = arith.cmpf oge, %gather3A_1460, %gather3A_1468 : vector<16xf32>
      %convert_element_type3A_2345 = arith.extui %ge3A_2344 : vector<16xi1> to vector<16xi32>
      %convert_element_type3A_2346 = arith.sitofp %convert_element_type3A_2345 : vector<16xi32> to vector<16xf32>
      %add3A_2347 = arith.addf %add3A_2312, %convert_element_type3A_2346 : vector<16xf32>
      %sub3A_2348 = arith.subf %sub3A_2343, %convert_element_type3A_2346 : vector<16xf32>
      %ge3A_2349 = arith.cmpf oge, %gather3A_1460, %gather3A_1472 : vector<16xf32>
      %convert_element_type3A_2350 = arith.extui %ge3A_2349 : vector<16xi1> to vector<16xi32>
      %convert_element_type3A_2351 = arith.sitofp %convert_element_type3A_2350 : vector<16xi32> to vector<16xf32>
      %add3A_2352 = arith.addf %add3A_2317, %convert_element_type3A_2351 : vector<16xf32>
      %sub3A_2353 = arith.subf %sub3A_2348, %convert_element_type3A_2351 : vector<16xf32>
      %ge3A_2354 = arith.cmpf oge, %gather3A_1460, %gather3A_1476 : vector<16xf32>
      %convert_element_type3A_2355 = arith.extui %ge3A_2354 : vector<16xi1> to vector<16xi32>
      %convert_element_type3A_2356 = arith.sitofp %convert_element_type3A_2355 : vector<16xi32> to vector<16xf32>
      %add3A_2357 = arith.addf %add3A_2322, %convert_element_type3A_2356 : vector<16xf32>
      %sub3A_2358 = arith.subf %sub3A_2353, %convert_element_type3A_2356 : vector<16xf32>
      %ge3A_2359 = arith.cmpf oge, %gather3A_1460, %gather3A_1480 : vector<16xf32>
      %convert_element_type3A_2360 = arith.extui %ge3A_2359 : vector<16xi1> to vector<16xi32>
      %convert_element_type3A_2361 = arith.sitofp %convert_element_type3A_2360 : vector<16xi32> to vector<16xf32>
      %add3A_2362 = arith.addf %add3A_2327, %convert_element_type3A_2361 : vector<16xf32>
      %sub3A_2363 = arith.subf %sub3A_2358, %convert_element_type3A_2361 : vector<16xf32>
      %ge3A_2364 = arith.cmpf oge, %gather3A_1460, %gather3A_1484 : vector<16xf32>
      %convert_element_type3A_2365 = arith.extui %ge3A_2364 : vector<16xi1> to vector<16xi32>
      %convert_element_type3A_2366 = arith.sitofp %convert_element_type3A_2365 : vector<16xi32> to vector<16xf32>
      %add3A_2367 = arith.addf %add3A_2332, %convert_element_type3A_2366 : vector<16xf32>
      %sub3A_2368 = arith.subf %sub3A_2363, %convert_element_type3A_2366 : vector<16xf32>
      %ge3A_2369 = arith.cmpf oge, %gather3A_1460, %gather3A_1488 : vector<16xf32>
      %convert_element_type3A_2370 = arith.extui %ge3A_2369 : vector<16xi1> to vector<16xi32>
      %convert_element_type3A_2371 = arith.sitofp %convert_element_type3A_2370 : vector<16xi32> to vector<16xf32>
      %add3A_2372 = arith.addf %add3A_2337, %convert_element_type3A_2371 : vector<16xf32>
      %sub3A_2373 = arith.subf %sub3A_2368, %convert_element_type3A_2371 : vector<16xf32>
      %ge3A_2374 = arith.cmpf oge, %gather3A_1464, %gather3A_1468 : vector<16xf32>
      %convert_element_type3A_2375 = arith.extui %ge3A_2374 : vector<16xi1> to vector<16xi32>
      %convert_element_type3A_2376 = arith.sitofp %convert_element_type3A_2375 : vector<16xi32> to vector<16xf32>
      %add3A_2377 = arith.addf %add3A_2347, %convert_element_type3A_2376 : vector<16xf32>
      %sub3A_2378 = arith.subf %add3A_2342, %convert_element_type3A_2376 : vector<16xf32>
      %ge3A_2379 = arith.cmpf oge, %gather3A_1464, %gather3A_1472 : vector<16xf32>
      %convert_element_type3A_2380 = arith.extui %ge3A_2379 : vector<16xi1> to vector<16xi32>
      %convert_element_type3A_2381 = arith.sitofp %convert_element_type3A_2380 : vector<16xi32> to vector<16xf32>
      %add3A_2382 = arith.addf %add3A_2352, %convert_element_type3A_2381 : vector<16xf32>
      %sub3A_2383 = arith.subf %sub3A_2378, %convert_element_type3A_2381 : vector<16xf32>
      %ge3A_2384 = arith.cmpf oge, %gather3A_1464, %gather3A_1476 : vector<16xf32>
      %convert_element_type3A_2385 = arith.extui %ge3A_2384 : vector<16xi1> to vector<16xi32>
      %convert_element_type3A_2386 = arith.sitofp %convert_element_type3A_2385 : vector<16xi32> to vector<16xf32>
      %add3A_2387 = arith.addf %add3A_2357, %convert_element_type3A_2386 : vector<16xf32>
      %sub3A_2388 = arith.subf %sub3A_2383, %convert_element_type3A_2386 : vector<16xf32>
      %ge3A_2389 = arith.cmpf oge, %gather3A_1464, %gather3A_1480 : vector<16xf32>
      %convert_element_type3A_2390 = arith.extui %ge3A_2389 : vector<16xi1> to vector<16xi32>
      %convert_element_type3A_2391 = arith.sitofp %convert_element_type3A_2390 : vector<16xi32> to vector<16xf32>
      %add3A_2392 = arith.addf %add3A_2362, %convert_element_type3A_2391 : vector<16xf32>
      %sub3A_2393 = arith.subf %sub3A_2388, %convert_element_type3A_2391 : vector<16xf32>
      %ge3A_2394 = arith.cmpf oge, %gather3A_1464, %gather3A_1484 : vector<16xf32>
      %convert_element_type3A_2395 = arith.extui %ge3A_2394 : vector<16xi1> to vector<16xi32>
      %convert_element_type3A_2396 = arith.sitofp %convert_element_type3A_2395 : vector<16xi32> to vector<16xf32>
      %add3A_2397 = arith.addf %add3A_2367, %convert_element_type3A_2396 : vector<16xf32>
      %sub3A_2398 = arith.subf %sub3A_2393, %convert_element_type3A_2396 : vector<16xf32>
      %ge3A_2399 = arith.cmpf oge, %gather3A_1464, %gather3A_1488 : vector<16xf32>
      %convert_element_type3A_2400 = arith.extui %ge3A_2399 : vector<16xi1> to vector<16xi32>
      %convert_element_type3A_2401 = arith.sitofp %convert_element_type3A_2400 : vector<16xi32> to vector<16xf32>
      %add3A_2402 = arith.addf %add3A_2372, %convert_element_type3A_2401 : vector<16xf32>
      %sub3A_2403 = arith.subf %sub3A_2398, %convert_element_type3A_2401 : vector<16xf32>
      %ge3A_2404 = arith.cmpf oge, %gather3A_1468, %gather3A_1472 : vector<16xf32>
      %convert_element_type3A_2405 = arith.extui %ge3A_2404 : vector<16xi1> to vector<16xi32>
      %convert_element_type3A_2406 = arith.sitofp %convert_element_type3A_2405 : vector<16xi32> to vector<16xf32>
      %add3A_2407 = arith.addf %add3A_2382, %convert_element_type3A_2406 : vector<16xf32>
      %sub3A_2408 = arith.subf %add3A_2377, %convert_element_type3A_2406 : vector<16xf32>
      %ge3A_2409 = arith.cmpf oge, %gather3A_1468, %gather3A_1476 : vector<16xf32>
      %convert_element_type3A_2410 = arith.extui %ge3A_2409 : vector<16xi1> to vector<16xi32>
      %convert_element_type3A_2411 = arith.sitofp %convert_element_type3A_2410 : vector<16xi32> to vector<16xf32>
      %add3A_2412 = arith.addf %add3A_2387, %convert_element_type3A_2411 : vector<16xf32>
      %sub3A_2413 = arith.subf %sub3A_2408, %convert_element_type3A_2411 : vector<16xf32>
      %ge3A_2414 = arith.cmpf oge, %gather3A_1468, %gather3A_1480 : vector<16xf32>
      %convert_element_type3A_2415 = arith.extui %ge3A_2414 : vector<16xi1> to vector<16xi32>
      %convert_element_type3A_2416 = arith.sitofp %convert_element_type3A_2415 : vector<16xi32> to vector<16xf32>
      %add3A_2417 = arith.addf %add3A_2392, %convert_element_type3A_2416 : vector<16xf32>
      %sub3A_2418 = arith.subf %sub3A_2413, %convert_element_type3A_2416 : vector<16xf32>
      %ge3A_2419 = arith.cmpf oge, %gather3A_1468, %gather3A_1484 : vector<16xf32>
      %convert_element_type3A_2420 = arith.extui %ge3A_2419 : vector<16xi1> to vector<16xi32>
      %convert_element_type3A_2421 = arith.sitofp %convert_element_type3A_2420 : vector<16xi32> to vector<16xf32>
      %add3A_2422 = arith.addf %add3A_2397, %convert_element_type3A_2421 : vector<16xf32>
      %sub3A_2423 = arith.subf %sub3A_2418, %convert_element_type3A_2421 : vector<16xf32>
      %ge3A_2424 = arith.cmpf oge, %gather3A_1468, %gather3A_1488 : vector<16xf32>
      %convert_element_type3A_2425 = arith.extui %ge3A_2424 : vector<16xi1> to vector<16xi32>
      %convert_element_type3A_2426 = arith.sitofp %convert_element_type3A_2425 : vector<16xi32> to vector<16xf32>
      %add3A_2427 = arith.addf %add3A_2402, %convert_element_type3A_2426 : vector<16xf32>
      %sub3A_2428 = arith.subf %sub3A_2423, %convert_element_type3A_2426 : vector<16xf32>
      %ge3A_2429 = arith.cmpf oge, %gather3A_1472, %gather3A_1476 : vector<16xf32>
      %convert_element_type3A_2430 = arith.extui %ge3A_2429 : vector<16xi1> to vector<16xi32>
      %convert_element_type3A_2431 = arith.sitofp %convert_element_type3A_2430 : vector<16xi32> to vector<16xf32>
      %add3A_2432 = arith.addf %add3A_2412, %convert_element_type3A_2431 : vector<16xf32>
      %sub3A_2433 = arith.subf %add3A_2407, %convert_element_type3A_2431 : vector<16xf32>
      %ge3A_2434 = arith.cmpf oge, %gather3A_1472, %gather3A_1480 : vector<16xf32>
      %convert_element_type3A_2435 = arith.extui %ge3A_2434 : vector<16xi1> to vector<16xi32>
      %convert_element_type3A_2436 = arith.sitofp %convert_element_type3A_2435 : vector<16xi32> to vector<16xf32>
      %add3A_2437 = arith.addf %add3A_2417, %convert_element_type3A_2436 : vector<16xf32>
      %sub3A_2438 = arith.subf %sub3A_2433, %convert_element_type3A_2436 : vector<16xf32>
      %ge3A_2439 = arith.cmpf oge, %gather3A_1472, %gather3A_1484 : vector<16xf32>
      %convert_element_type3A_2440 = arith.extui %ge3A_2439 : vector<16xi1> to vector<16xi32>
      %convert_element_type3A_2441 = arith.sitofp %convert_element_type3A_2440 : vector<16xi32> to vector<16xf32>
      %add3A_2442 = arith.addf %add3A_2422, %convert_element_type3A_2441 : vector<16xf32>
      %sub3A_2443 = arith.subf %sub3A_2438, %convert_element_type3A_2441 : vector<16xf32>
      %ge3A_2444 = arith.cmpf oge, %gather3A_1472, %gather3A_1488 : vector<16xf32>
      %convert_element_type3A_2445 = arith.extui %ge3A_2444 : vector<16xi1> to vector<16xi32>
      %convert_element_type3A_2446 = arith.sitofp %convert_element_type3A_2445 : vector<16xi32> to vector<16xf32>
      %add3A_2447 = arith.addf %add3A_2427, %convert_element_type3A_2446 : vector<16xf32>
      %sub3A_2448 = arith.subf %sub3A_2443, %convert_element_type3A_2446 : vector<16xf32>
      %ge3A_2449 = arith.cmpf oge, %gather3A_1476, %gather3A_1480 : vector<16xf32>
      %convert_element_type3A_2450 = arith.extui %ge3A_2449 : vector<16xi1> to vector<16xi32>
      %convert_element_type3A_2451 = arith.sitofp %convert_element_type3A_2450 : vector<16xi32> to vector<16xf32>
      %add3A_2452 = arith.addf %add3A_2437, %convert_element_type3A_2451 : vector<16xf32>
      %sub3A_2453 = arith.subf %add3A_2432, %convert_element_type3A_2451 : vector<16xf32>
      %ge3A_2454 = arith.cmpf oge, %gather3A_1476, %gather3A_1484 : vector<16xf32>
      %convert_element_type3A_2455 = arith.extui %ge3A_2454 : vector<16xi1> to vector<16xi32>
      %convert_element_type3A_2456 = arith.sitofp %convert_element_type3A_2455 : vector<16xi32> to vector<16xf32>
      %add3A_2457 = arith.addf %add3A_2442, %convert_element_type3A_2456 : vector<16xf32>
      %sub3A_2458 = arith.subf %sub3A_2453, %convert_element_type3A_2456 : vector<16xf32>
      %ge3A_2459 = arith.cmpf oge, %gather3A_1476, %gather3A_1488 : vector<16xf32>
      %convert_element_type3A_2460 = arith.extui %ge3A_2459 : vector<16xi1> to vector<16xi32>
      %convert_element_type3A_2461 = arith.sitofp %convert_element_type3A_2460 : vector<16xi32> to vector<16xf32>
      %add3A_2462 = arith.addf %add3A_2447, %convert_element_type3A_2461 : vector<16xf32>
      %sub3A_2463 = arith.subf %sub3A_2458, %convert_element_type3A_2461 : vector<16xf32>
      %ge3A_2464 = arith.cmpf oge, %gather3A_1480, %gather3A_1484 : vector<16xf32>
      %convert_element_type3A_2465 = arith.extui %ge3A_2464 : vector<16xi1> to vector<16xi32>
      %convert_element_type3A_2466 = arith.sitofp %convert_element_type3A_2465 : vector<16xi32> to vector<16xf32>
      %add3A_2467 = arith.addf %add3A_2457, %convert_element_type3A_2466 : vector<16xf32>
      %sub3A_2468 = arith.subf %add3A_2452, %convert_element_type3A_2466 : vector<16xf32>
      %ge3A_2469 = arith.cmpf oge, %gather3A_1480, %gather3A_1488 : vector<16xf32>
      %convert_element_type3A_2470 = arith.extui %ge3A_2469 : vector<16xi1> to vector<16xi32>
      %convert_element_type3A_2471 = arith.sitofp %convert_element_type3A_2470 : vector<16xi32> to vector<16xf32>
      %add3A_2472 = arith.addf %add3A_2462, %convert_element_type3A_2471 : vector<16xf32>
      %sub3A_2473 = arith.subf %sub3A_2468, %convert_element_type3A_2471 : vector<16xf32>
      %ge3A_2474 = arith.cmpf oge, %gather3A_1484, %gather3A_1488 : vector<16xf32>
      %convert_element_type3A_2475 = arith.extui %ge3A_2474 : vector<16xi1> to vector<16xi32>
      %convert_element_type3A_2476 = arith.sitofp %convert_element_type3A_2475 : vector<16xi32> to vector<16xf32>
      %add3A_2477 = arith.addf %add3A_2472, %convert_element_type3A_2476 : vector<16xf32>
      %sub3A_2478 = arith.subf %add3A_2467, %convert_element_type3A_2476 : vector<16xf32>
      %convert_element_type3A_2479 = arith.fptosi %sub3A_1623 : vector<16xf32> to vector<16xi32>
      %gather3A_2480 = tpu.vector_load_idx %arg11[%convert_element_type3A_2479] : memref<32xf32, #tpu.memory_space<vmem>>[vector<16xi32>], vector<16xf32>,
      %swap3A_2481 = arith.constant 0 : i32
      %swap3A_2482 = arith.index_cast %swap3A_2481 : i32 to index
      %swap3A_2483 = arith.constant 0 : index
      %swap3A_2484 = tpu.vector_load %arg12[%swap3A_2482, %swap3A_2483] {strides = array<i32>} : memref<20x16xf32, #tpu.memory_space<vmem>>, vector<16xf32>,
      tpu.vector_store %arg12[%swap3A_2482, %swap3A_2483], %gather3A_2480 {strides = array<i32>} : memref<20x16xf32, #tpu.memory_space<vmem>>, vector<16xf32>,
      %get3A_2485 = arith.constant 0 : i32
      %get3A_2486 = arith.index_cast %get3A_2485 : i32 to index
      %get3A_2487 = arith.index_cast %mul3A_37 : i32 to index
      %get3A_2488 = tpu.vector_load %arg7[%get3A_2486, %get3A_2487] {strides = array<i32>} : memref<48x512xf32, #tpu.memory_space<vmem>>, vector<16xf32>,
      %eq3A_2489 = arith.constant 0.000000e+00 : f32
      %eq3A_2490 = vector.broadcast %eq3A_2489 : f32 to vector<16xf32>
      %eq3A_2491 = arith.cmpf oeq, %sub3A_1623, %eq3A_2490 : vector<16xf32>
      %select_n3A_2492 = arith.select %eq3A_2491, %get3A_2488, %broadcast_in_dim3A_7 : vector<16xi1>, vector<16xf32>
      %add3A_2493 = arith.addf %broadcast_in_dim3A_7, %select_n3A_2492 : vector<16xf32>
      %convert_element_type3A_2494 = arith.fptosi %sub3A_1713 : vector<16xf32> to vector<16xi32>
      %gather3A_2495 = tpu.vector_load_idx %arg11[%convert_element_type3A_2494] : memref<32xf32, #tpu.memory_space<vmem>>[vector<16xi32>], vector<16xf32>,
      %swap3A_2496 = arith.constant 1 : i32
      %swap3A_2497 = arith.index_cast %swap3A_2496 : i32 to index
      %swap3A_2498 = arith.constant 0 : index
      %swap3A_2499 = tpu.vector_load %arg12[%swap3A_2497, %swap3A_2498] {strides = array<i32>} : memref<20x16xf32, #tpu.memory_space<vmem>>, vector<16xf32>,
      tpu.vector_store %arg12[%swap3A_2497, %swap3A_2498], %gather3A_2495 {strides = array<i32>} : memref<20x16xf32, #tpu.memory_space<vmem>>, vector<16xf32>,
      %get3A_2500 = arith.constant 1 : i32
      %get3A_2501 = arith.index_cast %get3A_2500 : i32 to index
      %get3A_2502 = arith.index_cast %mul3A_37 : i32 to index
      %get3A_2503 = tpu.vector_load %arg7[%get3A_2501, %get3A_2502] {strides = array<i32>} : memref<48x512xf32, #tpu.memory_space<vmem>>, vector<16xf32>,
      %eq3A_2504 = arith.constant 0.000000e+00 : f32
      %eq3A_2505 = vector.broadcast %eq3A_2504 : f32 to vector<16xf32>
      %eq3A_2506 = arith.cmpf oeq, %sub3A_1713, %eq3A_2505 : vector<16xf32>
      %select_n3A_2507 = arith.select %eq3A_2506, %get3A_2503, %broadcast_in_dim3A_7 : vector<16xi1>, vector<16xf32>
      %add3A_2508 = arith.addf %add3A_2493, %select_n3A_2507 : vector<16xf32>
      %convert_element_type3A_2509 = arith.fptosi %sub3A_1798 : vector<16xf32> to vector<16xi32>
      %gather3A_2510 = tpu.vector_load_idx %arg11[%convert_element_type3A_2509] : memref<32xf32, #tpu.memory_space<vmem>>[vector<16xi32>], vector<16xf32>,
      %swap3A_2511 = arith.constant 2 : i32
      %swap3A_2512 = arith.index_cast %swap3A_2511 : i32 to index
      %swap3A_2513 = arith.constant 0 : index
      %swap3A_2514 = tpu.vector_load %arg12[%swap3A_2512, %swap3A_2513] {strides = array<i32>} : memref<20x16xf32, #tpu.memory_space<vmem>>, vector<16xf32>,
      tpu.vector_store %arg12[%swap3A_2512, %swap3A_2513], %gather3A_2510 {strides = array<i32>} : memref<20x16xf32, #tpu.memory_space<vmem>>, vector<16xf32>,
      %get3A_2515 = arith.constant 2 : i32
      %get3A_2516 = arith.index_cast %get3A_2515 : i32 to index
      %get3A_2517 = arith.index_cast %mul3A_37 : i32 to index
      %get3A_2518 = tpu.vector_load %arg7[%get3A_2516, %get3A_2517] {strides = array<i32>} : memref<48x512xf32, #tpu.memory_space<vmem>>, vector<16xf32>,
      %eq3A_2519 = arith.constant 0.000000e+00 : f32
      %eq3A_2520 = vector.broadcast %eq3A_2519 : f32 to vector<16xf32>
      %eq3A_2521 = arith.cmpf oeq, %sub3A_1798, %eq3A_2520 : vector<16xf32>
      %select_n3A_2522 = arith.select %eq3A_2521, %get3A_2518, %broadcast_in_dim3A_7 : vector<16xi1>, vector<16xf32>
      %add3A_2523 = arith.addf %add3A_2508, %select_n3A_2522 : vector<16xf32>
      %convert_element_type3A_2524 = arith.fptosi %sub3A_1878 : vector<16xf32> to vector<16xi32>
      %gather3A_2525 = tpu.vector_load_idx %arg11[%convert_element_type3A_2524] : memref<32xf32, #tpu.memory_space<vmem>>[vector<16xi32>], vector<16xf32>,
      %swap3A_2526 = arith.constant 3 : i32
      %swap3A_2527 = arith.index_cast %swap3A_2526 : i32 to index
      %swap3A_2528 = arith.constant 0 : index
      %swap3A_2529 = tpu.vector_load %arg12[%swap3A_2527, %swap3A_2528] {strides = array<i32>} : memref<20x16xf32, #tpu.memory_space<vmem>>, vector<16xf32>,
      tpu.vector_store %arg12[%swap3A_2527, %swap3A_2528], %gather3A_2525 {strides = array<i32>} : memref<20x16xf32, #tpu.memory_space<vmem>>, vector<16xf32>,
      %get3A_2530 = arith.constant 3 : i32
      %get3A_2531 = arith.index_cast %get3A_2530 : i32 to index
      %get3A_2532 = arith.index_cast %mul3A_37 : i32 to index
      %get3A_2533 = tpu.vector_load %arg7[%get3A_2531, %get3A_2532] {strides = array<i32>} : memref<48x512xf32, #tpu.memory_space<vmem>>, vector<16xf32>,
      %eq3A_2534 = arith.constant 0.000000e+00 : f32
      %eq3A_2535 = vector.broadcast %eq3A_2534 : f32 to vector<16xf32>
      %eq3A_2536 = arith.cmpf oeq, %sub3A_1878, %eq3A_2535 : vector<16xf32>
      %select_n3A_2537 = arith.select %eq3A_2536, %get3A_2533, %broadcast_in_dim3A_7 : vector<16xi1>, vector<16xf32>
      %add3A_2538 = arith.addf %add3A_2523, %select_n3A_2537 : vector<16xf32>
      %convert_element_type3A_2539 = arith.fptosi %sub3A_1953 : vector<16xf32> to vector<16xi32>
      %gather3A_2540 = tpu.vector_load_idx %arg11[%convert_element_type3A_2539] : memref<32xf32, #tpu.memory_space<vmem>>[vector<16xi32>], vector<16xf32>,
      %swap3A_2541 = arith.constant 4 : i32
      %swap3A_2542 = arith.index_cast %swap3A_2541 : i32 to index
      %swap3A_2543 = arith.constant 0 : index
      %swap3A_2544 = tpu.vector_load %arg12[%swap3A_2542, %swap3A_2543] {strides = array<i32>} : memref<20x16xf32, #tpu.memory_space<vmem>>, vector<16xf32>,
      tpu.vector_store %arg12[%swap3A_2542, %swap3A_2543], %gather3A_2540 {strides = array<i32>} : memref<20x16xf32, #tpu.memory_space<vmem>>, vector<16xf32>,
      %get3A_2545 = arith.constant 4 : i32
      %get3A_2546 = arith.index_cast %get3A_2545 : i32 to index
      %get3A_2547 = arith.index_cast %mul3A_37 : i32 to index
      %get3A_2548 = tpu.vector_load %arg7[%get3A_2546, %get3A_2547] {strides = array<i32>} : memref<48x512xf32, #tpu.memory_space<vmem>>, vector<16xf32>,
      %eq3A_2549 = arith.constant 0.000000e+00 : f32
      %eq3A_2550 = vector.broadcast %eq3A_2549 : f32 to vector<16xf32>
      %eq3A_2551 = arith.cmpf oeq, %sub3A_1953, %eq3A_2550 : vector<16xf32>
      %select_n3A_2552 = arith.select %eq3A_2551, %get3A_2548, %broadcast_in_dim3A_7 : vector<16xi1>, vector<16xf32>
      %add3A_2553 = arith.addf %add3A_2538, %select_n3A_2552 : vector<16xf32>
      %convert_element_type3A_2554 = arith.fptosi %sub3A_2023 : vector<16xf32> to vector<16xi32>
      %gather3A_2555 = tpu.vector_load_idx %arg11[%convert_element_type3A_2554] : memref<32xf32, #tpu.memory_space<vmem>>[vector<16xi32>], vector<16xf32>,
      %swap3A_2556 = arith.constant 5 : i32
      %swap3A_2557 = arith.index_cast %swap3A_2556 : i32 to index
      %swap3A_2558 = arith.constant 0 : index
      %swap3A_2559 = tpu.vector_load %arg12[%swap3A_2557, %swap3A_2558] {strides = array<i32>} : memref<20x16xf32, #tpu.memory_space<vmem>>, vector<16xf32>,
      tpu.vector_store %arg12[%swap3A_2557, %swap3A_2558], %gather3A_2555 {strides = array<i32>} : memref<20x16xf32, #tpu.memory_space<vmem>>, vector<16xf32>,
      %get3A_2560 = arith.constant 5 : i32
      %get3A_2561 = arith.index_cast %get3A_2560 : i32 to index
      %get3A_2562 = arith.index_cast %mul3A_37 : i32 to index
      %get3A_2563 = tpu.vector_load %arg7[%get3A_2561, %get3A_2562] {strides = array<i32>} : memref<48x512xf32, #tpu.memory_space<vmem>>, vector<16xf32>,
      %eq3A_2564 = arith.constant 0.000000e+00 : f32
      %eq3A_2565 = vector.broadcast %eq3A_2564 : f32 to vector<16xf32>
      %eq3A_2566 = arith.cmpf oeq, %sub3A_2023, %eq3A_2565 : vector<16xf32>
      %select_n3A_2567 = arith.select %eq3A_2566, %get3A_2563, %broadcast_in_dim3A_7 : vector<16xi1>, vector<16xf32>
      %add3A_2568 = arith.addf %add3A_2553, %select_n3A_2567 : vector<16xf32>
      %convert_element_type3A_2569 = arith.fptosi %sub3A_2088 : vector<16xf32> to vector<16xi32>
      %gather3A_2570 = tpu.vector_load_idx %arg11[%convert_element_type3A_2569] : memref<32xf32, #tpu.memory_space<vmem>>[vector<16xi32>], vector<16xf32>,
      %swap3A_2571 = arith.constant 6 : i32
      %swap3A_2572 = arith.index_cast %swap3A_2571 : i32 to index
      %swap3A_2573 = arith.constant 0 : index
      %swap3A_2574 = tpu.vector_load %arg12[%swap3A_2572, %swap3A_2573] {strides = array<i32>} : memref<20x16xf32, #tpu.memory_space<vmem>>, vector<16xf32>,
      tpu.vector_store %arg12[%swap3A_2572, %swap3A_2573], %gather3A_2570 {strides = array<i32>} : memref<20x16xf32, #tpu.memory_space<vmem>>, vector<16xf32>,
      %get3A_2575 = arith.constant 6 : i32
      %get3A_2576 = arith.index_cast %get3A_2575 : i32 to index
      %get3A_2577 = arith.index_cast %mul3A_37 : i32 to index
      %get3A_2578 = tpu.vector_load %arg7[%get3A_2576, %get3A_2577] {strides = array<i32>} : memref<48x512xf32, #tpu.memory_space<vmem>>, vector<16xf32>,
      %eq3A_2579 = arith.constant 0.000000e+00 : f32
      %eq3A_2580 = vector.broadcast %eq3A_2579 : f32 to vector<16xf32>
      %eq3A_2581 = arith.cmpf oeq, %sub3A_2088, %eq3A_2580 : vector<16xf32>
      %select_n3A_2582 = arith.select %eq3A_2581, %get3A_2578, %broadcast_in_dim3A_7 : vector<16xi1>, vector<16xf32>
      %add3A_2583 = arith.addf %add3A_2568, %select_n3A_2582 : vector<16xf32>
      %convert_element_type3A_2584 = arith.fptosi %sub3A_2148 : vector<16xf32> to vector<16xi32>
      %gather3A_2585 = tpu.vector_load_idx %arg11[%convert_element_type3A_2584] : memref<32xf32, #tpu.memory_space<vmem>>[vector<16xi32>], vector<16xf32>,
      %swap3A_2586 = arith.constant 7 : i32
      %swap3A_2587 = arith.index_cast %swap3A_2586 : i32 to index
      %swap3A_2588 = arith.constant 0 : index
      %swap3A_2589 = tpu.vector_load %arg12[%swap3A_2587, %swap3A_2588] {strides = array<i32>} : memref<20x16xf32, #tpu.memory_space<vmem>>, vector<16xf32>,
      tpu.vector_store %arg12[%swap3A_2587, %swap3A_2588], %gather3A_2585 {strides = array<i32>} : memref<20x16xf32, #tpu.memory_space<vmem>>, vector<16xf32>,
      %get3A_2590 = arith.constant 7 : i32
      %get3A_2591 = arith.index_cast %get3A_2590 : i32 to index
      %get3A_2592 = arith.index_cast %mul3A_37 : i32 to index
      %get3A_2593 = tpu.vector_load %arg7[%get3A_2591, %get3A_2592] {strides = array<i32>} : memref<48x512xf32, #tpu.memory_space<vmem>>, vector<16xf32>,
      %eq3A_2594 = arith.constant 0.000000e+00 : f32
      %eq3A_2595 = vector.broadcast %eq3A_2594 : f32 to vector<16xf32>
      %eq3A_2596 = arith.cmpf oeq, %sub3A_2148, %eq3A_2595 : vector<16xf32>
      %select_n3A_2597 = arith.select %eq3A_2596, %get3A_2593, %broadcast_in_dim3A_7 : vector<16xi1>, vector<16xf32>
      %add3A_2598 = arith.addf %add3A_2583, %select_n3A_2597 : vector<16xf32>
      %convert_element_type3A_2599 = arith.fptosi %sub3A_2203 : vector<16xf32> to vector<16xi32>
      %gather3A_2600 = tpu.vector_load_idx %arg11[%convert_element_type3A_2599] : memref<32xf32, #tpu.memory_space<vmem>>[vector<16xi32>], vector<16xf32>,
      %swap3A_2601 = arith.constant 8 : i32
      %swap3A_2602 = arith.index_cast %swap3A_2601 : i32 to index
      %swap3A_2603 = arith.constant 0 : index
      %swap3A_2604 = tpu.vector_load %arg12[%swap3A_2602, %swap3A_2603] {strides = array<i32>} : memref<20x16xf32, #tpu.memory_space<vmem>>, vector<16xf32>,
      tpu.vector_store %arg12[%swap3A_2602, %swap3A_2603], %gather3A_2600 {strides = array<i32>} : memref<20x16xf32, #tpu.memory_space<vmem>>, vector<16xf32>,
      %get3A_2605 = arith.constant 8 : i32
      %get3A_2606 = arith.index_cast %get3A_2605 : i32 to index
      %get3A_2607 = arith.index_cast %mul3A_37 : i32 to index
      %get3A_2608 = tpu.vector_load %arg7[%get3A_2606, %get3A_2607] {strides = array<i32>} : memref<48x512xf32, #tpu.memory_space<vmem>>, vector<16xf32>,
      %eq3A_2609 = arith.constant 0.000000e+00 : f32
      %eq3A_2610 = vector.broadcast %eq3A_2609 : f32 to vector<16xf32>
      %eq3A_2611 = arith.cmpf oeq, %sub3A_2203, %eq3A_2610 : vector<16xf32>
      %select_n3A_2612 = arith.select %eq3A_2611, %get3A_2608, %broadcast_in_dim3A_7 : vector<16xi1>, vector<16xf32>
      %add3A_2613 = arith.addf %add3A_2598, %select_n3A_2612 : vector<16xf32>
      %convert_element_type3A_2614 = arith.fptosi %sub3A_2253 : vector<16xf32> to vector<16xi32>
      %gather3A_2615 = tpu.vector_load_idx %arg11[%convert_element_type3A_2614] : memref<32xf32, #tpu.memory_space<vmem>>[vector<16xi32>], vector<16xf32>,
      %swap3A_2616 = arith.constant 9 : i32
      %swap3A_2617 = arith.index_cast %swap3A_2616 : i32 to index
      %swap3A_2618 = arith.constant 0 : index
      %swap3A_2619 = tpu.vector_load %arg12[%swap3A_2617, %swap3A_2618] {strides = array<i32>} : memref<20x16xf32, #tpu.memory_space<vmem>>, vector<16xf32>,
      tpu.vector_store %arg12[%swap3A_2617, %swap3A_2618], %gather3A_2615 {strides = array<i32>} : memref<20x16xf32, #tpu.memory_space<vmem>>, vector<16xf32>,
      %get3A_2620 = arith.constant 9 : i32
      %get3A_2621 = arith.index_cast %get3A_2620 : i32 to index
      %get3A_2622 = arith.index_cast %mul3A_37 : i32 to index
      %get3A_2623 = tpu.vector_load %arg7[%get3A_2621, %get3A_2622] {strides = array<i32>} : memref<48x512xf32, #tpu.memory_space<vmem>>, vector<16xf32>,
      %eq3A_2624 = arith.constant 0.000000e+00 : f32
      %eq3A_2625 = vector.broadcast %eq3A_2624 : f32 to vector<16xf32>
      %eq3A_2626 = arith.cmpf oeq, %sub3A_2253, %eq3A_2625 : vector<16xf32>
      %select_n3A_2627 = arith.select %eq3A_2626, %get3A_2623, %broadcast_in_dim3A_7 : vector<16xi1>, vector<16xf32>
      %add3A_2628 = arith.addf %add3A_2613, %select_n3A_2627 : vector<16xf32>
      %convert_element_type3A_2629 = arith.fptosi %sub3A_2298 : vector<16xf32> to vector<16xi32>
      %gather3A_2630 = tpu.vector_load_idx %arg11[%convert_element_type3A_2629] : memref<32xf32, #tpu.memory_space<vmem>>[vector<16xi32>], vector<16xf32>,
      %swap3A_2631 = arith.constant 10 : i32
      %swap3A_2632 = arith.index_cast %swap3A_2631 : i32 to index
      %swap3A_2633 = arith.constant 0 : index
      %swap3A_2634 = tpu.vector_load %arg12[%swap3A_2632, %swap3A_2633] {strides = array<i32>} : memref<20x16xf32, #tpu.memory_space<vmem>>, vector<16xf32>,
      tpu.vector_store %arg12[%swap3A_2632, %swap3A_2633], %gather3A_2630 {strides = array<i32>} : memref<20x16xf32, #tpu.memory_space<vmem>>, vector<16xf32>,
      %get3A_2635 = arith.constant 10 : i32
      %get3A_2636 = arith.index_cast %get3A_2635 : i32 to index
      %get3A_2637 = arith.index_cast %mul3A_37 : i32 to index
      %get3A_2638 = tpu.vector_load %arg7[%get3A_2636, %get3A_2637] {strides = array<i32>} : memref<48x512xf32, #tpu.memory_space<vmem>>, vector<16xf32>,
      %eq3A_2639 = arith.constant 0.000000e+00 : f32
      %eq3A_2640 = vector.broadcast %eq3A_2639 : f32 to vector<16xf32>
      %eq3A_2641 = arith.cmpf oeq, %sub3A_2298, %eq3A_2640 : vector<16xf32>
      %select_n3A_2642 = arith.select %eq3A_2641, %get3A_2638, %broadcast_in_dim3A_7 : vector<16xi1>, vector<16xf32>
      %add3A_2643 = arith.addf %add3A_2628, %select_n3A_2642 : vector<16xf32>
      %convert_element_type3A_2644 = arith.fptosi %sub3A_2338 : vector<16xf32> to vector<16xi32>
      %gather3A_2645 = tpu.vector_load_idx %arg11[%convert_element_type3A_2644] : memref<32xf32, #tpu.memory_space<vmem>>[vector<16xi32>], vector<16xf32>,
      %swap3A_2646 = arith.constant 11 : i32
      %swap3A_2647 = arith.index_cast %swap3A_2646 : i32 to index
      %swap3A_2648 = arith.constant 0 : index
      %swap3A_2649 = tpu.vector_load %arg12[%swap3A_2647, %swap3A_2648] {strides = array<i32>} : memref<20x16xf32, #tpu.memory_space<vmem>>, vector<16xf32>,
      tpu.vector_store %arg12[%swap3A_2647, %swap3A_2648], %gather3A_2645 {strides = array<i32>} : memref<20x16xf32, #tpu.memory_space<vmem>>, vector<16xf32>,
      %get3A_2650 = arith.constant 11 : i32
      %get3A_2651 = arith.index_cast %get3A_2650 : i32 to index
      %get3A_2652 = arith.index_cast %mul3A_37 : i32 to index
      %get3A_2653 = tpu.vector_load %arg7[%get3A_2651, %get3A_2652] {strides = array<i32>} : memref<48x512xf32, #tpu.memory_space<vmem>>, vector<16xf32>,
      %eq3A_2654 = arith.constant 0.000000e+00 : f32
      %eq3A_2655 = vector.broadcast %eq3A_2654 : f32 to vector<16xf32>
      %eq3A_2656 = arith.cmpf oeq, %sub3A_2338, %eq3A_2655 : vector<16xf32>
      %select_n3A_2657 = arith.select %eq3A_2656, %get3A_2653, %broadcast_in_dim3A_7 : vector<16xi1>, vector<16xf32>
      %add3A_2658 = arith.addf %add3A_2643, %select_n3A_2657 : vector<16xf32>
      %convert_element_type3A_2659 = arith.fptosi %sub3A_2373 : vector<16xf32> to vector<16xi32>
      %gather3A_2660 = tpu.vector_load_idx %arg11[%convert_element_type3A_2659] : memref<32xf32, #tpu.memory_space<vmem>>[vector<16xi32>], vector<16xf32>,
      %swap3A_2661 = arith.constant 12 : i32
      %swap3A_2662 = arith.index_cast %swap3A_2661 : i32 to index
      %swap3A_2663 = arith.constant 0 : index
      %swap3A_2664 = tpu.vector_load %arg12[%swap3A_2662, %swap3A_2663] {strides = array<i32>} : memref<20x16xf32, #tpu.memory_space<vmem>>, vector<16xf32>,
      tpu.vector_store %arg12[%swap3A_2662, %swap3A_2663], %gather3A_2660 {strides = array<i32>} : memref<20x16xf32, #tpu.memory_space<vmem>>, vector<16xf32>,
      %get3A_2665 = arith.constant 12 : i32
      %get3A_2666 = arith.index_cast %get3A_2665 : i32 to index
      %get3A_2667 = arith.index_cast %mul3A_37 : i32 to index
      %get3A_2668 = tpu.vector_load %arg7[%get3A_2666, %get3A_2667] {strides = array<i32>} : memref<48x512xf32, #tpu.memory_space<vmem>>, vector<16xf32>,
      %eq3A_2669 = arith.constant 0.000000e+00 : f32
      %eq3A_2670 = vector.broadcast %eq3A_2669 : f32 to vector<16xf32>
      %eq3A_2671 = arith.cmpf oeq, %sub3A_2373, %eq3A_2670 : vector<16xf32>
      %select_n3A_2672 = arith.select %eq3A_2671, %get3A_2668, %broadcast_in_dim3A_7 : vector<16xi1>, vector<16xf32>
      %add3A_2673 = arith.addf %add3A_2658, %select_n3A_2672 : vector<16xf32>
      %convert_element_type3A_2674 = arith.fptosi %sub3A_2403 : vector<16xf32> to vector<16xi32>
      %gather3A_2675 = tpu.vector_load_idx %arg11[%convert_element_type3A_2674] : memref<32xf32, #tpu.memory_space<vmem>>[vector<16xi32>], vector<16xf32>,
      %swap3A_2676 = arith.constant 13 : i32
      %swap3A_2677 = arith.index_cast %swap3A_2676 : i32 to index
      %swap3A_2678 = arith.constant 0 : index
      %swap3A_2679 = tpu.vector_load %arg12[%swap3A_2677, %swap3A_2678] {strides = array<i32>} : memref<20x16xf32, #tpu.memory_space<vmem>>, vector<16xf32>,
      tpu.vector_store %arg12[%swap3A_2677, %swap3A_2678], %gather3A_2675 {strides = array<i32>} : memref<20x16xf32, #tpu.memory_space<vmem>>, vector<16xf32>,
      %get3A_2680 = arith.constant 13 : i32
      %get3A_2681 = arith.index_cast %get3A_2680 : i32 to index
      %get3A_2682 = arith.index_cast %mul3A_37 : i32 to index
      %get3A_2683 = tpu.vector_load %arg7[%get3A_2681, %get3A_2682] {strides = array<i32>} : memref<48x512xf32, #tpu.memory_space<vmem>>, vector<16xf32>,
      %eq3A_2684 = arith.constant 0.000000e+00 : f32
      %eq3A_2685 = vector.broadcast %eq3A_2684 : f32 to vector<16xf32>
      %eq3A_2686 = arith.cmpf oeq, %sub3A_2403, %eq3A_2685 : vector<16xf32>
      %select_n3A_2687 = arith.select %eq3A_2686, %get3A_2683, %broadcast_in_dim3A_7 : vector<16xi1>, vector<16xf32>
      %add3A_2688 = arith.addf %add3A_2673, %select_n3A_2687 : vector<16xf32>
      %convert_element_type3A_2689 = arith.fptosi %sub3A_2428 : vector<16xf32> to vector<16xi32>
      %gather3A_2690 = tpu.vector_load_idx %arg11[%convert_element_type3A_2689] : memref<32xf32, #tpu.memory_space<vmem>>[vector<16xi32>], vector<16xf32>,
      %swap3A_2691 = arith.constant 14 : i32
      %swap3A_2692 = arith.index_cast %swap3A_2691 : i32 to index
      %swap3A_2693 = arith.constant 0 : index
      %swap3A_2694 = tpu.vector_load %arg12[%swap3A_2692, %swap3A_2693] {strides = array<i32>} : memref<20x16xf32, #tpu.memory_space<vmem>>, vector<16xf32>,
      tpu.vector_store %arg12[%swap3A_2692, %swap3A_2693], %gather3A_2690 {strides = array<i32>} : memref<20x16xf32, #tpu.memory_space<vmem>>, vector<16xf32>,
      %get3A_2695 = arith.constant 14 : i32
      %get3A_2696 = arith.index_cast %get3A_2695 : i32 to index
      %get3A_2697 = arith.index_cast %mul3A_37 : i32 to index
      %get3A_2698 = tpu.vector_load %arg7[%get3A_2696, %get3A_2697] {strides = array<i32>} : memref<48x512xf32, #tpu.memory_space<vmem>>, vector<16xf32>,
      %eq3A_2699 = arith.constant 0.000000e+00 : f32
      %eq3A_2700 = vector.broadcast %eq3A_2699 : f32 to vector<16xf32>
      %eq3A_2701 = arith.cmpf oeq, %sub3A_2428, %eq3A_2700 : vector<16xf32>
      %select_n3A_2702 = arith.select %eq3A_2701, %get3A_2698, %broadcast_in_dim3A_7 : vector<16xi1>, vector<16xf32>
      %add3A_2703 = arith.addf %add3A_2688, %select_n3A_2702 : vector<16xf32>
      %convert_element_type3A_2704 = arith.fptosi %sub3A_2448 : vector<16xf32> to vector<16xi32>
      %gather3A_2705 = tpu.vector_load_idx %arg11[%convert_element_type3A_2704] : memref<32xf32, #tpu.memory_space<vmem>>[vector<16xi32>], vector<16xf32>,
      %swap3A_2706 = arith.constant 15 : i32
      %swap3A_2707 = arith.index_cast %swap3A_2706 : i32 to index
      %swap3A_2708 = arith.constant 0 : index
      %swap3A_2709 = tpu.vector_load %arg12[%swap3A_2707, %swap3A_2708] {strides = array<i32>} : memref<20x16xf32, #tpu.memory_space<vmem>>, vector<16xf32>,
      tpu.vector_store %arg12[%swap3A_2707, %swap3A_2708], %gather3A_2705 {strides = array<i32>} : memref<20x16xf32, #tpu.memory_space<vmem>>, vector<16xf32>,
      %get3A_2710 = arith.constant 15 : i32
      %get3A_2711 = arith.index_cast %get3A_2710 : i32 to index
      %get3A_2712 = arith.index_cast %mul3A_37 : i32 to index
      %get3A_2713 = tpu.vector_load %arg7[%get3A_2711, %get3A_2712] {strides = array<i32>} : memref<48x512xf32, #tpu.memory_space<vmem>>, vector<16xf32>,
      %eq3A_2714 = arith.constant 0.000000e+00 : f32
      %eq3A_2715 = vector.broadcast %eq3A_2714 : f32 to vector<16xf32>
      %eq3A_2716 = arith.cmpf oeq, %sub3A_2448, %eq3A_2715 : vector<16xf32>
      %select_n3A_2717 = arith.select %eq3A_2716, %get3A_2713, %broadcast_in_dim3A_7 : vector<16xi1>, vector<16xf32>
      %add3A_2718 = arith.addf %add3A_2703, %select_n3A_2717 : vector<16xf32>
      %convert_element_type3A_2719 = arith.fptosi %sub3A_2463 : vector<16xf32> to vector<16xi32>
      %gather3A_2720 = tpu.vector_load_idx %arg11[%convert_element_type3A_2719] : memref<32xf32, #tpu.memory_space<vmem>>[vector<16xi32>], vector<16xf32>,
      %swap3A_2721 = arith.constant 16 : i32
      %swap3A_2722 = arith.index_cast %swap3A_2721 : i32 to index
      %swap3A_2723 = arith.constant 0 : index
      %swap3A_2724 = tpu.vector_load %arg12[%swap3A_2722, %swap3A_2723] {strides = array<i32>} : memref<20x16xf32, #tpu.memory_space<vmem>>, vector<16xf32>,
      tpu.vector_store %arg12[%swap3A_2722, %swap3A_2723], %gather3A_2720 {strides = array<i32>} : memref<20x16xf32, #tpu.memory_space<vmem>>, vector<16xf32>,
      %get3A_2725 = arith.constant 16 : i32
      %get3A_2726 = arith.index_cast %get3A_2725 : i32 to index
      %get3A_2727 = arith.index_cast %mul3A_37 : i32 to index
      %get3A_2728 = tpu.vector_load %arg7[%get3A_2726, %get3A_2727] {strides = array<i32>} : memref<48x512xf32, #tpu.memory_space<vmem>>, vector<16xf32>,
      %eq3A_2729 = arith.constant 0.000000e+00 : f32
      %eq3A_2730 = vector.broadcast %eq3A_2729 : f32 to vector<16xf32>
      %eq3A_2731 = arith.cmpf oeq, %sub3A_2463, %eq3A_2730 : vector<16xf32>
      %select_n3A_2732 = arith.select %eq3A_2731, %get3A_2728, %broadcast_in_dim3A_7 : vector<16xi1>, vector<16xf32>
      %add3A_2733 = arith.addf %add3A_2718, %select_n3A_2732 : vector<16xf32>
      %convert_element_type3A_2734 = arith.fptosi %sub3A_2473 : vector<16xf32> to vector<16xi32>
      %gather3A_2735 = tpu.vector_load_idx %arg11[%convert_element_type3A_2734] : memref<32xf32, #tpu.memory_space<vmem>>[vector<16xi32>], vector<16xf32>,
      %swap3A_2736 = arith.constant 17 : i32
      %swap3A_2737 = arith.index_cast %swap3A_2736 : i32 to index
      %swap3A_2738 = arith.constant 0 : index
      %swap3A_2739 = tpu.vector_load %arg12[%swap3A_2737, %swap3A_2738] {strides = array<i32>} : memref<20x16xf32, #tpu.memory_space<vmem>>, vector<16xf32>,
      tpu.vector_store %arg12[%swap3A_2737, %swap3A_2738], %gather3A_2735 {strides = array<i32>} : memref<20x16xf32, #tpu.memory_space<vmem>>, vector<16xf32>,
      %get3A_2740 = arith.constant 17 : i32
      %get3A_2741 = arith.index_cast %get3A_2740 : i32 to index
      %get3A_2742 = arith.index_cast %mul3A_37 : i32 to index
      %get3A_2743 = tpu.vector_load %arg7[%get3A_2741, %get3A_2742] {strides = array<i32>} : memref<48x512xf32, #tpu.memory_space<vmem>>, vector<16xf32>,
      %eq3A_2744 = arith.constant 0.000000e+00 : f32
      %eq3A_2745 = vector.broadcast %eq3A_2744 : f32 to vector<16xf32>
      %eq3A_2746 = arith.cmpf oeq, %sub3A_2473, %eq3A_2745 : vector<16xf32>
      %select_n3A_2747 = arith.select %eq3A_2746, %get3A_2743, %broadcast_in_dim3A_7 : vector<16xi1>, vector<16xf32>
      %add3A_2748 = arith.addf %add3A_2733, %select_n3A_2747 : vector<16xf32>
      %convert_element_type3A_2749 = arith.fptosi %sub3A_2478 : vector<16xf32> to vector<16xi32>
      %gather3A_2750 = tpu.vector_load_idx %arg11[%convert_element_type3A_2749] : memref<32xf32, #tpu.memory_space<vmem>>[vector<16xi32>], vector<16xf32>,
      %swap3A_2751 = arith.constant 18 : i32
      %swap3A_2752 = arith.index_cast %swap3A_2751 : i32 to index
      %swap3A_2753 = arith.constant 0 : index
      %swap3A_2754 = tpu.vector_load %arg12[%swap3A_2752, %swap3A_2753] {strides = array<i32>} : memref<20x16xf32, #tpu.memory_space<vmem>>, vector<16xf32>,
      tpu.vector_store %arg12[%swap3A_2752, %swap3A_2753], %gather3A_2750 {strides = array<i32>} : memref<20x16xf32, #tpu.memory_space<vmem>>, vector<16xf32>,
      %get3A_2755 = arith.constant 18 : i32
      %get3A_2756 = arith.index_cast %get3A_2755 : i32 to index
      %get3A_2757 = arith.index_cast %mul3A_37 : i32 to index
      %get3A_2758 = tpu.vector_load %arg7[%get3A_2756, %get3A_2757] {strides = array<i32>} : memref<48x512xf32, #tpu.memory_space<vmem>>, vector<16xf32>,
      %eq3A_2759 = arith.constant 0.000000e+00 : f32
      %eq3A_2760 = vector.broadcast %eq3A_2759 : f32 to vector<16xf32>
      %eq3A_2761 = arith.cmpf oeq, %sub3A_2478, %eq3A_2760 : vector<16xf32>
      %select_n3A_2762 = arith.select %eq3A_2761, %get3A_2758, %broadcast_in_dim3A_7 : vector<16xi1>, vector<16xf32>
      %add3A_2763 = arith.addf %add3A_2748, %select_n3A_2762 : vector<16xf32>
      %convert_element_type3A_2764 = arith.fptosi %add3A_2477 : vector<16xf32> to vector<16xi32>
      %gather3A_2765 = tpu.vector_load_idx %arg11[%convert_element_type3A_2764] : memref<32xf32, #tpu.memory_space<vmem>>[vector<16xi32>], vector<16xf32>,
      %swap3A_2766 = arith.constant 19 : i32
      %swap3A_2767 = arith.index_cast %swap3A_2766 : i32 to index
      %swap3A_2768 = arith.constant 0 : index
      %swap3A_2769 = tpu.vector_load %arg12[%swap3A_2767, %swap3A_2768] {strides = array<i32>} : memref<20x16xf32, #tpu.memory_space<vmem>>, vector<16xf32>,
      tpu.vector_store %arg12[%swap3A_2767, %swap3A_2768], %gather3A_2765 {strides = array<i32>} : memref<20x16xf32, #tpu.memory_space<vmem>>, vector<16xf32>,
      %get3A_2770 = arith.constant 19 : i32
      %get3A_2771 = arith.index_cast %get3A_2770 : i32 to index
      %get3A_2772 = arith.index_cast %mul3A_37 : i32 to index
      %get3A_2773 = tpu.vector_load %arg7[%get3A_2771, %get3A_2772] {strides = array<i32>} : memref<48x512xf32, #tpu.memory_space<vmem>>, vector<16xf32>,
      %eq3A_2774 = arith.constant 0.000000e+00 : f32
      %eq3A_2775 = vector.broadcast %eq3A_2774 : f32 to vector<16xf32>
      %eq3A_2776 = arith.cmpf oeq, %add3A_2477, %eq3A_2775 : vector<16xf32>
      %select_n3A_2777 = arith.select %eq3A_2776, %get3A_2773, %broadcast_in_dim3A_7 : vector<16xi1>, vector<16xf32>
      %add3A_2778 = arith.addf %add3A_2763, %select_n3A_2777 : vector<16xf32>
      %broadcast_in_dim3A_2779 = arith.constant 1.000000e+00 : f32
      %broadcast_in_dim3A_2780 = vector.broadcast %broadcast_in_dim3A_2779 : f32 to vector<16xf32>
      %get3A_2781 = arith.constant 0 : i32
      %get3A_2782 = arith.index_cast %get3A_2781 : i32 to index
      %get3A_2783 = arith.index_cast %mul3A_37 : i32 to index
      %get3A_2784 = tpu.vector_load %arg7[%get3A_2782, %get3A_2783] {strides = array<i32>} : memref<48x512xf32, #tpu.memory_space<vmem>>, vector<16xf32>,
      %get3A_2785 = arith.constant 20 : i32
      %get3A_2786 = arith.index_cast %get3A_2785 : i32 to index
      %get3A_2787 = arith.index_cast %mul3A_37 : i32 to index
      %get3A_2788 = tpu.vector_load %arg7[%get3A_2786, %get3A_2787] {strides = array<i32>} : memref<48x512xf32, #tpu.memory_space<vmem>>, vector<16xf32>,
      %get3A_2789 = arith.constant 0 : i32
      %get3A_2790 = arith.index_cast %get3A_2789 : i32 to index
      %get3A_2791 = arith.constant 0 : index
      %get3A_2792 = tpu.vector_load %arg12[%get3A_2790, %get3A_2791] {strides = array<i32>} : memref<20x16xf32, #tpu.memory_space<vmem>>, vector<16xf32>,
      %sub3A_2793 = arith.subf %add3A_1408, %get3A_2784 : vector<16xf32>
      %add3A_2794 = arith.addf %sub3A_2793, %broadcast_in_dim3A_2780 : vector<16xf32>
      %max3A = arith.maximumf %add3A_2794, %broadcast_in_dim3A_7 : vector<16xf32>
      %mul3A_2795 = arith.mulf %get3A_2792, %max3A : vector<16xf32>
      %add3A_2796 = arith.addf %scan3A_35, %mul3A_2795 : vector<16xf32>
      %get3A_2797 = arith.constant 0 : i32
      %get3A_2798 = arith.index_cast %get3A_2797 : i32 to index
      %get3A_2799 = arith.constant 0 : index
      %get3A_2800 = tpu.vector_load %arg13[%get3A_2798, %get3A_2799] {strides = array<i32>} : memref<20x16xf32, #tpu.memory_space<vmem>>, vector<16xf32>,
      %sub3A_2801 = arith.subf %add3A_2778, %get3A_2788 : vector<16xf32>
      %add3A_2802 = arith.addf %sub3A_2801, %broadcast_in_dim3A_2780 : vector<16xf32>
      %max3A_2803 = arith.maximumf %add3A_2802, %broadcast_in_dim3A_7 : vector<16xf32>
      %mul3A_2804 = arith.mulf %get3A_2800, %max3A_2803 : vector<16xf32>
      %add3A_2805 = arith.addf %add3A_2796, %mul3A_2804 : vector<16xf32>
      %get3A_2806 = arith.constant 1 : i32
      %get3A_2807 = arith.index_cast %get3A_2806 : i32 to index
      %get3A_2808 = arith.index_cast %mul3A_37 : i32 to index
      %get3A_2809 = tpu.vector_load %arg7[%get3A_2807, %get3A_2808] {strides = array<i32>} : memref<48x512xf32, #tpu.memory_space<vmem>>, vector<16xf32>,
      %get3A_2810 = arith.constant 21 : i32
      %get3A_2811 = arith.index_cast %get3A_2810 : i32 to index
      %get3A_2812 = arith.index_cast %mul3A_37 : i32 to index
      %get3A_2813 = tpu.vector_load %arg7[%get3A_2811, %get3A_2812] {strides = array<i32>} : memref<48x512xf32, #tpu.memory_space<vmem>>, vector<16xf32>,
      %get3A_2814 = arith.constant 1 : i32
      %get3A_2815 = arith.index_cast %get3A_2814 : i32 to index
      %get3A_2816 = arith.constant 0 : index
      %get3A_2817 = tpu.vector_load %arg12[%get3A_2815, %get3A_2816] {strides = array<i32>} : memref<20x16xf32, #tpu.memory_space<vmem>>, vector<16xf32>,
      %sub3A_2818 = arith.subf %add3A_1408, %get3A_2809 : vector<16xf32>
      %add3A_2819 = arith.addf %sub3A_2818, %broadcast_in_dim3A_2780 : vector<16xf32>
      %max3A_2820 = arith.maximumf %add3A_2819, %broadcast_in_dim3A_7 : vector<16xf32>
      %mul3A_2821 = arith.mulf %get3A_2817, %max3A_2820 : vector<16xf32>
      %add3A_2822 = arith.addf %add3A_2805, %mul3A_2821 : vector<16xf32>
      %get3A_2823 = arith.constant 1 : i32
      %get3A_2824 = arith.index_cast %get3A_2823 : i32 to index
      %get3A_2825 = arith.constant 0 : index
      %get3A_2826 = tpu.vector_load %arg13[%get3A_2824, %get3A_2825] {strides = array<i32>} : memref<20x16xf32, #tpu.memory_space<vmem>>, vector<16xf32>,
      %sub3A_2827 = arith.subf %add3A_2778, %get3A_2813 : vector<16xf32>
      %add3A_2828 = arith.addf %sub3A_2827, %broadcast_in_dim3A_2780 : vector<16xf32>
      %max3A_2829 = arith.maximumf %add3A_2828, %broadcast_in_dim3A_7 : vector<16xf32>
      %mul3A_2830 = arith.mulf %get3A_2826, %max3A_2829 : vector<16xf32>
      %add3A_2831 = arith.addf %add3A_2822, %mul3A_2830 : vector<16xf32>
      %get3A_2832 = arith.constant 2 : i32
      %get3A_2833 = arith.index_cast %get3A_2832 : i32 to index
      %get3A_2834 = arith.index_cast %mul3A_37 : i32 to index
      %get3A_2835 = tpu.vector_load %arg7[%get3A_2833, %get3A_2834] {strides = array<i32>} : memref<48x512xf32, #tpu.memory_space<vmem>>, vector<16xf32>,
      %get3A_2836 = arith.constant 22 : i32
      %get3A_2837 = arith.index_cast %get3A_2836 : i32 to index
      %get3A_2838 = arith.index_cast %mul3A_37 : i32 to index
      %get3A_2839 = tpu.vector_load %arg7[%get3A_2837, %get3A_2838] {strides = array<i32>} : memref<48x512xf32, #tpu.memory_space<vmem>>, vector<16xf32>,
      %get3A_2840 = arith.constant 2 : i32
      %get3A_2841 = arith.index_cast %get3A_2840 : i32 to index
      %get3A_2842 = arith.constant 0 : index
      %get3A_2843 = tpu.vector_load %arg12[%get3A_2841, %get3A_2842] {strides = array<i32>} : memref<20x16xf32, #tpu.memory_space<vmem>>, vector<16xf32>,
      %sub3A_2844 = arith.subf %add3A_1408, %get3A_2835 : vector<16xf32>
      %add3A_2845 = arith.addf %sub3A_2844, %broadcast_in_dim3A_2780 : vector<16xf32>
      %max3A_2846 = arith.maximumf %add3A_2845, %broadcast_in_dim3A_7 : vector<16xf32>
      %mul3A_2847 = arith.mulf %get3A_2843, %max3A_2846 : vector<16xf32>
      %add3A_2848 = arith.addf %add3A_2831, %mul3A_2847 : vector<16xf32>
      %get3A_2849 = arith.constant 2 : i32
      %get3A_2850 = arith.index_cast %get3A_2849 : i32 to index
      %get3A_2851 = arith.constant 0 : index
      %get3A_2852 = tpu.vector_load %arg13[%get3A_2850, %get3A_2851] {strides = array<i32>} : memref<20x16xf32, #tpu.memory_space<vmem>>, vector<16xf32>,
      %sub3A_2853 = arith.subf %add3A_2778, %get3A_2839 : vector<16xf32>
      %add3A_2854 = arith.addf %sub3A_2853, %broadcast_in_dim3A_2780 : vector<16xf32>
      %max3A_2855 = arith.maximumf %add3A_2854, %broadcast_in_dim3A_7 : vector<16xf32>
      %mul3A_2856 = arith.mulf %get3A_2852, %max3A_2855 : vector<16xf32>
      %add3A_2857 = arith.addf %add3A_2848, %mul3A_2856 : vector<16xf32>
      %get3A_2858 = arith.constant 3 : i32
      %get3A_2859 = arith.index_cast %get3A_2858 : i32 to index
      %get3A_2860 = arith.index_cast %mul3A_37 : i32 to index
      %get3A_2861 = tpu.vector_load %arg7[%get3A_2859, %get3A_2860] {strides = array<i32>} : memref<48x512xf32, #tpu.memory_space<vmem>>, vector<16xf32>,
      %get3A_2862 = arith.constant 23 : i32
      %get3A_2863 = arith.index_cast %get3A_2862 : i32 to index
      %get3A_2864 = arith.index_cast %mul3A_37 : i32 to index
      %get3A_2865 = tpu.vector_load %arg7[%get3A_2863, %get3A_2864] {strides = array<i32>} : memref<48x512xf32, #tpu.memory_space<vmem>>, vector<16xf32>,
      %get3A_2866 = arith.constant 3 : i32
      %get3A_2867 = arith.index_cast %get3A_2866 : i32 to index
      %get3A_2868 = arith.constant 0 : index
      %get3A_2869 = tpu.vector_load %arg12[%get3A_2867, %get3A_2868] {strides = array<i32>} : memref<20x16xf32, #tpu.memory_space<vmem>>, vector<16xf32>,
      %sub3A_2870 = arith.subf %add3A_1408, %get3A_2861 : vector<16xf32>
      %add3A_2871 = arith.addf %sub3A_2870, %broadcast_in_dim3A_2780 : vector<16xf32>
      %max3A_2872 = arith.maximumf %add3A_2871, %broadcast_in_dim3A_7 : vector<16xf32>
      %mul3A_2873 = arith.mulf %get3A_2869, %max3A_2872 : vector<16xf32>
      %add3A_2874 = arith.addf %add3A_2857, %mul3A_2873 : vector<16xf32>
      %get3A_2875 = arith.constant 3 : i32
      %get3A_2876 = arith.index_cast %get3A_2875 : i32 to index
      %get3A_2877 = arith.constant 0 : index
      %get3A_2878 = tpu.vector_load %arg13[%get3A_2876, %get3A_2877] {strides = array<i32>} : memref<20x16xf32, #tpu.memory_space<vmem>>, vector<16xf32>,
      %sub3A_2879 = arith.subf %add3A_2778, %get3A_2865 : vector<16xf32>
      %add3A_2880 = arith.addf %sub3A_2879, %broadcast_in_dim3A_2780 : vector<16xf32>
      %max3A_2881 = arith.maximumf %add3A_2880, %broadcast_in_dim3A_7 : vector<16xf32>
      %mul3A_2882 = arith.mulf %get3A_2878, %max3A_2881 : vector<16xf32>
      %add3A_2883 = arith.addf %add3A_2874, %mul3A_2882 : vector<16xf32>
      %get3A_2884 = arith.constant 4 : i32
      %get3A_2885 = arith.index_cast %get3A_2884 : i32 to index
      %get3A_2886 = arith.index_cast %mul3A_37 : i32 to index
      %get3A_2887 = tpu.vector_load %arg7[%get3A_2885, %get3A_2886] {strides = array<i32>} : memref<48x512xf32, #tpu.memory_space<vmem>>, vector<16xf32>,
      %get3A_2888 = arith.constant 24 : i32
      %get3A_2889 = arith.index_cast %get3A_2888 : i32 to index
      %get3A_2890 = arith.index_cast %mul3A_37 : i32 to index
      %get3A_2891 = tpu.vector_load %arg7[%get3A_2889, %get3A_2890] {strides = array<i32>} : memref<48x512xf32, #tpu.memory_space<vmem>>, vector<16xf32>,
      %get3A_2892 = arith.constant 4 : i32
      %get3A_2893 = arith.index_cast %get3A_2892 : i32 to index
      %get3A_2894 = arith.constant 0 : index
      %get3A_2895 = tpu.vector_load %arg12[%get3A_2893, %get3A_2894] {strides = array<i32>} : memref<20x16xf32, #tpu.memory_space<vmem>>, vector<16xf32>,
      %sub3A_2896 = arith.subf %add3A_1408, %get3A_2887 : vector<16xf32>
      %add3A_2897 = arith.addf %sub3A_2896, %broadcast_in_dim3A_2780 : vector<16xf32>
      %max3A_2898 = arith.maximumf %add3A_2897, %broadcast_in_dim3A_7 : vector<16xf32>
      %mul3A_2899 = arith.mulf %get3A_2895, %max3A_2898 : vector<16xf32>
      %add3A_2900 = arith.addf %add3A_2883, %mul3A_2899 : vector<16xf32>
      %get3A_2901 = arith.constant 4 : i32
      %get3A_2902 = arith.index_cast %get3A_2901 : i32 to index
      %get3A_2903 = arith.constant 0 : index
      %get3A_2904 = tpu.vector_load %arg13[%get3A_2902, %get3A_2903] {strides = array<i32>} : memref<20x16xf32, #tpu.memory_space<vmem>>, vector<16xf32>,
      %sub3A_2905 = arith.subf %add3A_2778, %get3A_2891 : vector<16xf32>
      %add3A_2906 = arith.addf %sub3A_2905, %broadcast_in_dim3A_2780 : vector<16xf32>
      %max3A_2907 = arith.maximumf %add3A_2906, %broadcast_in_dim3A_7 : vector<16xf32>
      %mul3A_2908 = arith.mulf %get3A_2904, %max3A_2907 : vector<16xf32>
      %add3A_2909 = arith.addf %add3A_2900, %mul3A_2908 : vector<16xf32>
      %get3A_2910 = arith.constant 5 : i32
      %get3A_2911 = arith.index_cast %get3A_2910 : i32 to index
      %get3A_2912 = arith.index_cast %mul3A_37 : i32 to index
      %get3A_2913 = tpu.vector_load %arg7[%get3A_2911, %get3A_2912] {strides = array<i32>} : memref<48x512xf32, #tpu.memory_space<vmem>>, vector<16xf32>,
      %get3A_2914 = arith.constant 25 : i32
      %get3A_2915 = arith.index_cast %get3A_2914 : i32 to index
      %get3A_2916 = arith.index_cast %mul3A_37 : i32 to index
      %get3A_2917 = tpu.vector_load %arg7[%get3A_2915, %get3A_2916] {strides = array<i32>} : memref<48x512xf32, #tpu.memory_space<vmem>>, vector<16xf32>,
      %get3A_2918 = arith.constant 5 : i32
      %get3A_2919 = arith.index_cast %get3A_2918 : i32 to index
      %get3A_2920 = arith.constant 0 : index
      %get3A_2921 = tpu.vector_load %arg12[%get3A_2919, %get3A_2920] {strides = array<i32>} : memref<20x16xf32, #tpu.memory_space<vmem>>, vector<16xf32>,
      %sub3A_2922 = arith.subf %add3A_1408, %get3A_2913 : vector<16xf32>
      %add3A_2923 = arith.addf %sub3A_2922, %broadcast_in_dim3A_2780 : vector<16xf32>
      %max3A_2924 = arith.maximumf %add3A_2923, %broadcast_in_dim3A_7 : vector<16xf32>
      %mul3A_2925 = arith.mulf %get3A_2921, %max3A_2924 : vector<16xf32>
      %add3A_2926 = arith.addf %add3A_2909, %mul3A_2925 : vector<16xf32>
      %get3A_2927 = arith.constant 5 : i32
      %get3A_2928 = arith.index_cast %get3A_2927 : i32 to index
      %get3A_2929 = arith.constant 0 : index
      %get3A_2930 = tpu.vector_load %arg13[%get3A_2928, %get3A_2929] {strides = array<i32>} : memref<20x16xf32, #tpu.memory_space<vmem>>, vector<16xf32>,
      %sub3A_2931 = arith.subf %add3A_2778, %get3A_2917 : vector<16xf32>
      %add3A_2932 = arith.addf %sub3A_2931, %broadcast_in_dim3A_2780 : vector<16xf32>
      %max3A_2933 = arith.maximumf %add3A_2932, %broadcast_in_dim3A_7 : vector<16xf32>
      %mul3A_2934 = arith.mulf %get3A_2930, %max3A_2933 : vector<16xf32>
      %add3A_2935 = arith.addf %add3A_2926, %mul3A_2934 : vector<16xf32>
      %get3A_2936 = arith.constant 6 : i32
      %get3A_2937 = arith.index_cast %get3A_2936 : i32 to index
      %get3A_2938 = arith.index_cast %mul3A_37 : i32 to index
      %get3A_2939 = tpu.vector_load %arg7[%get3A_2937, %get3A_2938] {strides = array<i32>} : memref<48x512xf32, #tpu.memory_space<vmem>>, vector<16xf32>,
      %get3A_2940 = arith.constant 26 : i32
      %get3A_2941 = arith.index_cast %get3A_2940 : i32 to index
      %get3A_2942 = arith.index_cast %mul3A_37 : i32 to index
      %get3A_2943 = tpu.vector_load %arg7[%get3A_2941, %get3A_2942] {strides = array<i32>} : memref<48x512xf32, #tpu.memory_space<vmem>>, vector<16xf32>,
      %get3A_2944 = arith.constant 6 : i32
      %get3A_2945 = arith.index_cast %get3A_2944 : i32 to index
      %get3A_2946 = arith.constant 0 : index
      %get3A_2947 = tpu.vector_load %arg12[%get3A_2945, %get3A_2946] {strides = array<i32>} : memref<20x16xf32, #tpu.memory_space<vmem>>, vector<16xf32>,
      %sub3A_2948 = arith.subf %add3A_1408, %get3A_2939 : vector<16xf32>
      %add3A_2949 = arith.addf %sub3A_2948, %broadcast_in_dim3A_2780 : vector<16xf32>
      %max3A_2950 = arith.maximumf %add3A_2949, %broadcast_in_dim3A_7 : vector<16xf32>
      %mul3A_2951 = arith.mulf %get3A_2947, %max3A_2950 : vector<16xf32>
      %add3A_2952 = arith.addf %add3A_2935, %mul3A_2951 : vector<16xf32>
      %get3A_2953 = arith.constant 6 : i32
      %get3A_2954 = arith.index_cast %get3A_2953 : i32 to index
      %get3A_2955 = arith.constant 0 : index
      %get3A_2956 = tpu.vector_load %arg13[%get3A_2954, %get3A_2955] {strides = array<i32>} : memref<20x16xf32, #tpu.memory_space<vmem>>, vector<16xf32>,
      %sub3A_2957 = arith.subf %add3A_2778, %get3A_2943 : vector<16xf32>
      %add3A_2958 = arith.addf %sub3A_2957, %broadcast_in_dim3A_2780 : vector<16xf32>
      %max3A_2959 = arith.maximumf %add3A_2958, %broadcast_in_dim3A_7 : vector<16xf32>
      %mul3A_2960 = arith.mulf %get3A_2956, %max3A_2959 : vector<16xf32>
      %add3A_2961 = arith.addf %add3A_2952, %mul3A_2960 : vector<16xf32>
      %get3A_2962 = arith.constant 7 : i32
      %get3A_2963 = arith.index_cast %get3A_2962 : i32 to index
      %get3A_2964 = arith.index_cast %mul3A_37 : i32 to index
      %get3A_2965 = tpu.vector_load %arg7[%get3A_2963, %get3A_2964] {strides = array<i32>} : memref<48x512xf32, #tpu.memory_space<vmem>>, vector<16xf32>,
      %get3A_2966 = arith.constant 27 : i32
      %get3A_2967 = arith.index_cast %get3A_2966 : i32 to index
      %get3A_2968 = arith.index_cast %mul3A_37 : i32 to index
      %get3A_2969 = tpu.vector_load %arg7[%get3A_2967, %get3A_2968] {strides = array<i32>} : memref<48x512xf32, #tpu.memory_space<vmem>>, vector<16xf32>,
      %get3A_2970 = arith.constant 7 : i32
      %get3A_2971 = arith.index_cast %get3A_2970 : i32 to index
      %get3A_2972 = arith.constant 0 : index
      %get3A_2973 = tpu.vector_load %arg12[%get3A_2971, %get3A_2972] {strides = array<i32>} : memref<20x16xf32, #tpu.memory_space<vmem>>, vector<16xf32>,
      %sub3A_2974 = arith.subf %add3A_1408, %get3A_2965 : vector<16xf32>
      %add3A_2975 = arith.addf %sub3A_2974, %broadcast_in_dim3A_2780 : vector<16xf32>
      %max3A_2976 = arith.maximumf %add3A_2975, %broadcast_in_dim3A_7 : vector<16xf32>
      %mul3A_2977 = arith.mulf %get3A_2973, %max3A_2976 : vector<16xf32>
      %add3A_2978 = arith.addf %add3A_2961, %mul3A_2977 : vector<16xf32>
      %get3A_2979 = arith.constant 7 : i32
      %get3A_2980 = arith.index_cast %get3A_2979 : i32 to index
      %get3A_2981 = arith.constant 0 : index
      %get3A_2982 = tpu.vector_load %arg13[%get3A_2980, %get3A_2981] {strides = array<i32>} : memref<20x16xf32, #tpu.memory_space<vmem>>, vector<16xf32>,
      %sub3A_2983 = arith.subf %add3A_2778, %get3A_2969 : vector<16xf32>
      %add3A_2984 = arith.addf %sub3A_2983, %broadcast_in_dim3A_2780 : vector<16xf32>
      %max3A_2985 = arith.maximumf %add3A_2984, %broadcast_in_dim3A_7 : vector<16xf32>
      %mul3A_2986 = arith.mulf %get3A_2982, %max3A_2985 : vector<16xf32>
      %add3A_2987 = arith.addf %add3A_2978, %mul3A_2986 : vector<16xf32>
      %get3A_2988 = arith.constant 8 : i32
      %get3A_2989 = arith.index_cast %get3A_2988 : i32 to index
      %get3A_2990 = arith.index_cast %mul3A_37 : i32 to index
      %get3A_2991 = tpu.vector_load %arg7[%get3A_2989, %get3A_2990] {strides = array<i32>} : memref<48x512xf32, #tpu.memory_space<vmem>>, vector<16xf32>,
      %get3A_2992 = arith.constant 28 : i32
      %get3A_2993 = arith.index_cast %get3A_2992 : i32 to index
      %get3A_2994 = arith.index_cast %mul3A_37 : i32 to index
      %get3A_2995 = tpu.vector_load %arg7[%get3A_2993, %get3A_2994] {strides = array<i32>} : memref<48x512xf32, #tpu.memory_space<vmem>>, vector<16xf32>,
      %get3A_2996 = arith.constant 8 : i32
      %get3A_2997 = arith.index_cast %get3A_2996 : i32 to index
      %get3A_2998 = arith.constant 0 : index
      %get3A_2999 = tpu.vector_load %arg12[%get3A_2997, %get3A_2998] {strides = array<i32>} : memref<20x16xf32, #tpu.memory_space<vmem>>, vector<16xf32>,
      %sub3A_3000 = arith.subf %add3A_1408, %get3A_2991 : vector<16xf32>
      %add3A_3001 = arith.addf %sub3A_3000, %broadcast_in_dim3A_2780 : vector<16xf32>
      %max3A_3002 = arith.maximumf %add3A_3001, %broadcast_in_dim3A_7 : vector<16xf32>
      %mul3A_3003 = arith.mulf %get3A_2999, %max3A_3002 : vector<16xf32>
      %add3A_3004 = arith.addf %add3A_2987, %mul3A_3003 : vector<16xf32>
      %get3A_3005 = arith.constant 8 : i32
      %get3A_3006 = arith.index_cast %get3A_3005 : i32 to index
      %get3A_3007 = arith.constant 0 : index
      %get3A_3008 = tpu.vector_load %arg13[%get3A_3006, %get3A_3007] {strides = array<i32>} : memref<20x16xf32, #tpu.memory_space<vmem>>, vector<16xf32>,
      %sub3A_3009 = arith.subf %add3A_2778, %get3A_2995 : vector<16xf32>
      %add3A_3010 = arith.addf %sub3A_3009, %broadcast_in_dim3A_2780 : vector<16xf32>
      %max3A_3011 = arith.maximumf %add3A_3010, %broadcast_in_dim3A_7 : vector<16xf32>
      %mul3A_3012 = arith.mulf %get3A_3008, %max3A_3011 : vector<16xf32>
      %add3A_3013 = arith.addf %add3A_3004, %mul3A_3012 : vector<16xf32>
      %get3A_3014 = arith.constant 9 : i32
      %get3A_3015 = arith.index_cast %get3A_3014 : i32 to index
      %get3A_3016 = arith.index_cast %mul3A_37 : i32 to index
      %get3A_3017 = tpu.vector_load %arg7[%get3A_3015, %get3A_3016] {strides = array<i32>} : memref<48x512xf32, #tpu.memory_space<vmem>>, vector<16xf32>,
      %get3A_3018 = arith.constant 29 : i32
      %get3A_3019 = arith.index_cast %get3A_3018 : i32 to index
      %get3A_3020 = arith.index_cast %mul3A_37 : i32 to index
      %get3A_3021 = tpu.vector_load %arg7[%get3A_3019, %get3A_3020] {strides = array<i32>} : memref<48x512xf32, #tpu.memory_space<vmem>>, vector<16xf32>,
      %get3A_3022 = arith.constant 9 : i32
      %get3A_3023 = arith.index_cast %get3A_3022 : i32 to index
      %get3A_3024 = arith.constant 0 : index
      %get3A_3025 = tpu.vector_load %arg12[%get3A_3023, %get3A_3024] {strides = array<i32>} : memref<20x16xf32, #tpu.memory_space<vmem>>, vector<16xf32>,
      %sub3A_3026 = arith.subf %add3A_1408, %get3A_3017 : vector<16xf32>
      %add3A_3027 = arith.addf %sub3A_3026, %broadcast_in_dim3A_2780 : vector<16xf32>
      %max3A_3028 = arith.maximumf %add3A_3027, %broadcast_in_dim3A_7 : vector<16xf32>
      %mul3A_3029 = arith.mulf %get3A_3025, %max3A_3028 : vector<16xf32>
      %add3A_3030 = arith.addf %add3A_3013, %mul3A_3029 : vector<16xf32>
      %get3A_3031 = arith.constant 9 : i32
      %get3A_3032 = arith.index_cast %get3A_3031 : i32 to index
      %get3A_3033 = arith.constant 0 : index
      %get3A_3034 = tpu.vector_load %arg13[%get3A_3032, %get3A_3033] {strides = array<i32>} : memref<20x16xf32, #tpu.memory_space<vmem>>, vector<16xf32>,
      %sub3A_3035 = arith.subf %add3A_2778, %get3A_3021 : vector<16xf32>
      %add3A_3036 = arith.addf %sub3A_3035, %broadcast_in_dim3A_2780 : vector<16xf32>
      %max3A_3037 = arith.maximumf %add3A_3036, %broadcast_in_dim3A_7 : vector<16xf32>
      %mul3A_3038 = arith.mulf %get3A_3034, %max3A_3037 : vector<16xf32>
      %add3A_3039 = arith.addf %add3A_3030, %mul3A_3038 : vector<16xf32>
      %get3A_3040 = arith.constant 10 : i32
      %get3A_3041 = arith.index_cast %get3A_3040 : i32 to index
      %get3A_3042 = arith.index_cast %mul3A_37 : i32 to index
      %get3A_3043 = tpu.vector_load %arg7[%get3A_3041, %get3A_3042] {strides = array<i32>} : memref<48x512xf32, #tpu.memory_space<vmem>>, vector<16xf32>,
      %get3A_3044 = arith.constant 30 : i32
      %get3A_3045 = arith.index_cast %get3A_3044 : i32 to index
      %get3A_3046 = arith.index_cast %mul3A_37 : i32 to index
      %get3A_3047 = tpu.vector_load %arg7[%get3A_3045, %get3A_3046] {strides = array<i32>} : memref<48x512xf32, #tpu.memory_space<vmem>>, vector<16xf32>,
      %get3A_3048 = arith.constant 10 : i32
      %get3A_3049 = arith.index_cast %get3A_3048 : i32 to index
      %get3A_3050 = arith.constant 0 : index
      %get3A_3051 = tpu.vector_load %arg12[%get3A_3049, %get3A_3050] {strides = array<i32>} : memref<20x16xf32, #tpu.memory_space<vmem>>, vector<16xf32>,
      %sub3A_3052 = arith.subf %add3A_1408, %get3A_3043 : vector<16xf32>
      %add3A_3053 = arith.addf %sub3A_3052, %broadcast_in_dim3A_2780 : vector<16xf32>
      %max3A_3054 = arith.maximumf %add3A_3053, %broadcast_in_dim3A_7 : vector<16xf32>
      %mul3A_3055 = arith.mulf %get3A_3051, %max3A_3054 : vector<16xf32>
      %add3A_3056 = arith.addf %add3A_3039, %mul3A_3055 : vector<16xf32>
      %get3A_3057 = arith.constant 10 : i32
      %get3A_3058 = arith.index_cast %get3A_3057 : i32 to index
      %get3A_3059 = arith.constant 0 : index
      %get3A_3060 = tpu.vector_load %arg13[%get3A_3058, %get3A_3059] {strides = array<i32>} : memref<20x16xf32, #tpu.memory_space<vmem>>, vector<16xf32>,
      %sub3A_3061 = arith.subf %add3A_2778, %get3A_3047 : vector<16xf32>
      %add3A_3062 = arith.addf %sub3A_3061, %broadcast_in_dim3A_2780 : vector<16xf32>
      %max3A_3063 = arith.maximumf %add3A_3062, %broadcast_in_dim3A_7 : vector<16xf32>
      %mul3A_3064 = arith.mulf %get3A_3060, %max3A_3063 : vector<16xf32>
      %add3A_3065 = arith.addf %add3A_3056, %mul3A_3064 : vector<16xf32>
      %get3A_3066 = arith.constant 11 : i32
      %get3A_3067 = arith.index_cast %get3A_3066 : i32 to index
      %get3A_3068 = arith.index_cast %mul3A_37 : i32 to index
      %get3A_3069 = tpu.vector_load %arg7[%get3A_3067, %get3A_3068] {strides = array<i32>} : memref<48x512xf32, #tpu.memory_space<vmem>>, vector<16xf32>,
      %get3A_3070 = arith.constant 31 : i32
      %get3A_3071 = arith.index_cast %get3A_3070 : i32 to index
      %get3A_3072 = arith.index_cast %mul3A_37 : i32 to index
      %get3A_3073 = tpu.vector_load %arg7[%get3A_3071, %get3A_3072] {strides = array<i32>} : memref<48x512xf32, #tpu.memory_space<vmem>>, vector<16xf32>,
      %get3A_3074 = arith.constant 11 : i32
      %get3A_3075 = arith.index_cast %get3A_3074 : i32 to index
      %get3A_3076 = arith.constant 0 : index
      %get3A_3077 = tpu.vector_load %arg12[%get3A_3075, %get3A_3076] {strides = array<i32>} : memref<20x16xf32, #tpu.memory_space<vmem>>, vector<16xf32>,
      %sub3A_3078 = arith.subf %add3A_1408, %get3A_3069 : vector<16xf32>
      %add3A_3079 = arith.addf %sub3A_3078, %broadcast_in_dim3A_2780 : vector<16xf32>
      %max3A_3080 = arith.maximumf %add3A_3079, %broadcast_in_dim3A_7 : vector<16xf32>
      %mul3A_3081 = arith.mulf %get3A_3077, %max3A_3080 : vector<16xf32>
      %add3A_3082 = arith.addf %add3A_3065, %mul3A_3081 : vector<16xf32>
      %get3A_3083 = arith.constant 11 : i32
      %get3A_3084 = arith.index_cast %get3A_3083 : i32 to index
      %get3A_3085 = arith.constant 0 : index
      %get3A_3086 = tpu.vector_load %arg13[%get3A_3084, %get3A_3085] {strides = array<i32>} : memref<20x16xf32, #tpu.memory_space<vmem>>, vector<16xf32>,
      %sub3A_3087 = arith.subf %add3A_2778, %get3A_3073 : vector<16xf32>
      %add3A_3088 = arith.addf %sub3A_3087, %broadcast_in_dim3A_2780 : vector<16xf32>
      %max3A_3089 = arith.maximumf %add3A_3088, %broadcast_in_dim3A_7 : vector<16xf32>
      %mul3A_3090 = arith.mulf %get3A_3086, %max3A_3089 : vector<16xf32>
      %add3A_3091 = arith.addf %add3A_3082, %mul3A_3090 : vector<16xf32>
      %get3A_3092 = arith.constant 12 : i32
      %get3A_3093 = arith.index_cast %get3A_3092 : i32 to index
      %get3A_3094 = arith.index_cast %mul3A_37 : i32 to index
      %get3A_3095 = tpu.vector_load %arg7[%get3A_3093, %get3A_3094] {strides = array<i32>} : memref<48x512xf32, #tpu.memory_space<vmem>>, vector<16xf32>,
      %get3A_3096 = arith.constant 32 : i32
      %get3A_3097 = arith.index_cast %get3A_3096 : i32 to index
      %get3A_3098 = arith.index_cast %mul3A_37 : i32 to index
      %get3A_3099 = tpu.vector_load %arg7[%get3A_3097, %get3A_3098] {strides = array<i32>} : memref<48x512xf32, #tpu.memory_space<vmem>>, vector<16xf32>,
      %get3A_3100 = arith.constant 12 : i32
      %get3A_3101 = arith.index_cast %get3A_3100 : i32 to index
      %get3A_3102 = arith.constant 0 : index
      %get3A_3103 = tpu.vector_load %arg12[%get3A_3101, %get3A_3102] {strides = array<i32>} : memref<20x16xf32, #tpu.memory_space<vmem>>, vector<16xf32>,
      %sub3A_3104 = arith.subf %add3A_1408, %get3A_3095 : vector<16xf32>
      %add3A_3105 = arith.addf %sub3A_3104, %broadcast_in_dim3A_2780 : vector<16xf32>
      %max3A_3106 = arith.maximumf %add3A_3105, %broadcast_in_dim3A_7 : vector<16xf32>
      %mul3A_3107 = arith.mulf %get3A_3103, %max3A_3106 : vector<16xf32>
      %add3A_3108 = arith.addf %add3A_3091, %mul3A_3107 : vector<16xf32>
      %get3A_3109 = arith.constant 12 : i32
      %get3A_3110 = arith.index_cast %get3A_3109 : i32 to index
      %get3A_3111 = arith.constant 0 : index
      %get3A_3112 = tpu.vector_load %arg13[%get3A_3110, %get3A_3111] {strides = array<i32>} : memref<20x16xf32, #tpu.memory_space<vmem>>, vector<16xf32>,
      %sub3A_3113 = arith.subf %add3A_2778, %get3A_3099 : vector<16xf32>
      %add3A_3114 = arith.addf %sub3A_3113, %broadcast_in_dim3A_2780 : vector<16xf32>
      %max3A_3115 = arith.maximumf %add3A_3114, %broadcast_in_dim3A_7 : vector<16xf32>
      %mul3A_3116 = arith.mulf %get3A_3112, %max3A_3115 : vector<16xf32>
      %add3A_3117 = arith.addf %add3A_3108, %mul3A_3116 : vector<16xf32>
      %get3A_3118 = arith.constant 13 : i32
      %get3A_3119 = arith.index_cast %get3A_3118 : i32 to index
      %get3A_3120 = arith.index_cast %mul3A_37 : i32 to index
      %get3A_3121 = tpu.vector_load %arg7[%get3A_3119, %get3A_3120] {strides = array<i32>} : memref<48x512xf32, #tpu.memory_space<vmem>>, vector<16xf32>,
      %get3A_3122 = arith.constant 33 : i32
      %get3A_3123 = arith.index_cast %get3A_3122 : i32 to index
      %get3A_3124 = arith.index_cast %mul3A_37 : i32 to index
      %get3A_3125 = tpu.vector_load %arg7[%get3A_3123, %get3A_3124] {strides = array<i32>} : memref<48x512xf32, #tpu.memory_space<vmem>>, vector<16xf32>,
      %get3A_3126 = arith.constant 13 : i32
      %get3A_3127 = arith.index_cast %get3A_3126 : i32 to index
      %get3A_3128 = arith.constant 0 : index
      %get3A_3129 = tpu.vector_load %arg12[%get3A_3127, %get3A_3128] {strides = array<i32>} : memref<20x16xf32, #tpu.memory_space<vmem>>, vector<16xf32>,
      %sub3A_3130 = arith.subf %add3A_1408, %get3A_3121 : vector<16xf32>
      %add3A_3131 = arith.addf %sub3A_3130, %broadcast_in_dim3A_2780 : vector<16xf32>
      %max3A_3132 = arith.maximumf %add3A_3131, %broadcast_in_dim3A_7 : vector<16xf32>
      %mul3A_3133 = arith.mulf %get3A_3129, %max3A_3132 : vector<16xf32>
      %add3A_3134 = arith.addf %add3A_3117, %mul3A_3133 : vector<16xf32>
      %get3A_3135 = arith.constant 13 : i32
      %get3A_3136 = arith.index_cast %get3A_3135 : i32 to index
      %get3A_3137 = arith.constant 0 : index
      %get3A_3138 = tpu.vector_load %arg13[%get3A_3136, %get3A_3137] {strides = array<i32>} : memref<20x16xf32, #tpu.memory_space<vmem>>, vector<16xf32>,
      %sub3A_3139 = arith.subf %add3A_2778, %get3A_3125 : vector<16xf32>
      %add3A_3140 = arith.addf %sub3A_3139, %broadcast_in_dim3A_2780 : vector<16xf32>
      %max3A_3141 = arith.maximumf %add3A_3140, %broadcast_in_dim3A_7 : vector<16xf32>
      %mul3A_3142 = arith.mulf %get3A_3138, %max3A_3141 : vector<16xf32>
      %add3A_3143 = arith.addf %add3A_3134, %mul3A_3142 : vector<16xf32>
      %get3A_3144 = arith.constant 14 : i32
      %get3A_3145 = arith.index_cast %get3A_3144 : i32 to index
      %get3A_3146 = arith.index_cast %mul3A_37 : i32 to index
      %get3A_3147 = tpu.vector_load %arg7[%get3A_3145, %get3A_3146] {strides = array<i32>} : memref<48x512xf32, #tpu.memory_space<vmem>>, vector<16xf32>,
      %get3A_3148 = arith.constant 34 : i32
      %get3A_3149 = arith.index_cast %get3A_3148 : i32 to index
      %get3A_3150 = arith.index_cast %mul3A_37 : i32 to index
      %get3A_3151 = tpu.vector_load %arg7[%get3A_3149, %get3A_3150] {strides = array<i32>} : memref<48x512xf32, #tpu.memory_space<vmem>>, vector<16xf32>,
      %get3A_3152 = arith.constant 14 : i32
      %get3A_3153 = arith.index_cast %get3A_3152 : i32 to index
      %get3A_3154 = arith.constant 0 : index
      %get3A_3155 = tpu.vector_load %arg12[%get3A_3153, %get3A_3154] {strides = array<i32>} : memref<20x16xf32, #tpu.memory_space<vmem>>, vector<16xf32>,
      %sub3A_3156 = arith.subf %add3A_1408, %get3A_3147 : vector<16xf32>
      %add3A_3157 = arith.addf %sub3A_3156, %broadcast_in_dim3A_2780 : vector<16xf32>
      %max3A_3158 = arith.maximumf %add3A_3157, %broadcast_in_dim3A_7 : vector<16xf32>
      %mul3A_3159 = arith.mulf %get3A_3155, %max3A_3158 : vector<16xf32>
      %add3A_3160 = arith.addf %add3A_3143, %mul3A_3159 : vector<16xf32>
      %get3A_3161 = arith.constant 14 : i32
      %get3A_3162 = arith.index_cast %get3A_3161 : i32 to index
      %get3A_3163 = arith.constant 0 : index
      %get3A_3164 = tpu.vector_load %arg13[%get3A_3162, %get3A_3163] {strides = array<i32>} : memref<20x16xf32, #tpu.memory_space<vmem>>, vector<16xf32>,
      %sub3A_3165 = arith.subf %add3A_2778, %get3A_3151 : vector<16xf32>
      %add3A_3166 = arith.addf %sub3A_3165, %broadcast_in_dim3A_2780 : vector<16xf32>
      %max3A_3167 = arith.maximumf %add3A_3166, %broadcast_in_dim3A_7 : vector<16xf32>
      %mul3A_3168 = arith.mulf %get3A_3164, %max3A_3167 : vector<16xf32>
      %add3A_3169 = arith.addf %add3A_3160, %mul3A_3168 : vector<16xf32>
      %get3A_3170 = arith.constant 15 : i32
      %get3A_3171 = arith.index_cast %get3A_3170 : i32 to index
      %get3A_3172 = arith.index_cast %mul3A_37 : i32 to index
      %get3A_3173 = tpu.vector_load %arg7[%get3A_3171, %get3A_3172] {strides = array<i32>} : memref<48x512xf32, #tpu.memory_space<vmem>>, vector<16xf32>,
      %get3A_3174 = arith.constant 35 : i32
      %get3A_3175 = arith.index_cast %get3A_3174 : i32 to index
      %get3A_3176 = arith.index_cast %mul3A_37 : i32 to index
      %get3A_3177 = tpu.vector_load %arg7[%get3A_3175, %get3A_3176] {strides = array<i32>} : memref<48x512xf32, #tpu.memory_space<vmem>>, vector<16xf32>,
      %get3A_3178 = arith.constant 15 : i32
      %get3A_3179 = arith.index_cast %get3A_3178 : i32 to index
      %get3A_3180 = arith.constant 0 : index
      %get3A_3181 = tpu.vector_load %arg12[%get3A_3179, %get3A_3180] {strides = array<i32>} : memref<20x16xf32, #tpu.memory_space<vmem>>, vector<16xf32>,
      %sub3A_3182 = arith.subf %add3A_1408, %get3A_3173 : vector<16xf32>
      %add3A_3183 = arith.addf %sub3A_3182, %broadcast_in_dim3A_2780 : vector<16xf32>
      %max3A_3184 = arith.maximumf %add3A_3183, %broadcast_in_dim3A_7 : vector<16xf32>
      %mul3A_3185 = arith.mulf %get3A_3181, %max3A_3184 : vector<16xf32>
      %add3A_3186 = arith.addf %add3A_3169, %mul3A_3185 : vector<16xf32>
      %get3A_3187 = arith.constant 15 : i32
      %get3A_3188 = arith.index_cast %get3A_3187 : i32 to index
      %get3A_3189 = arith.constant 0 : index
      %get3A_3190 = tpu.vector_load %arg13[%get3A_3188, %get3A_3189] {strides = array<i32>} : memref<20x16xf32, #tpu.memory_space<vmem>>, vector<16xf32>,
      %sub3A_3191 = arith.subf %add3A_2778, %get3A_3177 : vector<16xf32>
      %add3A_3192 = arith.addf %sub3A_3191, %broadcast_in_dim3A_2780 : vector<16xf32>
      %max3A_3193 = arith.maximumf %add3A_3192, %broadcast_in_dim3A_7 : vector<16xf32>
      %mul3A_3194 = arith.mulf %get3A_3190, %max3A_3193 : vector<16xf32>
      %add3A_3195 = arith.addf %add3A_3186, %mul3A_3194 : vector<16xf32>
      %get3A_3196 = arith.constant 16 : i32
      %get3A_3197 = arith.index_cast %get3A_3196 : i32 to index
      %get3A_3198 = arith.index_cast %mul3A_37 : i32 to index
      %get3A_3199 = tpu.vector_load %arg7[%get3A_3197, %get3A_3198] {strides = array<i32>} : memref<48x512xf32, #tpu.memory_space<vmem>>, vector<16xf32>,
      %get3A_3200 = arith.constant 36 : i32
      %get3A_3201 = arith.index_cast %get3A_3200 : i32 to index
      %get3A_3202 = arith.index_cast %mul3A_37 : i32 to index
      %get3A_3203 = tpu.vector_load %arg7[%get3A_3201, %get3A_3202] {strides = array<i32>} : memref<48x512xf32, #tpu.memory_space<vmem>>, vector<16xf32>,
      %get3A_3204 = arith.constant 16 : i32
      %get3A_3205 = arith.index_cast %get3A_3204 : i32 to index
      %get3A_3206 = arith.constant 0 : index
      %get3A_3207 = tpu.vector_load %arg12[%get3A_3205, %get3A_3206] {strides = array<i32>} : memref<20x16xf32, #tpu.memory_space<vmem>>, vector<16xf32>,
      %sub3A_3208 = arith.subf %add3A_1408, %get3A_3199 : vector<16xf32>
      %add3A_3209 = arith.addf %sub3A_3208, %broadcast_in_dim3A_2780 : vector<16xf32>
      %max3A_3210 = arith.maximumf %add3A_3209, %broadcast_in_dim3A_7 : vector<16xf32>
      %mul3A_3211 = arith.mulf %get3A_3207, %max3A_3210 : vector<16xf32>
      %add3A_3212 = arith.addf %add3A_3195, %mul3A_3211 : vector<16xf32>
      %get3A_3213 = arith.constant 16 : i32
      %get3A_3214 = arith.index_cast %get3A_3213 : i32 to index
      %get3A_3215 = arith.constant 0 : index
      %get3A_3216 = tpu.vector_load %arg13[%get3A_3214, %get3A_3215] {strides = array<i32>} : memref<20x16xf32, #tpu.memory_space<vmem>>, vector<16xf32>,
      %sub3A_3217 = arith.subf %add3A_2778, %get3A_3203 : vector<16xf32>
      %add3A_3218 = arith.addf %sub3A_3217, %broadcast_in_dim3A_2780 : vector<16xf32>
      %max3A_3219 = arith.maximumf %add3A_3218, %broadcast_in_dim3A_7 : vector<16xf32>
      %mul3A_3220 = arith.mulf %get3A_3216, %max3A_3219 : vector<16xf32>
      %add3A_3221 = arith.addf %add3A_3212, %mul3A_3220 : vector<16xf32>
      %get3A_3222 = arith.constant 17 : i32
      %get3A_3223 = arith.index_cast %get3A_3222 : i32 to index
      %get3A_3224 = arith.index_cast %mul3A_37 : i32 to index
      %get3A_3225 = tpu.vector_load %arg7[%get3A_3223, %get3A_3224] {strides = array<i32>} : memref<48x512xf32, #tpu.memory_space<vmem>>, vector<16xf32>,
      %get3A_3226 = arith.constant 37 : i32
      %get3A_3227 = arith.index_cast %get3A_3226 : i32 to index
      %get3A_3228 = arith.index_cast %mul3A_37 : i32 to index
      %get3A_3229 = tpu.vector_load %arg7[%get3A_3227, %get3A_3228] {strides = array<i32>} : memref<48x512xf32, #tpu.memory_space<vmem>>, vector<16xf32>,
      %get3A_3230 = arith.constant 17 : i32
      %get3A_3231 = arith.index_cast %get3A_3230 : i32 to index
      %get3A_3232 = arith.constant 0 : index
      %get3A_3233 = tpu.vector_load %arg12[%get3A_3231, %get3A_3232] {strides = array<i32>} : memref<20x16xf32, #tpu.memory_space<vmem>>, vector<16xf32>,
      %sub3A_3234 = arith.subf %add3A_1408, %get3A_3225 : vector<16xf32>
      %add3A_3235 = arith.addf %sub3A_3234, %broadcast_in_dim3A_2780 : vector<16xf32>
      %max3A_3236 = arith.maximumf %add3A_3235, %broadcast_in_dim3A_7 : vector<16xf32>
      %mul3A_3237 = arith.mulf %get3A_3233, %max3A_3236 : vector<16xf32>
      %add3A_3238 = arith.addf %add3A_3221, %mul3A_3237 : vector<16xf32>
      %get3A_3239 = arith.constant 17 : i32
      %get3A_3240 = arith.index_cast %get3A_3239 : i32 to index
      %get3A_3241 = arith.constant 0 : index
      %get3A_3242 = tpu.vector_load %arg13[%get3A_3240, %get3A_3241] {strides = array<i32>} : memref<20x16xf32, #tpu.memory_space<vmem>>, vector<16xf32>,
      %sub3A_3243 = arith.subf %add3A_2778, %get3A_3229 : vector<16xf32>
      %add3A_3244 = arith.addf %sub3A_3243, %broadcast_in_dim3A_2780 : vector<16xf32>
      %max3A_3245 = arith.maximumf %add3A_3244, %broadcast_in_dim3A_7 : vector<16xf32>
      %mul3A_3246 = arith.mulf %get3A_3242, %max3A_3245 : vector<16xf32>
      %add3A_3247 = arith.addf %add3A_3238, %mul3A_3246 : vector<16xf32>
      %get3A_3248 = arith.constant 18 : i32
      %get3A_3249 = arith.index_cast %get3A_3248 : i32 to index
      %get3A_3250 = arith.index_cast %mul3A_37 : i32 to index
      %get3A_3251 = tpu.vector_load %arg7[%get3A_3249, %get3A_3250] {strides = array<i32>} : memref<48x512xf32, #tpu.memory_space<vmem>>, vector<16xf32>,
      %get3A_3252 = arith.constant 38 : i32
      %get3A_3253 = arith.index_cast %get3A_3252 : i32 to index
      %get3A_3254 = arith.index_cast %mul3A_37 : i32 to index
      %get3A_3255 = tpu.vector_load %arg7[%get3A_3253, %get3A_3254] {strides = array<i32>} : memref<48x512xf32, #tpu.memory_space<vmem>>, vector<16xf32>,
      %get3A_3256 = arith.constant 18 : i32
      %get3A_3257 = arith.index_cast %get3A_3256 : i32 to index
      %get3A_3258 = arith.constant 0 : index
      %get3A_3259 = tpu.vector_load %arg12[%get3A_3257, %get3A_3258] {strides = array<i32>} : memref<20x16xf32, #tpu.memory_space<vmem>>, vector<16xf32>,
      %sub3A_3260 = arith.subf %add3A_1408, %get3A_3251 : vector<16xf32>
      %add3A_3261 = arith.addf %sub3A_3260, %broadcast_in_dim3A_2780 : vector<16xf32>
      %max3A_3262 = arith.maximumf %add3A_3261, %broadcast_in_dim3A_7 : vector<16xf32>
      %mul3A_3263 = arith.mulf %get3A_3259, %max3A_3262 : vector<16xf32>
      %add3A_3264 = arith.addf %add3A_3247, %mul3A_3263 : vector<16xf32>
      %get3A_3265 = arith.constant 18 : i32
      %get3A_3266 = arith.index_cast %get3A_3265 : i32 to index
      %get3A_3267 = arith.constant 0 : index
      %get3A_3268 = tpu.vector_load %arg13[%get3A_3266, %get3A_3267] {strides = array<i32>} : memref<20x16xf32, #tpu.memory_space<vmem>>, vector<16xf32>,
      %sub3A_3269 = arith.subf %add3A_2778, %get3A_3255 : vector<16xf32>
      %add3A_3270 = arith.addf %sub3A_3269, %broadcast_in_dim3A_2780 : vector<16xf32>
      %max3A_3271 = arith.maximumf %add3A_3270, %broadcast_in_dim3A_7 : vector<16xf32>
      %mul3A_3272 = arith.mulf %get3A_3268, %max3A_3271 : vector<16xf32>
      %add3A_3273 = arith.addf %add3A_3264, %mul3A_3272 : vector<16xf32>
      %get3A_3274 = arith.constant 19 : i32
      %get3A_3275 = arith.index_cast %get3A_3274 : i32 to index
      %get3A_3276 = arith.index_cast %mul3A_37 : i32 to index
      %get3A_3277 = tpu.vector_load %arg7[%get3A_3275, %get3A_3276] {strides = array<i32>} : memref<48x512xf32, #tpu.memory_space<vmem>>, vector<16xf32>,
      %get3A_3278 = arith.constant 39 : i32
      %get3A_3279 = arith.index_cast %get3A_3278 : i32 to index
      %get3A_3280 = arith.index_cast %mul3A_37 : i32 to index
      %get3A_3281 = tpu.vector_load %arg7[%get3A_3279, %get3A_3280] {strides = array<i32>} : memref<48x512xf32, #tpu.memory_space<vmem>>, vector<16xf32>,
      %get3A_3282 = arith.constant 19 : i32
      %get3A_3283 = arith.index_cast %get3A_3282 : i32 to index
      %get3A_3284 = arith.constant 0 : index
      %get3A_3285 = tpu.vector_load %arg12[%get3A_3283, %get3A_3284] {strides = array<i32>} : memref<20x16xf32, #tpu.memory_space<vmem>>, vector<16xf32>,
      %sub3A_3286 = arith.subf %add3A_1408, %get3A_3277 : vector<16xf32>
      %add3A_3287 = arith.addf %sub3A_3286, %broadcast_in_dim3A_2780 : vector<16xf32>
      %max3A_3288 = arith.maximumf %add3A_3287, %broadcast_in_dim3A_7 : vector<16xf32>
      %mul3A_3289 = arith.mulf %get3A_3285, %max3A_3288 : vector<16xf32>
      %add3A_3290 = arith.addf %add3A_3273, %mul3A_3289 : vector<16xf32>
      %get3A_3291 = arith.constant 19 : i32
      %get3A_3292 = arith.index_cast %get3A_3291 : i32 to index
      %get3A_3293 = arith.constant 0 : index
      %get3A_3294 = tpu.vector_load %arg13[%get3A_3292, %get3A_3293] {strides = array<i32>} : memref<20x16xf32, #tpu.memory_space<vmem>>, vector<16xf32>,
      %sub3A_3295 = arith.subf %add3A_2778, %get3A_3281 : vector<16xf32>
      %add3A_3296 = arith.addf %sub3A_3295, %broadcast_in_dim3A_2780 : vector<16xf32>
      %max3A_3297 = arith.maximumf %add3A_3296, %broadcast_in_dim3A_7 : vector<16xf32>
      %mul3A_3298 = arith.mulf %get3A_3294, %max3A_3297 : vector<16xf32>
      %add3A_3299 = arith.addf %add3A_3290, %mul3A_3298 : vector<16xf32>
      scf.yield %add3A_3299 : vector<16xf32>
    }
    %scan3A_31 = arith.constant 32 : i32
    %swap3A_32 = arith.constant 0 : index
    %swap3A_33 = tpu.vector_load %arg14[%swap3A_32] {strides = array<i32>} : memref<16xf32, #tpu.memory_space<vmem>>, vector<16xf32>,
    tpu.vector_store %arg14[%swap3A_32], %scan3A_30 {strides = array<i32>} : memref<16xf32, #tpu.memory_space<vmem>>, vector<16xf32>,
    "tpu.region"() ({
      %run_scoped3A = tpu.sem_alloc : memref<!tpu.dma_semaphore, #tpu.memory_space<semaphore_mem>>
      %dma_start3A = arith.constant 0 : i32
      %dma_start3A_34 = tpu.memref_slice %arg6[%add3A, %dma_start3A] : memref<32x16xf32, #tpu.memory_space<hbm>> -> memref<1x16xf32, #tpu.memory_space<hbm>>
      %dma_start3A_35 = tpu.memref_squeeze %dma_start3A_34 : memref<1x16xf32, #tpu.memory_space<hbm>> -> memref<16xf32, #tpu.memory_space<hbm>>
      %dma_start3A_36 = arith.constant 0 : i32
      %dma_start3A_37 = tpu.memref_slice %arg6[%add3A, %dma_start3A_36] : memref<32x16xf32, #tpu.memory_space<hbm>> -> memref<1x16xf32, #tpu.memory_space<hbm>>
      %dma_start3A_38 = tpu.memref_squeeze %dma_start3A_37 : memref<1x16xf32, #tpu.memory_space<hbm>> -> memref<16xf32, #tpu.memory_space<hbm>>
      tpu.enqueue_dma source(%arg14 : memref<16xf32, #tpu.memory_space<vmem>>) target(%dma_start3A_38 : memref<16xf32, #tpu.memory_space<hbm>>) target_semaphore(%run_scoped3A : memref<!tpu.dma_semaphore, #tpu.memory_space<semaphore_mem>>)
      %dma_wait3A = arith.constant 0 : i32
      %dma_wait3A_39 = tpu.memref_slice %arg6[%add3A, %dma_wait3A] : memref<32x16xf32, #tpu.memory_space<hbm>> -> memref<1x16xf32, #tpu.memory_space<hbm>>
      %dma_wait3A_40 = tpu.memref_squeeze %dma_wait3A_39 : memref<1x16xf32, #tpu.memory_space<hbm>> -> memref<16xf32, #tpu.memory_space<hbm>>
      %dma_wait3A_41 = arith.constant 0 : i32
      %dma_wait3A_42 = tpu.memref_slice %arg6[%add3A, %dma_wait3A_41] : memref<32x16xf32, #tpu.memory_space<hbm>> -> memref<1x16xf32, #tpu.memory_space<hbm>>
      %dma_wait3A_43 = tpu.memref_squeeze %dma_wait3A_42 : memref<1x16xf32, #tpu.memory_space<hbm>> -> memref<16xf32, #tpu.memory_space<hbm>>
      tpu.wait_dma2 semaphore(%run_scoped3A : memref<!tpu.dma_semaphore, #tpu.memory_space<semaphore_mem>>) src(%arg14 : memref<16xf32, #tpu.memory_space<vmem>>) dst(%dma_wait3A_43 : memref<16xf32, #tpu.memory_space<hbm>>)
      tpu.yield
    }) : () -> ()
    return
  }
}

module attributes {stable_mosaic.version = 14 : i64} {
  func.func @body(%arg0: i32, %arg1: memref<48x64xf32, #tpu.memory_space<vmem>>, %arg2: memref<64x4096xf32, #tpu.memory_space<vmem>>, %arg3: memref<48x4096xf32, #tpu.memory_space<vmem>>) attributes {dimension_semantics = [#tpu.dimension_semantics<arbitrary>], iteration_bounds = array<i64: 4>, scalar_prefetch = 0 : i64, scratch_operands = 0 : i64, tpu.core_type = #tpu.core_type<tc>, window_params = [{pipeline_mode = #tpu.pipeline_mode<synchronous>, transform_indices = @transform_0, window_bounds = array<i64: 48, 64>}, {transform_indices = @transform_1, window_bounds = array<i64: 64, 4096>}, {transform_indices = @transform_2, window_bounds = array<i64: 48, 4096>}]} {
    %get3A = arith.constant 0 : index
    %get3A_0 = arith.constant 0 : index
    %get3A_1 = vector.load %arg2[%get3A, %get3A_0] : memref<64x4096xf32, #tpu.memory_space<vmem>>, vector<64x4096xf32>
    %add3A = arith.constant 9.99999997E-7 : f32
    %add3A_2 = vector.broadcast %add3A : f32 to vector<64x4096xf32>
    %add3A_3 = arith.addf %get3A_1, %add3A_2 : vector<64x4096xf32>
    %get3A_4 = arith.constant 0 : index
    %get3A_5 = arith.constant 0 : index
    %get3A_6 = vector.load %arg1[%get3A_4, %get3A_5] : memref<48x64xf32, #tpu.memory_space<vmem>>, vector<48x64xf32>
    %mul3A = arith.mulf %add3A_3, %add3A_3 : vector<64x4096xf32>
    %reduce_sum3A = arith.constant dense<0.000000e+00> : vector<4096xf32>
    %reduce_sum3A_7 = vector.multi_reduction <add>, %mul3A, %reduce_sum3A [0] : vector<64x4096xf32> to vector<4096xf32>
    %broadcast_in_dim3A = vector.shape_cast %reduce_sum3A_7 : vector<4096xf32> to vector<1x4096xf32>
    %mul3A_8 = arith.mulf %get3A_6, %get3A_6 : vector<48x64xf32>
    %reduce_sum3A_9 = arith.constant dense<0.000000e+00> : vector<48xf32>
    %reduce_sum3A_10 = vector.multi_reduction <add>, %mul3A_8, %reduce_sum3A_9 [1] : vector<48x64xf32> to vector<48xf32>
    %broadcast_in_dim3A_11 = vector.shape_cast %reduce_sum3A_10 : vector<48xf32> to vector<48x1xf32>
    %dot_general3A = arith.constant dense<0.000000e+00> : vector<48x4096xf32>
    %dot_general3A_12 = tpu.matmul %get3A_6, %add3A_3, %dot_general3A {dimension_numbers = #tpu.dot_dimension_numbers<[1], [0], [0], [1], [0, 0, 1, 1], [], []>, transpose_lhs_hint = false} : vector<48x64xf32>, vector<64x4096xf32>, vector<48x4096xf32> -> vector<48x4096xf32>
    %add3A_13 = vector.broadcast %broadcast_in_dim3A_11 : vector<48x1xf32> to vector<48x4096xf32>
    %add3A_14 = vector.broadcast %broadcast_in_dim3A : vector<1x4096xf32> to vector<48x4096xf32>
    %add3A_15 = arith.addf %add3A_13, %add3A_14 : vector<48x4096xf32>
    %mul3A_16 = arith.constant 2.000000e+00 : f32
    %mul3A_17 = vector.broadcast %mul3A_16 : f32 to vector<48x4096xf32>
    %mul3A_18 = arith.mulf %mul3A_17, %dot_general3A_12 : vector<48x4096xf32>
    %sub3A = arith.subf %add3A_15, %mul3A_18 : vector<48x4096xf32>
    %max3A = arith.constant 0.000000e+00 : f32
    %max3A_19 = vector.broadcast %max3A : f32 to vector<48x4096xf32>
    %max3A_20 = arith.maximumf %sub3A, %max3A_19 : vector<48x4096xf32>
    %sqrt3A = math.sqrt %max3A_20 : vector<48x4096xf32>
    %swap3A = arith.constant 0 : index
    %swap3A_21 = arith.constant 0 : index
    %swap3A_22 = vector.load %arg3[%swap3A, %swap3A_21] : memref<48x4096xf32, #tpu.memory_space<vmem>>, vector<48x4096xf32>
    tpu.vector_store %arg3[%swap3A, %swap3A_21], %sqrt3A {strides = array<i32>} : memref<48x4096xf32, #tpu.memory_space<vmem>>, vector<48x4096xf32>,
    return
  }
  func.func @transform_0(%arg0: i32) -> (i32, i32) {
    %c0_i32 = arith.constant 0 : i32
    %c0_i32_0 = arith.constant 0 : i32
    %c0_i32_1 = arith.constant 0 : i32
    return %c0_i32, %c0_i32_0 : i32, i32
  }
  func.func @transform_1(%arg0: i32) -> (i32, i32) {
    %c0_i32 = arith.constant 0 : i32
    %c0_i32_0 = arith.constant 0 : i32
    return %c0_i32, %arg0 : i32, i32
  }
  func.func @transform_2(%arg0: i32) -> (i32, i32) {
    %c0_i32 = arith.constant 0 : i32
    %c0_i32_0 = arith.constant 0 : i32
    return %c0_i32, %arg0 : i32, i32
  }
}

module attributes {stable_mosaic.version = 14 : i64} {
  func.func @body(%arg0: memref<32x16xf32, #tpu.memory_space<vmem>>, %arg1: memref<1x1xf32, #tpu.memory_space<vmem>>) attributes {dimension_semantics = [], scalar_prefetch = 0 : i64, scratch_operands = 0 : i64, tpu.core_type = #tpu.core_type<tc>} {
    %get3A = arith.constant 0 : index
    %get3A_0 = arith.constant 0 : index
    %get3A_1 = vector.load %arg0[%get3A, %get3A_0] : memref<32x16xf32, #tpu.memory_space<vmem>>, vector<32x16xf32>
    %reduce_sum3A = vector.shape_cast %get3A_1 : vector<32x16xf32> to vector<1x32x16xf32>
    %reduce_sum3A_2 = arith.constant dense<0.000000e+00> : vector<1xf32>
    %reduce_sum3A_3 = vector.multi_reduction <add>, %reduce_sum3A, %reduce_sum3A_2 [1, 2] : vector<1x32x16xf32> to vector<1xf32>
    %reduce_sum3A_4 = vector.shape_cast %reduce_sum3A_3 : vector<1xf32> to vector<1x1x1xf32>
    %reduce_sum3A_5 = vector.extract %reduce_sum3A_4[0, 0, 0] : f32 from vector<1x1x1xf32>
    %broadcast_in_dim3A = vector.broadcast %reduce_sum3A_5 : f32 to vector<1x1xf32>
    %mul3A = arith.constant 6.10351563E-5 : f32
    %mul3A_6 = vector.broadcast %mul3A : f32 to vector<1x1xf32>
    %mul3A_7 = arith.mulf %broadcast_in_dim3A, %mul3A_6 : vector<1x1xf32>
    %swap3A = arith.constant 0 : index
    %swap3A_8 = arith.constant 0 : index
    %swap3A_9 = vector.load %arg1[%swap3A, %swap3A_8] : memref<1x1xf32, #tpu.memory_space<vmem>>, vector<1x1xf32>
    tpu.vector_store %arg1[%swap3A, %swap3A_8], %mul3A_7 {strides = array<i32>} : memref<1x1xf32, #tpu.memory_space<vmem>>, vector<1x1xf32>,
    return
  }
}

</mosaic_0001>

<sc_bundles>
// kernel: kernel.5.cloned.1.call-start
scs
__scs_entry_jumppad:
0x0: {  	(pc) =	sbr.rel $0x88, $3  }
0x1: {  	(tag) =	ssettag $0x0;
	lr =	simm.s32 $0x1  }
0x2: {  	[smem:$0x3F9C] =	sst lr;
	_ =	strace $0xD0000000  }
0x3: {  	_ = 	snop  }
0x4: {  	_ = 	snop  }
0x5: {  	_ = 	snop  }
0x6: {  	_ = 	snop  }
0x7: {  	_ = 	snop  }
__scs_overlays_trampoline_lowered:
0x8: {  	[smem:$0x3FAB] =	sst s0  }
0x9: {  	[smem:$0x3FAC] =	sst s1  }
0xa: {  	[smem:$0x3FAD] =	sst s2  }
0xb: {  	[smem:$0x3FAE] =	sst s3  }
0xc: {  	[smem:$0x3FAF] =	sst s4  }
0xd: {  	[smem:$0x3FB0] =	sst s5  }
0xe: {  	[smem:$0x3FB1] =	sst s6  }
0xf: {  	[smem:$0x3FB2] =	sst s7  }
0x10: {  	[smem:$0x3FB3] =	sst s8  }
0x11: {  	[smem:$0x3FB4] =	sst s9;
	s0 =	simm.s32 @!p0 $0x0  }
0x12: {  	s1 =	sld [smem:$0x3F9A];
	s0 =	simm.s32 @p0 $0x1  }
0x13: {  	[smem:$0x3FB5] =	sst s0;
	s0 =	simm.s32 @!p1 $0x0  }
0x14: {  	s2 =	sld [smem:$0x3F99];
	s0 =	simm.s32 @p1 $0x1  }
0x15: {  	[smem:$0x3FB6] =	sst s0;
	s0 =	simm.s32 @!p2 $0x0  }
0x16: {  	s3 =	sld [smem:$0x3FDB];
	s0 =	simm.s32 @p2 $0x1  }
0x17: {  	s4 =	simm.s32 $0x1BF5;
	[smem:$0x3FB8] =	sst s0  }
0x18: {  	s0 =	sld [smem:$0x3F9B];
	_ =	swait.ge [sflag:s4], $0x0  }
0x19: {  	s7 =	sld [smem:$0x3F9C]  }
0x1a: {  	s8 =	sadd.s32 $0xFFFFE003, lr  }
0x1b: {  	s9 =	sadd.s32 $0xFFFFFEF7, lr;
	s5 =	simm.s32 $0xFFFFFFFF;
	p2 =	slt.u32 s8, $0xFFFFF086  }
0x1c: {  	p1 =	slt.u32 s9, $0xF7A;
	s5 =	simm.s32 @!p2 $0x0  }
0x1d: {  	s5 =	simm.s32 @p1 $0x1;
	p0 =	seq.s32 s7, s2  }
0x1e: {  	s7 =	smul.u32 @!p0 $0xF7A, s2;
	p2 =	seq.s32 @!p0 s5, $0x0  }
0x1f: {  	s9 =	smul.u32 $0xF7A, s1;
	s8 =	simm.s32 @!p0 $0x1BF5;
	p2 =	por !p2, p0  }
0x20: {  	[sflag:s8] =	ssyncset.s32 @!p0 $0xFFFFF086;
	s6 =	sadd.s32 @!p0 s3, s7;
	s7 =	simm.s32 @!p0 $0x108  }
0x21: {  	s3 =	sadd.s32 s3, s9;
	s6 =	sadd.s32 @!p0 $0x88, s6;
	s7 =	simm.s32 @p2 $0x1082  }
0x22: {  	[simem:s7], [sflag:s8] =	dma.local @!p0 [hbm:s6], $0xF7A  }
0x23: {  	s9 =	sor.u32 $0xD0000000, s2;
	s6 =	simm.s32 $0x108;
	_ =	swait.ge @!p0 [sflag:s8], $0x0  }
0x24: {  	s3 =	sadd.s32 $0x88, s3;
	s6 =	simm.s32 @!p1 $0x1082;
	[sflag:s4] =	ssyncset.s32 $0xFFFFF086  }
0x25: {  	[simem:s6], [sflag:s4] =	dma.local [hbm:s3], $0xF7A  }
0x26: {  	[smem:$0x3F9C] =	sst s1;
	(tag) =	ssettag s2;
	_ =	strace s9  }
0x27: {  	s1 =	sld [smem:$0x3FAC]  }
0x28: {  	s2 =	sld [smem:$0x3FAD]  }
0x29: {  	s4 =	sld [smem:$0x3FAF]  }
0x2a: {  	p0 =	seq.s32 s5, $0x0;
	s5 =	sld [smem:$0x3FB0]  }
0x2b: {  	s6 =	sld [smem:$0x3FB1]  }
0x2c: {  	s7 =	sld [smem:$0x3FB2]  }
0x2d: {  	s3 =	simm.s32 $0x108;
	s8 =	sld [smem:$0x3FB3]  }
0x2e: {  	s3 =	simm.s32 @!p0 $0x1082;
	s9 =	sld [smem:$0x3FB4]  }
0x2f: {  	lr =	sadd.s32 s0, s3;
	s0 =	sld [smem:$0x3FAB]  }
0x30: {  	s3 =	sld [smem:$0x3FAE]  }
0x31: {  	[smem:$0x3FB7] =	sst s10  }
0x32: {  	s10 =	sld [smem:$0x3FB5];
	_ =	sdelay $0x3  }
0x33: {  	p0 =	seq.s32 s10, $0x1;
	s10 =	sld [smem:$0x3FB7];
	_ =	sdelay $0x3  }
0x34: {  	[smem:$0x3FB7] =	sst s10  }
0x35: {  	s10 =	sld [smem:$0x3FB6];
	_ =	sdelay $0x3  }
0x36: {  	p1 =	seq.s32 s10, $0x1;
	s10 =	sld [smem:$0x3FB7];
	_ =	sdelay $0x3  }
0x37: {  	[smem:$0x3FB7] =	sst s10  }
0x38: {  	s10 =	sld [smem:$0x3FB8]  }
0x39: {  	_ = 	snop;
	(pc) =	sbr.ind lr, $3  }
0x3a: {  	_ = 	snop  }
0x3b: {  	_ = 	snop  }
0x3c: {  	p2 =	seq.s32 s10, $0x1;
	s10 =	sld [smem:$0x3FB7]  }
0x3d: {  	_ =	shalt  }
0x3e: {  	_ =	shalt  }
0x3f: {  	_ =	shalt  }
0x40: {  	_ =	shalt  }
0x41: {  	_ =	shalt  }
0x42: {  	_ =	shalt  }
0x43: {  	_ =	shalt  }
0x44: {  	_ =	shalt  }
0x45: {  	_ =	shalt  }
0x46: {  	_ =	shalt  }
0x47: {  	_ =	shalt  }
0x48: {  	_ =	shalt  }
0x49: {  	_ =	shalt  }
0x4a: {  	_ =	shalt  }
0x4b: {  	_ =	shalt  }
0x4c: {  	_ =	shalt  }
0x4d: {  	_ =	shalt  }
0x4e: {  	_ =	shalt  }
0x4f: {  	_ =	shalt  }
0x50: {  	_ =	shalt  }
0x51: {  	_ =	shalt  }
0x52: {  	_ =	shalt  }
0x53: {  	_ =	shalt  }
0x54: {  	_ =	shalt  }
0x55: {  	_ =	shalt  }
0x56: {  	_ =	shalt  }
0x57: {  	_ =	shalt  }
0x58: {  	_ =	shalt  }
0x59: {  	_ =	shalt  }
0x5a: {  	_ =	shalt  }
0x5b: {  	_ =	shalt  }
0x5c: {  	_ =	shalt  }
0x5d: {  	_ =	shalt  }
0x5e: {  	_ =	shalt  }
0x5f: {  	_ =	shalt  }
0x60: {  	_ =	shalt  }
0x61: {  	_ =	shalt  }
0x62: {  	_ =	shalt  }
0x63: {  	_ =	shalt  }
0x64: {  	_ =	shalt  }
0x65: {  	_ =	shalt  }
0x66: {  	_ =	shalt  }
0x67: {  	_ =	shalt  }
0x68: {  	_ =	shalt  }
0x69: {  	_ =	shalt  }
0x6a: {  	_ =	shalt  }
0x6b: {  	_ =	shalt  }
0x6c: {  	_ =	shalt  }
0x6d: {  	_ =	shalt  }
0x6e: {  	_ =	shalt  }
0x6f: {  	_ =	shalt  }
0x70: {  	_ =	shalt  }
0x71: {  	_ =	shalt  }
0x72: {  	_ =	shalt  }
0x73: {  	_ =	shalt  }
0x74: {  	_ =	shalt  }
0x75: {  	_ =	shalt  }
0x76: {  	_ =	shalt  }
0x77: {  	_ =	shalt  }
0x78: {  	_ =	shalt  }
0x79: {  	_ =	shalt  }
0x7a: {  	_ =	shalt  }
0x7b: {  	_ =	shalt  }
0x7c: {  	_ =	shalt  }
0x7d: {  	_ =	shalt  }
0x7e: {  	_ =	shalt  }
0x7f: {  	_ =	shalt  }
0x80: {  	_ =	shalt  }
0x81: {  	_ =	shalt  }
0x82: {  	_ =	shalt  }
0x83: {  	_ =	shalt  }
0x84: {  	_ =	shalt  }
0x85: {  	_ =	shalt  }
0x86: {  	_ =	shalt  }
0x87: {  	_ =	shalt  }
.Lfunc_end0:
.L_simem_size_0:
called_computation_lowered:
.L_overlay_start_0:
0x88: {  	s2 =	sld [smem:$0x3FD9]  }
0x89: {  	s3 =	sld [smem:$0x3FFE];
	_ =	sdelay $0x1  }
0x8a: {  	s1 =	srdreg.scid  }
0x8b: {  	s0 =	sand.u32 $0x1, s1  }
0x8c: {  	s17 =	sshll.u32 s0, $0xA;
	s2 =	sadd.s32 s3, s2  }
0x8d: {  	s2 =	sadd.s32 s2, s17  }
0x8e: {  	[smem:$0x3FC3] =	sst s2  }
0x8f: {  	_ = 	snop  }
0x90: {  	s2 =	sld [smem:$0x3FD0];
	(tm) =	ssettm $0x1  }
0x91: {  	s18 =	sld [smem:$0x3FFB];
	_ =	sdelay $0x3  }
0x92: {  	_ =	strace s18  }
0x93: {  	s3 =	sld [smem:$0x3FFC];
	_ =	sdelay $0x3  }
0x94: {  	_ =	strace s3  }
0x95: {  	s3 =	sld [smem:$0x3FFD];
	_ =	sdelay $0x3  }
0x96: {  	_ =	strace s3  }
0x97: {  	_ =	strace $0x8FFFFFFF  }
0x98: {  	s19 =	sld [smem:$0x3FDB];
	_ =	sdelay $0x1  }
0x99: {  	s4 =	simm.s32 $_scs_section_size  }
0x9a: {  	s5 =	simm.s32 $_size__tile_overlayer_lowered;
	s6 =	simm.s32 $_tile_overlayer_lowered  }
0x9b: {  	s22 =	simm.s32 $0x1BFF;
	s21 =	sshll.u32 s6, $0x1;
	s3 =	sadd.s32 s4, s19  }
0x9c: {  	s7 =	simm.s32 $0x0;
	s20 =	sshll.u32 s5, $0x1;
	s5 =	sadd.s32 s21, s3  }
0x9d: {  	[timem:s7], [sflag:s22] =	dma.local [hbm:s5], s20  }
0x9e: {  	_ =	swait.ge [sflag:s22], s20  }
0x9f: {  	s4 =	ssub.s32 $0x0, s20;
	[sflag:s22] =	ssyncset.done $0x0  }
0xa0: {  	[sflag:s22] =	ssyncadd.s32 s4;
	_ =	sdelay $0x1  }
0xa1: {  	s23 =	simm.s32 $0x1B8B  }
0xa2: {  	_ =	swait.ge [sflag:s23], $0x1  }
0xa3: {  	[sflag:s23] =	ssyncset.done $0x0  }
0xa4: {  	s25 =	simm.s32 $0x1B8E;
	s24 =	sld [smem:$0x3FFE];
	[sflag:s23] =	ssyncadd.s32 $0xFFFFFFFF  }
0xa5: {  	s26 =	simm.s32 $execute0_lowered;
	[smem:$0x3FD2] =	sst s25  }
0xa6: {  	s5 =	sshll.u32 s26, $0x1;
	_ =	strace $0x80000046;
	[dreg:$0x1] =	wrdreg $0xFFFFFFFF  }
0xa7: {  	s28 =	simm.s32 $_size_execute0_lowered;
	s3 =	sadd.s32 s3, s5;
	[dreg:$0x0] =	wrdreg $0x0  }
0xa8: {  	s5 =	sshll.u32 s28, $0x1;
	[dreg:$0x2] =	wrdreg s3  }
0xa9: {  	[dreg:$0x3] =	wrdreg s5  }
0xaa: {  	[dreg:$0x4] =	wrdreg $0xC0  }
0xab: {  	_ =	task [dreg:s7], $0x5FFFF  }
0xac: {  	[dreg:$0x1] =	wrdreg $0xFFFFFFFF  }
0xad: {  	[dreg:$0x0] =	wrdreg $0x60  }
0xae: {  	[dreg:$0x2] =	wrdreg s24  }
0xaf: {  	[dreg:$0x3] =	wrdreg s2  }
0xb0: {  	[dreg:$0x4] =	wrdreg $0x9  }
0xb1: {  	_ =	task.clear_ibuf [dreg:s7], $0x5FFFF;
	_ =	strace $0x90000046  }
0xb2: {  	s29 =	simm.s32 $0x9;
	_ =	strace $0x80000048  }
0xb3: {  	_ =	swait.ge [sflag:s29], $0x1  }
0xb4: {  	[sflag:s29] =	ssyncadd.s32 $0xFFFFFFFF  }
0xb5: {  	_ =	strace $0x90000048  }
0xb6: {  	_ =	sfence  }
0xb7: {  	s30 =	sld [smem:$0x0];
	_ =	sdelay $0x2  }
0xb8: {  	s31 =	sshll.u32 s1, $0xD;
	s1 =	sshrl.u32 s1, $0x2  }
0xb9: {  	s3 =	sand.u32 $0x4000, s31;
	s1 =	sadd.s32 s1, s30  }
0xba: {  	s0 =	sor.u32 s3, s0;
	s1 =	sshll.u32 s1, $0x11  }
0xbb: {  	s0 =	sor.u32 s1, s0  }
0xbc: {  	s0 =	sadd.s32 $0x8F2B, s0  }
0xbd: {  	[sflag:s0] =	ssyncadd.remote.s32 $0x1  }
0xbe: {  	_ =	sfence.sel $0xFFFF  }
0xbf: {  	[dreg:$0x0] =	wrdreg $0xFFFFFFFF;
	(pc) =	sbr.abs _section_cstart, $3  }
0xc0: {  	[dreg:$0x1] =	wrdreg $0xFFFFFFFF  }
0xc1: {  	_ =	task.clear_ibuf [dreg:s7], $0x2FFFF;
	_ =	strace $0x9FFFFFFF  }
0xc2: {  	(tm) =	ssettm $0x7FFFFFFF  }
0xc3: {  	_ =	shalt  }
tec
execute0_lowered:
.L_overlay_start_1:
0x0: {  	(tag) =	ssettag $0x1  }
0x1: {  	s4 =	rddreg [dreg:$0x0];
	v0 =	vlaneseq.u32  }
0x2: {  	s2 =	rddreg [dreg:$0x1];
	s3 =	simm.s32 $0x0;
	v2 =	vmul.u32 $0x14, v0  }
0x3: {  	[smem:$0x7FF] =	sst s3  }
0x4: {  	s0 =	rddreg [dreg:$0x2];
	_ =	strace $0x80000047;
	v3 =	vor.u32 $0x1, v2;
	[tilespmem:$0x1FEC0] =	vst v2  }
0x5: {  	v4 =	vor.u32 $0x2, v2;
	[tilespmem:$0x1FED0] =	vst v3  }
0x6: {  	v5 =	vor.u32 $0x3, v2;
	[tilespmem:$0x1FEE0] =	vst v4  }
0x7: {  	v7 =	vadd.s32 $0x4, v2;
	[tilespmem:$0x1FEF0] =	vst v5  }
0x8: {  	v8 =	vadd.s32 $0x5, v2;
	[tilespmem:$0x1FF00] =	vst v7  }
0x9: {  	v9 =	vadd.s32 $0x6, v2;
	[tilespmem:$0x1FF10] =	vst v8  }
0xa: {  	v11 =	vadd.s32 $0x7, v2;
	[tilespmem:$0x1FF20] =	vst v9  }
0xb: {  	v12 =	vadd.s32 $0x8, v2;
	[tilespmem:$0x1FF30] =	vst v11  }
0xc: {  	v13 =	vadd.s32 $0x9, v2;
	[tilespmem:$0x1FF40] =	vst v12  }
0xd: {  	v14 =	vadd.s32 $0xA, v2;
	[tilespmem:$0x1FF50] =	vst v13  }
0xe: {  	s5 =	srdreg.scid;
	v15 =	vadd.s32 $0xB, v2;
	[tilespmem:$0x1FF60] =	vst v14  }
0xf: {  	s1 =	stileid.u32;
	s11 =	simm.s32 $0x1;
	s12 =	simm.s32 $0x6000;
	v16 =	vadd.s32 $0xC, v2;
	[tilespmem:$0x1FF70] =	vst v15  }
0x10: {  	s13 =	simm.s32 $0x8800;
	s14 =	simm.s32 $0xB000;
	s15 =	simm.s32 $0xB080;
	v17 =	vadd.s32 $0xD, v2;
	[tilespmem:$0x1FF80] =	vst v16  }
0x11: {  	s16 =	simm.s32 $0xC900;
	s5 =	sand.u32 $0x1, s5;
	s6 =	sshll.u32 s1, $0x1;
	v18 =	vadd.s32 $0xE, v2;
	[tilespmem:$0x1FF90] =	vst v17  }
0x12: {  	s17 =	simm.s32 $0x0;
	s6 =	sor.u32 s5, s6;
	s5 =	ssub.s32 $0x2, s5;
	v19 =	vadd.s32 $0xF, v2;
	[tilespmem:$0x1FFA0] =	vst v18  }
0x13: {  	s7 =	sshll.u32 s6, $0x9;
	s8 =	smul.u32 $0x500, s6;
	s6 =	sshll.u32 s6, $0x4;
	v22 =	vadd.s32 $0x10, v2;
	[tilespmem:$0x1FFB0] =	vst v19  }
0x14: {  	s31 =	sshrl.u32 s5, $0x1;
	v23 =	vadd.s32 $0x11, v2;
	s7 =	sadd.s32 s7, s4;
	s9 =	sadd.s32 s6, s4;
	[tilespmem:$0x1FFC0] =	vst v22  }
0x15: {  	v25 =	vadd.s32 $0x12, v2;
	s10 =	ssub.s32 s5, s31;
	[tilespmem:$0x1FFD0] =	vst v23;
	s8 =	sadd.s32 s8, s4;
	s4 =	sadd.s32 $0x15000, s7  }
0x16: {  	v26 =	vadd.s32 $0x13, v2;
	[tilespmem:$0x1FFE0] =	vst v25;
	s7 =	sadd.s32 $0x2D000, s9;
	s9 =	simm.s32 $0x1000;
	s5 =	sadd.s32 $0x1000, s8  }
0x17: {  	v21 =	vimm.s32 $0x0;
	[tilespmem:$0x1FFF0] =	vst v26;
	s6 =	sadd.s32 $0xB000, s8;
	s8 =	smax.u32 s10, $0x1;
	s10 =	simm.s32 $0x20000  }
.LBB2_1:
0x18: {  	[tilespmem:s3], [sflag:$0x1] =	stream.strided.gather [hbm4b:s4+s9], $0x6000, s10, s9, $0x38;
	[tilespmem:$0xC980] =	vst v63  }
0x19: {  	_ =	swait.ge [sflag:s11], $0x6000  }
0x1a: {  	[sflag:s11] =	ssyncset.done $0x0  }
0x1b: {  	[sflag:s11] =	ssyncadd.s32 $0xFFFFA000  }
0x1c: {  	[tilespmem:s12], [sflag:$0x1] =	stream.linear.gather [hbm4b:s5+s3], $0x2800, $0x38;
	[tilespmem:$0xC980] =	vst v63  }
0x1d: {  	_ =	swait.ge [sflag:s11], $0x2800  }
0x1e: {  	[sflag:s11] =	ssyncset.done $0x0  }
0x1f: {  	[sflag:s11] =	ssyncadd.s32 $0xFFFFD800  }
0x20: {  	[tilespmem:s13], [sflag:$0x1] =	stream.linear.gather [hbm4b:s6+s3], $0x2800, $0x38;
	[tilespmem:$0xC980] =	vst v63  }
0x21: {  	_ =	swait.ge [sflag:s11], $0x2800  }
0x22: {  	[sflag:s11] =	ssyncset.done $0x0  }
0x23: {  	[sflag:s11] =	ssyncadd.s32 $0xFFFFD800  }
0x24: {  	[tilespmem:s14], [sflag:$0x1] =	stream.linear.gather [hbm4b:s2+s3], $0x80, $0x38;
	[tilespmem:$0xC980] =	vst v63  }
0x25: {  	_ =	swait.ge [sflag:s11], $0x80  }
0x26: {  	[sflag:s11] =	ssyncset.done $0x0  }
0x27: {  	[sflag:s11] =	ssyncadd.s32 $0xFFFFFF80  }
0x28: {  	v0 =	vld [tilespmem:$0xB000];
	_ =	sdelay $0x4  }
0x29: {  	v0 =	vsub.f32 $0.0e+00, v0;
	_ =	sdelay $0x1  }
0x2a: {  	v0 =	vmul.f32 $1.442695020e+00, v0;
	_ =	sdelay $0x1  }
0x2b: {  	(erf) = vpow2.f32 v0;
	_ =	sdelay $0x3  }
0x2c: {  	v0 =	vld [tilespmem:$0xB010];
	_ =	sdelay $0x4  }
0x2d: {  	v0 =	vsub.f32 $0.0e+00, v0;
	v1 =	vpop (erf)  }
0x2e: {  	v1 =	vadd.f32 $1.000000000e+00, v1  }
0x2f: {  	v0 =	vmul.f32 $1.442695020e+00, v0  }
0x30: {  	(erf) = vrcp.f32 v1  }
0x31: {  	(erf) = vpow2.f32 v0;
	_ =	sdelay $0x7  }
0x32: {  	v0 =	vpop (erf)  }
0x33: {  	v1 =	vpop (erf)  }
0x34: {  	v1 =	vadd.f32 $1.000000000e+00, v1;
	_ =	sdelay $0x1  }
0x35: {  	(erf) = vrcp.f32 v1;
	_ =	sdelay $0x3  }
0x36: {  	v1 =	vlaneseq.u32  }
0x37: {  	vm0 =	veq.s32 v1, $0x0  }
0x38: {  	v0 =	vsel vm0, $0x0, v0;
	_ =	sdelay $0x2  }
0x39: {  	[tilespmem:$0xB080] =	vst v0;
	v0 =	vpop (erf)  }
0x3a: {  	s18 =	simm.s32 $0x0;
	s19 =	simm.s32 $0x0;
	v1 =	vimm.f32 $0.0e+00;
	[tilespmem:$0xB090] =	vst v0  }
.LBB2_2:
0x3b: {  	v0 =	vmov s19  }
0x3c: {  	v0 =	vmul.u32 $0x14, v0;
	_ =	sdelay $0x1  }
0x3d: {  	[tilespmem:$0x1FEB0] =	vst v1;
	v1 =	vbroadcast v0, $0x0;
	_ =	sdelay $0x1  }
0x3e: {  	v60 =	vadd.s32 v2, v1  }
0x3f: {  	v61 =	vadd.s32 v3, v1  }
0x40: {  	v59 =	vadd.s32 v4, v1  }
0x41: {  	v58 =	vadd.s32 v5, v1  }
0x42: {  	v7 =	vadd.s32 v7, v1  }
0x43: {  	v3 =	vadd.s32 v8, v1;
	v6 =	vld.idx.msk [tilespmem:v60+s13+$0x0], $0xffff  }
0x44: {  	v0 =	vadd.s32 v9, v1;
	v5 =	vld.idx.msk [tilespmem:v61+s13+$0x0], $0xffff  }
0x45: {  	v11 =	vadd.s32 v11, v1;
	v2 =	vld.idx.msk [tilespmem:v59+s13+$0x0], $0xffff  }
0x46: {  	v13 =	vadd.s32 v13, v1;
	v4 =	vld.idx.msk [tilespmem:v58+s13+$0x0], $0xffff  }
0x47: {  	v14 =	vadd.s32 v14, v1;
	v10 =	vld.idx.msk [tilespmem:v7+s13+$0x0], $0xffff  }
0x48: {  	v15 =	vadd.s32 v15, v1;
	v20 =	vld.idx.msk [tilespmem:v3+s13+$0x0], $0xffff  }
0x49: {  	v34 =	vadd.s32 v23, v1;
	v36 =	vld.idx.msk [tilespmem:v0+s13+$0x0], $0xffff;
	vm0 =	vge.f32 v6, v5  }
0x4a: {  	v38 =	vadd.s32 v25, v1;
	[tilespmem:$0x1FC90] =	vst v7;
	v32 =	vld.idx.msk [tilespmem:v11+s13+$0x0], $0xffff;
	v7 =	vsel vm0, $0x3F800000, v21  }
0x4b: {  	[tilespmem:$0x1FCA0] =	vst v3;
	v3 =	vadd.s32 v12, v1;
	v29 =	vld.idx.msk [tilespmem:v13+s13+$0x0], $0xffff;
	vm5 =	vge.f32 v6, v2;
	v8 =	vsub.f32 $1.900000000e+01, v7  }
0x4c: {  	v19 =	vadd.s32 v19, v1;
	[tilespmem:$0x1FCB0] =	vst v0;
	v24 =	vld.idx.msk [tilespmem:v14+s13+$0x0], $0xffff;
	v9 =	vsel vm5, $0x3F800000, v21  }
0x4d: {  	[tilespmem:$0x1FCC0] =	vst v11;
	v23 =	vld.idx.msk [tilespmem:v15+s13+$0x0], $0xffff;
	vm6 =	vge.f32 v6, v4;
	v8 =	vsub.f32 v8, v9  }
0x4e: {  	v31 =	vadd.s32 v22, v1;
	v40 =	vadd.s32 v26, v1;
	[tilespmem:$0x1FD60] =	vst v34;
	v33 =	vld.idx.msk [tilespmem:v34+s13+$0x0], $0xffff;
	v0 =	vsel vm6, $0x3F800000, v21  }
0x4f: {  	v34 =	vld.idx.msk [tilespmem:v38+s13+$0x0], $0xffff;
	vm7 =	vge.f32 v6, v10;
	vm8 =	vge.f32 v6, v20;
	v8 =	vsub.f32 v8, v0  }
0x50: {  	[tilespmem:$0x1FCD0] =	vst v3;
	v30 =	vld.idx.msk [tilespmem:v3+s13+$0x0], $0xffff;
	v3 =	vadd.s32 v16, v1;
	vm9 =	vge.f32 v6, v36;
	v11 =	vsel vm7, $0x3F800000, v21  }
0x51: {  	v28 =	vld.idx.msk [tilespmem:v19+s13+$0x0], $0xffff;
	v16 =	vadd.s32 v17, v1;
	v17 =	vadd.s32 v18, v1;
	v8 =	vsub.f32 v8, v11  }
0x52: {  	[tilespmem:$0x1FCE0] =	vst v13;
	vm10 =	vge.f32 v6, v32;
	vm12 =	vge.f32 v6, v29;
	v12 =	vsel vm8, $0x3F800000, v21  }
0x53: {  	[tilespmem:$0x1FCF0] =	vst v14;
	vm13 =	vge.f32 v6, v24;
	vm14 =	vge.f32 v6, v23;
	v8 =	vsub.f32 v8, v12  }
0x54: {  	[tilespmem:$0x1FD50] =	vst v31;
	v31 =	vld.idx.msk [tilespmem:v31+s13+$0x0], $0xffff;
	vm2 =	vge.f32 v5, v32;
	vm3 =	vge.f32 v6, v34;
	v13 =	vsel vm9, $0x3F800000, v21  }
0x55: {  	[tilespmem:$0x1FD00] =	vst v15;
	v14 =	vsel vm10, $0x3F800000, v21;
	v15 =	vsel vm12, $0x3F800000, v21;
	v8 =	vsub.f32 v8, v13  }
0x56: {  	vm5 =	vge.f32 v5, v2;
	vm6 =	vge.f32 v5, v4;
	vm7 =	vge.f32 v6, v28  }
0x57: {  	vm8 =	vge.f32 v5, v10;
	vm11 =	vge.f32 v6, v30;
	v8 =	vsub.f32 v8, v14  }
0x58: {  	vm9 =	vge.f32 v5, v20;
	v1 =	vadd.f32 $1.800000000e+01, v7;
	v7 =	vsel vm11, $0x3F800000, v21  }
0x59: {  	vm10 =	vge.f32 v6, v31;
	vm12 =	vge.f32 v6, v33;
	v8 =	vsub.f32 v8, v7  }
0x5a: {  	v57 =	vsel vm3, $0x3F800000, v21;
	v22 =	vsel vm5, $0x3F800000, v21;
	v37 =	vsel vm6, $0x3F800000, v21;
	v25 =	vld.idx.msk [tilespmem:v3+s13+$0x0], $0xffff  }
0x5b: {  	v52 =	vsel vm7, $0x3F800000, v21;
	v39 =	vsel vm8, $0x3F800000, v21;
	v8 =	vsub.f32 v8, v15  }
0x5c: {  	[tilespmem:$0x1FD20] =	vst v16;
	v54 =	vsel vm9, $0x3F800000, v21;
	v62 =	vsel vm10, $0x3F800000, v21;
	v26 =	vld.idx.msk [tilespmem:v16+s13+$0x0], $0xffff;
	v16 =	vsel vm13, $0x3F800000, v21  }
0x5d: {  	v41 =	vsel vm12, $0x3F800000, v21;
	vm8 =	vge.f32 v5, v28;
	v8 =	vsub.f32 v8, v16  }
0x5e: {  	[tilespmem:$0x1FD30] =	vst v17;
	vm9 =	vge.f32 v2, v4;
	vm10 =	vge.f32 v2, v10;
	v27 =	vld.idx.msk [tilespmem:v17+s13+$0x0], $0xffff;
	v17 =	vsel vm14, $0x3F800000, v21  }
0x5f: {  	v53 =	vadd.f32 $4.000000000e+00, v52;
	vm15 =	vge.f32 v6, v25;
	v8 =	vsub.f32 v8, v17  }
0x60: {  	v63 =	vadd.f32 $3.000000000e+00, v62;
	v1 =	vsub.f32 v1, v22;
	v18 =	vsel vm15, $0x3F800000, v21  }
0x61: {  	v9 =	vadd.f32 $1.700000000e+01, v9;
	vm4 =	vge.f32 v6, v26;
	v8 =	vsub.f32 v8, v18  }
0x62: {  	[tilespmem:$0x1FD40] =	vst v19;
	v1 =	vsub.f32 v1, v37;
	v19 =	vadd.f32 $7.000000000e+00, v18;
	v18 =	vsel vm4, $0x3F800000, v21  }
0x63: {  	[tilespmem:$0x1FD10] =	vst v3;
	v3 =	vadd.f32 $1.600000000e+01, v0;
	vm1 =	vge.f32 v6, v27;
	v8 =	vsub.f32 v8, v18  }
0x64: {  	v1 =	vsub.f32 v1, v39;
	v35 =	vsel vm1, $0x3F800000, v21;
	v0 =	vadd.f32 $6.000000000e+00, v18  }
0x65: {  	vm12 =	vge.f32 v2, v20;
	v18 =	vadd.f32 $5.000000000e+00, v35;
	v8 =	vsub.f32 v8, v35;
	v35 =	vld.idx.msk [tilespmem:v40+s13+$0x0], $0xffff  }
0x66: {  	v50 =	vsel vm12, $0x3F800000, v21;
	vm13 =	vge.f32 v5, v30;
	vm14 =	vge.f32 v5, v29  }
0x67: {  	vm11 =	vge.f32 v5, v36;
	v9 =	vadd.f32 v22, v9;
	v1 =	vsub.f32 v1, v54  }
0x68: {  	v22 =	vsel vm13, $0x3F800000, v21;
	v56 =	vsel vm14, $0x3F800000, v21;
	v55 =	vsel vm11, $0x3F800000, v21  }
0x69: {  	vm13 =	vge.f32 v5, v33;
	v44 =	vadd.f32 $1.100000000e+01, v7;
	v1 =	vsub.f32 v1, v55  }
0x6a: {  	vm11 =	vge.f32 v5, v31;
	vm0 =	vge.f32 v6, v35;
	v6 =	vsel vm2, $0x3F800000, v21  }
0x6b: {  	v43 =	vadd.f32 v37, v3;
	v48 =	vsel vm11, $0x3F800000, v21;
	v1 =	vsub.f32 v1, v6  }
0x6c: {  	vm14 =	vge.f32 v2, v36;
	v11 =	vadd.f32 $1.500000000e+01, v11;
	v49 =	vadd.f32 v48, v63  }
0x6d: {  	v51 =	vsel vm13, $0x3F800000, v21;
	v12 =	vadd.f32 $1.400000000e+01, v12;
	v1 =	vsub.f32 v1, v22  }
0x6e: {  	vm13 =	vge.f32 v2, v28;
	v45 =	vadd.f32 v39, v11;
	v39 =	vadd.f32 $1.000000000e+00, v57  }
0x6f: {  	vm5 =	vge.f32 v5, v25;
	vm15 =	vge.f32 v5, v24;
	v1 =	vsub.f32 v1, v56  }
0x70: {  	v13 =	vadd.f32 $1.300000000e+01, v13;
	v46 =	vsel vm15, $0x3F800000, v21;
	v14 =	vadd.f32 $1.200000000e+01, v14  }
0x71: {  	v42 =	vadd.f32 v54, v12;
	vm4 =	vge.f32 v5, v23;
	v1 =	vsub.f32 v1, v46  }
0x72: {  	vm15 =	vge.f32 v5, v34;
	v7 =	vadd.f32 v6, v14;
	v14 =	vsel vm4, $0x3F800000, v21  }
0x73: {  	v12 =	vadd.f32 v22, v44;
	v54 =	vsel vm15, $0x3F800000, v21;
	v1 =	vsub.f32 v1, v14  }
0x74: {  	v13 =	vadd.f32 v55, v13;
	v17 =	vadd.f32 $8.000000000e+00, v17;
	v22 =	vsel vm5, $0x3F800000, v21  }
0x75: {  	vm6 =	vge.f32 v5, v26;
	v39 =	vadd.f32 v54, v39;
	v1 =	vsub.f32 v1, v22  }
0x76: {  	v14 =	vadd.f32 v14, v17;
	v17 =	vadd.f32 v22, v19;
	v19 =	vsel vm6, $0x3F800000, v21  }
0x77: {  	vm7 =	vge.f32 v5, v27;
	v15 =	vadd.f32 $1.000000000e+01, v15;
	v1 =	vsub.f32 v1, v19  }
0x78: {  	v16 =	vadd.f32 $9.000000000e+00, v16;
	v11 =	vadd.f32 v19, v0;
	v19 =	vsel vm7, $0x3F800000, v21  }
0x79: {  	v8 =	vsub.f32 v8, v52;
	v22 =	vsel vm9, $0x3F800000, v21;
	v1 =	vsub.f32 v1, v19  }
0x7a: {  	v9 =	vsub.f32 v9, v22;
	v18 =	vadd.f32 v19, v18;
	v19 =	vsel vm8, $0x3F800000, v21  }
0x7b: {  	v47 =	vadd.f32 v19, v53;
	v1 =	vsub.f32 v1, v19;
	v19 =	vsel vm10, $0x3F800000, v21  }
0x7c: {  	vm11 =	vge.f32 v2, v26;
	v8 =	vsub.f32 v8, v62;
	v9 =	vsub.f32 v9, v19  }
0x7d: {  	vm12 =	vge.f32 v2, v27;
	v15 =	vadd.f32 v56, v15;
	v16 =	vadd.f32 v46, v16  }
0x7e: {  	vm15 =	vge.f32 v2, v31;
	v8 =	vsub.f32 v8, v41;
	v9 =	vsub.f32 v9, v50  }
0x7f: {  	v41 =	vadd.f32 $2.000000000e+00, v41;
	vm4 =	vge.f32 v2, v32;
	v53 =	vsel vm14, $0x3F800000, v21  }
0x80: {  	v55 =	vsel vm0, $0x3F800000, v21;
	v3 =	vsel vm4, $0x3F800000, v21;
	v9 =	vsub.f32 v9, v53  }
0x81: {  	vm4 =	vge.f32 v4, v20;
	v8 =	vsub.f32 v8, v57;
	v1 =	vsub.f32 v1, v48  }
0x82: {  	v52 =	vadd.f32 v51, v41;
	vm5 =	vge.f32 v2, v30;
	v9 =	vsub.f32 v9, v3  }
0x83: {  	vm6 =	vge.f32 v5, v35;
	v5 =	vsel vm5, $0x3F800000, v21;
	v1 =	vsub.f32 v1, v51  }
0x84: {  	v57 =	vsub.f32 v8, v55;
	vm7 =	vge.f32 v2, v29;
	v9 =	vsub.f32 v9, v5  }
0x85: {  	vm5 =	vge.f32 v2, v33;
	v0 =	vsel vm7, $0x3F800000, v21;
	v1 =	vsub.f32 v1, v54  }
0x86: {  	v8 =	vsel vm6, $0x3F800000, v21;
	vm8 =	vge.f32 v2, v24;
	v9 =	vsub.f32 v9, v0  }
0x87: {  	v6 =	vadd.f32 v8, v55;
	v63 =	vsub.f32 v1, v8;
	v8 =	vsel vm8, $0x3F800000, v21  }
0x88: {  	vm6 =	vge.f32 v4, v36;
	vm9 =	vge.f32 v2, v23;
	v9 =	vsub.f32 v9, v8  }
0x89: {  	v46 =	vsel vm6, $0x3F800000, v21;
	vm6 =	vge.f32 v10, v20;
	v44 =	vsel vm9, $0x3F800000, v21  }
0x8a: {  	vm10 =	vge.f32 v2, v25;
	v3 =	vadd.f32 v3, v7;
	v7 =	vsub.f32 v9, v44  }
0x8b: {  	v13 =	vadd.f32 v53, v13;
	v9 =	vadd.f32 v0, v15;
	v0 =	vsel vm10, $0x3F800000, v21  }
0x8c: {  	vm9 =	vge.f32 v4, v30;
	v1 =	vadd.f32 v22, v43;
	v7 =	vsub.f32 v7, v0  }
0x8d: {  	v5 =	vadd.f32 v5, v12;
	v12 =	vadd.f32 v44, v14;
	v14 =	vsel vm11, $0x3F800000, v21  }
0x8e: {  	vm14 =	vge.f32 v4, v10;
	v15 =	vadd.f32 v0, v17;
	v0 =	vsub.f32 v7, v14  }
0x8f: {  	v19 =	vadd.f32 v19, v45;
	v17 =	vsel vm14, $0x3F800000, v21;
	v7 =	vsel vm12, $0x3F800000, v21  }
0x90: {  	v45 =	vsel vm4, $0x3F800000, v21;
	v1 =	vsub.f32 v1, v17;
	v0 =	vsub.f32 v0, v7  }
0x91: {  	v11 =	vadd.f32 v14, v11;
	v14 =	vadd.f32 v7, v18;
	v7 =	vsel vm13, $0x3F800000, v21  }
0x92: {  	vm7 =	vge.f32 v4, v32;
	v1 =	vsub.f32 v1, v45;
	v0 =	vsub.f32 v0, v7  }
0x93: {  	v13 =	vadd.f32 v46, v13;
	v8 =	vadd.f32 v8, v16;
	v18 =	vsel vm15, $0x3F800000, v21  }
0x94: {  	vm4 =	vge.f32 v4, v27;
	v1 =	vsub.f32 v1, v46;
	v0 =	vsub.f32 v0, v18  }
0x95: {  	v16 =	vadd.f32 v7, v47;
	v7 =	vadd.f32 v18, v49;
	v18 =	vsel vm5, $0x3F800000, v21  }
0x96: {  	[tilespmem:$0x1FD70] =	vst v38;
	v38 =	vadd.f32 v18, v52;
	v0 =	vsub.f32 v0, v18;
	v18 =	vsel vm7, $0x3F800000, v21  }
0x97: {  	v22 =	vadd.f32 v50, v42;
	vm8 =	vge.f32 v2, v34;
	v1 =	vsub.f32 v1, v18  }
0x98: {  	vm11 =	vge.f32 v4, v29;
	vm10 =	vge.f32 v2, v35;
	v2 =	vsel vm9, $0x3F800000, v21  }
0x99: {  	vm9 =	vge.f32 v10, v32;
	v48 =	vsel vm10, $0x3F800000, v21;
	v1 =	vsub.f32 v1, v2  }
0x9a: {  	v5 =	vadd.f32 v2, v5;
	vm14 =	vge.f32 v4, v25;
	v49 =	vsel vm11, $0x3F800000, v21  }
0x9b: {  	vm10 =	vge.f32 v4, v33;
	vm12 =	vge.f32 v4, v24;
	v1 =	vsub.f32 v1, v49  }
0x9c: {  	v17 =	vadd.f32 v17, v19;
	v19 =	vadd.f32 v45, v22;
	v22 =	vsel vm12, $0x3F800000, v21  }
0x9d: {  	v6 =	vadd.f32 v48, v6;
	vm13 =	vge.f32 v4, v23;
	v1 =	vsub.f32 v1, v22  }
0x9e: {  	v50 =	vsel vm10, $0x3F800000, v21;
	vm10 =	vge.f32 v20, v36;
	v2 =	vsel vm13, $0x3F800000, v21  }
0x9f: {  	vm15 =	vge.f32 v4, v26;
	vm12 =	vge.f32 v4, v34;
	v1 =	vsub.f32 v1, v2  }
0xa0: {  	v8 =	vadd.f32 v22, v8;
	v3 =	vadd.f32 v18, v3;
	v18 =	vsel vm14, $0x3F800000, v21  }
0xa1: {  	v55 =	vsel vm12, $0x3F800000, v21;
	vm12 =	vge.f32 v10, v33;
	v1 =	vsub.f32 v1, v18  }
0xa2: {  	v47 =	vsel vm8, $0x3F800000, v21;
	v12 =	vadd.f32 v2, v12;
	v2 =	vsel vm15, $0x3F800000, v21  }
0xa3: {  	vm8 =	vge.f32 v10, v36;
	vm5 =	vge.f32 v4, v28;
	v1 =	vsub.f32 v1, v2  }
0xa4: {  	vm7 =	vge.f32 v4, v31;
	v11 =	vadd.f32 v2, v11;
	v2 =	vsel vm4, $0x3F800000, v21  }
0xa5: {  	v15 =	vadd.f32 v18, v15;
	v22 =	vsel vm6, $0x3F800000, v21;
	v1 =	vsub.f32 v1, v2  }
0xa6: {  	v18 =	vsel vm5, $0x3F800000, v21;
	v14 =	vadd.f32 v2, v14;
	v2 =	vsub.f32 v17, v22  }
0xa7: {  	v16 =	vadd.f32 v18, v16;
	v1 =	vsub.f32 v1, v18;
	v18 =	vsel vm8, $0x3F800000, v21  }
0xa8: {  	v39 =	vadd.f32 v47, v39;
	v17 =	vsel vm7, $0x3F800000, v21;
	v2 =	vsub.f32 v2, v18  }
0xa9: {  	v7 =	vadd.f32 v17, v7;
	v1 =	vsub.f32 v1, v17;
	v17 =	vsel vm9, $0x3F800000, v21  }
0xaa: {  	vm11 =	vge.f32 v10, v30;
	v9 =	vadd.f32 v49, v9;
	v2 =	vsub.f32 v2, v17  }
0xab: {  	v51 =	vsel vm11, $0x3F800000, v21;
	vm11 =	vge.f32 v20, v32;
	v62 =	vadd.f32 v55, v39  }
0xac: {  	v5 =	vadd.f32 v51, v5;
	vm13 =	vge.f32 v10, v29;
	v2 =	vsub.f32 v2, v51  }
0xad: {  	v38 =	vadd.f32 v50, v38;
	v45 =	vsel vm13, $0x3F800000, v21;
	v1 =	vsub.f32 v1, v50  }
0xae: {  	vm14 =	vge.f32 v4, v35;
	vm15 =	vge.f32 v10, v24;
	v2 =	vsub.f32 v2, v45  }
0xaf: {  	v0 =	vsub.f32 v0, v47;
	v46 =	vsel vm15, $0x3F800000, v21;
	v1 =	vsub.f32 v1, v55  }
0xb0: {  	v4 =	vsel vm14, $0x3F800000, v21;
	vm4 =	vge.f32 v10, v23;
	v47 =	vsub.f32 v2, v46  }
0xb1: {  	v6 =	vadd.f32 v4, v6;
	v55 =	vsub.f32 v1, v4;
	v4 =	vsel vm4, $0x3F800000, v21  }
0xb2: {  	vm5 =	vge.f32 v10, v25;
	v13 =	vadd.f32 v18, v13;
	v18 =	vsub.f32 v47, v4  }
0xb3: {  	vm14 =	vge.f32 v10, v34;
	v17 =	vadd.f32 v17, v3;
	v3 =	vsel vm5, $0x3F800000, v21  }
0xb4: {  	v56 =	vsub.f32 v0, v48;
	vm6 =	vge.f32 v10, v26;
	v18 =	vsub.f32 v18, v3  }
0xb5: {  	vm13 =	vge.f32 v20, v30;
	v4 =	vadd.f32 v4, v12;
	v12 =	vsel vm6, $0x3F800000, v21  }
0xb6: {  	vm7 =	vge.f32 v10, v27;
	v15 =	vadd.f32 v3, v15;
	v3 =	vsub.f32 v18, v12  }
0xb7: {  	v9 =	vadd.f32 v45, v9;
	v11 =	vadd.f32 v12, v11;
	v12 =	vsel vm7, $0x3F800000, v21  }
0xb8: {  	v48 =	vsel vm13, $0x3F800000, v21;
	vm8 =	vge.f32 v10, v28;
	v3 =	vsub.f32 v3, v12  }
0xb9: {  	v1 =	vadd.f32 v22, v19;
	v14 =	vadd.f32 v12, v14;
	v12 =	vsel vm8, $0x3F800000, v21  }
0xba: {  	vm9 =	vge.f32 v10, v31;
	v18 =	vsel vm10, $0x3F800000, v21;
	v3 =	vsub.f32 v3, v12  }
0xbb: {  	v1 =	vsub.f32 v1, v18;
	v16 =	vadd.f32 v12, v16;
	v12 =	vsel vm9, $0x3F800000, v21  }
0xbc: {  	v7 =	vadd.f32 v12, v7;
	v3 =	vsub.f32 v3, v12;
	v12 =	vsel vm11, $0x3F800000, v21  }
0xbd: {  	v49 =	vsel vm14, $0x3F800000, v21;
	vm13 =	vge.f32 v20, v33;
	v1 =	vsub.f32 v1, v12  }
0xbe: {  	vm14 =	vge.f32 v36, v30;
	v5 =	vadd.f32 v48, v5;
	vm15 =	vge.f32 v20, v29  }
0xbf: {  	v8 =	vadd.f32 v46, v8;
	v19 =	vsel vm12, $0x3F800000, v21;
	v1 =	vsub.f32 v1, v48  }
0xc0: {  	vm5 =	vge.f32 v20, v24;
	v50 =	vsel vm15, $0x3F800000, v21;
	v3 =	vsub.f32 v3, v19  }
0xc1: {  	vm15 =	vge.f32 v36, v29;
	vm4 =	vge.f32 v10, v35;
	v1 =	vsub.f32 v1, v50  }
0xc2: {  	v51 =	vsel vm5, $0x3F800000, v21;
	v10 =	vsel vm4, $0x3F800000, v21;
	v3 =	vsub.f32 v3, v49  }
0xc3: {  	v6 =	vadd.f32 v10, v6;
	vm6 =	vge.f32 v20, v23;
	v1 =	vsub.f32 v1, v51  }
0xc4: {  	v54 =	vsub.f32 v3, v10;
	v10 =	vadd.f32 v18, v13;
	v13 =	vsel vm6, $0x3F800000, v21  }
0xc5: {  	v9 =	vadd.f32 v50, v9;
	vm7 =	vge.f32 v20, v25;
	v1 =	vsub.f32 v1, v13  }
0xc6: {  	vm5 =	vge.f32 v36, v24;
	v12 =	vadd.f32 v12, v17;
	v17 =	vsel vm7, $0x3F800000, v21  }
0xc7: {  	v8 =	vadd.f32 v51, v8;
	vm8 =	vge.f32 v20, v26;
	v1 =	vsub.f32 v1, v17  }
0xc8: {  	vm12 =	vge.f32 v36, v32;
	v13 =	vadd.f32 v13, v4;
	v4 =	vsel vm8, $0x3F800000, v21  }
0xc9: {  	v22 =	vadd.f32 v19, v38;
	vm9 =	vge.f32 v20, v27;
	v1 =	vsub.f32 v1, v4  }
0xca: {  	vm4 =	vge.f32 v20, v34;
	v15 =	vadd.f32 v17, v15;
	v17 =	vsel vm9, $0x3F800000, v21  }
0xcb: {  	v53 =	vsel vm4, $0x3F800000, v21;
	vm10 =	vge.f32 v20, v28;
	v1 =	vsub.f32 v1, v17  }
0xcc: {  	vm11 =	vge.f32 v20, v31;
	v11 =	vadd.f32 v4, v11;
	v4 =	vsel vm10, $0x3F800000, v21  }
0xcd: {  	v18 =	vsel vm12, $0x3F800000, v21;
	v14 =	vadd.f32 v17, v14;
	v1 =	vsub.f32 v1, v4  }
0xce: {  	v16 =	vadd.f32 v4, v16;
	v17 =	vsel vm11, $0x3F800000, v21;
	v4 =	vsub.f32 v10, v18  }
0xcf: {  	v7 =	vadd.f32 v17, v7;
	v1 =	vsub.f32 v1, v17;
	v17 =	vsel vm14, $0x3F800000, v21  }
0xd0: {  	vm4 =	vge.f32 v32, v24;
	v10 =	vsel vm13, $0x3F800000, v21;
	v4 =	vsub.f32 v4, v17  }
0xd1: {  	v22 =	vadd.f32 v10, v22;
	v1 =	vsub.f32 v1, v10;
	v10 =	vsel vm15, $0x3F800000, v21  }
0xd2: {  	vm7 =	vge.f32 v36, v23;
	v19 =	vadd.f32 v49, v62;
	v4 =	vsub.f32 v4, v10  }
0xd3: {  	v43 =	vsel vm7, $0x3F800000, v21;
	vm6 =	vge.f32 v20, v35;
	v20 =	vsel vm5, $0x3F800000, v21  }
0xd4: {  	vm7 =	vge.f32 v36, v35;
	v1 =	vsub.f32 v1, v53;
	v42 =	vsub.f32 v4, v20  }
0xd5: {  	v19 =	vadd.f32 v53, v19;
	vm12 =	vge.f32 v36, v31;
	v62 =	vsel vm6, $0x3F800000, v21  }
0xd6: {  	vm8 =	vge.f32 v36, v25;
	v52 =	vsub.f32 v1, v62;
	v1 =	vsub.f32 v42, v43  }
0xd7: {  	v12 =	vadd.f32 v18, v12;
	v17 =	vadd.f32 v17, v5;
	v5 =	vsel vm8, $0x3F800000, v21  }
0xd8: {  	vm9 =	vge.f32 v36, v26;
	vm10 =	vge.f32 v36, v27;
	v1 =	vsub.f32 v1, v5  }
0xd9: {  	v9 =	vadd.f32 v10, v9;
	v10 =	vadd.f32 v43, v13;
	v13 =	vsel vm9, $0x3F800000, v21  }
0xda: {  	vm11 =	vge.f32 v36, v28;
	vm13 =	vge.f32 v32, v30;
	v1 =	vsub.f32 v1, v13  }
0xdb: {  	v15 =	vadd.f32 v5, v15;
	v11 =	vadd.f32 v13, v11;
	v5 =	vsel vm10, $0x3F800000, v21  }
0xdc: {  	v13 =	vadd.f32 v5, v14;
	v1 =	vsub.f32 v1, v5;
	v5 =	vsel vm11, $0x3F800000, v21  }
0xdd: {  	vm14 =	vge.f32 v32, v29;
	v14 =	vadd.f32 v5, v16;
	v16 =	vsel vm13, $0x3F800000, v21  }
0xde: {  	v1 =	vsub.f32 v1, v5;
	v5 =	vsel vm12, $0x3F800000, v21;
	v12 =	vsub.f32 v12, v16  }
0xdf: {  	v18 =	vsel vm14, $0x3F800000, v21;
	vm15 =	vge.f32 v36, v33;
	v7 =	vadd.f32 v5, v7  }
0xe0: {  	v1 =	vsub.f32 v1, v5;
	v5 =	vsel vm15, $0x3F800000, v21;
	v12 =	vsub.f32 v12, v18  }
0xe1: {  	v8 =	vadd.f32 v20, v8;
	v20 =	vadd.f32 v5, v22;
	v22 =	vsel vm4, $0x3F800000, v21  }
0xe2: {  	vm5 =	vge.f32 v36, v34;
	vm6 =	vge.f32 v32, v23;
	v12 =	vsub.f32 v12, v22  }
0xe3: {  	v44 =	vsel vm5, $0x3F800000, v21;
	v45 =	vsel vm6, $0x3F800000, v21;
	v1 =	vsub.f32 v1, v5  }
0xe4: {  	vm5 =	vge.f32 v32, v35;
	vm8 =	vge.f32 v32, v25;
	v5 =	vsub.f32 v12, v45  }
0xe5: {  	v6 =	vadd.f32 v62, v6;
	v46 =	vsel vm8, $0x3F800000, v21;
	v1 =	vsub.f32 v1, v44  }
0xe6: {  	vm9 =	vge.f32 v32, v26;
	v12 =	vsel vm7, $0x3F800000, v21;
	v47 =	vsub.f32 v5, v46  }
0xe7: {  	v6 =	vadd.f32 v12, v6;
	v49 =	vsub.f32 v1, v12;
	v12 =	vsel vm9, $0x3F800000, v21  }
0xe8: {  	vm10 =	vge.f32 v32, v27;
	v1 =	vadd.f32 v16, v17;
	v16 =	vsub.f32 v47, v12  }
0xe9: {  	v19 =	vadd.f32 v44, v19;
	vm6 =	vge.f32 v30, v23;
	v17 =	vsel vm10, $0x3F800000, v21  }
0xea: {  	vm14 =	vge.f32 v30, v29;
	vm11 =	vge.f32 v32, v28;
	v16 =	vsub.f32 v16, v17  }
0xeb: {  	vm12 =	vge.f32 v32, v31;
	v11 =	vadd.f32 v12, v11;
	v12 =	vsel vm11, $0x3F800000, v21  }
0xec: {  	v13 =	vadd.f32 v17, v13;
	v17 =	vsel vm12, $0x3F800000, v21;
	v16 =	vsub.f32 v16, v12  }
0xed: {  	vm8 =	vge.f32 v30, v26;
	v15 =	vadd.f32 v46, v15;
	v7 =	vadd.f32 v17, v7  }
0xee: {  	v12 =	vadd.f32 v12, v14;
	v14 =	vsub.f32 v16, v17;
	v17 =	vtrunc.f32 v57  }
0xef: {  	v53 =	vsel vm6, $0x3F800000, v21;
	v10 =	vadd.f32 v45, v10;
	v17 =	vcvt.f32.s32 v17  }
0xf0: {  	vm6 =	vge.f32 v29, v26;
	v9 =	vadd.f32 v18, v9;
	v62 =	vtrunc.f32 v63  }
0xf1: {  	v36 =	vcvt.f32.s32 v62;
	v10 =	vadd.f32 v53, v10;
	vm13 =	vge.f32 v32, v33  }
0xf2: {  	vm15 =	vge.f32 v32, v34;
	vm4 =	vge.f32 v30, v24;
	v16 =	vsel vm13, $0x3F800000, v21  }
0xf3: {  	v18 =	vadd.f32 v16, v20;
	v14 =	vsub.f32 v14, v16;
	v16 =	vsel vm14, $0x3F800000, v21  }
0xf4: {  	v8 =	vadd.f32 v22, v8;
	v20 =	vsel vm15, $0x3F800000, v21;
	v1 =	vsub.f32 v1, v16  }
0xf5: {  	v19 =	vadd.f32 v20, v19;
	v14 =	vsub.f32 v14, v20;
	v20 =	vsel vm4, $0x3F800000, v21;
	v17 =	vld.idx.msk [tilespmem:v17+s15+$0x0], $0xffff  }
0xf6: {  	v22 =	vsel vm5, $0x3F800000, v21;
	vm5 =	vge.f32 v30, v35;
	v1 =	vsub.f32 v1, v20  }
0xf7: {  	vm7 =	vge.f32 v30, v25;
	vm9 =	vge.f32 v30, v27;
	vm10 =	vge.f32 v30, v28  }
0xf8: {  	[tilespmem:$0x1FD80] =	vst v40;
	v40 =	vadd.f32 v22, v6;
	vm11 =	vge.f32 v30, v31;
	v1 =	vsub.f32 v1, v53  }
0xf9: {  	vm12 =	vge.f32 v30, v33;
	v46 =	vsub.f32 v14, v22;
	v14 =	vsel vm7, $0x3F800000, v21  }
0xfa: {  	v1 =	vsub.f32 v1, v14;
	v14 =	vadd.f32 v14, v15;
	v15 =	vtrunc.f32 v56;
	[tilespmem:$0xBD00] =	vst v17  }
0xfb: {  	vm13 =	vge.f32 v29, v24;
	vm15 =	vge.f32 v29, v23;
	v15 =	vcvt.f32.s32 v15;
	v17 =	vld.idx.msk [tilespmem:v36+s15+$0x0], $0xffff  }
0xfc: {  	vm14 =	vge.f32 v30, v34;
	v41 =	vsel vm15, $0x3F800000, v21;
	vm15 =	vge.f32 v29, v35  }
0xfd: {  	v9 =	vadd.f32 v16, v9;
	v38 =	vsel vm15, $0x3F800000, v21;
	vm15 =	vge.f32 v23, v33  }
0xfe: {  	s20 =	sand.u32 $0x70, s19;
	s21 =	sand.u32 $0xC00, s18;
	vm4 =	vge.f32 v29, v25;
	v16 =	vadd.f32 v20, v8;
	v8 =	vsel vm8, $0x3F800000, v21  }
0xff: {  	s20 =	sor.u32 s20, s21;
	v20 =	vsel vm11, $0x3F800000, v21;
	vm8 =	vge.f32 v29, v28;
	v1 =	vsub.f32 v1, v8  }
0x100: {  	v11 =	vadd.f32 v8, v11;
	v8 =	vsel vm9, $0x3F800000, v21;
	v53 =	vld [tilespmem:s20+$0x2200];
	[tilespmem:$0xBD80] =	vst v17;
	v17 =	vtrunc.f32 v55  }
0x101: {  	vm11 =	vge.f32 v24, v23;
	v1 =	vsub.f32 v1, v8;
	v15 =	vld.idx.msk [tilespmem:v15+s15+$0x0], $0xffff;
	v17 =	vcvt.f32.s32 v17  }
0x102: {  	v22 =	vadd.f32 v20, v7;
	v13 =	vadd.f32 v8, v13;
	v8 =	vsel vm10, $0x3F800000, v21  }
0x103: {  	v7 =	vsel vm12, $0x3F800000, v21;
	vm12 =	vge.f32 v29, v34;
	v1 =	vsub.f32 v1, v8  }
0x104: {  	vm7 =	vge.f32 v29, v27;
	v18 =	vadd.f32 v7, v18;
	v37 =	vsel vm12, $0x3F800000, v21  }
0x105: {  	vm12 =	vge.f32 v23, v28;
	v1 =	vsub.f32 v1, v20;
	v20 =	vsel vm13, $0x3F800000, v21  }
0x106: {  	vm9 =	vge.f32 v29, v31;
	v9 =	vsub.f32 v9, v20;
	v51 =	vld [tilespmem:s20+$0x2280];
	[tilespmem:$0xBE00] =	vst v15;
	v15 =	vtrunc.f32 v54  }
0x107: {  	vm10 =	vge.f32 v29, v33;
	v1 =	vsub.f32 v1, v7;
	v17 =	vld.idx.msk [tilespmem:v17+s15+$0x0], $0xffff;
	v15 =	vcvt.f32.s32 v15  }
0x108: {  	v12 =	vadd.f32 v8, v12;
	v7 =	vsel vm14, $0x3F800000, v21;
	v9 =	vsub.f32 v9, v41  }
0x109: {  	v36 =	vadd.f32 v7, v19;
	v19 =	vsel vm4, $0x3F800000, v21;
	v1 =	vsub.f32 v1, v7  }
0x10a: {  	v7 =	vsel vm5, $0x3F800000, v21;
	v14 =	vadd.f32 v19, v14;
	v62 =	vsub.f32 v9, v19  }
0x10b: {  	v44 =	vadd.f32 v7, v40;
	v40 =	vsel vm6, $0x3F800000, v21;
	v32 =	vsub.f32 v1, v7  }
0x10c: {  	v1 =	vadd.f32 v20, v16;
	v30 =	vsub.f32 v62, v40;
	v50 =	vld [tilespmem:s20+$0x2300];
	[tilespmem:$0xBE80] =	vst v17;
	v17 =	vtrunc.f32 v52  }
0x10d: {  	v16 =	vsel vm7, $0x3F800000, v21;
	v20 =	vadd.f32 v41, v10;
	v15 =	vld.idx.msk [tilespmem:v15+s15+$0x0], $0xffff;
	v17 =	vcvt.f32.s32 v17  }
0x10e: {  	vm13 =	vge.f32 v24, v25;
	v19 =	vadd.f32 v40, v11;
	v10 =	vsub.f32 v30, v16  }
0x10f: {  	v11 =	vsel vm8, $0x3F800000, v21;
	v41 =	vsel vm11, $0x3F800000, v21;
	v13 =	vadd.f32 v16, v13  }
0x110: {  	v12 =	vadd.f32 v11, v12;
	v16 =	vsub.f32 v10, v11;
	v11 =	vsel vm9, $0x3F800000, v21  }
0x111: {  	vm14 =	vge.f32 v24, v26;
	v1 =	vsub.f32 v1, v41;
	v22 =	vadd.f32 v11, v22  }
0x112: {  	v16 =	vsub.f32 v16, v11;
	v11 =	vsel vm10, $0x3F800000, v21;
	v48 =	vld [tilespmem:s20+$0x2380];
	[tilespmem:$0xBF00] =	vst v15;
	v15 =	vtrunc.f32 v49  }
0x113: {  	v30 =	vadd.f32 v11, v18;
	v18 =	vsel vm13, $0x3F800000, v21;
	v17 =	vld.idx.msk [tilespmem:v17+s15+$0x0], $0xffff;
	v15 =	vcvt.f32.s32 v15  }
0x114: {  	v42 =	vsel vm14, $0x3F800000, v21;
	vm5 =	vge.f32 v24, v28;
	v1 =	vsub.f32 v1, v18  }
0x115: {  	vm4 =	vge.f32 v24, v27;
	v43 =	vsel vm5, $0x3F800000, v21;
	vm6 =	vge.f32 v24, v31  }
0x116: {  	vm7 =	vge.f32 v23, v25;
	vm8 =	vge.f32 v24, v33;
	v1 =	vsub.f32 v1, v42  }
0x117: {  	vm11 =	vge.f32 v23, v27;
	v18 =	vadd.f32 v18, v14;
	v14 =	vsel vm4, $0x3F800000, v21  }
0x118: {  	v13 =	vadd.f32 v14, v13;
	v1 =	vsub.f32 v1, v14;
	v14 =	vtrunc.f32 v46;
	v47 =	vld [tilespmem:s20+$0x3000];
	[tilespmem:$0xBF80] =	vst v17  }
0x119: {  	v62 =	vsel vm7, $0x3F800000, v21;
	v20 =	vadd.f32 v41, v20;
	v29 =	vcvt.f32.s32 v14;
	v15 =	vld.idx.msk [tilespmem:v15+s15+$0x0], $0xffff  }
0x11a: {  	v45 =	vsel vm11, $0x3F800000, v21;
	v19 =	vadd.f32 v42, v19;
	v1 =	vsub.f32 v1, v43  }
0x11b: {  	v20 =	vsub.f32 v20, v62;
	vm9 =	vge.f32 v23, v26;
	v17 =	vsel vm6, $0x3F800000, v21  }
0x11c: {  	v39 =	vadd.f32 v43, v12;
	v41 =	vsel vm9, $0x3F800000, v21;
	v14 =	vsub.f32 v1, v17  }
0x11d: {  	v12 =	vsel vm8, $0x3F800000, v21;
	v20 =	vsub.f32 v20, v41;
	v16 =	vsub.f32 v16, v11  }
0x11e: {  	v22 =	vadd.f32 v17, v22;
	v17 =	vsub.f32 v14, v12;
	v14 =	vld [tilespmem:s20+$0x3080];
	[tilespmem:$0xC000] =	vst v15;
	v15 =	vtrunc.f32 v32  }
0x11f: {  	v41 =	vadd.f32 v41, v19;
	v18 =	vadd.f32 v62, v18;
	v29 =	vld.idx.msk [tilespmem:v29+s15+$0x0], $0xffff;
	v62 =	vcvt.f32.s32 v15  }
0x120: {  	vm10 =	vge.f32 v24, v34;
	v20 =	vsub.f32 v20, v45;
	v16 =	vsub.f32 v16, v37  }
0x121: {  	v19 =	vsel vm10, $0x3F800000, v21;
	v40 =	vadd.f32 v45, v13;
	v15 =	vsel vm12, $0x3F800000, v21  }
0x122: {  	vm13 =	vge.f32 v23, v31;
	v13 =	vsub.f32 v16, v38;
	v20 =	vsub.f32 v20, v15  }
0x123: {  	vm14 =	vge.f32 v24, v35;
	v43 =	vsel vm13, $0x3F800000, v21;
	v16 =	vsub.f32 v17, v19  }
0x124: {  	v39 =	vadd.f32 v15, v39;
	v15 =	vld [tilespmem:s20+$0x3100];
	v17 =	vsub.f32 v20, v43;
	v20 =	vtrunc.f32 v13;
	[tilespmem:$0xC080] =	vst v29  }
0x125: {  	vm11 =	vge.f32 v25, v31;
	vm6 =	vge.f32 v25, v26;
	v29 =	vcvt.f32.s32 v20;
	v24 =	vld.idx.msk [tilespmem:v62+s15+$0x0], $0xffff  }
0x126: {  	vm7 =	vge.f32 v23, v34;
	v8 =	vsel vm11, $0x3F800000, v21;
	v20 =	vsel vm6, $0x3F800000, v21  }
0x127: {  	v41 =	vadd.f32 v20, v41;
	v18 =	vsub.f32 v18, v20;
	v20 =	vsel vm14, $0x3F800000, v21  }
0x128: {  	vm8 =	vge.f32 v23, v35;
	vm9 =	vge.f32 v25, v27;
	v0 =	vsub.f32 v16, v20  }
0x129: {  	vm10 =	vge.f32 v25, v28;
	v42 =	vsel vm15, $0x3F800000, v21;
	v45 =	vsel vm9, $0x3F800000, v21  }
0x12a: {  	v17 =	vsub.f32 v17, v42;
	v16 =	vld [tilespmem:s20+$0x3180];
	v18 =	vsub.f32 v18, v45;
	[tilespmem:$0xC100] =	vst v24;
	v24 =	vtrunc.f32 v0  }
0x12b: {  	v6 =	vsel vm10, $0x3F800000, v21;
	v62 =	vsel vm7, $0x3F800000, v21;
	v29 =	vld.idx.msk [tilespmem:v29+s15+$0x0], $0xffff;
	v1 =	vcvt.f32.s32 v24  }
0x12c: {  	vm4 =	vge.f32 v26, v28;
	v17 =	vsub.f32 v17, v62;
	v18 =	vsub.f32 v18, v6  }
0x12d: {  	v40 =	vadd.f32 v45, v40;
	vm12 =	vge.f32 v25, v33;
	v45 =	vsel vm8, $0x3F800000, v21  }
0x12e: {  	vm14 =	vge.f32 v26, v27;
	v2 =	vsub.f32 v17, v45;
	v17 =	vsub.f32 v18, v8  }
0x12f: {  	vm15 =	vge.f32 v25, v35;
	[tilespmem:$0x1FD90] =	vst v0;
	v0 =	vsel vm14, $0x3F800000, v21;
	v18 =	vsel vm12, $0x3F800000, v21  }
0x130: {  	vm13 =	vge.f32 v25, v34;
	v25 =	vsub.f32 v17, v18;
	v17 =	vld [tilespmem:s20+$0x3200];
	[tilespmem:$0xC180] =	vst v29;
	v29 =	vsub.f32 v41, v0  }
0x131: {  	vm5 =	vge.f32 v26, v31;
	[tilespmem:$0x1FDB0] =	vst v2;
	v41 =	vtrunc.f32 v2;
	v2 =	vld.idx.msk [tilespmem:v1+s15+$0x0], $0xffff;
	v1 =	vsel vm4, $0x3F800000, v21  }
0x132: {  	v7 =	vsel vm5, $0x3F800000, v21;
	v29 =	vsub.f32 v29, v1  }
0x133: {  	v11 =	vsel vm15, $0x3F800000, v21;
	v10 =	vsel vm13, $0x3F800000, v21;
	vm6 =	vge.f32 v26, v33  }
0x134: {  	vm7 =	vge.f32 v26, v34;
	v25 =	vsub.f32 v25, v10;
	v29 =	vsub.f32 v29, v7  }
0x135: {  	vm8 =	vge.f32 v26, v35;
	v26 =	vsel vm6, $0x3F800000, v21;
	v4 =	vadd.f32 v0, v40  }
0x136: {  	vm10 =	vge.f32 v27, v31;
	v0 =	vsub.f32 v25, v11;
	v40 =	vld [tilespmem:s20+$0x3280];
	[tilespmem:$0xC200] =	vst v2;
	v2 =	vsub.f32 v29, v26  }
0x137: {  	vm9 =	vge.f32 v27, v28;
	v9 =	vsel vm7, $0x3F800000, v21;
	v41 =	vcvt.f32.s32 v41  }
0x138: {  	[tilespmem:$0x1FDD0] =	vst v0;
	v29 =	vtrunc.f32 v0;
	v0 =	vsel vm9, $0x3F800000, v21;
	v2 =	vsub.f32 v2, v9  }
0x139: {  	v6 =	vadd.f32 v6, v39;
	v39 =	vsel vm8, $0x3F800000, v21;
	v4 =	vsub.f32 v4, v0  }
0x13a: {  	v3 =	vsel vm10, $0x3F800000, v21;
	v23 =	vsub.f32 v2, v39  }
0x13b: {  	v2 =	vsub.f32 v4, v3;
	v4 =	vadd.f32 v43, v22;
	v22 =	vld [tilespmem:s20+$0x3300];
	_ =	sdelay $0x1  }
0x13c: {  	vm11 =	vge.f32 v27, v33;
	v5 =	vld.idx.msk [tilespmem:v41+s15+$0x0], $0xffff  }
0x13d: {  	v1 =	vadd.f32 v1, v6;
	v6 =	vsel vm11, $0x3F800000, v21;
	v29 =	vcvt.f32.s32 v29  }
0x13e: {  	vm12 =	vge.f32 v27, v34;
	v2 =	vsub.f32 v2, v6  }
0x13f: {  	[tilespmem:$0x1FDA0] =	vst v22;
	v22 =	vsel vm12, $0x3F800000, v21  }
0x140: {  	vm13 =	vge.f32 v27, v35;
	vm14 =	vge.f32 v28, v31;
	v2 =	vsub.f32 v2, v22  }
0x141: {  	v0 =	vadd.f32 v0, v1;
	[tilespmem:$0xC280] =	vst v5;
	v4 =	vadd.f32 v8, v4;
	v8 =	vsel vm13, $0x3F800000, v21  }
0x142: {  	[tilespmem:$0x1FDF0] =	vst v23;
	v5 =	vtrunc.f32 v23;
	v23 =	vsub.f32 v2, v8;
	v2 =	vadd.f32 v12, v30;
	v12 =	vld [tilespmem:s20+$0x3380]  }
0x143: {  	v43 =	vsel vm14, $0x3F800000, v21;
	v1 =	vld.idx.msk [tilespmem:v29+s15+$0x0], $0xffff;
	v5 =	vcvt.f32.s32 v5  }
0x144: {  	vm15 =	vge.f32 v28, v33;
	v0 =	vsub.f32 v0, v43  }
0x145: {  	v4 =	vadd.f32 v7, v4;
	v7 =	vsel vm15, $0x3F800000, v21  }
0x146: {  	vm5 =	vge.f32 v28, v35;
	vm4 =	vge.f32 v28, v34;
	v0 =	vsub.f32 v0, v7  }
0x147: {  	v3 =	vadd.f32 v3, v4;
	v2 =	vadd.f32 v42, v2;
	[tilespmem:$0x1FDC0] =	vst v12;
	v12 =	vsel vm4, $0x3F800000, v21  }
0x148: {  	v4 =	vadd.f32 v37, v36;
	[tilespmem:$0xC300] =	vst v1;
	v1 =	vtrunc.f32 v23;
	v0 =	vsub.f32 v0, v12  }
0x149: {  	v5 =	vld.idx.msk [tilespmem:v5+s15+$0x0], $0xffff;
	v1 =	vcvt.f32.s32 v1;
	v2 =	vadd.f32 v18, v2;
	v18 =	vsel vm5, $0x3F800000, v21  }
0x14a: {  	[tilespmem:$0x1FE10] =	vst v23;
	v23 =	vsub.f32 v0, v18;
	v0 =	vadd.f32 v19, v4;
	v19 =	vld [tilespmem:s20+$0x4000];
	_ =	sdelay $0x1  }
0x14b: {  	vm6 =	vge.f32 v31, v33;
	v3 =	vadd.f32 v43, v3;
	v2 =	vadd.f32 v26, v2  }
0x14c: {  	vm7 =	vge.f32 v31, v34;
	v4 =	vsel vm6, $0x3F800000, v21  }
0x14d: {  	[tilespmem:$0xC380] =	vst v5;
	v2 =	vadd.f32 v6, v2;
	v3 =	vsub.f32 v3, v4;
	v5 =	vtrunc.f32 v23  }
0x14e: {  	v1 =	vld.idx.msk [tilespmem:v1+s15+$0x0], $0xffff;
	v0 =	vadd.f32 v62, v0;
	v5 =	vcvt.f32.s32 v5;
	[tilespmem:$0x1FDE0] =	vst v19;
	v19 =	vsel vm7, $0x3F800000, v21  }
0x14f: {  	vm8 =	vge.f32 v31, v35;
	v6 =	vadd.f32 v38, v44;
	v3 =	vsub.f32 v3, v19  }
0x150: {  	v2 =	vadd.f32 v7, v2;
	v0 =	vadd.f32 v10, v0;
	v10 =	vsel vm8, $0x3F800000, v21  }
0x151: {  	v7 =	vsub.f32 v3, v10;
	v3 =	vadd.f32 v20, v6;
	v6 =	vld [tilespmem:s20+$0x4080];
	_ =	sdelay $0x1  }
0x152: {  	vm9 =	vge.f32 v33, v34;
	v2 =	vadd.f32 v4, v2;
	v0 =	vadd.f32 v9, v0;
	[tilespmem:$0xC400] =	vst v1  }
0x153: {  	v4 =	vld.idx.msk [tilespmem:v5+s15+$0x0], $0xffff;
	v5 =	vsel vm9, $0x3F800000, v21  }
0x154: {  	vm10 =	vge.f32 v33, v35;
	v0 =	vadd.f32 v22, v0;
	v2 =	vsub.f32 v2, v5  }
0x155: {  	[tilespmem:$0x1FE00] =	vst v6;
	v6 =	vsel vm10, $0x3F800000, v21  }
0x156: {  	[tilespmem:$0x1FE50] =	vst v7;
	v1 =	vtrunc.f32 v7;
	v0 =	vadd.f32 v12, v0;
	v7 =	vsub.f32 v2, v6;
	v2 =	vld [tilespmem:s20+$0x4100]  }
0x157: {  	v3 =	vadd.f32 v45, v3;
	v1 =	vcvt.f32.s32 v1  }
0x158: {  	v0 =	vadd.f32 v19, v0  }
0x159: {  	v3 =	vadd.f32 v11, v3  }
0x15a: {  	vm11 =	vge.f32 v34, v35;
	[tilespmem:$0xC480] =	vst v4;
	v0 =	vadd.f32 v5, v0  }
0x15b: {  	v4 =	vsel vm11, $0x3F800000, v21;
	[tilespmem:$0x1FE20] =	vst v2;
	v2 =	vadd.f32 v39, v3  }
0x15c: {  	v41 =	vsub.f32 v0, v4;
	v0 =	vld [tilespmem:s20+$0x4180];
	v3 =	vtrunc.f32 v7  }
0x15d: {  	v1 =	vld.idx.msk [tilespmem:v1+s15+$0x0], $0xffff;
	v3 =	vcvt.f32.s32 v3;
	v2 =	vadd.f32 v8, v2;
	_ =	sdelay $0x1  }
0x15e: {  	v2 =	vadd.f32 v18, v2;
	_ =	sdelay $0x1  }
0x15f: {  	[tilespmem:$0x1FE40] =	vst v0;
	v0 =	vadd.f32 v10, v2  }
0x160: {  	[tilespmem:$0xC500] =	vst v1;
	v1 =	vtrunc.f32 v41  }
0x161: {  	v1 =	vcvt.f32.s32 v1;
	v2 =	vld.idx.msk [tilespmem:v3+s15+$0x0], $0xffff;
	v0 =	vadd.f32 v6, v0;
	_ =	sdelay $0x1  }
0x162: {  	v0 =	vadd.f32 v4, v0;
	_ =	sdelay $0x1  }
0x163: {  	[tilespmem:$0x1FEA0] =	vst v0  }
0x164: {  	v3 =	vld [tilespmem:s20+$0x4200];
	[tilespmem:$0xC580] =	vst v2;
	v0 =	vtrunc.f32 v0  }
0x165: {  	v1 =	vld.idx.msk [tilespmem:v1+s15+$0x0], $0xffff;
	v0 =	vcvt.f32.s32 v0;
	_ =	sdelay $0x4  }
0x166: {  	v2 =	vld [tilespmem:s20+$0x4280];
	[tilespmem:$0xC600] =	vst v1  }
0x167: {  	v0 =	vld.idx.msk [tilespmem:v0+s15+$0x0], $0xffff;
	_ =	sdelay $0x4  }
0x168: {  	v1 =	vld [tilespmem:s20+$0x4300];
	[tilespmem:$0xC680] =	vst v0;
	v0 =	vadd.f32 $0.0e+00, v53  }
0x169: {  	vm13 =	veq.f32 v63, $0.0e+00;
	vm12 =	veq.f32 v57, $0.0e+00  }
0x16a: {  	[tilespmem:$0x1FE80] =	vst v2;
	v2 =	vnsel vm13, $0x0, v51;
	v0 =	vnsel vm12, $0x0, v0  }
0x16b: {  	vm14 =	veq.f32 v56, $0.0e+00;
	v0 =	vadd.f32 v2, v0  }
0x16c: {  	v2 =	vnsel vm14, $0x0, v50  }
0x16d: {  	v0 =	vadd.f32 v2, v0;
	v2 =	vld [tilespmem:$0x1FC90];
	_ =	sdelay $0x6  }
0x16e: {  	vm4 =	veq.f32 v55, $0.0e+00  }
0x16f: {  	v57 =	vld.idx.msk [tilespmem:v2+s12+$0x0], $0xffff;
	v2 =	vnsel vm4, $0x0, v48  }
0x170: {  	v0 =	vadd.f32 v2, v0;
	v2 =	vld [tilespmem:$0x1FCA0];
	_ =	sdelay $0x5  }
0x171: {  	v8 =	vld.idx.msk [tilespmem:v59+s12+$0x0], $0xffff  }
0x172: {  	vm6 =	veq.f32 v54, $0.0e+00;
	v59 =	vld.idx.msk [tilespmem:v58+s12+$0x0], $0xffff  }
0x173: {  	v58 =	vld.idx.msk [tilespmem:v2+s12+$0x0], $0xffff;
	v2 =	vnsel vm6, $0x0, v47  }
0x174: {  	v0 =	vadd.f32 v2, v0;
	v2 =	vld [tilespmem:$0x1FCB0];
	_ =	sdelay $0x4  }
0x175: {  	[tilespmem:$0x1FE90] =	vst v1;
	v1 =	vld.idx.msk [tilespmem:v60+s12+$0x0], $0xffff  }
0x176: {  	v60 =	vld.idx.msk [tilespmem:v61+s12+$0x0], $0xffff  }
0x177: {  	vm8 =	veq.f32 v52, $0.0e+00  }
0x178: {  	v4 =	vld.idx.msk [tilespmem:v2+s12+$0x0], $0xffff;
	v2 =	vnsel vm8, $0x0, v14  }
0x179: {  	v0 =	vadd.f32 v2, v0;
	v2 =	vld [tilespmem:$0x1FCC0];
	_ =	sdelay $0x1  }
0x17a: {  	vm15 =	vge.f32 v1, v60  }
0x17b: {  	v5 =	vsel vm15, $0x3F800000, v21  }
0x17c: {  	[tilespmem:$0x1FE60] =	vst v3;
	vm5 =	vge.f32 v1, v8;
	v3 =	vsub.f32 $1.900000000e+01, v5  }
0x17d: {  	v6 =	vsel vm5, $0x3F800000, v21  }
0x17e: {  	vm7 =	vge.f32 v1, v59;
	v3 =	vsub.f32 v3, v6  }
0x17f: {  	vm10 =	veq.f32 v49, $0.0e+00;
	[tilespmem:$0x1FE70] =	vst v7;
	v7 =	vsel vm7, $0x3F800000, v21  }
0x180: {  	v9 =	vsub.f32 v3, v7;
	v3 =	vld.idx.msk [tilespmem:v2+s12+$0x0], $0xffff;
	v2 =	vnsel vm10, $0x0, v15  }
0x181: {  	vm12 =	veq.f32 v46, $0.0e+00;
	v0 =	vadd.f32 v2, v0  }
0x182: {  	v12 =	vnsel vm12, $0x0, v16  }
0x183: {  	v12 =	vadd.f32 v12, v0;
	v0 =	vld [tilespmem:$0x1FCE0];
	_ =	sdelay $0x7  }
0x184: {  	v20 =	vld.idx.msk [tilespmem:v0+s12+$0x0], $0xffff  }
0x185: {  	v0 =	vld [tilespmem:$0x1FCF0];
	_ =	sdelay $0x4  }
0x186: {  	[tilespmem:$0x1FE30] =	vst v23;
	v23 =	vld [tilespmem:$0x1FD60];
	_ =	sdelay $0x2  }
0x187: {  	v54 =	vld.idx.msk [tilespmem:v0+s12+$0x0], $0xffff  }
0x188: {  	v0 =	vld [tilespmem:$0x1FD00];
	_ =	sdelay $0x3  }
0x189: {  	v44 =	vld.idx.msk [tilespmem:v23+s12+$0x0], $0xffff  }
0x18a: {  	v23 =	vld [tilespmem:$0x1FD70];
	_ =	sdelay $0x2  }
0x18b: {  	v52 =	vld.idx.msk [tilespmem:v0+s12+$0x0], $0xffff  }
0x18c: {  	v0 =	vld [tilespmem:$0x1FD10];
	_ =	sdelay $0x1  }
0x18d: {  	v22 =	vld [tilespmem:$0x1FD50];
	_ =	sdelay $0x1  }
0x18e: {  	v42 =	vld.idx.msk [tilespmem:v23+s12+$0x0], $0xffff  }
0x18f: {  	v23 =	vld [tilespmem:$0x1FD80];
	_ =	sdelay $0x1  }
0x190: {  	v2 =	vld [tilespmem:$0x1FCD0]  }
0x191: {  	v51 =	vld.idx.msk [tilespmem:v0+s12+$0x0], $0xffff  }
0x192: {  	v0 =	vld [tilespmem:$0x1FD20]  }
0x193: {  	v45 =	vld.idx.msk [tilespmem:v22+s12+$0x0], $0xffff;
	_ =	sdelay $0x2  }
0x194: {  	vm14 =	veq.f32 v32, $0.0e+00;
	v5 =	vadd.f32 $1.800000000e+01, v5;
	v6 =	vadd.f32 $1.700000000e+01, v6;
	v43 =	vld.idx.msk [tilespmem:v23+s12+$0x0], $0xffff  }
0x195: {  	v7 =	vadd.f32 $1.600000000e+01, v7;
	vm4 =	veq.f32 v13, $0.0e+00;
	vm9 =	vge.f32 v1, v57  }
0x196: {  	v13 =	vnsel vm4, $0x0, v40;
	vm4 =	vge.f32 v1, v45;
	v10 =	vsel vm9, $0x3F800000, v21  }
0x197: {  	v33 =	vsel vm4, $0x3F800000, v21;
	v9 =	vsub.f32 v9, v10;
	vm11 =	vge.f32 v1, v58;
	v2 =	vld.idx.msk [tilespmem:v2+s12+$0x0], $0xffff  }
0x198: {  	v55 =	vadd.f32 $3.000000000e+00, v33;
	v10 =	vadd.f32 $1.500000000e+01, v10;
	v11 =	vsel vm11, $0x3F800000, v21;
	v48 =	vld.idx.msk [tilespmem:v0+s12+$0x0], $0xffff  }
0x199: {  	vm0 =	vge.f32 v1, v43;
	v9 =	vsub.f32 v9, v11;
	vm13 =	vge.f32 v1, v4;
	v0 =	vld [tilespmem:$0x1FD30]  }
0x19a: {  	vm11 =	vge.f32 v60, v8;
	v11 =	vadd.f32 $1.400000000e+01, v11;
	v14 =	vsel vm13, $0x3F800000, v21  }
0x19b: {  	vm13 =	vge.f32 v60, v59;
	v9 =	vsub.f32 v9, v14;
	v14 =	vadd.f32 $1.300000000e+01, v14  }
0x19c: {  	v29 =	vsel vm13, $0x3F800000, v21;
	v15 =	vnsel vm14, $0x0, v17;
	vm15 =	vge.f32 v1, v3  }
0x19d: {  	v23 =	vadd.f32 v29, v7;
	v12 =	vadd.f32 v15, v12;
	v15 =	vsel vm15, $0x3F800000, v21  }
0x19e: {  	vm15 =	vge.f32 v60, v57;
	v9 =	vsub.f32 v9, v15;
	vm5 =	vge.f32 v1, v2  }
0x19f: {  	v50 =	vadd.f32 v13, v12;
	v15 =	vadd.f32 $1.200000000e+01, v15;
	v16 =	vsel vm5, $0x3F800000, v21  }
0x1a0: {  	v31 =	vsel vm15, $0x3F800000, v21;
	v9 =	vsub.f32 v9, v16;
	vm6 =	vge.f32 v1, v20  }
0x1a1: {  	v10 =	vadd.f32 v31, v10;
	vm5 =	vge.f32 v60, v58;
	v12 =	vsel vm6, $0x3F800000, v21;
	v47 =	vld.idx.msk [tilespmem:v0+s12+$0x0], $0xffff  }
0x1a2: {  	v16 =	vadd.f32 $1.100000000e+01, v16;
	v9 =	vsub.f32 v9, v12;
	vm7 =	vge.f32 v1, v54;
	v0 =	vld [tilespmem:$0x1FD40]  }
0x1a3: {  	v34 =	vsel vm5, $0x3F800000, v21;
	vm5 =	vge.f32 v8, v59;
	v13 =	vsel vm7, $0x3F800000, v21  }
0x1a4: {  	vm6 =	vge.f32 v60, v4;
	v9 =	vsub.f32 v9, v13;
	vm8 =	vge.f32 v1, v52  }
0x1a5: {  	v11 =	vadd.f32 v34, v11;
	v32 =	vsel vm5, $0x3F800000, v21;
	v17 =	vsel vm8, $0x3F800000, v21  }
0x1a6: {  	v35 =	vsel vm6, $0x3F800000, v21;
	v9 =	vsub.f32 v9, v17;
	vm9 =	vge.f32 v1, v51  }
0x1a7: {  	v12 =	vadd.f32 $1.000000000e+01, v12;
	v14 =	vadd.f32 v35, v14;
	v18 =	vsel vm9, $0x3F800000, v21  }
0x1a8: {  	vm5 =	vge.f32 v8, v54;
	v9 =	vsub.f32 v9, v18;
	vm10 =	vge.f32 v1, v48  }
0x1a9: {  	vm7 =	vge.f32 v1, v44;
	v13 =	vadd.f32 $9.000000000e+00, v13;
	v19 =	vsel vm10, $0x3F800000, v21  }
0x1aa: {  	v9 =	vsub.f32 v9, v19;
	v46 =	vld.idx.msk [tilespmem:v0+s12+$0x0], $0xffff;
	v0 =	vadd.f32 $6.000000000e+00, v19;
	v19 =	vsel vm11, $0x3F800000, v21  }
0x1ab: {  	v38 =	vsel vm7, $0x3F800000, v21;
	vm7 =	vge.f32 v8, v57;
	v5 =	vsub.f32 v5, v19  }
0x1ac: {  	v56 =	vadd.f32 $2.000000000e+00, v38;
	vm13 =	vge.f32 v60, v52;
	vm8 =	vge.f32 v60, v3  }
0x1ad: {  	v17 =	vadd.f32 $8.000000000e+00, v17;
	vm9 =	vge.f32 v1, v42;
	v5 =	vsub.f32 v5, v29  }
0x1ae: {  	v18 =	vadd.f32 $7.000000000e+00, v18;
	v61 =	vsel vm9, $0x3F800000, v21;
	vm9 =	vge.f32 v8, v58  }
0x1af: {  	v39 =	vadd.f32 $1.000000000e+00, v61;
	vm15 =	vge.f32 v60, v48;
	v5 =	vsub.f32 v5, v31  }
0x1b0: {  	vm10 =	vge.f32 v60, v2;
	vm12 =	vge.f32 v1, v47;
	vm4 =	vge.f32 v60, v47  }
0x1b1: {  	v22 =	vsel vm12, $0x3F800000, v21;
	vm12 =	vge.f32 v60, v54;
	v5 =	vsub.f32 v5, v34  }
0x1b2: {  	v28 =	vadd.f32 $5.000000000e+00, v22;
	v9 =	vsub.f32 v9, v22;
	v63 =	vsel vm12, $0x3F800000, v21  }
0x1b3: {  	vm12 =	vge.f32 v8, v3;
	vm11 =	vge.f32 v60, v20;
	v5 =	vsub.f32 v5, v35  }
0x1b4: {  	v13 =	vadd.f32 v63, v13;
	vm14 =	vge.f32 v1, v46;
	v1 =	vsel vm8, $0x3F800000, v21  }
0x1b5: {  	v6 =	vadd.f32 v19, v6;
	v62 =	vsel vm11, $0x3F800000, v21;
	v5 =	vsub.f32 v5, v1  }
0x1b6: {  	v19 =	vsel vm10, $0x3F800000, v21;
	vm10 =	vge.f32 v8, v4;
	v12 =	vadd.f32 v62, v12  }
0x1b7: {  	vm11 =	vge.f32 v60, v44;
	v6 =	vsub.f32 v6, v32;
	v5 =	vsub.f32 v5, v19  }
0x1b8: {  	vm6 =	vge.f32 v60, v46;
	vm8 =	vge.f32 v60, v45;
	v31 =	vsel vm10, $0x3F800000, v21  }
0x1b9: {  	vm10 =	vge.f32 v8, v46;
	v30 =	vsel vm14, $0x3F800000, v21;
	v5 =	vsub.f32 v5, v62  }
0x1ba: {  	v7 =	vadd.f32 v1, v15;
	v15 =	vadd.f32 v19, v16;
	v16 =	vsel vm13, $0x3F800000, v21  }
0x1bb: {  	vm14 =	vge.f32 v60, v51;
	v29 =	vsel vm8, $0x3F800000, v21;
	v5 =	vsub.f32 v5, v63  }
0x1bc: {  	vm13 =	vge.f32 v60, v42;
	v14 =	vadd.f32 v31, v14;
	v22 =	vadd.f32 $4.000000000e+00, v30  }
0x1bd: {  	vm8 =	vge.f32 v8, v48;
	v9 =	vsub.f32 v9, v30;
	v5 =	vsub.f32 v5, v16  }
0x1be: {  	v30 =	vsel vm9, $0x3F800000, v21;
	v55 =	vadd.f32 v29, v55;
	v19 =	vsel vm14, $0x3F800000, v21  }
0x1bf: {  	v34 =	vsel vm12, $0x3F800000, v21;
	vm9 =	vge.f32 v8, v47;
	v5 =	vsub.f32 v5, v19  }
0x1c0: {  	v18 =	vadd.f32 v19, v18;
	v16 =	vadd.f32 v16, v17;
	v17 =	vsel vm15, $0x3F800000, v21  }
0x1c1: {  	v19 =	vadd.f32 v17, v0;
	v5 =	vsub.f32 v5, v17;
	v17 =	vsel vm4, $0x3F800000, v21  }
0x1c2: {  	v11 =	vadd.f32 v30, v11;
	v1 =	vadd.f32 v17, v28;
	v28 =	vsel vm6, $0x3F800000, v21  }
0x1c3: {  	v5 =	vsub.f32 v5, v17;
	v17 =	vadd.f32 v28, v22;
	v22 =	vsel vm7, $0x3F800000, v21  }
0x1c4: {  	vm12 =	vge.f32 v59, v58;
	v7 =	vadd.f32 v34, v7;
	v6 =	vsub.f32 v6, v22  }
0x1c5: {  	v9 =	vsub.f32 v9, v33;
	v33 =	vsel vm11, $0x3F800000, v21;
	v35 =	vsel vm13, $0x3F800000, v21  }
0x1c6: {  	vm11 =	vge.f32 v59, v57;
	v5 =	vsub.f32 v5, v28;
	v6 =	vsub.f32 v6, v30  }
0x1c7: {  	vm13 =	vge.f32 v8, v45;
	v56 =	vadd.f32 v33, v56;
	v9 =	vsub.f32 v9, v38  }
0x1c8: {  	vm14 =	vge.f32 v8, v2;
	v5 =	vsub.f32 v5, v29;
	v6 =	vsub.f32 v6, v31  }
0x1c9: {  	v39 =	vadd.f32 v35, v39;
	v9 =	vsub.f32 v9, v61;
	v38 =	vsel vm14, $0x3F800000, v21  }
0x1ca: {  	vm15 =	vge.f32 v60, v43;
	v5 =	vsub.f32 v5, v33;
	v6 =	vsub.f32 v6, v34  }
0x1cb: {  	vm14 =	vge.f32 v59, v4;
	v15 =	vadd.f32 v38, v15;
	v60 =	vsel vm15, $0x3F800000, v21  }
0x1cc: {  	vm4 =	vge.f32 v8, v20;
	v5 =	vsub.f32 v5, v35;
	v6 =	vsub.f32 v6, v38  }
0x1cd: {  	vm15 =	vge.f32 v8, v44;
	v0 =	vsel vm4, $0x3F800000, v21;
	vm6 =	vge.f32 v8, v52  }
0x1ce: {  	vm4 =	vge.f32 v59, v3;
	v53 =	vsub.f32 v5, v60;
	v5 =	vsub.f32 v6, v0  }
0x1cf: {  	vm7 =	vge.f32 v8, v51;
	v10 =	vadd.f32 v22, v10;
	v22 =	vsel vm5, $0x3F800000, v21  }
0x1d0: {  	vm5 =	vge.f32 v8, v42;
	v28 =	vsel vm0, $0x3F800000, v21;
	v5 =	vsub.f32 v5, v22  }
0x1d1: {  	v49 =	vsub.f32 v9, v28;
	v6 =	vadd.f32 v32, v23;
	v23 =	vsel vm6, $0x3F800000, v21  }
0x1d2: {  	v9 =	vadd.f32 v60, v28;
	v30 =	vsel vm14, $0x3F800000, v21;
	v5 =	vsub.f32 v5, v23  }
0x1d3: {  	v0 =	vadd.f32 v0, v12;
	v12 =	vadd.f32 v22, v13;
	v13 =	vsel vm7, $0x3F800000, v21  }
0x1d4: {  	vm14 =	vge.f32 v59, v46;
	v14 =	vadd.f32 v30, v14;
	v5 =	vsub.f32 v5, v13  }
0x1d5: {  	v31 =	vsel vm15, $0x3F800000, v21;
	v13 =	vadd.f32 v13, v18;
	v18 =	vsel vm8, $0x3F800000, v21  }
0x1d6: {  	vm15 =	vge.f32 v57, v58;
	v33 =	vsel vm4, $0x3F800000, v21;
	v5 =	vsub.f32 v5, v18  }
0x1d7: {  	vm4 =	vge.f32 v59, v45;
	v19 =	vadd.f32 v18, v19;
	v18 =	vsel vm9, $0x3F800000, v21  }
0x1d8: {  	v34 =	vsel vm5, $0x3F800000, v21;
	v22 =	vsel vm11, $0x3F800000, v21;
	v5 =	vsub.f32 v5, v18  }
0x1d9: {  	v6 =	vsub.f32 v6, v22;
	v1 =	vadd.f32 v18, v1;
	v18 =	vsel vm10, $0x3F800000, v21  }
0x1da: {  	v17 =	vadd.f32 v18, v17;
	v5 =	vsub.f32 v5, v18;
	v18 =	vsel vm12, $0x3F800000, v21  }
0x1db: {  	v7 =	vadd.f32 v33, v7;
	vm5 =	vge.f32 v57, v4;
	v6 =	vsub.f32 v6, v18  }
0x1dc: {  	v39 =	vadd.f32 v34, v39;
	vm6 =	vge.f32 v59, v2;
	vm7 =	vge.f32 v59, v20  }
0x1dd: {  	v16 =	vadd.f32 v23, v16;
	v23 =	vsel vm13, $0x3F800000, v21;
	v6 =	vsub.f32 v6, v30  }
0x1de: {  	v35 =	vsel vm6, $0x3F800000, v21;
	vm6 =	vge.f32 v59, v44;
	v5 =	vsub.f32 v5, v23  }
0x1df: {  	vm11 =	vge.f32 v59, v51;
	v15 =	vadd.f32 v35, v15;
	v6 =	vsub.f32 v6, v33  }
0x1e0: {  	v10 =	vadd.f32 v22, v10;
	v22 =	vsel vm5, $0x3F800000, v21;
	v5 =	vsub.f32 v5, v31  }
0x1e1: {  	vm5 =	vge.f32 v57, v46;
	vm13 =	vge.f32 v59, v47;
	v6 =	vsub.f32 v6, v35  }
0x1e2: {  	vm8 =	vge.f32 v8, v43;
	v8 =	vsel vm7, $0x3F800000, v21;
	v5 =	vsub.f32 v5, v34  }
0x1e3: {  	v28 =	vsel vm8, $0x3F800000, v21;
	vm9 =	vge.f32 v59, v54;
	v6 =	vsub.f32 v6, v8  }
0x1e4: {  	v29 =	vadd.f32 v23, v55;
	v55 =	vsub.f32 v5, v28;
	v5 =	vsel vm9, $0x3F800000, v21  }
0x1e5: {  	vm7 =	vge.f32 v57, v3;
	vm10 =	vge.f32 v59, v52;
	v6 =	vsub.f32 v6, v5  }
0x1e6: {  	v0 =	vadd.f32 v8, v0;
	v11 =	vadd.f32 v18, v11;
	v18 =	vsel vm10, $0x3F800000, v21  }
0x1e7: {  	vm8 =	vge.f32 v57, v2;
	v9 =	vadd.f32 v28, v9;
	v6 =	vsub.f32 v6, v18  }
0x1e8: {  	vm12 =	vge.f32 v59, v48;
	vm10 =	vge.f32 v57, v20;
	v8 =	vsel vm11, $0x3F800000, v21  }
0x1e9: {  	v23 =	vadd.f32 v31, v56;
	v61 =	vsel vm10, $0x3F800000, v21;
	v6 =	vsub.f32 v6, v8  }
0x1ea: {  	v5 =	vadd.f32 v5, v12;
	v12 =	vadd.f32 v18, v16;
	v16 =	vsel vm12, $0x3F800000, v21  }
0x1eb: {  	vm10 =	vge.f32 v58, v2;
	v0 =	vadd.f32 v61, v0;
	v6 =	vsub.f32 v6, v16  }
0x1ec: {  	v18 =	vsel vm15, $0x3F800000, v21;
	v8 =	vadd.f32 v8, v13;
	v13 =	vsel vm13, $0x3F800000, v21  }
0x1ed: {  	vm9 =	vge.f32 v59, v42;
	v10 =	vsub.f32 v10, v18;
	v6 =	vsub.f32 v6, v13  }
0x1ee: {  	v60 =	vsel vm9, $0x3F800000, v21;
	v1 =	vadd.f32 v13, v1;
	v13 =	vsel vm14, $0x3F800000, v21  }
0x1ef: {  	vm11 =	vge.f32 v59, v43;
	v10 =	vsub.f32 v10, v22;
	v6 =	vsub.f32 v6, v13  }
0x1f0: {  	v16 =	vadd.f32 v16, v19;
	v19 =	vsel vm4, $0x3F800000, v21;
	v17 =	vadd.f32 v13, v17  }
0x1f1: {  	v13 =	vadd.f32 v19, v29;
	v29 =	vsel vm7, $0x3F800000, v21;
	v6 =	vsub.f32 v6, v19  }
0x1f2: {  	vm9 =	vge.f32 v57, v44;
	v10 =	vsub.f32 v10, v29;
	v19 =	vsel vm6, $0x3F800000, v21  }
0x1f3: {  	v23 =	vadd.f32 v19, v23;
	v6 =	vsub.f32 v6, v19;
	v19 =	vsel vm8, $0x3F800000, v21  }
0x1f4: {  	v62 =	vsel vm11, $0x3F800000, v21;
	v39 =	vadd.f32 v60, v39;
	v10 =	vsub.f32 v10, v19  }
0x1f5: {  	vm11 =	vge.f32 v58, v20;
	vm12 =	vge.f32 v57, v54;
	v9 =	vadd.f32 v62, v9  }
0x1f6: {  	v63 =	vsel vm12, $0x3F800000, v21;
	v6 =	vsub.f32 v6, v60;
	v10 =	vsub.f32 v10, v61  }
0x1f7: {  	vm12 =	vge.f32 v57, v42;
	v5 =	vadd.f32 v63, v5;
	vm15 =	vge.f32 v57, v48  }
0x1f8: {  	vm13 =	vge.f32 v57, v52;
	v56 =	vsub.f32 v6, v62;
	v6 =	vsub.f32 v10, v63  }
0x1f9: {  	v10 =	vadd.f32 v18, v11;
	v11 =	vadd.f32 v22, v14;
	v14 =	vsel vm13, $0x3F800000, v21  }
0x1fa: {  	v28 =	vsel vm12, $0x3F800000, v21;
	vm14 =	vge.f32 v57, v51;
	v6 =	vsub.f32 v6, v14  }
0x1fb: {  	vm12 =	vge.f32 v58, v42;
	v32 =	vadd.f32 v28, v39;
	v18 =	vsel vm14, $0x3F800000, v21  }
0x1fc: {  	vm4 =	vge.f32 v57, v47;
	vm7 =	vge.f32 v57, v45;
	v6 =	vsub.f32 v6, v18  }
0x1fd: {  	v7 =	vadd.f32 v29, v7;
	v12 =	vadd.f32 v14, v12;
	v14 =	vsel vm15, $0x3F800000, v21  }
0x1fe: {  	vm6 =	vge.f32 v58, v4;
	vm8 =	vge.f32 v58, v3;
	v6 =	vsub.f32 v6, v14  }
0x1ff: {  	v15 =	vadd.f32 v19, v15;
	v8 =	vadd.f32 v18, v8;
	v18 =	vsel vm4, $0x3F800000, v21  }
0x200: {  	v1 =	vadd.f32 v18, v1;
	v6 =	vsub.f32 v6, v18;
	v18 =	vsel vm6, $0x3F800000, v21  }
0x201: {  	v14 =	vadd.f32 v14, v16;
	v16 =	vsel vm5, $0x3F800000, v21;
	v10 =	vsub.f32 v10, v18  }
0x202: {  	v17 =	vadd.f32 v16, v17;
	v6 =	vsub.f32 v6, v16;
	v16 =	vsel vm8, $0x3F800000, v21  }
0x203: {  	v19 =	vsel vm7, $0x3F800000, v21;
	vm7 =	vge.f32 v58, v46;
	v10 =	vsub.f32 v10, v16  }
0x204: {  	v13 =	vadd.f32 v19, v13;
	v22 =	vsel vm10, $0x3F800000, v21;
	v6 =	vsub.f32 v6, v19  }
0x205: {  	vm13 =	vge.f32 v58, v54;
	v19 =	vsel vm9, $0x3F800000, v21;
	v10 =	vsub.f32 v10, v22  }
0x206: {  	v23 =	vadd.f32 v19, v23;
	v6 =	vsub.f32 v6, v19;
	v19 =	vsel vm11, $0x3F800000, v21  }
0x207: {  	vm14 =	vge.f32 v57, v43;
	vm10 =	vge.f32 v58, v44;
	v10 =	vsub.f32 v10, v19  }
0x208: {  	v29 =	vsel vm13, $0x3F800000, v21;
	v57 =	vsel vm14, $0x3F800000, v21;
	v15 =	vadd.f32 v22, v15  }
0x209: {  	vm15 =	vge.f32 v58, v52;
	v6 =	vsub.f32 v6, v28;
	v10 =	vsub.f32 v10, v29  }
0x20a: {  	vm13 =	vge.f32 v4, v20;
	v9 =	vadd.f32 v57, v9;
	v35 =	vsel vm15, $0x3F800000, v21  }
0x20b: {  	vm4 =	vge.f32 v58, v51;
	v57 =	vsub.f32 v6, v57;
	v6 =	vsub.f32 v10, v35  }
0x20c: {  	vm14 =	vge.f32 v4, v54;
	v10 =	vadd.f32 v18, v11;
	v11 =	vsel vm4, $0x3F800000, v21  }
0x20d: {  	v5 =	vadd.f32 v29, v5;
	vm5 =	vge.f32 v58, v48;
	v6 =	vsub.f32 v6, v11  }
0x20e: {  	vm15 =	vge.f32 v58, v43;
	v7 =	vadd.f32 v16, v7;
	v16 =	vsel vm5, $0x3F800000, v21  }
0x20f: {  	v12 =	vadd.f32 v35, v12;
	vm6 =	vge.f32 v58, v47;
	v6 =	vsub.f32 v6, v16  }
0x210: {  	v38 =	vsel vm15, $0x3F800000, v21;
	v8 =	vadd.f32 v11, v8;
	v11 =	vsel vm6, $0x3F800000, v21  }
0x211: {  	vm8 =	vge.f32 v58, v45;
	v14 =	vadd.f32 v16, v14;
	v6 =	vsub.f32 v6, v11  }
0x212: {  	vm9 =	vge.f32 v4, v3;
	v1 =	vadd.f32 v11, v1;
	v16 =	vsel vm7, $0x3F800000, v21  }
0x213: {  	v11 =	vadd.f32 v16, v17;
	v17 =	vsel vm9, $0x3F800000, v21;
	v6 =	vsub.f32 v6, v16  }
0x214: {  	vm11 =	vge.f32 v4, v2;
	v10 =	vsub.f32 v10, v17;
	v16 =	vsel vm8, $0x3F800000, v21  }
0x215: {  	v0 =	vadd.f32 v19, v0;
	v19 =	vsel vm11, $0x3F800000, v21;
	v6 =	vsub.f32 v6, v16  }
0x216: {  	vm15 =	vge.f32 v4, v42;
	v18 =	vsel vm10, $0x3F800000, v21;
	v10 =	vsub.f32 v10, v19  }
0x217: {  	v22 =	vsel vm13, $0x3F800000, v21;
	v13 =	vadd.f32 v16, v13;
	v6 =	vsub.f32 v6, v18  }
0x218: {  	v16 =	vadd.f32 v18, v23;
	v10 =	vsub.f32 v10, v22;
	v18 =	vsel vm12, $0x3F800000, v21  }
0x219: {  	v23 =	vadd.f32 v18, v32;
	v6 =	vsub.f32 v6, v18;
	v18 =	vsel vm14, $0x3F800000, v21  }
0x21a: {  	v9 =	vadd.f32 v38, v9;
	vm4 =	vge.f32 v4, v52;
	v10 =	vsub.f32 v10, v18  }
0x21b: {  	vm5 =	vge.f32 v4, v51;
	v58 =	vsub.f32 v6, v38;
	v6 =	vsel vm4, $0x3F800000, v21  }
0x21c: {  	vm13 =	vge.f32 v3, v54;
	vm11 =	vge.f32 v3, v20;
	v10 =	vsub.f32 v10, v6  }
0x21d: {  	v15 =	vadd.f32 v19, v15;
	v7 =	vadd.f32 v17, v7;
	v17 =	vsel vm5, $0x3F800000, v21  }
0x21e: {  	vm10 =	vge.f32 v4, v45;
	vm6 =	vge.f32 v4, v48;
	v10 =	vsub.f32 v10, v17  }
0x21f: {  	vm7 =	vge.f32 v4, v47;
	v6 =	vadd.f32 v6, v12;
	v12 =	vsel vm6, $0x3F800000, v21  }
0x220: {  	vm9 =	vge.f32 v3, v2;
	v8 =	vadd.f32 v17, v8;
	v10 =	vsub.f32 v10, v12  }
0x221: {  	vm8 =	vge.f32 v4, v46;
	v19 =	vsel vm13, $0x3F800000, v21;
	v17 =	vsel vm7, $0x3F800000, v21  }
0x222: {  	v1 =	vadd.f32 v17, v1;
	v10 =	vsub.f32 v10, v17;
	v17 =	vsel vm9, $0x3F800000, v21  }
0x223: {  	v12 =	vadd.f32 v12, v14;
	v14 =	vsel vm8, $0x3F800000, v21;
	v7 =	vsub.f32 v7, v17  }
0x224: {  	v11 =	vadd.f32 v14, v11;
	v10 =	vsub.f32 v10, v14;
	v14 =	vsel vm11, $0x3F800000, v21  }
0x225: {  	v5 =	vadd.f32 v18, v5;
	v18 =	vsel vm10, $0x3F800000, v21;
	v7 =	vsub.f32 v7, v14  }
0x226: {  	vm12 =	vge.f32 v4, v44;
	vm14 =	vge.f32 v3, v52;
	v10 =	vsub.f32 v10, v18  }
0x227: {  	v13 =	vadd.f32 v18, v13;
	v18 =	vsel vm12, $0x3F800000, v21;
	v7 =	vsub.f32 v7, v19  }
0x228: {  	v16 =	vadd.f32 v18, v16;
	v10 =	vsub.f32 v10, v18;
	v18 =	vsel vm14, $0x3F800000, v21  }
0x229: {  	vm5 =	vge.f32 v4, v43;
	vm4 =	vge.f32 v3, v51;
	v7 =	vsub.f32 v7, v18  }
0x22a: {  	v0 =	vadd.f32 v22, v0;
	v39 =	vsel vm5, $0x3F800000, v21;
	v4 =	vsel vm4, $0x3F800000, v21  }
0x22b: {  	v22 =	vsel vm15, $0x3F800000, v21;
	vm6 =	vge.f32 v3, v48;
	v7 =	vsub.f32 v7, v4  }
0x22c: {  	v10 =	vsub.f32 v10, v22;
	v22 =	vadd.f32 v22, v23;
	v23 =	vsel vm6, $0x3F800000, v21  }
0x22d: {  	vm5 =	vge.f32 v2, v48;
	vm7 =	vge.f32 v3, v47;
	v7 =	vsub.f32 v7, v23  }
0x22e: {  	v9 =	vadd.f32 v39, v9;
	v0 =	vadd.f32 v14, v0;
	v14 =	vsel vm7, $0x3F800000, v21  }
0x22f: {  	vm13 =	vge.f32 v2, v54;
	vm8 =	vge.f32 v3, v46;
	v7 =	vsub.f32 v7, v14  }
0x230: {  	vm10 =	vge.f32 v3, v44;
	v4 =	vadd.f32 v4, v8;
	v8 =	vsel vm8, $0x3F800000, v21  }
0x231: {  	vm9 =	vge.f32 v3, v45;
	vm11 =	vge.f32 v2, v20;
	v7 =	vsub.f32 v7, v8  }
0x232: {  	v1 =	vadd.f32 v14, v1;
	v62 =	vsub.f32 v10, v39;
	v14 =	vsel vm9, $0x3F800000, v21  }
0x233: {  	vm12 =	vge.f32 v3, v42;
	v10 =	vadd.f32 v17, v15;
	v7 =	vsub.f32 v7, v14  }
0x234: {  	v13 =	vadd.f32 v14, v13;
	v8 =	vadd.f32 v8, v11;
	v11 =	vsel vm10, $0x3F800000, v21  }
0x235: {  	v14 =	vadd.f32 v11, v16;
	v7 =	vsub.f32 v7, v11;
	v11 =	vsel vm11, $0x3F800000, v21  }
0x236: {  	vm15 =	vge.f32 v3, v43;
	v15 =	vsel vm12, $0x3F800000, v21;
	v10 =	vsub.f32 v10, v11  }
0x237: {  	v16 =	vadd.f32 v15, v22;
	v7 =	vsub.f32 v7, v15;
	v15 =	vsel vm13, $0x3F800000, v21  }
0x238: {  	vm14 =	vge.f32 v2, v52;
	v17 =	vtrunc.f32 v49;
	v10 =	vsub.f32 v10, v15  }
0x239: {  	vm4 =	vge.f32 v2, v51;
	v3 =	vsel vm14, $0x3F800000, v21;
	v17 =	vcvt.f32.s32 v17  }
0x23a: {  	v6 =	vadd.f32 v18, v6;
	v18 =	vsel vm15, $0x3F800000, v21;
	v10 =	vsub.f32 v10, v3  }
0x23b: {  	v5 =	vadd.f32 v19, v5;
	v63 =	vsub.f32 v7, v18;
	v7 =	vsel vm4, $0x3F800000, v21  }
0x23c: {  	v40 =	vtrunc.f32 v58;
	vm7 =	vge.f32 v2, v46;
	v10 =	vsub.f32 v10, v7  }
0x23d: {  	vm6 =	vge.f32 v2, v47;
	v0 =	vadd.f32 v11, v0;
	v11 =	vsel vm5, $0x3F800000, v21  }
0x23e: {  	v5 =	vadd.f32 v15, v5;
	v15 =	vtrunc.f32 v53;
	v10 =	vsub.f32 v10, v11  }
0x23f: {  	v38 =	vld.idx.msk [tilespmem:v17+s15+$0x0], $0xffff;
	v15 =	vcvt.f32.s32 v15;
	v7 =	vadd.f32 v7, v4;
	v4 =	vsel vm6, $0x3F800000, v21  }
0x240: {  	v12 =	vadd.f32 v23, v12;
	vm8 =	vge.f32 v2, v45;
	v10 =	vsub.f32 v10, v4  }
0x241: {  	vm9 =	vge.f32 v2, v44;
	v1 =	vadd.f32 v4, v1;
	v4 =	vsel vm7, $0x3F800000, v21  }
0x242: {  	v11 =	vadd.f32 v11, v12;
	v12 =	vsel vm8, $0x3F800000, v21;
	v10 =	vsub.f32 v10, v4  }
0x243: {  	v13 =	vadd.f32 v12, v13;
	v17 =	vadd.f32 v4, v8;
	v8 =	vsel vm9, $0x3F800000, v21  }
0x244: {  	v59 =	vld [tilespmem:s20+$0x4380];
	[tilespmem:$0xB100] =	vst v38;
	v10 =	vsub.f32 v10, v12;
	v12 =	vadd.f32 v8, v14;
	v14 =	vtrunc.f32 v55  }
0x245: {  	v32 =	vcvt.f32.s32 v40;
	vm14 =	vge.f32 v20, v51;
	v37 =	vld.idx.msk [tilespmem:v15+s15+$0x0], $0xffff;
	v14 =	vcvt.f32.s32 v14  }
0x246: {  	vm15 =	vge.f32 v20, v48;
	v9 =	vadd.f32 v18, v9;
	v6 =	vadd.f32 v3, v6  }
0x247: {  	vm12 =	vge.f32 v20, v52;
	v23 =	vsel vm14, $0x3F800000, v21;
	vm14 =	vge.f32 v54, v46  }
0x248: {  	v30 =	vtrunc.f32 v62;
	vm11 =	vge.f32 v20, v54;
	vm13 =	vge.f32 v2, v43  }
0x249: {  	vm10 =	vge.f32 v2, v42;
	v19 =	vsel vm13, $0x3F800000, v21;
	v15 =	vsel vm11, $0x3F800000, v21  }
0x24a: {  	v34 =	vld [tilespmem:s20+$0x0];
	v22 =	vadd.f32 v19, v9;
	v9 =	vtrunc.f32 v56;
	v0 =	vsub.f32 v0, v15;
	[tilespmem:$0xB180] =	vst v37  }
0x24b: {  	v18 =	vsel vm12, $0x3F800000, v21;
	v8 =	vsub.f32 v10, v8;
	v36 =	vld.idx.msk [tilespmem:v14+s15+$0x0], $0xffff;
	v14 =	vcvt.f32.s32 v9  }
0x24c: {  	vm5 =	vge.f32 v20, v46;
	v0 =	vsub.f32 v0, v18;
	v10 =	vsel vm10, $0x3F800000, v21  }
0x24d: {  	vm13 =	vge.f32 v54, v47;
	v16 =	vadd.f32 v10, v16;
	v10 =	vsub.f32 v8, v10  }
0x24e: {  	vm4 =	vge.f32 v20, v47;
	vm12 =	vge.f32 v20, v43;
	v0 =	vsub.f32 v0, v23  }
0x24f: {  	v25 =	vsub.f32 v10, v19;
	v10 =	vadd.f32 v15, v5;
	v5 =	vsel vm15, $0x3F800000, v21  }
0x250: {  	v40 =	vsel vm13, $0x3F800000, v21;
	v31 =	vld [tilespmem:s20+$0x80];
	v19 =	vtrunc.f32 v57;
	v0 =	vsub.f32 v0, v5;
	[tilespmem:$0xB200] =	vst v36  }
0x251: {  	v15 =	vadd.f32 v5, v11;
	v5 =	vsel vm4, $0x3F800000, v21;
	v35 =	vld.idx.msk [tilespmem:v14+s15+$0x0], $0xffff;
	v14 =	vcvt.f32.s32 v19  }
0x252: {  	v6 =	vadd.f32 v18, v6;
	vm6 =	vge.f32 v20, v45;
	v0 =	vsub.f32 v0, v5  }
0x253: {  	v7 =	vadd.f32 v23, v7;
	vm8 =	vge.f32 v20, v44;
	v18 =	vsel vm5, $0x3F800000, v21  }
0x254: {  	vm11 =	vge.f32 v54, v48;
	vm7 =	vge.f32 v54, v52;
	v0 =	vsub.f32 v0, v18  }
0x255: {  	vm9 =	vge.f32 v54, v51;
	vm5 =	vge.f32 v54, v42;
	v23 =	vsel vm6, $0x3F800000, v21  }
0x256: {  	v17 =	vadd.f32 v18, v17;
	v18 =	vsel vm7, $0x3F800000, v21;
	v0 =	vsub.f32 v0, v23;
	v29 =	vld [tilespmem:s20+$0x100];
	[tilespmem:$0xB280] =	vst v35  }
0x257: {  	v13 =	vadd.f32 v23, v13;
	v10 =	vsub.f32 v10, v18;
	v19 =	vsel vm8, $0x3F800000, v21;
	v60 =	vld.idx.msk [tilespmem:v14+s15+$0x0], $0xffff  }
0x258: {  	v23 =	vadd.f32 v19, v12;
	v0 =	vsub.f32 v0, v19;
	v19 =	vsel vm9, $0x3F800000, v21  }
0x259: {  	vm6 =	vge.f32 v52, v51;
	vm10 =	vge.f32 v20, v42;
	v10 =	vsub.f32 v10, v19  }
0x25a: {  	v20 =	vsel vm11, $0x3F800000, v21;
	v1 =	vadd.f32 v5, v1;
	v14 =	vsel vm10, $0x3F800000, v21  }
0x25b: {  	vm15 =	vge.f32 v54, v45;
	v28 =	vsub.f32 v10, v20;
	v0 =	vsub.f32 v0, v14  }
0x25c: {  	vm4 =	vge.f32 v54, v44;
	v1 =	vadd.f32 v40, v1;
	v10 =	vsel vm12, $0x3F800000, v21;
	v27 =	vld [tilespmem:s20+$0x180];
	[tilespmem:$0xB300] =	vst v60  }
0x25d: {  	v24 =	vsub.f32 v0, v10;
	v0 =	vsub.f32 v28, v40;
	v28 =	vcvt.f32.s32 v30;
	v33 =	vld.idx.msk [tilespmem:v32+s15+$0x0], $0xffff  }
0x25e: {  	v6 =	vadd.f32 v18, v6;
	v18 =	vsel vm14, $0x3F800000, v21;
	v7 =	vadd.f32 v19, v7  }
0x25f: {  	v19 =	vadd.f32 v20, v15;
	v15 =	vsel vm15, $0x3F800000, v21;
	v61 =	vsub.f32 v0, v18  }
0x260: {  	vm7 =	vge.f32 v52, v48;
	v39 =	vadd.f32 v15, v13;
	v13 =	vsel vm4, $0x3F800000, v21  }
0x261: {  	vm8 =	vge.f32 v54, v43;
	v23 =	vadd.f32 v13, v23;
	v20 =	vsub.f32 v61, v15  }
0x262: {  	v18 =	vadd.f32 v18, v17;
	v17 =	vtrunc.f32 v63;
	v26 =	vld [tilespmem:s20+$0x200];
	v32 =	vsel vm6, $0x3F800000, v21;
	[tilespmem:$0xB380] =	vst v33  }
0x263: {  	v6 =	vsub.f32 v6, v32;
	v13 =	vsub.f32 v20, v13;
	v20 =	vcvt.f32.s32 v17;
	v61 =	vld.idx.msk [tilespmem:v28+s15+$0x0], $0xffff  }
0x264: {  	vm9 =	vge.f32 v52, v47;
	v16 =	vadd.f32 v14, v16;
	v40 =	vsel vm7, $0x3F800000, v21  }
0x265: {  	v22 =	vadd.f32 v10, v22;
	v17 =	vsel vm5, $0x3F800000, v21;
	v6 =	vsub.f32 v6, v40  }
0x266: {  	v16 =	vadd.f32 v17, v16;
	v13 =	vsub.f32 v13, v17;
	v17 =	vsel vm8, $0x3F800000, v21  }
0x267: {  	v22 =	vadd.f32 v17, v22;
	v28 =	vsel vm9, $0x3F800000, v21  }
0x268: {  	v14 =	vsub.f32 v13, v17;
	v17 =	vld [tilespmem:s20+$0x280];
	v0 =	vsub.f32 v6, v28;
	v6 =	vtrunc.f32 v25;
	[tilespmem:$0xB400] =	vst v61  }
0x269: {  	vm13 =	vge.f32 v52, v42;
	v7 =	vadd.f32 v32, v7;
	v6 =	vcvt.f32.s32 v6;
	v32 =	vld.idx.msk [tilespmem:v20+s15+$0x0], $0xffff  }
0x26a: {  	vm11 =	vge.f32 v52, v45;
	vm14 =	vge.f32 v51, v48;
	vm10 =	vge.f32 v52, v46  }
0x26b: {  	vm15 =	vge.f32 v52, v43;
	vm12 =	vge.f32 v52, v44;
	v20 =	vsel vm10, $0x3F800000, v21  }
0x26c: {  	v40 =	vadd.f32 v40, v19;
	v19 =	vsel vm11, $0x3F800000, v21;
	v0 =	vsub.f32 v0, v20  }
0x26d: {  	vm4 =	vge.f32 v51, v47;
	v30 =	vsel vm12, $0x3F800000, v21;
	v39 =	vadd.f32 v19, v39  }
0x26e: {  	v20 =	vadd.f32 v20, v18;
	v18 =	vld [tilespmem:s20+$0x300];
	v0 =	vsub.f32 v0, v19;
	v19 =	vtrunc.f32 v24;
	[tilespmem:$0xB480] =	vst v32  }
0x26f: {  	vm7 =	vge.f32 v51, v44;
	v23 =	vadd.f32 v30, v23;
	v54 =	vld.idx.msk [tilespmem:v6+s15+$0x0], $0xffff;
	v6 =	vcvt.f32.s32 v19  }
0x270: {  	vm6 =	vge.f32 v51, v45;
	vm5 =	vge.f32 v51, v46;
	v0 =	vsub.f32 v0, v30  }
0x271: {  	v2 =	vadd.f32 v28, v1;
	v28 =	vsel vm14, $0x3F800000, v21;
	v19 =	vsel vm13, $0x3F800000, v21  }
0x272: {  	s31 =	sor.u32 s18, s19;
	v7 =	vsub.f32 v7, v28;
	v1 =	vsub.f32 v0, v19;
	v0 =	vsel vm15, $0x3F800000, v21  }
0x273: {  	s21 =	sor.u32 $0x380, s31;
	v11 =	vadd.f32 v19, v16;
	v12 =	vadd.f32 v0, v22;
	v22 =	vsel vm4, $0x3F800000, v21  }
0x274: {  	v30 =	vtrunc.f32 v14;
	v19 =	vld [tilespmem:s21+$0x0];
	v16 =	vsub.f32 v1, v0;
	v0 =	vsub.f32 v7, v22;
	[tilespmem:$0xB500] =	vst v54  }
0x275: {  	vm11 =	vge.f32 v48, v46;
	v1 =	vsel vm5, $0x3F800000, v21;
	v52 =	vld.idx.msk [tilespmem:v6+s15+$0x0], $0xffff;
	v6 =	vcvt.f32.s32 v30  }
0x276: {  	vm8 =	vge.f32 v51, v42;
	vm9 =	vge.f32 v48, v47;
	v0 =	vsub.f32 v0, v1  }
0x277: {  	v7 =	vadd.f32 v28, v40;
	v40 =	vadd.f32 v1, v20;
	v1 =	vsel vm6, $0x3F800000, v21  }
0x278: {  	vm10 =	vge.f32 v51, v43;
	v3 =	vadd.f32 v22, v2;
	v0 =	vsub.f32 v0, v1  }
0x279: {  	v22 =	vsel vm7, $0x3F800000, v21;
	v2 =	vsel vm11, $0x3F800000, v21;
	v20 =	vsel vm9, $0x3F800000, v21  }
0x27a: {  	v7 =	vsub.f32 v7, v20;
	v51 =	vtrunc.f32 v16;
	v15 =	vld [tilespmem:s20+$0x1000];
	v0 =	vsub.f32 v0, v22;
	[tilespmem:$0xB580] =	vst v52  }
0x27b: {  	v39 =	vadd.f32 v1, v39;
	v51 =	vcvt.f32.s32 v51;
	v1 =	vsel vm8, $0x3F800000, v21;
	v30 =	vld.idx.msk [tilespmem:v6+s15+$0x0], $0xffff  }
0x27c: {  	vm12 =	vge.f32 v48, v45;
	v7 =	vsub.f32 v7, v2;
	v0 =	vsub.f32 v0, v1  }
0x27d: {  	v10 =	vsel vm12, $0x3F800000, v21;
	v8 =	vsel vm10, $0x3F800000, v21;
	v5 =	vadd.f32 v20, v3  }
0x27e: {  	vm13 =	vge.f32 v48, v44;
	v7 =	vsub.f32 v7, v10;
	v20 =	vsub.f32 v0, v8  }
0x27f: {  	vm14 =	vge.f32 v48, v42;
	vm15 =	vge.f32 v48, v43;
	v48 =	vsel vm13, $0x3F800000, v21  }
0x280: {  	vm4 =	vge.f32 v47, v46;
	v7 =	vsub.f32 v7, v48;
	v13 =	vld [tilespmem:s20+$0x1080];
	v0 =	vtrunc.f32 v20;
	[tilespmem:$0xB600] =	vst v30  }
0x281: {  	v4 =	vsel vm14, $0x3F800000, v21;
	v9 =	vcvt.f32.s32 v0;
	v0 =	vsel vm4, $0x3F800000, v21;
	v51 =	vld.idx.msk [tilespmem:v51+s15+$0x0], $0xffff  }
0x282: {  	vm5 =	vge.f32 v47, v45;
	v7 =	vsub.f32 v7, v4;
	v5 =	vsub.f32 v5, v0  }
0x283: {  	v23 =	vadd.f32 v22, v23;
	v3 =	vsel vm5, $0x3F800000, v21;
	v6 =	vsel vm15, $0x3F800000, v21  }
0x284: {  	vm6 =	vge.f32 v47, v44;
	v22 =	vsub.f32 v7, v6;
	v5 =	vsub.f32 v5, v3  }
0x285: {  	v2 =	vadd.f32 v2, v40;
	v1 =	vadd.f32 v1, v11;
	v11 =	vsel vm6, $0x3F800000, v21  }
0x286: {  	vm7 =	vge.f32 v47, v42;
	v40 =	vtrunc.f32 v22;
	v7 =	vld [tilespmem:s20+$0x1100];
	v5 =	vsub.f32 v5, v11;
	[tilespmem:$0xB680] =	vst v51  }
0x287: {  	v2 =	vadd.f32 v0, v2;
	v0 =	vsel vm7, $0x3F800000, v21;
	v28 =	vld.idx.msk [tilespmem:v9+s15+$0x0], $0xffff;
	v9 =	vcvt.f32.s32 v40  }
0x288: {  	vm9 =	vge.f32 v46, v45;
	vm8 =	vge.f32 v47, v43;
	v5 =	vsub.f32 v5, v0  }
0x289: {  	v47 =	vsel vm9, $0x3F800000, v21;
	v8 =	vadd.f32 v8, v12;
	v12 =	vsel vm8, $0x3F800000, v21  }
0x28a: {  	vm10 =	vge.f32 v46, v44;
	v2 =	vsub.f32 v2, v47;
	v40 =	vsub.f32 v5, v12  }
0x28b: {  	v5 =	vadd.f32 v10, v39;
	v10 =	vadd.f32 v48, v23;
	v23 =	vsel vm10, $0x3F800000, v21  }
0x28c: {  	vm11 =	vge.f32 v46, v42;
	v39 =	vld [tilespmem:s20+$0x1180];
	v48 =	vsub.f32 v2, v23;
	v2 =	vtrunc.f32 v40;
	[tilespmem:$0xB700] =	vst v28  }
0x28d: {  	v1 =	vadd.f32 v4, v1;
	v2 =	vcvt.f32.s32 v2;
	v4 =	vld.idx.msk [tilespmem:v9+s15+$0x0], $0xffff;
	v9 =	vsel vm11, $0x3F800000, v21  }
0x28e: {  	vm12 =	vge.f32 v46, v43;
	v3 =	vadd.f32 v3, v5;
	v5 =	vsub.f32 v48, v9  }
0x28f: {  	v6 =	vadd.f32 v6, v8;
	v8 =	vadd.f32 v11, v10;
	v10 =	vsel vm12, $0x3F800000, v21  }
0x290: {  	vm13 =	vge.f32 v45, v44;
	v3 =	vadd.f32 v47, v3;
	v5 =	vsub.f32 v5, v10  }
0x291: {  	vm14 =	vge.f32 v45, v42;
	vm15 =	vge.f32 v45, v43;
	v11 =	vsel vm13, $0x3F800000, v21  }
0x292: {  	vm8 =	vge.f32 v44, v42;
	v45 =	vld [tilespmem:s20+$0x1200];
	v3 =	vsub.f32 v3, v11;
	[tilespmem:$0xB780] =	vst v4;
	v48 =	vtrunc.f32 v5  }
0x293: {  	vm4 =	vge.f32 v44, v43;
	v44 =	vld.idx.msk [tilespmem:v2+s15+$0x0], $0xffff;
	v2 =	vcvt.f32.s32 v48;
	v48 =	vsel vm14, $0x3F800000, v21  }
0x294: {  	v0 =	vadd.f32 v0, v1;
	v1 =	vsub.f32 v3, v48  }
0x295: {  	v3 =	vadd.f32 v23, v8;
	v8 =	vadd.f32 $0.0e+00, v34;
	v23 =	vsel vm15, $0x3F800000, v21  }
0x296: {  	vm10 =	veq.f32 v49, $0.0e+00;
	vm11 =	veq.f32 v53, $0.0e+00;
	v53 =	vsub.f32 v1, v23  }
0x297: {  	v1 =	vadd.f32 v11, v3;
	v3 =	vnsel vm10, $0x0, v8;
	v8 =	vnsel vm11, $0x0, v31  }
0x298: {  	vm12 =	veq.f32 v55, $0.0e+00;
	v3 =	vadd.f32 v8, v3  }
0x299: {  	vm13 =	veq.f32 v56, $0.0e+00;
	v29 =	vnsel vm12, $0x0, v29;
	v11 =	vld [tilespmem:s20+$0x1280];
	[tilespmem:$0xB800] =	vst v44;
	v8 =	vtrunc.f32 v53  }
0x29a: {  	v55 =	vld.idx.msk [tilespmem:v2+s15+$0x0], $0xffff;
	v2 =	vcvt.f32.s32 v8;
	v8 =	vsel vm8, $0x3F800000, v21;
	v3 =	vadd.f32 v29, v3  }
0x29b: {  	v0 =	vadd.f32 v9, v0;
	v9 =	vnsel vm13, $0x0, v27;
	v1 =	vsub.f32 v1, v8  }
0x29c: {  	v27 =	vsel vm4, $0x3F800000, v21;
	vm14 =	veq.f32 v57, $0.0e+00;
	v3 =	vadd.f32 v9, v3  }
0x29d: {  	v57 =	vsub.f32 v1, v27;
	v1 =	vadd.f32 v12, v6;
	v6 =	vnsel vm14, $0x0, v26  }
0x29e: {  	vm15 =	veq.f32 v58, $0.0e+00;
	v3 =	vadd.f32 v6, v3  }
0x29f: {  	v0 =	vadd.f32 v48, v0;
	v9 =	vadd.f32 v10, v1;
	v10 =	vnsel vm15, $0x0, v17  }
0x2a0: {  	vm4 =	veq.f32 v62, $0.0e+00;
	v3 =	vadd.f32 v10, v3  }
0x2a1: {  	v0 =	vadd.f32 v8, v0;
	v8 =	vnsel vm4, $0x0, v18  }
0x2a2: {  	v3 =	vadd.f32 v8, v3;
	v8 =	vld [tilespmem:$0x1FD90];
	_ =	sdelay $0x1  }
0x2a3: {  	v12 =	vld [tilespmem:s20+$0x1300];
	[tilespmem:$0xB880] =	vst v55;
	v6 =	vtrunc.f32 v57  }
0x2a4: {  	vm7 =	veq.f32 v25, $0.0e+00;
	v1 =	vld.idx.msk [tilespmem:v2+s15+$0x0], $0xffff;
	v2 =	vcvt.f32.s32 v6;
	v6 =	vadd.f32 v23, v9  }
0x2a5: {  	vm5 =	veq.f32 v63, $0.0e+00;
	vm9 =	vge.f32 v42, v43;
	v15 =	vnsel vm7, $0x0, v15  }
0x2a6: {  	v6 =	vadd.f32 v27, v6;
	vm6 =	veq.f32 v8, $0.0e+00;
	v8 =	vnsel vm5, $0x0, v19  }
0x2a7: {  	vm8 =	veq.f32 v24, $0.0e+00;
	v10 =	vsel vm9, $0x3F800000, v21;
	v9 =	vld [tilespmem:$0x1FDA0];
	v3 =	vadd.f32 v8, v3  }
0x2a8: {  	v0 =	vsub.f32 v0, v10;
	v6 =	vadd.f32 v10, v6;
	v10 =	vnsel vm8, $0x0, v13;
	v13 =	vld [tilespmem:$0x1FDD0]  }
0x2a9: {  	v17 =	vld [tilespmem:s20+$0x1380];
	v3 =	vadd.f32 v15, v3  }
0x2aa: {  	v23 =	vld [tilespmem:$0x1FDB0]  }
0x2ab: {  	[tilespmem:$0xB900] =	vst v1;
	v8 =	vtrunc.f32 v0;
	v3 =	vadd.f32 v10, v3;
	v10 =	vld [tilespmem:$0x1FDC0]  }
0x2ac: {  	v18 =	vnsel vm6, $0x0, v9;
	v9 =	vld.idx.msk [tilespmem:v2+s15+$0x0], $0xffff;
	v2 =	vcvt.f32.s32 v8  }
0x2ad: {  	vm11 =	veq.f32 v13, $0.0e+00;
	v13 =	vld [tilespmem:$0x1FDE0];
	_ =	sdelay $0x1  }
0x2ae: {  	vm9 =	veq.f32 v23, $0.0e+00;
	v8 =	vadd.f32 v18, v50  }
0x2af: {  	vm10 =	veq.f32 v14, $0.0e+00;
	v10 =	vnsel vm9, $0x0, v10  }
0x2b0: {  	v7 =	vnsel vm10, $0x0, v7;
	v8 =	vadd.f32 v10, v8;
	v10 =	vld [tilespmem:s20+$0x2000];
	[tilespmem:$0xB980] =	vst v9  }
0x2b1: {  	v3 =	vadd.f32 v7, v3;
	v7 =	vtrunc.f32 v6;
	v13 =	vnsel vm11, $0x0, v13;
	v23 =	vld.idx.msk [tilespmem:v2+s15+$0x0], $0xffff  }
0x2b2: {  	v2 =	vcvt.f32.s32 v7;
	v7 =	vadd.f32 v13, v8;
	v8 =	vld [tilespmem:$0x1FDF0];
	_ =	sdelay $0x3  }
0x2b3: {  	vm12 =	veq.f32 v16, $0.0e+00  }
0x2b4: {  	vm13 =	veq.f32 v8, $0.0e+00;
	v8 =	vnsel vm12, $0x0, v39  }
0x2b5: {  	v3 =	vadd.f32 v8, v3;
	v8 =	vld [tilespmem:$0x1FE00];
	_ =	sdelay $0x4  }
0x2b6: {  	v8 =	vnsel vm13, $0x0, v8  }
0x2b7: {  	v7 =	vadd.f32 v8, v7;
	v8 =	vld [tilespmem:$0x1FE10];
	_ =	sdelay $0x3  }
0x2b8: {  	vm14 =	veq.f32 v20, $0.0e+00  }
0x2b9: {  	vm15 =	veq.f32 v8, $0.0e+00;
	v8 =	vnsel vm14, $0x0, v45  }
0x2ba: {  	v3 =	vadd.f32 v8, v3;
	v8 =	vld [tilespmem:$0x1FE20];
	_ =	sdelay $0x4  }
0x2bb: {  	v8 =	vnsel vm15, $0x0, v8  }
0x2bc: {  	v7 =	vadd.f32 v8, v7;
	v8 =	vld [tilespmem:$0x1FE30];
	_ =	sdelay $0x3  }
0x2bd: {  	vm4 =	veq.f32 v22, $0.0e+00  }
0x2be: {  	vm5 =	veq.f32 v8, $0.0e+00;
	v8 =	vnsel vm4, $0x0, v11  }
0x2bf: {  	v3 =	vadd.f32 v8, v3;
	v8 =	vld [tilespmem:$0x1FE40];
	_ =	sdelay $0x3  }
0x2c0: {  	v13 =	vld [tilespmem:s20+$0x2080];
	[tilespmem:$0xBA00] =	vst v23  }
0x2c1: {  	v24 =	vld.idx.msk [tilespmem:v2+s15+$0x0], $0xffff;
	v8 =	vnsel vm5, $0x0, v8  }
0x2c2: {  	v2 =	vadd.f32 v8, v7;
	v7 =	vld [tilespmem:$0x1FE50]  }
0x2c3: {  	vm8 =	veq.f32 v5, $0.0e+00;
	v5 =	vld [tilespmem:$0x1FE60];
	_ =	sdelay $0x3  }
0x2c4: {  	vm7 =	veq.f32 v7, $0.0e+00  }
0x2c5: {  	v5 =	vnsel vm7, $0x0, v5  }
0x2c6: {  	v2 =	vadd.f32 v5, v2;
	v5 =	vld [tilespmem:$0x1FE70];
	_ =	sdelay $0x1  }
0x2c7: {  	vm6 =	veq.f32 v40, $0.0e+00  }
0x2c8: {  	v7 =	vnsel vm6, $0x0, v12  }
0x2c9: {  	v3 =	vadd.f32 v7, v3  }
0x2ca: {  	vm9 =	veq.f32 v5, $0.0e+00;
	v5 =	vnsel vm8, $0x0, v17  }
0x2cb: {  	v3 =	vadd.f32 v5, v3;
	v5 =	vld [tilespmem:$0x1FE80];
	_ =	sdelay $0x4  }
0x2cc: {  	vm10 =	veq.f32 v53, $0.0e+00;
	v5 =	vnsel vm9, $0x0, v5  }
0x2cd: {  	v2 =	vadd.f32 v5, v2;
	v5 =	vnsel vm10, $0x0, v10  }
0x2ce: {  	v3 =	vadd.f32 v5, v3;
	v5 =	vld [tilespmem:$0x1FE90];
	_ =	sdelay $0x1  }
0x2cf: {  	v11 =	vld [tilespmem:$0x1FEA0]  }
0x2d0: {  	v7 =	vld [tilespmem:s20+$0x2100]  }
0x2d1: {  	vm11 =	veq.f32 v41, $0.0e+00;
	[tilespmem:$0xBA80] =	vst v24  }
0x2d2: {  	vm12 =	veq.f32 v57, $0.0e+00;
	v10 =	vld [tilespmem:s20+$0x2180];
	v5 =	vnsel vm11, $0x0, v5  }
0x2d3: {  	v8 =	vld [tilespmem:s20+$0x0];
	v2 =	vadd.f32 v5, v2;
	v5 =	vnsel vm12, $0x0, v13  }
0x2d4: {  	vm14 =	veq.f32 v0, $0.0e+00;
	vm13 =	veq.f32 v11, $0.0e+00;
	v3 =	vadd.f32 v5, v3  }
0x2d5: {  	v0 =	vnsel vm13, $0x0, v59;
	v5 =	vnsel vm14, $0x0, v7;
	v7 =	vld [tilespmem:s20+$0x2200]  }
0x2d6: {  	vm15 =	veq.f32 v6, $0.0e+00;
	v12 =	vadd.f32 v0, v2;
	v0 =	vadd.f32 v5, v3  }
0x2d7: {  	v2 =	vnsel vm15, $0x0, v10;
	v3 =	vld [tilespmem:s20+$0x80]  }
0x2d8: {  	v14 =	vld [tilespmem:$0x1FEB0];
	v11 =	vadd.f32 v2, v0;
	v0 =	vsub.f32 v12, v8  }
0x2d9: {  	v2 =	vld [tilespmem:s20+$0x2280]  }
0x2da: {  	v5 =	vld [tilespmem:$0xBD00];
	v0 =	vadd.f32 $1.000000000e+00, v0;
	v6 =	vsub.f32 v11, v7  }
0x2db: {  	v7 =	vld [tilespmem:s20+$0x100]  }
0x2dc: {  	v3 =	vsub.f32 v12, v3;
	v0 =	vmax.f32 v0, $0.0e+00;
	v6 =	vadd.f32 $1.000000000e+00, v6  }
0x2dd: {  	v8 =	vld [tilespmem:s20+$0x2300];
	v0 =	vmul.f32 v0, v38  }
0x2de: {  	v13 =	vld [tilespmem:$0xBD80];
	v3 =	vadd.f32 $1.000000000e+00, v3;
	v2 =	vsub.f32 v11, v2;
	v6 =	vmax.f32 v6, $0.0e+00  }
0x2df: {  	v0 =	vadd.f32 v0, v14;
	v5 =	vmul.f32 v6, v5;
	v6 =	vld [tilespmem:s20+$0x180]  }
0x2e0: {  	v3 =	vmax.f32 v3, $0.0e+00;
	v2 =	vadd.f32 $1.000000000e+00, v2;
	v7 =	vsub.f32 v12, v7  }
0x2e1: {  	v3 =	vmul.f32 v3, v37;
	v0 =	vadd.f32 v5, v0;
	v5 =	vld [tilespmem:s20+$0x2380]  }
0x2e2: {  	v8 =	vsub.f32 v11, v8;
	v14 =	vld [tilespmem:$0xBE00];
	v2 =	vmax.f32 v2, $0.0e+00;
	v7 =	vadd.f32 $1.000000000e+00, v7  }
0x2e3: {  	v2 =	vmul.f32 v2, v13;
	v0 =	vadd.f32 v3, v0;
	v3 =	vld [tilespmem:s20+$0x200]  }
0x2e4: {  	v8 =	vadd.f32 $1.000000000e+00, v8;
	v7 =	vmax.f32 v7, $0.0e+00;
	v6 =	vsub.f32 v12, v6  }
0x2e5: {  	v0 =	vadd.f32 v2, v0;
	v2 =	vmul.f32 v7, v36;
	v7 =	vld [tilespmem:s20+$0x3000]  }
0x2e6: {  	v8 =	vmax.f32 v8, $0.0e+00;
	v13 =	vld [tilespmem:$0xBE80];
	v6 =	vadd.f32 $1.000000000e+00, v6;
	v5 =	vsub.f32 v11, v5  }
0x2e7: {  	v0 =	vadd.f32 v2, v0;
	v2 =	vmul.f32 v8, v14;
	v8 =	vld [tilespmem:s20+$0x280]  }
0x2e8: {  	v6 =	vmax.f32 v6, $0.0e+00;
	v5 =	vadd.f32 $1.000000000e+00, v5;
	v3 =	vsub.f32 v12, v3  }
0x2e9: {  	v0 =	vadd.f32 v2, v0;
	v2 =	vmul.f32 v6, v35;
	v6 =	vld [tilespmem:s20+$0x3080]  }
0x2ea: {  	v14 =	vld [tilespmem:$0xBF00];
	v5 =	vmax.f32 v5, $0.0e+00;
	v3 =	vadd.f32 $1.000000000e+00, v3;
	v7 =	vsub.f32 v11, v7  }
0x2eb: {  	v0 =	vadd.f32 v2, v0;
	v2 =	vmul.f32 v5, v13;
	v5 =	vld [tilespmem:s20+$0x300]  }
0x2ec: {  	v3 =	vmax.f32 v3, $0.0e+00;
	v7 =	vadd.f32 $1.000000000e+00, v7;
	v8 =	vsub.f32 v12, v8  }
0x2ed: {  	v0 =	vadd.f32 v2, v0;
	v2 =	vmul.f32 v3, v60;
	v3 =	vld [tilespmem:s20+$0x3100]  }
0x2ee: {  	v13 =	vld [tilespmem:$0xBF80];
	v7 =	vmax.f32 v7, $0.0e+00;
	v8 =	vadd.f32 $1.000000000e+00, v8;
	v6 =	vsub.f32 v11, v6  }
0x2ef: {  	v0 =	vadd.f32 v2, v0;
	v2 =	vmul.f32 v7, v14;
	v7 =	vld [tilespmem:s21+$0x0]  }
0x2f0: {  	v8 =	vmax.f32 v8, $0.0e+00;
	v6 =	vadd.f32 $1.000000000e+00, v6;
	v5 =	vsub.f32 v12, v5  }
0x2f1: {  	v0 =	vadd.f32 v2, v0;
	v2 =	vmul.f32 v8, v33;
	v8 =	vld [tilespmem:s20+$0x3180]  }
0x2f2: {  	v14 =	vld [tilespmem:$0xC000];
	v6 =	vmax.f32 v6, $0.0e+00;
	v5 =	vadd.f32 $1.000000000e+00, v5;
	v3 =	vsub.f32 v11, v3  }
0x2f3: {  	v0 =	vadd.f32 v2, v0;
	v2 =	vmul.f32 v6, v13;
	v6 =	vld [tilespmem:s20+$0x1000]  }
0x2f4: {  	v5 =	vmax.f32 v5, $0.0e+00;
	v3 =	vadd.f32 $1.000000000e+00, v3;
	v7 =	vsub.f32 v12, v7  }
0x2f5: {  	v0 =	vadd.f32 v2, v0;
	v2 =	vmul.f32 v5, v61;
	v5 =	vld [tilespmem:s20+$0x3200]  }
0x2f6: {  	v13 =	vld [tilespmem:$0xC080];
	v3 =	vmax.f32 v3, $0.0e+00;
	v7 =	vadd.f32 $1.000000000e+00, v7;
	v8 =	vsub.f32 v11, v8  }
0x2f7: {  	v0 =	vadd.f32 v2, v0;
	v2 =	vmul.f32 v3, v14;
	v3 =	vld [tilespmem:s20+$0x1080]  }
0x2f8: {  	v7 =	vmax.f32 v7, $0.0e+00;
	v8 =	vadd.f32 $1.000000000e+00, v8;
	v6 =	vsub.f32 v12, v6  }
0x2f9: {  	v0 =	vadd.f32 v2, v0;
	v2 =	vmul.f32 v7, v32;
	v7 =	vld [tilespmem:s20+$0x3280]  }
0x2fa: {  	v14 =	vld [tilespmem:$0xC100];
	v8 =	vmax.f32 v8, $0.0e+00;
	v6 =	vadd.f32 $1.000000000e+00, v6;
	v5 =	vsub.f32 v11, v5  }
0x2fb: {  	v0 =	vadd.f32 v2, v0;
	v2 =	vmul.f32 v8, v13;
	v8 =	vld [tilespmem:s20+$0x1100]  }
0x2fc: {  	v6 =	vmax.f32 v6, $0.0e+00;
	v5 =	vadd.f32 $1.000000000e+00, v5;
	v3 =	vsub.f32 v12, v3  }
0x2fd: {  	v0 =	vadd.f32 v2, v0;
	v2 =	vmul.f32 v6, v54;
	v6 =	vld [tilespmem:s20+$0x3300]  }
0x2fe: {  	v13 =	vld [tilespmem:$0xC180];
	v5 =	vmax.f32 v5, $0.0e+00;
	v3 =	vadd.f32 $1.000000000e+00, v3;
	v7 =	vsub.f32 v11, v7  }
0x2ff: {  	v0 =	vadd.f32 v2, v0;
	v2 =	vmul.f32 v5, v14;
	v5 =	vld [tilespmem:s20+$0x1180]  }
0x300: {  	v25 =	vld [tilespmem:$0x1FFE0];
	v3 =	vmax.f32 v3, $0.0e+00;
	v7 =	vadd.f32 $1.000000000e+00, v7;
	v8 =	vsub.f32 v12, v8  }
0x301: {  	v0 =	vadd.f32 v2, v0;
	v2 =	vmul.f32 v3, v52;
	v3 =	vld [tilespmem:s20+$0x3380]  }
0x302: {  	v14 =	vld [tilespmem:$0xC200];
	v7 =	vmax.f32 v7, $0.0e+00;
	v8 =	vadd.f32 $1.000000000e+00, v8;
	v6 =	vsub.f32 v11, v6  }
0x303: {  	v0 =	vadd.f32 v2, v0;
	v2 =	vmul.f32 v7, v13;
	v7 =	vld [tilespmem:s20+$0x1200]  }
0x304: {  	v16 =	vld [tilespmem:$0x1FF80];
	v8 =	vmax.f32 v8, $0.0e+00;
	v6 =	vadd.f32 $1.000000000e+00, v6;
	v5 =	vsub.f32 v12, v5  }
0x305: {  	v0 =	vadd.f32 v2, v0;
	v2 =	vmul.f32 v8, v30;
	v8 =	vld [tilespmem:s20+$0x4000]  }
0x306: {  	v13 =	vld [tilespmem:$0xC280];
	v6 =	vmax.f32 v6, $0.0e+00;
	v5 =	vadd.f32 $1.000000000e+00, v5;
	v3 =	vsub.f32 v11, v3  }
0x307: {  	v0 =	vadd.f32 v2, v0;
	v2 =	vmul.f32 v6, v14;
	v6 =	vld [tilespmem:s20+$0x1280]  }
0x308: {  	v22 =	vld [tilespmem:$0x1FFC0];
	v5 =	vmax.f32 v5, $0.0e+00;
	v3 =	vadd.f32 $1.000000000e+00, v3;
	v7 =	vsub.f32 v12, v7  }
0x309: {  	v0 =	vadd.f32 v2, v0;
	v2 =	vmul.f32 v5, v51;
	v5 =	vld [tilespmem:s20+$0x4080]  }
0x30a: {  	v14 =	vld [tilespmem:$0xC300];
	v3 =	vmax.f32 v3, $0.0e+00;
	v7 =	vadd.f32 $1.000000000e+00, v7;
	v8 =	vsub.f32 v11, v8  }
0x30b: {  	v0 =	vadd.f32 v2, v0;
	v2 =	vmul.f32 v3, v13;
	v3 =	vld [tilespmem:s20+$0x1300]  }
0x30c: {  	v26 =	vld [tilespmem:$0x1FFF0];
	v7 =	vmax.f32 v7, $0.0e+00;
	v8 =	vadd.f32 $1.000000000e+00, v8;
	v6 =	vsub.f32 v12, v6  }
0x30d: {  	v0 =	vadd.f32 v2, v0;
	v2 =	vmul.f32 v7, v28;
	v7 =	vld [tilespmem:s20+$0x4100]  }
0x30e: {  	v13 =	vld [tilespmem:$0xC380];
	v8 =	vmax.f32 v8, $0.0e+00;
	v6 =	vadd.f32 $1.000000000e+00, v6;
	v5 =	vsub.f32 v11, v5  }
0x30f: {  	v0 =	vadd.f32 v2, v0;
	v2 =	vmul.f32 v8, v14;
	v8 =	vld [tilespmem:s20+$0x1380]  }
0x310: {  	v19 =	vld [tilespmem:$0x1FFB0];
	v6 =	vmax.f32 v6, $0.0e+00;
	v5 =	vadd.f32 $1.000000000e+00, v5;
	v3 =	vsub.f32 v12, v3  }
0x311: {  	v0 =	vadd.f32 v2, v0;
	v2 =	vmul.f32 v6, v4;
	v4 =	vld [tilespmem:s20+$0x4180]  }
0x312: {  	v6 =	vld [tilespmem:$0xC400];
	v5 =	vmax.f32 v5, $0.0e+00;
	v3 =	vadd.f32 $1.000000000e+00, v3;
	v7 =	vsub.f32 v11, v7  }
0x313: {  	v0 =	vadd.f32 v2, v0;
	v2 =	vmul.f32 v5, v13;
	v5 =	vld [tilespmem:s20+$0x2000]  }
0x314: {  	v18 =	vld [tilespmem:$0x1FFA0];
	v3 =	vmax.f32 v3, $0.0e+00;
	v7 =	vadd.f32 $1.000000000e+00, v7;
	v8 =	vsub.f32 v12, v8  }
0x315: {  	v0 =	vadd.f32 v2, v0;
	v2 =	vmul.f32 v3, v44;
	v3 =	vld [tilespmem:s20+$0x4200]  }
0x316: {  	v13 =	vld [tilespmem:$0xC480];
	v7 =	vmax.f32 v7, $0.0e+00;
	v8 =	vadd.f32 $1.000000000e+00, v8;
	v4 =	vsub.f32 v11, v4  }
0x317: {  	v0 =	vadd.f32 v2, v0;
	v2 =	vmul.f32 v7, v6;
	v6 =	vld [tilespmem:s20+$0x2080]  }
0x318: {  	v15 =	vld [tilespmem:$0x1FF70];
	v7 =	vmax.f32 v8, $0.0e+00;
	v4 =	vadd.f32 $1.000000000e+00, v4;
	v5 =	vsub.f32 v12, v5  }
0x319: {  	v0 =	vadd.f32 v2, v0;
	v2 =	vmul.f32 v7, v55;
	v7 =	vld [tilespmem:s20+$0x4280]  }
0x31a: {  	v8 =	vld [tilespmem:$0xC500];
	v4 =	vmax.f32 v4, $0.0e+00;
	v5 =	vadd.f32 $1.000000000e+00, v5;
	v3 =	vsub.f32 v11, v3  }
0x31b: {  	v0 =	vadd.f32 v2, v0;
	v2 =	vmul.f32 v4, v13;
	v4 =	vld [tilespmem:s20+$0x2100]  }
0x31c: {  	v17 =	vld [tilespmem:$0x1FF90];
	v5 =	vmax.f32 v5, $0.0e+00;
	v3 =	vadd.f32 $1.000000000e+00, v3;
	v6 =	vsub.f32 v12, v6  }
0x31d: {  	v0 =	vadd.f32 v2, v0;
	v1 =	vmul.f32 v5, v1;
	v2 =	vld [tilespmem:s20+$0x4300]  }
0x31e: {  	v3 =	vmax.f32 v3, $0.0e+00;
	v5 =	vadd.f32 $1.000000000e+00, v6;
	v6 =	vld [tilespmem:$0xC580];
	v7 =	vsub.f32 v11, v7  }
0x31f: {  	v14 =	vld [tilespmem:$0x1FF60];
	v0 =	vadd.f32 v1, v0;
	v1 =	vmul.f32 v3, v8  }
0x320: {  	v13 =	vld [tilespmem:$0x1FF50];
	v3 =	vmax.f32 v5, $0.0e+00;
	v5 =	vadd.f32 $1.000000000e+00, v7;
	v4 =	vsub.f32 v12, v4  }
0x321: {  	v0 =	vadd.f32 v1, v0;
	v1 =	vmul.f32 v3, v9;
	v3 =	vld [tilespmem:s20+$0x4380]  }
0x322: {  	v7 =	vld [tilespmem:$0xC600];
	v5 =	vmax.f32 v5, $0.0e+00;
	v4 =	vadd.f32 $1.000000000e+00, v4;
	v2 =	vsub.f32 v11, v2  }
0x323: {  	v8 =	vld [tilespmem:$0x1FF10];
	v0 =	vadd.f32 v1, v0;
	v1 =	vmul.f32 v5, v6  }
0x324: {  	v9 =	vld [tilespmem:$0x1FF20];
	v5 =	vsub.f32 v12, v10;
	v4 =	vmax.f32 v4, $0.0e+00;
	v2 =	vadd.f32 $1.000000000e+00, v2  }
0x325: {  	v12 =	vld [tilespmem:$0x1FF40];
	v0 =	vadd.f32 v1, v0;
	v1 =	vmul.f32 v4, v23  }
0x326: {  	v4 =	vadd.f32 $1.000000000e+00, v5;
	v5 =	vld [tilespmem:$0xC680];
	v2 =	vmax.f32 v2, $0.0e+00;
	v3 =	vsub.f32 v11, v3  }
0x327: {  	v23 =	vld [tilespmem:$0x1FFD0];
	v0 =	vadd.f32 v1, v0;
	v1 =	vmul.f32 v2, v7  }
0x328: {  	p0 =	sne.s32 s19, $0x1F0;
	v11 =	vld [tilespmem:$0x1FF30];
	v2 =	vmax.f32 v4, $0.0e+00;
	v3 =	vadd.f32 $1.000000000e+00, v3  }
.Ltmp0:
0x329: {  	v7 =	vld [tilespmem:$0x1FF00];
	v0 =	vadd.f32 v1, v0;
	v1 =	vmul.f32 v2, v24;
	(pc) =	sbr.rel @p0 .LBB2_2-.Ltmp0, $4  }
0x32a: {  	v4 =	vld [tilespmem:$0x1FEE0];
	v2 =	vmax.f32 v3, $0.0e+00  }
0x32b: {  	v3 =	vld [tilespmem:$0x1FED0];
	v0 =	vadd.f32 v0, v1;
	v1 =	vmul.f32 v2, v5  }
0x32c: {  	v5 =	vld [tilespmem:$0x1FEF0]  }
0x32d: {  	s18 =	sadd.s32 $0x80, s18;
	s19 =	sadd.s32 $0x10, s19;
	v2 =	vld [tilespmem:$0x1FEC0];
	v1 =	vadd.f32 v1, v0  }
0x32e: {  	s17 =	sadd.s32 $0x1, s17  }
0x32f: {  	p0 =	sne.s32 s17, s8  }
.Ltmp1:
0x330: {  	[tilespmem:$0xC900] =	vst v1;
	(pc) =	sbr.rel @p0 .LBB2_1-.Ltmp1, $4  }
0x331: {  	[hbm4b:s7+s3] =	stream.linear.scatter [tilespmem:s16], [sflag:$0x1], $0x80, $0x38;
	[tilespmem:$0xC980] =	vst v63  }
0x332: {  	_ =	swait.ge [sflag:s11], $0x80  }
0x333: {  	[sflag:s11] =	ssyncset.done $0x0  }
0x334: {  	[sflag:s11] =	ssyncadd.s32 $0xFFFFFF80  }
0x335: {  	_ =	sfence.sel $0x180000  }
0x336: {  	[bflag:$0x0] =	sbarrier.arrive $0xFFFF  }
0x337: {  	p0 =	sne.s32 s1, $0x0;
	_ =	strace $0x90000047  }
0x338: {  	s0 =	sadd.s32 @!p0 $0x100000, s0;
	[bflag:$0x2] =	sbarrier.arrive $0xFFFF  }
0x339: {  	[sflag:s0] =	ssyncadd.tile.s32 @!p0 $0x1;
	_ =	shalt  }
.Lfunc_end2:
_tile_overlayer_lowered:
.L_overlay_start_2:
0x33a: {  	(tag) =	ssettag $0x2  }
0x33b: {  	s0 =	rddreg [dreg:$0x0];
	s2 =	stileid.u32  }
0x33c: {  	s1 =	rddreg [dreg:$0x1];
	p0 =	sne.s32 s2, $0x0  }
0x33d: {  	s3 =	rddreg [dreg:$0x2];
	[bflag:$0x3] =	sbarrier.arrive $0xFFFF;
	s2 =	simm.s32 @!p0 $0x1C01  }
0x33e: {  	[timem:s3], [sflag:s2] =	dma.local @!p0 [hbm:s0], s1  }
0x33f: {  	s0 =	simm.s32 @!p0 $0x1  }
0x340: {  	_ =	swait.ge @!p0 [sflag:s0], s1  }
0x341: {  	s1 =	ssub.s32 @!p0 $0x0, s1;
	[sflag:s0] =	ssyncset.done @!p0 $0x0  }
0x342: {  	[sflag:s0] =	ssyncadd.s32 @!p0 s1  }
0x343: {  	[bflag:$0x3] =	sbarrier.arrive $0xFFFF  }
0x344: {  	_ =	shalt  }

</sc_bundles>
